<compile_context>
chip_gen: v7x
topology: tpu7x:2x2x1
jax: 0.10.2.dev20260603
libtpu: 0.0.44.dev20260713+nightly
codegen_flags: <defaults>
</compile_context>

<pallas_src>
import functools

import jax
import jax.numpy as jnp
from jax import lax
from jax.experimental import pallas as pl
from jax.experimental.pallas import tpu as pltpu
from jax.experimental.pallas import tpu_sc as plsc

N_NODES = 10000
D = 128
NP = 10240
NG = 64
NC = 2
NS = 16
K = 112
E = 320000
NBUF = 3
TCHUNKS = 180
CHUNKS0 = 108
E_PAD = NS * TCHUNKS * K
RPT = NP // NS


@functools.cache
def _mesh():
    return plsc.VectorSubcoreMesh(
        core_axis_name="c", subcore_axis_name="s", num_cores=NC, num_subcores=NS
    )


def _zero_rows(ref, nrows, ncols):
    zer = jnp.zeros((16,), jnp.float32)
    lanes = ncols // 16

    def body(i, _):
        r = i // lanes
        l = (i % lanes) * 16
        ref[r, pl.ds(l, 16)] = zer
        return 0

    lax.fori_loop(0, nrows * lanes, body, 0, unroll=False)


def _zero_acc_slice(acc, s, zb):
    for t in range(RPT // K):
        pltpu.sync_copy(zb, acc.at[pl.ds(s * RPT + t * K, K)])
    rrem = RPT - (RPT // K) * K
    if rrem:
        pltpu.sync_copy(zb.at[pl.ds(0, rrem)],
                        acc.at[pl.ds(s * RPT + (RPT // K) * K, rrem)])


def _deg_body(dst_hbm, out_hbm, ones_v, dv, acc, isems, ssems):
    c = lax.axis_index("c")
    s = lax.axis_index("s")
    base = (c * NS + s) * (TCHUNKS // 2) * K

    def start_idx(j, b):
        pltpu.async_copy(dst_hbm.at[pl.ds(base + j * K, K)], dv[b],
                         isems.at[b])

    def wait_idx(b):
        pltpu.make_async_copy(dst_hbm.at[pl.ds(0, K)], dv[b],
                              isems.at[b]).wait()

    def start_scatter(b):
        pltpu.async_copy(ones_v, acc.at[dv[b]], ssems.at[b], add=True)

    def wait_scatter(b):
        pltpu.make_async_copy(ones_v, acc.at[dv[b]], ssems.at[b]).wait()

    start_idx(0, 0)
    start_idx(1, 1)
    one = jnp.ones((16,), jnp.float32)

    def fill(i, _):
        ones_v[i, :] = one
        return 0

    lax.fori_loop(0, K, fill, 0, unroll=False)

    def zscope(zb):
        _zero_rows(zb, K, 16)
        _zero_acc_slice(acc, s, zb)

    pl.run_scoped(zscope, pltpu.VMEM((K, 16), jnp.float32))
    plsc.subcore_barrier()

    nchunks = TCHUNKS // 2
    main = (nchunks // NBUF) * NBUF
    jj_n = main // NBUF

    def body(jj, _):
        for b in range(NBUF):
            j = jj * NBUF + b
            wait_idx(b)
            start_scatter(b)
            if b == 0:
                @pl.when(jj > 0)
                def _():
                    wait_scatter((b + NBUF - 1) % NBUF)
            else:
                wait_scatter((b + NBUF - 1) % NBUF)
            t2 = (main - 3 - b) // NBUF
            if t2 >= jj_n - 1:
                start_idx(j + 2, (b + 2) % NBUF)
            else:
                @pl.when(jj <= t2)
                def _():
                    start_idx(j + 2, (b + 2) % NBUF)
        return 0

    lax.fori_loop(0, jj_n, body, 0, unroll=False)
    wait_scatter(NBUF - 1)
    for jx in range(main, nchunks):
        pltpu.sync_copy(dst_hbm.at[pl.ds(base + jx * K, K)], dv[0])
        pltpu.sync_copy(ones_v, acc.at[dv[0]], add=True)
    plsc.subcore_barrier()
    r0 = s * RPT
    pltpu.sync_copy(acc.at[pl.ds(r0, RPT)], out_hbm.at[c, pl.ds(r0, RPT)])


@functools.cache
def _deg_kernel():
    return pl.kernel(
        _deg_body,
        out_type=jax.ShapeDtypeStruct((NC, NP, 16), jnp.float32),
        mesh=_mesh(),
        scratch_types=[
            pltpu.VMEM((K, 16), jnp.float32),
            [pltpu.VMEM((K,), jnp.int32) for _ in range(NBUF)],
            pltpu.VMEM_SHARED((NP, 16), jnp.float32),
            pltpu.SemaphoreType.DMA((NBUF,)),
            pltpu.SemaphoreType.DMA((NBUF,)),
        ],
    )


def _agg_body(xs_hbm, src_hbm, dst_hbm, out_hbm, sv, dv, rv, acc,
              isems, gsems, ssems):
    c = lax.axis_index("c")
    s = lax.axis_index("s")
    chunks1 = TCHUNKS - CHUNKS0
    if CHUNKS0 == chunks1:
        base = (c * NS + s) * CHUNKS0 * K
    else:
        base = (c * (NS * CHUNKS0) + s * jnp.where(c == 0, CHUNKS0, chunks1)
                ) * K

    def start_idx(j, b):
        off = base + j * K
        pltpu.async_copy(src_hbm.at[pl.ds(off, K)], sv[b], isems.at[b])
        pltpu.async_copy(dst_hbm.at[pl.ds(off, K)], dv[b], isems.at[b])

    def wait_idx(b):
        pltpu.make_async_copy(src_hbm.at[pl.ds(0, K)], sv[b],
                              isems.at[b]).wait()
        pltpu.make_async_copy(dst_hbm.at[pl.ds(0, K)], dv[b],
                              isems.at[b]).wait()

    def start_gather(b):
        pltpu.async_copy(xs_hbm.at[sv[b]], rv[b], gsems.at[b])

    def wait_gather(b):
        pltpu.make_async_copy(xs_hbm.at[sv[b]], rv[b], gsems.at[b]).wait()

    def start_scatter(b):
        pltpu.async_copy(rv[b], acc.at[dv[b]], ssems.at[b], add=True)

    def wait_scatter(b):
        pltpu.make_async_copy(rv[b], acc.at[dv[b]], ssems.at[b]).wait()

    start_idx(0, 0)
    start_idx(1, 1)
    _zero_rows(rv[0], K, D)
    _zero_acc_slice(acc, s, rv[0])
    plsc.subcore_barrier()
    wait_idx(0)
    start_gather(0)

    def impl(nchunks):
        main = (nchunks // NBUF) * NBUF
        jj_n = main // NBUF

        def body(jj, _):
            for b in range(NBUF):
                j = jj * NBUF + b
                pb = (b + NBUF - 1) % NBUF
                nb = (b + 1) % NBUF
                if b == 0:
                    @pl.when(jj > 0)
                    def _():
                        wait_scatter(pb)
                else:
                    wait_scatter(pb)
                t2 = (main - 3 - b) // NBUF
                if t2 >= jj_n - 1:
                    start_idx(j + 2, (b + 2) % NBUF)
                else:
                    @pl.when(jj <= t2)
                    def _():
                        start_idx(j + 2, (b + 2) % NBUF)
                wait_gather(b)
                start_scatter(b)
                t1 = (main - 2 - b) // NBUF
                if t1 >= jj_n - 1:
                    wait_idx(nb)
                    start_gather(nb)
                else:
                    @pl.when(jj <= t1)
                    def _():
                        wait_idx(nb)
                        start_gather(nb)
            return 0

        lax.fori_loop(0, jj_n, body, 0, unroll=False)
        wait_scatter(NBUF - 1)
        for jx in range(main, nchunks):
            off = base + jx * K
            pltpu.sync_copy(src_hbm.at[pl.ds(off, K)], sv[0])
            pltpu.sync_copy(dst_hbm.at[pl.ds(off, K)], dv[0])
            pltpu.sync_copy(xs_hbm.at[sv[0]], rv[0])
            pltpu.sync_copy(rv[0], acc.at[dv[0]], add=True)

    if CHUNKS0 == chunks1:
        impl(CHUNKS0)
    else:
        @pl.when(c == 0)
        def _():
            impl(CHUNKS0)

        @pl.when(c == 1)
        def _():
            impl(chunks1)

    plsc.subcore_barrier()
    r0 = s * RPT
    pltpu.sync_copy(acc.at[pl.ds(r0, RPT)], out_hbm.at[c, pl.ds(r0, RPT)])


@functools.cache
def _agg_kernel():
    return pl.kernel(
        _agg_body,
        out_type=jax.ShapeDtypeStruct((NC, NP, D), jnp.float32),
        mesh=_mesh(),
        scratch_types=[
            [pltpu.VMEM((K,), jnp.int32) for _ in range(NBUF)],
            [pltpu.VMEM((K,), jnp.int32) for _ in range(NBUF)],
            [pltpu.VMEM((K, D), jnp.float32) for _ in range(NBUF)],
            pltpu.VMEM_SHARED((NP, D), jnp.float32),
            pltpu.SemaphoreType.DMA((NBUF,)),
            pltpu.SemaphoreType.DMA((NBUF,)),
            pltpu.SemaphoreType.DMA((NBUF,)),
        ],
    )



_BLK = 1280
_GRID = NP // _BLK


def _tc_b_body(x_ref, w1_ref, dp_ref, xw1_ref, xs1_ref, dis_ref):
    xw = jnp.dot(x_ref[...], w1_ref[...], preferred_element_type=jnp.float32)
    deg = dp_ref[0, :, 0:1] + dp_ref[1, :, 0:1]
    dis = lax.rsqrt(1.0 + deg)
    xw1_ref[...] = xw
    dis_ref[...] = dis
    xs1_ref[...] = xw * dis


def _tc_b(x_p, W1, deg_part):
    return pl.pallas_call(
        _tc_b_body,
        grid=(_GRID,),
        in_specs=[
            pl.BlockSpec((_BLK, D), lambda i: (i, 0)),
            pl.BlockSpec((D, D), lambda i: (0, 0)),
            pl.BlockSpec((NC, _BLK, 16), lambda i: (0, i, 0)),
        ],
        out_specs=[
            pl.BlockSpec((_BLK, D), lambda i: (i, 0)),
            pl.BlockSpec((_BLK, D), lambda i: (i, 0)),
            pl.BlockSpec((_BLK, 1), lambda i: (i, 0)),
        ],
        out_shape=[
            jax.ShapeDtypeStruct((NP, D), jnp.float32),
            jax.ShapeDtypeStruct((NP, D), jnp.float32),
            jax.ShapeDtypeStruct((NP, 1), jnp.float32),
        ],
    )(x_p, W1, deg_part)


def _tc_d_body(a_ref, xw1_ref, dis_ref, b1_ref, w2_ref, xw2_ref, xs2_ref):
    d = dis_ref[...]
    agg = a_ref[0] + a_ref[1]
    h = jnp.maximum(d * agg + (d * d) * xw1_ref[...] + b1_ref[...], 0.0)
    xw2 = jnp.dot(h, w2_ref[...], preferred_element_type=jnp.float32)
    xw2_ref[...] = xw2
    xs2_ref[...] = xw2 * d


def _tc_d(part1, xw1, dis, b1r, W2):
    return pl.pallas_call(
        _tc_d_body,
        grid=(_GRID,),
        in_specs=[
            pl.BlockSpec((NC, _BLK, D), lambda i: (0, i, 0)),
            pl.BlockSpec((_BLK, D), lambda i: (i, 0)),
            pl.BlockSpec((_BLK, 1), lambda i: (i, 0)),
            pl.BlockSpec((1, D), lambda i: (0, 0)),
            pl.BlockSpec((D, D), lambda i: (0, 0)),
        ],
        out_specs=[
            pl.BlockSpec((_BLK, D), lambda i: (i, 0)),
            pl.BlockSpec((_BLK, D), lambda i: (i, 0)),
        ],
        out_shape=[
            jax.ShapeDtypeStruct((NP, D), jnp.float32),
            jax.ShapeDtypeStruct((NP, D), jnp.float32),
        ],
    )(part1, xw1, dis, b1r, W2)


def _tc_f_body(a_ref, xw2_ref, dis_ref, b2_ref, bt_ref, wlp_ref, out_ref, acc):
    i = pl.program_id(0)

    @pl.when(i == 0)
    def _():
        acc[...] = jnp.zeros_like(acc)

    d = dis_ref[...]
    agg = a_ref[0] + a_ref[1]
    h2 = jnp.maximum(d * agg + (d * d) * xw2_ref[...] + b2_ref[...], 0.0)
    bt = bt_ref[0, 0, :]
    gids = lax.broadcasted_iota(jnp.int32, (NG, _BLK), 0)
    eqf = (gids == bt[None, :]).astype(jnp.float32)
    acc[...] += jnp.dot(eqf, h2, preferred_element_type=jnp.float32)

    @pl.when(i == _GRID - 1)
    def _():
        out_ref[...] = jnp.dot(acc[...], wlp_ref[...],
                               preferred_element_type=jnp.float32)


def _tc_f(part2, xw2, dis, b2r, bt3, Wlp):
    return pl.pallas_call(
        _tc_f_body,
        grid=(_GRID,),
        in_specs=[
            pl.BlockSpec((NC, _BLK, D), lambda i: (0, i, 0)),
            pl.BlockSpec((_BLK, D), lambda i: (i, 0)),
            pl.BlockSpec((_BLK, 1), lambda i: (i, 0)),
            pl.BlockSpec((1, D), lambda i: (0, 0)),
            pl.BlockSpec((1, 1, _BLK), lambda i: (i, 0, 0)),
            pl.BlockSpec((D, D), lambda i: (0, 0)),
        ],
        out_specs=pl.BlockSpec((NG, D), lambda i: (0, 0)),
        out_shape=jax.ShapeDtypeStruct((NG, D), jnp.float32),
        scratch_shapes=[pltpu.VMEM((NG, D), jnp.float32)],
    )(part2, xw2, dis, b2r, bt3, Wlp)


def kernel(x, edge_index, batch, W1, b1, W2, b2, Wl, bl):
    padi = jnp.full((E_PAD - E,), N_NODES, jnp.int32)
    src_p = jnp.concatenate([edge_index[0].astype(jnp.int32), padi])
    dst_p = jnp.concatenate([edge_index[1].astype(jnp.int32), padi])
    x_p = jnp.pad(x, ((0, NP - N_NODES), (0, 0)))
    bt3 = jnp.concatenate(
        [batch.astype(jnp.int32), jnp.full((NP - N_NODES,), NG, jnp.int32)]
    ).reshape(_GRID, 1, _BLK)
    b1r = b1.reshape(1, D)
    b2r = b2.reshape(1, D)
    Wlp = jnp.pad(Wl, ((0, 0), (0, D - Wl.shape[1])))

    deg_part = _deg_kernel()(dst_p)
    xw1, xs1, dis = _tc_b(x_p, W1, deg_part)
    part1 = _agg_kernel()(xs1, src_p, dst_p)
    xw2, xs2 = _tc_d(part1, xw1, dis, b1r, W2)
    part2 = _agg_kernel()(xs2, src_p, dst_p)
    outf = _tc_f(part2, xw2, dis, b2r, bt3, Wlp)
    return outf[:, :1] + bl

# --- scband reference (transcript-rebuilt; emitter-appended) ---
"""Pipeline reference for scband-gcn-27350351741543 (READ-ONLY COPY).

The authoritative reference and input builder live on the scoring server;
editing this copy changes nothing except your own understanding.
"""

import jax, jax.numpy as jnp
import numpy as np

N_NODES = 10000
N_EDGES = 320000
D_FEAT = 128
HIDDEN = 128
NUM_GRAPHS = 64
FINAL_DIM = 1  # num_classes=2 -> 1 output logit


def setup_inputs(seed: int = 0) -> dict:
    key = jax.random.key(seed)
    ks = jax.random.split(key, 10)
    x = jax.random.normal(ks[0], (N_NODES, D_FEAT), dtype=jnp.float32)
    edge_index = jax.random.randint(ks[1], (2, N_EDGES), 0, N_NODES, dtype=jnp.int64)
    batch = jnp.sort(jax.random.randint(ks[2], (N_NODES,), 0, NUM_GRAPHS, dtype=jnp.int64))
    # GCNConv params: lin weight (no bias in lin), bias added after aggregation
    s1 = 1.0 / np.sqrt(D_FEAT)
    W1 = jax.random.uniform(ks[3], (D_FEAT, HIDDEN), minval=-s1, maxval=s1, dtype=jnp.float32)
    b1 = jnp.zeros((HIDDEN,), dtype=jnp.float32)
    s2 = 1.0 / np.sqrt(HIDDEN)
    W2 = jax.random.uniform(ks[4], (HIDDEN, HIDDEN), minval=-s2, maxval=s2, dtype=jnp.float32)
    b2 = jnp.zeros((HIDDEN,), dtype=jnp.float32)
    Wl = jax.random.uniform(ks[5], (HIDDEN, FINAL_DIM), minval=-s2, maxval=s2, dtype=jnp.float32)
    bl = jax.random.uniform(ks[6], (FINAL_DIM,), minval=-s2, maxval=s2, dtype=jnp.float32)
    return {"x": x, "edge_index": edge_index, "batch": batch,
            "W1": W1, "b1": b1, "W2": W2, "b2": b2, "Wl": Wl, "bl": bl}


def _gcn_conv(x, edge_index, W, b):
    n = x.shape[0]
    src = edge_index[0]
    dst = edge_index[1]
    loop = jnp.arange(n, dtype=edge_index.dtype)
    src = jnp.concatenate([src, loop])
    dst = jnp.concatenate([dst, loop])
    # symmetric normalization D^{-1/2} (A+I) D^{-1/2}
    deg = jnp.zeros((n,), dtype=x.dtype).at[dst].add(1.0)
    dis = jnp.where(deg > 0, jax.lax.rsqrt(deg), 0.0)
    norm = dis[src] * dis[dst]
    xw = x @ W
    msg = xw[src] * norm[:, None]
    out = jnp.zeros((n, xw.shape[1]), dtype=x.dtype).at[dst].add(msg)
    return out + b


def reference(x, edge_index, batch, W1, b1, W2, b2, Wl, bl):
    h = jax.nn.relu(_gcn_conv(x, edge_index, W1, b1))
    h = jax.nn.relu(_gcn_conv(h, edge_index, W2, b2))
    # global_add_pool
    pooled = jax.ops.segment_sum(h, batch, num_segments=NUM_GRAPHS)
    # dropout is identity in eval mode
    out = pooled @ Wl + bl
    return out

if __name__ == "__main__":
    import jax
    _d = setup_inputs()
    print(jax.jit(kernel)(*tuple(_d.values())))

</pallas_src>

<mosaic_0001>
#map = affine_map<(d0, d1) -> (0, 0)>
#map1 = affine_map<(d0, d1) -> (0)>
#map2 = affine_map<(d0, d1) -> (0, 0, 0)>
module attributes {stable_mosaic.version = 14 : i64} {
  func.func @_agg_body(%arg0: i32, %arg1: i32, %arg2: memref<10240x128xf32, #tpu.memory_space<hbm>>, %arg3: memref<322560xi32, #tpu.memory_space<hbm>>, %arg4: memref<322560xi32, #tpu.memory_space<hbm>>, %arg5: memref<2x10240x128xf32, #tpu.memory_space<hbm>>, %arg6: memref<112xi32, #tpu.memory_space<vmem>>, %arg7: memref<112xi32, #tpu.memory_space<vmem>>, %arg8: memref<112xi32, #tpu.memory_space<vmem>>, %arg9: memref<112xi32, #tpu.memory_space<vmem>>, %arg10: memref<112xi32, #tpu.memory_space<vmem>>, %arg11: memref<112xi32, #tpu.memory_space<vmem>>, %arg12: memref<112x128xf32, #tpu.memory_space<vmem>>, %arg13: memref<112x128xf32, #tpu.memory_space<vmem>>, %arg14: memref<112x128xf32, #tpu.memory_space<vmem>>, %arg15: memref<10240x128xf32, #tpu.memory_space<vmem_shared>>, %arg16: memref<3x!tpu.dma_semaphore, #tpu.memory_space<semaphore_mem>>, %arg17: memref<3x!tpu.dma_semaphore, #tpu.memory_space<semaphore_mem>>, %arg18: memref<3x!tpu.dma_semaphore, #tpu.memory_space<semaphore_mem>>) attributes {dimension_semantics = [#tpu.dimension_semantics<core_parallel>, #tpu.dimension_semantics<subcore_parallel>], iteration_bounds = array<i64: 2, 16>, scalar_prefetch = 0 : i64, scratch_operands = 13 : i64, tpu.core_type = #tpu.core_type<sc_vector_subcore>, window_params = [{transform_indices = #map}, {transform_indices = #map1}, {transform_indices = #map1}, {transform_indices = #map2}]} {
    %mul3A = arith.constant 1728 : i32
    %mul3A_0 = arith.muli %arg0, %mul3A : i32
    %eq3A = arith.constant 0 : i32
    %eq3A_1 = arith.cmpi eq, %arg0, %eq3A : i32
    %jit3A = arith.constant 108 : i32
    %jit3A_2 = arith.constant 72 : i32
    %select_n3A = arith.select %eq3A_1, %jit3A, %jit3A_2 : i32
    %mul3A_3 = arith.muli %arg1, %select_n3A : i32
    %add3A = arith.addi %mul3A_0, %mul3A_3 : i32
    %mul3A_4 = arith.constant 112 : i32
    %mul3A_5 = arith.muli %add3A, %mul3A_4 : i32
    %add3A_6 = arith.constant 0 : i32
    %add3A_7 = arith.addi %mul3A_5, %add3A_6 : i32
    %dma_start3A = arith.constant 0 : i32
    %dma_start3A_8 = tpu.memref_slice %arg3[%add3A_7] : memref<322560xi32, #tpu.memory_space<hbm>> -> memref<112xi32, #tpu.memory_space<hbm>>
    %dma_start3A_9 = tpu.memref_slice %arg16[%dma_start3A] : memref<3x!tpu.dma_semaphore, #tpu.memory_space<semaphore_mem>> -> memref<1x!tpu.dma_semaphore, #tpu.memory_space<semaphore_mem>>
    %dma_start3A_10 = tpu.memref_squeeze %dma_start3A_9 : memref<1x!tpu.dma_semaphore, #tpu.memory_space<semaphore_mem>> -> memref<!tpu.dma_semaphore, #tpu.memory_space<semaphore_mem>>
    %dma_start3A_11 = tpu.memref_slice %arg3[%add3A_7] : memref<322560xi32, #tpu.memory_space<hbm>> -> memref<112xi32, #tpu.memory_space<hbm>>
    tpu.enqueue_dma source(%dma_start3A_11 : memref<112xi32, #tpu.memory_space<hbm>>) target(%arg6 : memref<112xi32, #tpu.memory_space<vmem>>) target_semaphore(%dma_start3A_10 : memref<!tpu.dma_semaphore, #tpu.memory_space<semaphore_mem>>)
    %dma_start3A_12 = arith.constant 0 : i32
    %dma_start3A_13 = tpu.memref_slice %arg4[%add3A_7] : memref<322560xi32, #tpu.memory_space<hbm>> -> memref<112xi32, #tpu.memory_space<hbm>>
    %dma_start3A_14 = tpu.memref_slice %arg16[%dma_start3A_12] : memref<3x!tpu.dma_semaphore, #tpu.memory_space<semaphore_mem>> -> memref<1x!tpu.dma_semaphore, #tpu.memory_space<semaphore_mem>>
    %dma_start3A_15 = tpu.memref_squeeze %dma_start3A_14 : memref<1x!tpu.dma_semaphore, #tpu.memory_space<semaphore_mem>> -> memref<!tpu.dma_semaphore, #tpu.memory_space<semaphore_mem>>
    %dma_start3A_16 = tpu.memref_slice %arg4[%add3A_7] : memref<322560xi32, #tpu.memory_space<hbm>> -> memref<112xi32, #tpu.memory_space<hbm>>
    tpu.enqueue_dma source(%dma_start3A_16 : memref<112xi32, #tpu.memory_space<hbm>>) target(%arg9 : memref<112xi32, #tpu.memory_space<vmem>>) target_semaphore(%dma_start3A_15 : memref<!tpu.dma_semaphore, #tpu.memory_space<semaphore_mem>>)
    %add3A_17 = arith.constant 112 : i32
    %add3A_18 = arith.addi %mul3A_5, %add3A_17 : i32
    %dma_start3A_19 = arith.constant 1 : i32
    %dma_start3A_20 = tpu.memref_slice %arg3[%add3A_18] : memref<322560xi32, #tpu.memory_space<hbm>> -> memref<112xi32, #tpu.memory_space<hbm>>
    %dma_start3A_21 = tpu.memref_slice %arg16[%dma_start3A_19] : memref<3x!tpu.dma_semaphore, #tpu.memory_space<semaphore_mem>> -> memref<1x!tpu.dma_semaphore, #tpu.memory_space<semaphore_mem>>
    %dma_start3A_22 = tpu.memref_squeeze %dma_start3A_21 : memref<1x!tpu.dma_semaphore, #tpu.memory_space<semaphore_mem>> -> memref<!tpu.dma_semaphore, #tpu.memory_space<semaphore_mem>>
    %dma_start3A_23 = tpu.memref_slice %arg3[%add3A_18] : memref<322560xi32, #tpu.memory_space<hbm>> -> memref<112xi32, #tpu.memory_space<hbm>>
    tpu.enqueue_dma source(%dma_start3A_23 : memref<112xi32, #tpu.memory_space<hbm>>) target(%arg7 : memref<112xi32, #tpu.memory_space<vmem>>) target_semaphore(%dma_start3A_22 : memref<!tpu.dma_semaphore, #tpu.memory_space<semaphore_mem>>)
    %dma_start3A_24 = arith.constant 1 : i32
    %dma_start3A_25 = tpu.memref_slice %arg4[%add3A_18] : memref<322560xi32, #tpu.memory_space<hbm>> -> memref<112xi32, #tpu.memory_space<hbm>>
    %dma_start3A_26 = tpu.memref_slice %arg16[%dma_start3A_24] : memref<3x!tpu.dma_semaphore, #tpu.memory_space<semaphore_mem>> -> memref<1x!tpu.dma_semaphore, #tpu.memory_space<semaphore_mem>>
    %dma_start3A_27 = tpu.memref_squeeze %dma_start3A_26 : memref<1x!tpu.dma_semaphore, #tpu.memory_space<semaphore_mem>> -> memref<!tpu.dma_semaphore, #tpu.memory_space<semaphore_mem>>
    %dma_start3A_28 = tpu.memref_slice %arg4[%add3A_18] : memref<322560xi32, #tpu.memory_space<hbm>> -> memref<112xi32, #tpu.memory_space<hbm>>
    tpu.enqueue_dma source(%dma_start3A_28 : memref<112xi32, #tpu.memory_space<hbm>>) target(%arg10 : memref<112xi32, #tpu.memory_space<vmem>>) target_semaphore(%dma_start3A_27 : memref<!tpu.dma_semaphore, #tpu.memory_space<semaphore_mem>>)
    %broadcast_in_dim3A = arith.constant 0.000000e+00 : f32
    %broadcast_in_dim3A_29 = vector.broadcast %broadcast_in_dim3A : f32 to vector<16xf32>
    %scan3A = arith.constant 0 : i32
    %scan3A_30 = arith.constant 0 : i32
    %scan3A_31 = arith.constant 896 : i32
    %scan3A_32 = arith.addi %scan3A_30, %scan3A_31 : i32
    %scan3A_33 = arith.constant 1 : i32
    %scan3A_34 = scf.for %scan3A_90 = %scan3A_30 to %scan3A_32 step %scan3A_33 iter_args(%scan3A_91 = %scan3A) -> (i32)  : i32 {
      %jit3A_92 = arith.constant 8 : i32
      %div3A = arith.divsi %scan3A_90, %jit3A_92 : i32
      %sign3A = arith.constant 0 : i32
      %sign3A_93 = arith.cmpi sgt, %scan3A_90, %sign3A : i32
      %sign3A_94 = arith.extui %sign3A_93 : i1 to i32
      %sign3A_95 = arith.constant 0 : i32
      %sign3A_96 = arith.cmpi slt, %scan3A_90, %sign3A_95 : i32
      %sign3A_97 = arith.extui %sign3A_96 : i1 to i32
      %sign3A_98 = arith.subi %sign3A_94, %sign3A_97 : i32
      %sign3A_99 = arith.constant 0 : i32
      %sign3A_100 = arith.cmpi sgt, %jit3A_92, %sign3A_99 : i32
      %sign3A_101 = arith.extui %sign3A_100 : i1 to i32
      %sign3A_102 = arith.constant 0 : i32
      %sign3A_103 = arith.cmpi slt, %jit3A_92, %sign3A_102 : i32
      %sign3A_104 = arith.extui %sign3A_103 : i1 to i32
      %sign3A_105 = arith.subi %sign3A_101, %sign3A_104 : i32
      %ne3A = arith.cmpi ne, %sign3A_98, %sign3A_105 : i32
      %rem3A = arith.remsi %scan3A_90, %jit3A_92 : i32
      %ne3A_106 = arith.constant 0 : i32
      %ne3A_107 = arith.cmpi ne, %rem3A, %ne3A_106 : i32
      %and3A = arith.andi %ne3A, %ne3A_107 : i1
      %sub3A = arith.constant 1 : i32
      %sub3A_108 = arith.subi %div3A, %sub3A : i32
      %select_n3A_109 = arith.select %and3A, %sub3A_108, %div3A : i32
      %jit3A_110 = arith.constant 8 : i32
      %eq3A_111 = arith.constant 0 : i32
      %eq3A_112 = arith.cmpi eq, %jit3A_110, %eq3A_111 : i32
      %jit3A_113 = arith.constant 1 : i32
      %select_n3A_114 = arith.select %eq3A_112, %jit3A_113, %jit3A_110 : i32
      %rem3A_115 = arith.remsi %scan3A_90, %select_n3A_114 : i32
      %ne3A_116 = arith.constant 0 : i32
      %ne3A_117 = arith.cmpi ne, %rem3A_115, %ne3A_116 : i32
      %lt3A = arith.constant 0 : i32
      %lt3A_118 = arith.cmpi slt, %rem3A_115, %lt3A : i32
      %lt3A_119 = arith.constant 0 : i32
      %lt3A_120 = arith.cmpi slt, %select_n3A_114, %lt3A_119 : i32
      %ne3A_121 = arith.xori %lt3A_118, %lt3A_120 : i1
      %and3A_122 = arith.andi %ne3A_121, %ne3A_117 : i1
      %add3A_123 = arith.addi %rem3A_115, %select_n3A_114 : i32
      %select_n3A_124 = arith.select %and3A_122, %add3A_123, %rem3A_115 : i32
      %mul3A_125 = arith.constant 16 : i32
      %mul3A_126 = arith.muli %select_n3A_124, %mul3A_125 : i32
      %swap3A = arith.index_cast %select_n3A_109 : i32 to index
      %swap3A_127 = arith.index_cast %mul3A_126 : i32 to index
      %swap3A_128 = tpu.vector_load %arg12[%swap3A, %swap3A_127] {strides = array<i32>} : memref<112x128xf32, #tpu.memory_space<vmem>>, vector<1x16xf32>,
      %swap3A_129 = vector.shape_cast %swap3A_128 : vector<1x16xf32> to vector<16xf32>
      %swap3A_130 = vector.shape_cast %broadcast_in_dim3A_29 : vector<16xf32> to vector<1x16xf32>
      tpu.vector_store %arg12[%swap3A, %swap3A_127], %swap3A_130 {strides = array<i32>} : memref<112x128xf32, #tpu.memory_space<vmem>>, vector<1x16xf32>,
      %scan3A_131 = arith.constant 0 : i32
      scf.yield %scan3A_131 : i32
    }
    %scan3A_35 = arith.constant 896 : i32
    %mul3A_36 = arith.constant 640 : i32
    %mul3A_37 = arith.muli %arg1, %mul3A_36 : i32
    %add3A_38 = arith.constant 0 : i32
    %add3A_39 = arith.addi %mul3A_37, %add3A_38 : i32
    "tpu.region"() ({
      %run_scoped3A = tpu.sem_alloc : memref<!tpu.dma_semaphore, #tpu.memory_space<semaphore_mem>>
      %dma_start3A_90 = arith.constant 0 : i32
      %dma_start3A_91 = tpu.memref_slice %arg15[%add3A_39, %dma_start3A_90] : memref<10240x128xf32, #tpu.memory_space<vmem_shared>> -> memref<112x128xf32, #tpu.memory_space<vmem_shared>>
      %dma_start3A_92 = arith.constant 0 : i32
      %dma_start3A_93 = tpu.memref_slice %arg15[%add3A_39, %dma_start3A_92] : memref<10240x128xf32, #tpu.memory_space<vmem_shared>> -> memref<112x128xf32, #tpu.memory_space<vmem_shared>>
      tpu.enqueue_dma source(%arg12 : memref<112x128xf32, #tpu.memory_space<vmem>>) target(%dma_start3A_93 : memref<112x128xf32, #tpu.memory_space<vmem_shared>>) target_semaphore(%run_scoped3A : memref<!tpu.dma_semaphore, #tpu.memory_space<semaphore_mem>>)
      %dma_wait3A_94 = arith.constant 0 : i32
      %dma_wait3A_95 = tpu.memref_slice %arg15[%add3A_39, %dma_wait3A_94] : memref<10240x128xf32, #tpu.memory_space<vmem_shared>> -> memref<112x128xf32, #tpu.memory_space<vmem_shared>>
      %dma_wait3A_96 = arith.constant 0 : i32
      %dma_wait3A_97 = tpu.memref_slice %arg15[%add3A_39, %dma_wait3A_96] : memref<10240x128xf32, #tpu.memory_space<vmem_shared>> -> memref<112x128xf32, #tpu.memory_space<vmem_shared>>
      tpu.wait_dma2 semaphore(%run_scoped3A : memref<!tpu.dma_semaphore, #tpu.memory_space<semaphore_mem>>) src(%arg12 : memref<112x128xf32, #tpu.memory_space<vmem>>) dst(%dma_wait3A_97 : memref<112x128xf32, #tpu.memory_space<vmem_shared>>)
      tpu.yield
    }) : () -> ()
    %mul3A_40 = arith.constant 640 : i32
    %mul3A_41 = arith.muli %arg1, %mul3A_40 : i32
    %add3A_42 = arith.constant 112 : i32
    %add3A_43 = arith.addi %mul3A_41, %add3A_42 : i32
    "tpu.region"() ({
      %run_scoped3A = tpu.sem_alloc : memref<!tpu.dma_semaphore, #tpu.memory_space<semaphore_mem>>
      %dma_start3A_90 = arith.constant 0 : i32
      %dma_start3A_91 = tpu.memref_slice %arg15[%add3A_43, %dma_start3A_90] : memref<10240x128xf32, #tpu.memory_space<vmem_shared>> -> memref<112x128xf32, #tpu.memory_space<vmem_shared>>
      %dma_start3A_92 = arith.constant 0 : i32
      %dma_start3A_93 = tpu.memref_slice %arg15[%add3A_43, %dma_start3A_92] : memref<10240x128xf32, #tpu.memory_space<vmem_shared>> -> memref<112x128xf32, #tpu.memory_space<vmem_shared>>
      tpu.enqueue_dma source(%arg12 : memref<112x128xf32, #tpu.memory_space<vmem>>) target(%dma_start3A_93 : memref<112x128xf32, #tpu.memory_space<vmem_shared>>) target_semaphore(%run_scoped3A : memref<!tpu.dma_semaphore, #tpu.memory_space<semaphore_mem>>)
      %dma_wait3A_94 = arith.constant 0 : i32
      %dma_wait3A_95 = tpu.memref_slice %arg15[%add3A_43, %dma_wait3A_94] : memref<10240x128xf32, #tpu.memory_space<vmem_shared>> -> memref<112x128xf32, #tpu.memory_space<vmem_shared>>
      %dma_wait3A_96 = arith.constant 0 : i32
      %dma_wait3A_97 = tpu.memref_slice %arg15[%add3A_43, %dma_wait3A_96] : memref<10240x128xf32, #tpu.memory_space<vmem_shared>> -> memref<112x128xf32, #tpu.memory_space<vmem_shared>>
      tpu.wait_dma2 semaphore(%run_scoped3A : memref<!tpu.dma_semaphore, #tpu.memory_space<semaphore_mem>>) src(%arg12 : memref<112x128xf32, #tpu.memory_space<vmem>>) dst(%dma_wait3A_97 : memref<112x128xf32, #tpu.memory_space<vmem_shared>>)
      tpu.yield
    }) : () -> ()
    %mul3A_44 = arith.constant 640 : i32
    %mul3A_45 = arith.muli %arg1, %mul3A_44 : i32
    %add3A_46 = arith.constant 224 : i32
    %add3A_47 = arith.addi %mul3A_45, %add3A_46 : i32
    "tpu.region"() ({
      %run_scoped3A = tpu.sem_alloc : memref<!tpu.dma_semaphore, #tpu.memory_space<semaphore_mem>>
      %dma_start3A_90 = arith.constant 0 : i32
      %dma_start3A_91 = tpu.memref_slice %arg15[%add3A_47, %dma_start3A_90] : memref<10240x128xf32, #tpu.memory_space<vmem_shared>> -> memref<112x128xf32, #tpu.memory_space<vmem_shared>>
      %dma_start3A_92 = arith.constant 0 : i32
      %dma_start3A_93 = tpu.memref_slice %arg15[%add3A_47, %dma_start3A_92] : memref<10240x128xf32, #tpu.memory_space<vmem_shared>> -> memref<112x128xf32, #tpu.memory_space<vmem_shared>>
      tpu.enqueue_dma source(%arg12 : memref<112x128xf32, #tpu.memory_space<vmem>>) target(%dma_start3A_93 : memref<112x128xf32, #tpu.memory_space<vmem_shared>>) target_semaphore(%run_scoped3A : memref<!tpu.dma_semaphore, #tpu.memory_space<semaphore_mem>>)
      %dma_wait3A_94 = arith.constant 0 : i32
      %dma_wait3A_95 = tpu.memref_slice %arg15[%add3A_47, %dma_wait3A_94] : memref<10240x128xf32, #tpu.memory_space<vmem_shared>> -> memref<112x128xf32, #tpu.memory_space<vmem_shared>>
      %dma_wait3A_96 = arith.constant 0 : i32
      %dma_wait3A_97 = tpu.memref_slice %arg15[%add3A_47, %dma_wait3A_96] : memref<10240x128xf32, #tpu.memory_space<vmem_shared>> -> memref<112x128xf32, #tpu.memory_space<vmem_shared>>
      tpu.wait_dma2 semaphore(%run_scoped3A : memref<!tpu.dma_semaphore, #tpu.memory_space<semaphore_mem>>) src(%arg12 : memref<112x128xf32, #tpu.memory_space<vmem>>) dst(%dma_wait3A_97 : memref<112x128xf32, #tpu.memory_space<vmem_shared>>)
      tpu.yield
    }) : () -> ()
    %mul3A_48 = arith.constant 640 : i32
    %mul3A_49 = arith.muli %arg1, %mul3A_48 : i32
    %add3A_50 = arith.constant 336 : i32
    %add3A_51 = arith.addi %mul3A_49, %add3A_50 : i32
    "tpu.region"() ({
      %run_scoped3A = tpu.sem_alloc : memref<!tpu.dma_semaphore, #tpu.memory_space<semaphore_mem>>
      %dma_start3A_90 = arith.constant 0 : i32
      %dma_start3A_91 = tpu.memref_slice %arg15[%add3A_51, %dma_start3A_90] : memref<10240x128xf32, #tpu.memory_space<vmem_shared>> -> memref<112x128xf32, #tpu.memory_space<vmem_shared>>
      %dma_start3A_92 = arith.constant 0 : i32
      %dma_start3A_93 = tpu.memref_slice %arg15[%add3A_51, %dma_start3A_92] : memref<10240x128xf32, #tpu.memory_space<vmem_shared>> -> memref<112x128xf32, #tpu.memory_space<vmem_shared>>
      tpu.enqueue_dma source(%arg12 : memref<112x128xf32, #tpu.memory_space<vmem>>) target(%dma_start3A_93 : memref<112x128xf32, #tpu.memory_space<vmem_shared>>) target_semaphore(%run_scoped3A : memref<!tpu.dma_semaphore, #tpu.memory_space<semaphore_mem>>)
      %dma_wait3A_94 = arith.constant 0 : i32
      %dma_wait3A_95 = tpu.memref_slice %arg15[%add3A_51, %dma_wait3A_94] : memref<10240x128xf32, #tpu.memory_space<vmem_shared>> -> memref<112x128xf32, #tpu.memory_space<vmem_shared>>
      %dma_wait3A_96 = arith.constant 0 : i32
      %dma_wait3A_97 = tpu.memref_slice %arg15[%add3A_51, %dma_wait3A_96] : memref<10240x128xf32, #tpu.memory_space<vmem_shared>> -> memref<112x128xf32, #tpu.memory_space<vmem_shared>>
      tpu.wait_dma2 semaphore(%run_scoped3A : memref<!tpu.dma_semaphore, #tpu.memory_space<semaphore_mem>>) src(%arg12 : memref<112x128xf32, #tpu.memory_space<vmem>>) dst(%dma_wait3A_97 : memref<112x128xf32, #tpu.memory_space<vmem_shared>>)
      tpu.yield
    }) : () -> ()
    %mul3A_52 = arith.constant 640 : i32
    %mul3A_53 = arith.muli %arg1, %mul3A_52 : i32
    %add3A_54 = arith.constant 448 : i32
    %add3A_55 = arith.addi %mul3A_53, %add3A_54 : i32
    "tpu.region"() ({
      %run_scoped3A = tpu.sem_alloc : memref<!tpu.dma_semaphore, #tpu.memory_space<semaphore_mem>>
      %dma_start3A_90 = arith.constant 0 : i32
      %dma_start3A_91 = tpu.memref_slice %arg15[%add3A_55, %dma_start3A_90] : memref<10240x128xf32, #tpu.memory_space<vmem_shared>> -> memref<112x128xf32, #tpu.memory_space<vmem_shared>>
      %dma_start3A_92 = arith.constant 0 : i32
      %dma_start3A_93 = tpu.memref_slice %arg15[%add3A_55, %dma_start3A_92] : memref<10240x128xf32, #tpu.memory_space<vmem_shared>> -> memref<112x128xf32, #tpu.memory_space<vmem_shared>>
      tpu.enqueue_dma source(%arg12 : memref<112x128xf32, #tpu.memory_space<vmem>>) target(%dma_start3A_93 : memref<112x128xf32, #tpu.memory_space<vmem_shared>>) target_semaphore(%run_scoped3A : memref<!tpu.dma_semaphore, #tpu.memory_space<semaphore_mem>>)
      %dma_wait3A_94 = arith.constant 0 : i32
      %dma_wait3A_95 = tpu.memref_slice %arg15[%add3A_55, %dma_wait3A_94] : memref<10240x128xf32, #tpu.memory_space<vmem_shared>> -> memref<112x128xf32, #tpu.memory_space<vmem_shared>>
      %dma_wait3A_96 = arith.constant 0 : i32
      %dma_wait3A_97 = tpu.memref_slice %arg15[%add3A_55, %dma_wait3A_96] : memref<10240x128xf32, #tpu.memory_space<vmem_shared>> -> memref<112x128xf32, #tpu.memory_space<vmem_shared>>
      tpu.wait_dma2 semaphore(%run_scoped3A : memref<!tpu.dma_semaphore, #tpu.memory_space<semaphore_mem>>) src(%arg12 : memref<112x128xf32, #tpu.memory_space<vmem>>) dst(%dma_wait3A_97 : memref<112x128xf32, #tpu.memory_space<vmem_shared>>)
      tpu.yield
    }) : () -> ()
    %mul3A_56 = arith.constant 640 : i32
    %mul3A_57 = arith.muli %arg1, %mul3A_56 : i32
    %add3A_58 = arith.constant 560 : i32
    %add3A_59 = arith.addi %mul3A_57, %add3A_58 : i32
    "tpu.region"() ({
      %run_scoped3A = tpu.sem_alloc : memref<!tpu.dma_semaphore, #tpu.memory_space<semaphore_mem>>
      %dma_start3A_90 = arith.constant 0 : i32
      %dma_start3A_91 = arith.constant 0 : i32
      %dma_start3A_92 = tpu.memref_slice %arg12[%dma_start3A_90, %dma_start3A_91] : memref<112x128xf32, #tpu.memory_space<vmem>> -> memref<80x128xf32, #tpu.memory_space<vmem>>
      %dma_start3A_93 = arith.constant 0 : i32
      %dma_start3A_94 = tpu.memref_slice %arg15[%add3A_59, %dma_start3A_93] : memref<10240x128xf32, #tpu.memory_space<vmem_shared>> -> memref<80x128xf32, #tpu.memory_space<vmem_shared>>
      %dma_start3A_95 = arith.constant 0 : i32
      %dma_start3A_96 = tpu.memref_slice %arg15[%add3A_59, %dma_start3A_95] : memref<10240x128xf32, #tpu.memory_space<vmem_shared>> -> memref<80x128xf32, #tpu.memory_space<vmem_shared>>
      %dma_start3A_97 = arith.constant 0 : i32
      %dma_start3A_98 = arith.constant 0 : i32
      %dma_start3A_99 = tpu.memref_slice %arg12[%dma_start3A_97, %dma_start3A_98] : memref<112x128xf32, #tpu.memory_space<vmem>> -> memref<80x128xf32, #tpu.memory_space<vmem>>
      tpu.enqueue_dma source(%dma_start3A_99 : memref<80x128xf32, #tpu.memory_space<vmem>>) target(%dma_start3A_96 : memref<80x128xf32, #tpu.memory_space<vmem_shared>>) target_semaphore(%run_scoped3A : memref<!tpu.dma_semaphore, #tpu.memory_space<semaphore_mem>>)
      %dma_wait3A_100 = arith.constant 0 : i32
      %dma_wait3A_101 = arith.constant 0 : i32
      %dma_wait3A_102 = tpu.memref_slice %arg12[%dma_wait3A_100, %dma_wait3A_101] : memref<112x128xf32, #tpu.memory_space<vmem>> -> memref<80x128xf32, #tpu.memory_space<vmem>>
      %dma_wait3A_103 = arith.constant 0 : i32
      %dma_wait3A_104 = tpu.memref_slice %arg15[%add3A_59, %dma_wait3A_103] : memref<10240x128xf32, #tpu.memory_space<vmem_shared>> -> memref<80x128xf32, #tpu.memory_space<vmem_shared>>
      %dma_wait3A_105 = arith.constant 0 : i32
      %dma_wait3A_106 = tpu.memref_slice %arg15[%add3A_59, %dma_wait3A_105] : memref<10240x128xf32, #tpu.memory_space<vmem_shared>> -> memref<80x128xf32, #tpu.memory_space<vmem_shared>>
      %dma_wait3A_107 = arith.constant 0 : i32
      %dma_wait3A_108 = arith.constant 0 : i32
      %dma_wait3A_109 = tpu.memref_slice %arg12[%dma_wait3A_107, %dma_wait3A_108] : memref<112x128xf32, #tpu.memory_space<vmem>> -> memref<80x128xf32, #tpu.memory_space<vmem>>
      tpu.wait_dma2 semaphore(%run_scoped3A : memref<!tpu.dma_semaphore, #tpu.memory_space<semaphore_mem>>) src(%dma_wait3A_109 : memref<80x128xf32, #tpu.memory_space<vmem>>) dst(%dma_wait3A_106 : memref<80x128xf32, #tpu.memory_space<vmem_shared>>)
      tpu.yield
    }) : () -> ()
    %barrier3A = arith.constant 0 : index
    tpu.barrier barrier_id(%barrier3A)
    %dma_wait3A = arith.constant 0 : i32
    %dma_wait3A_60 = arith.constant 0 : i32
    %dma_wait3A_61 = tpu.memref_slice %arg3[%dma_wait3A_60] : memref<322560xi32, #tpu.memory_space<hbm>> -> memref<112xi32, #tpu.memory_space<hbm>>
    %dma_wait3A_62 = tpu.memref_slice %arg16[%dma_wait3A] : memref<3x!tpu.dma_semaphore, #tpu.memory_space<semaphore_mem>> -> memref<1x!tpu.dma_semaphore, #tpu.memory_space<semaphore_mem>>
    %dma_wait3A_63 = tpu.memref_squeeze %dma_wait3A_62 : memref<1x!tpu.dma_semaphore, #tpu.memory_space<semaphore_mem>> -> memref<!tpu.dma_semaphore, #tpu.memory_space<semaphore_mem>>
    %dma_wait3A_64 = arith.constant 0 : i32
    %dma_wait3A_65 = tpu.memref_slice %arg3[%dma_wait3A_64] : memref<322560xi32, #tpu.memory_space<hbm>> -> memref<112xi32, #tpu.memory_space<hbm>>
    tpu.wait_dma2 semaphore(%dma_wait3A_63 : memref<!tpu.dma_semaphore, #tpu.memory_space<semaphore_mem>>) src(%dma_wait3A_65 : memref<112xi32, #tpu.memory_space<hbm>>) dst(%arg6 : memref<112xi32, #tpu.memory_space<vmem>>)
    %dma_wait3A_66 = arith.constant 0 : i32
    %dma_wait3A_67 = arith.constant 0 : i32
    %dma_wait3A_68 = tpu.memref_slice %arg4[%dma_wait3A_67] : memref<322560xi32, #tpu.memory_space<hbm>> -> memref<112xi32, #tpu.memory_space<hbm>>
    %dma_wait3A_69 = tpu.memref_slice %arg16[%dma_wait3A_66] : memref<3x!tpu.dma_semaphore, #tpu.memory_space<semaphore_mem>> -> memref<1x!tpu.dma_semaphore, #tpu.memory_space<semaphore_mem>>
    %dma_wait3A_70 = tpu.memref_squeeze %dma_wait3A_69 : memref<1x!tpu.dma_semaphore, #tpu.memory_space<semaphore_mem>> -> memref<!tpu.dma_semaphore, #tpu.memory_space<semaphore_mem>>
    %dma_wait3A_71 = arith.constant 0 : i32
    %dma_wait3A_72 = tpu.memref_slice %arg4[%dma_wait3A_71] : memref<322560xi32, #tpu.memory_space<hbm>> -> memref<112xi32, #tpu.memory_space<hbm>>
    tpu.wait_dma2 semaphore(%dma_wait3A_70 : memref<!tpu.dma_semaphore, #tpu.memory_space<semaphore_mem>>) src(%dma_wait3A_72 : memref<112xi32, #tpu.memory_space<hbm>>) dst(%arg9 : memref<112xi32, #tpu.memory_space<vmem>>)
    %dma_start3A_73 = arith.constant 0 : i32
    %dma_start3A_74 = arith.constant 0 : i32
    %dma_start3A_75 = arith.constant 0 : i32
    %dma_start3A_76 = tpu.memref_slice %arg2[%dma_start3A_74, %dma_start3A_75] : memref<10240x128xf32, #tpu.memory_space<hbm>> -> memref<10240x128xf32, #tpu.memory_space<hbm>>
    %dma_start3A_77 = tpu.memref_slice %arg17[%dma_start3A_73] : memref<3x!tpu.dma_semaphore, #tpu.memory_space<semaphore_mem>> -> memref<1x!tpu.dma_semaphore, #tpu.memory_space<semaphore_mem>>
    %dma_start3A_78 = tpu.memref_squeeze %dma_start3A_77 : memref<1x!tpu.dma_semaphore, #tpu.memory_space<semaphore_mem>> -> memref<!tpu.dma_semaphore, #tpu.memory_space<semaphore_mem>>
    tpu.enqueue_indirect_dma source(%dma_start3A_76 : memref<10240x128xf32, #tpu.memory_space<hbm>>) target(%arg12 : memref<112x128xf32, #tpu.memory_space<vmem>>) offsets(%arg6 : memref<112xi32, #tpu.memory_space<vmem>>) semaphore(%dma_start3A_78 : memref<!tpu.dma_semaphore, #tpu.memory_space<semaphore_mem>>)
    %eq3A_79 = arith.constant 0 : i32
    %eq3A_80 = arith.cmpi eq, %arg0, %eq3A_79 : i32
    %convert_element_type3A = arith.extui %eq3A_80 : i1 to i32
    %cond3A = arith.constant 0 : i32
    %cond3A_81 = arith.cmpi ne, %convert_element_type3A, %cond3A : i32
    scf.if %cond3A_81 {
      %scan3A_90 = arith.constant 0 : i32
      %scan3A_91 = arith.constant 0 : i32
      %scan3A_92 = arith.constant 36 : i32
      %scan3A_93 = arith.addi %scan3A_91, %scan3A_92 : i32
      %scan3A_94 = arith.constant 1 : i32
      %scan3A_95 = scf.for %scan3A_103 = %scan3A_91 to %scan3A_93 step %scan3A_94 iter_args(%scan3A_104 = %scan3A_90) -> (i32)  : i32 {
        %mul3A_105 = arith.constant 3 : i32
        %mul3A_106 = arith.muli %scan3A_103, %mul3A_105 : i32
        %add3A_107 = arith.constant 0 : i32
        %add3A_108 = arith.addi %mul3A_106, %add3A_107 : i32
        %gt3A = arith.constant 0 : i32
        %gt3A_109 = arith.cmpi sgt, %scan3A_103, %gt3A : i32
        %convert_element_type3A_110 = arith.extui %gt3A_109 : i1 to i32
        %cond3A_111 = arith.constant 0 : i32
        %cond3A_112 = arith.cmpi ne, %convert_element_type3A_110, %cond3A_111 : i32
        scf.if %cond3A_112 {
          %dma_wait3A_239 = arith.constant 2 : i32
          %dma_wait3A_240 = arith.constant 0 : i32
          %dma_wait3A_241 = arith.constant 0 : i32
          %dma_wait3A_242 = tpu.memref_slice %arg15[%dma_wait3A_240, %dma_wait3A_241] : memref<10240x128xf32, #tpu.memory_space<vmem_shared>> -> memref<10240x128xf32, #tpu.memory_space<vmem_shared>>
          %dma_wait3A_243 = tpu.memref_slice %arg18[%dma_wait3A_239] : memref<3x!tpu.dma_semaphore, #tpu.memory_space<semaphore_mem>> -> memref<1x!tpu.dma_semaphore, #tpu.memory_space<semaphore_mem>>
          %dma_wait3A_244 = tpu.memref_squeeze %dma_wait3A_243 : memref<1x!tpu.dma_semaphore, #tpu.memory_space<semaphore_mem>> -> memref<!tpu.dma_semaphore, #tpu.memory_space<semaphore_mem>>
          tpu.wait_indirect_dma semaphore(%dma_wait3A_244 : memref<!tpu.dma_semaphore, #tpu.memory_space<semaphore_mem>>) src(%arg14 : memref<112x128xf32, #tpu.memory_space<vmem>>) dst(%dma_wait3A_242 : memref<10240x128xf32, #tpu.memory_space<vmem_shared>>)
        } else {
        }
        %add3A_113 = arith.constant 2 : i32
        %add3A_114 = arith.addi %add3A_108, %add3A_113 : i32
        %mul3A_115 = arith.constant 112 : i32
        %mul3A_116 = arith.muli %add3A_114, %mul3A_115 : i32
        %add3A_117 = arith.addi %mul3A_5, %mul3A_116 : i32
        %dma_start3A_118 = arith.constant 2 : i32
        %dma_start3A_119 = tpu.memref_slice %arg3[%add3A_117] : memref<322560xi32, #tpu.memory_space<hbm>> -> memref<112xi32, #tpu.memory_space<hbm>>
        %dma_start3A_120 = tpu.memref_slice %arg16[%dma_start3A_118] : memref<3x!tpu.dma_semaphore, #tpu.memory_space<semaphore_mem>> -> memref<1x!tpu.dma_semaphore, #tpu.memory_space<semaphore_mem>>
        %dma_start3A_121 = tpu.memref_squeeze %dma_start3A_120 : memref<1x!tpu.dma_semaphore, #tpu.memory_space<semaphore_mem>> -> memref<!tpu.dma_semaphore, #tpu.memory_space<semaphore_mem>>
        %dma_start3A_122 = tpu.memref_slice %arg3[%add3A_117] : memref<322560xi32, #tpu.memory_space<hbm>> -> memref<112xi32, #tpu.memory_space<hbm>>
        tpu.enqueue_dma source(%dma_start3A_122 : memref<112xi32, #tpu.memory_space<hbm>>) target(%arg8 : memref<112xi32, #tpu.memory_space<vmem>>) target_semaphore(%dma_start3A_121 : memref<!tpu.dma_semaphore, #tpu.memory_space<semaphore_mem>>)
        %dma_start3A_123 = arith.constant 2 : i32
        %dma_start3A_124 = tpu.memref_slice %arg4[%add3A_117] : memref<322560xi32, #tpu.memory_space<hbm>> -> memref<112xi32, #tpu.memory_space<hbm>>
        %dma_start3A_125 = tpu.memref_slice %arg16[%dma_start3A_123] : memref<3x!tpu.dma_semaphore, #tpu.memory_space<semaphore_mem>> -> memref<1x!tpu.dma_semaphore, #tpu.memory_space<semaphore_mem>>
        %dma_start3A_126 = tpu.memref_squeeze %dma_start3A_125 : memref<1x!tpu.dma_semaphore, #tpu.memory_space<semaphore_mem>> -> memref<!tpu.dma_semaphore, #tpu.memory_space<semaphore_mem>>
        %dma_start3A_127 = tpu.memref_slice %arg4[%add3A_117] : memref<322560xi32, #tpu.memory_space<hbm>> -> memref<112xi32, #tpu.memory_space<hbm>>
        tpu.enqueue_dma source(%dma_start3A_127 : memref<112xi32, #tpu.memory_space<hbm>>) target(%arg11 : memref<112xi32, #tpu.memory_space<vmem>>) target_semaphore(%dma_start3A_126 : memref<!tpu.dma_semaphore, #tpu.memory_space<semaphore_mem>>)
        %dma_wait3A_128 = arith.constant 0 : i32
        %dma_wait3A_129 = arith.constant 0 : i32
        %dma_wait3A_130 = arith.constant 0 : i32
        %dma_wait3A_131 = tpu.memref_slice %arg2[%dma_wait3A_129, %dma_wait3A_130] : memref<10240x128xf32, #tpu.memory_space<hbm>> -> memref<10240x128xf32, #tpu.memory_space<hbm>>
        %dma_wait3A_132 = tpu.memref_slice %arg17[%dma_wait3A_128] : memref<3x!tpu.dma_semaphore, #tpu.memory_space<semaphore_mem>> -> memref<1x!tpu.dma_semaphore, #tpu.memory_space<semaphore_mem>>
        %dma_wait3A_133 = tpu.memref_squeeze %dma_wait3A_132 : memref<1x!tpu.dma_semaphore, #tpu.memory_space<semaphore_mem>> -> memref<!tpu.dma_semaphore, #tpu.memory_space<semaphore_mem>>
        tpu.wait_indirect_dma semaphore(%dma_wait3A_133 : memref<!tpu.dma_semaphore, #tpu.memory_space<semaphore_mem>>) src(%dma_wait3A_131 : memref<10240x128xf32, #tpu.memory_space<hbm>>) dst(%arg12 : memref<112x128xf32, #tpu.memory_space<vmem>>)
        %dma_start3A_134 = arith.constant 0 : i32
        %dma_start3A_135 = arith.constant 0 : i32
        %dma_start3A_136 = arith.constant 0 : i32
        %dma_start3A_137 = tpu.memref_slice %arg15[%dma_start3A_135, %dma_start3A_136] : memref<10240x128xf32, #tpu.memory_space<vmem_shared>> -> memref<10240x128xf32, #tpu.memory_space<vmem_shared>>
        %dma_start3A_138 = tpu.memref_slice %arg18[%dma_start3A_134] : memref<3x!tpu.dma_semaphore, #tpu.memory_space<semaphore_mem>> -> memref<1x!tpu.dma_semaphore, #tpu.memory_space<semaphore_mem>>
        %dma_start3A_139 = tpu.memref_squeeze %dma_start3A_138 : memref<1x!tpu.dma_semaphore, #tpu.memory_space<semaphore_mem>> -> memref<!tpu.dma_semaphore, #tpu.memory_space<semaphore_mem>>
        tpu.enqueue_indirect_dma source(%arg12 : memref<112x128xf32, #tpu.memory_space<vmem>>) target(%dma_start3A_137 : memref<10240x128xf32, #tpu.memory_space<vmem_shared>>) offsets(%arg9 : memref<112xi32, #tpu.memory_space<vmem>>) semaphore(%dma_start3A_139 : memref<!tpu.dma_semaphore, #tpu.memory_space<semaphore_mem>>) {add = true}
        %dma_wait3A_140 = arith.constant 1 : i32
        %dma_wait3A_141 = arith.constant 0 : i32
        %dma_wait3A_142 = tpu.memref_slice %arg3[%dma_wait3A_141] : memref<322560xi32, #tpu.memory_space<hbm>> -> memref<112xi32, #tpu.memory_space<hbm>>
        %dma_wait3A_143 = tpu.memref_slice %arg16[%dma_wait3A_140] : memref<3x!tpu.dma_semaphore, #tpu.memory_space<semaphore_mem>> -> memref<1x!tpu.dma_semaphore, #tpu.memory_space<semaphore_mem>>
        %dma_wait3A_144 = tpu.memref_squeeze %dma_wait3A_143 : memref<1x!tpu.dma_semaphore, #tpu.memory_space<semaphore_mem>> -> memref<!tpu.dma_semaphore, #tpu.memory_space<semaphore_mem>>
        %dma_wait3A_145 = arith.constant 0 : i32
        %dma_wait3A_146 = tpu.memref_slice %arg3[%dma_wait3A_145] : memref<322560xi32, #tpu.memory_space<hbm>> -> memref<112xi32, #tpu.memory_space<hbm>>
        tpu.wait_dma2 semaphore(%dma_wait3A_144 : memref<!tpu.dma_semaphore, #tpu.memory_space<semaphore_mem>>) src(%dma_wait3A_146 : memref<112xi32, #tpu.memory_space<hbm>>) dst(%arg7 : memref<112xi32, #tpu.memory_space<vmem>>)
        %dma_wait3A_147 = arith.constant 1 : i32
        %dma_wait3A_148 = arith.constant 0 : i32
        %dma_wait3A_149 = tpu.memref_slice %arg4[%dma_wait3A_148] : memref<322560xi32, #tpu.memory_space<hbm>> -> memref<112xi32, #tpu.memory_space<hbm>>
        %dma_wait3A_150 = tpu.memref_slice %arg16[%dma_wait3A_147] : memref<3x!tpu.dma_semaphore, #tpu.memory_space<semaphore_mem>> -> memref<1x!tpu.dma_semaphore, #tpu.memory_space<semaphore_mem>>
        %dma_wait3A_151 = tpu.memref_squeeze %dma_wait3A_150 : memref<1x!tpu.dma_semaphore, #tpu.memory_space<semaphore_mem>> -> memref<!tpu.dma_semaphore, #tpu.memory_space<semaphore_mem>>
        %dma_wait3A_152 = arith.constant 0 : i32
        %dma_wait3A_153 = tpu.memref_slice %arg4[%dma_wait3A_152] : memref<322560xi32, #tpu.memory_space<hbm>> -> memref<112xi32, #tpu.memory_space<hbm>>
        tpu.wait_dma2 semaphore(%dma_wait3A_151 : memref<!tpu.dma_semaphore, #tpu.memory_space<semaphore_mem>>) src(%dma_wait3A_153 : memref<112xi32, #tpu.memory_space<hbm>>) dst(%arg10 : memref<112xi32, #tpu.memory_space<vmem>>)
        %dma_start3A_154 = arith.constant 1 : i32
        %dma_start3A_155 = arith.constant 0 : i32
        %dma_start3A_156 = arith.constant 0 : i32
        %dma_start3A_157 = tpu.memref_slice %arg2[%dma_start3A_155, %dma_start3A_156] : memref<10240x128xf32, #tpu.memory_space<hbm>> -> memref<10240x128xf32, #tpu.memory_space<hbm>>
        %dma_start3A_158 = tpu.memref_slice %arg17[%dma_start3A_154] : memref<3x!tpu.dma_semaphore, #tpu.memory_space<semaphore_mem>> -> memref<1x!tpu.dma_semaphore, #tpu.memory_space<semaphore_mem>>
        %dma_start3A_159 = tpu.memref_squeeze %dma_start3A_158 : memref<1x!tpu.dma_semaphore, #tpu.memory_space<semaphore_mem>> -> memref<!tpu.dma_semaphore, #tpu.memory_space<semaphore_mem>>
        tpu.enqueue_indirect_dma source(%dma_start3A_157 : memref<10240x128xf32, #tpu.memory_space<hbm>>) target(%arg13 : memref<112x128xf32, #tpu.memory_space<vmem>>) offsets(%arg7 : memref<112xi32, #tpu.memory_space<vmem>>) semaphore(%dma_start3A_159 : memref<!tpu.dma_semaphore, #tpu.memory_space<semaphore_mem>>)
        %mul3A_160 = arith.constant 3 : i32
        %mul3A_161 = arith.muli %scan3A_103, %mul3A_160 : i32
        %add3A_162 = arith.constant 1 : i32
        %add3A_163 = arith.addi %mul3A_161, %add3A_162 : i32
        %dma_wait3A_164 = arith.constant 0 : i32
        %dma_wait3A_165 = arith.constant 0 : i32
        %dma_wait3A_166 = arith.constant 0 : i32
        %dma_wait3A_167 = tpu.memref_slice %arg15[%dma_wait3A_165, %dma_wait3A_166] : memref<10240x128xf32, #tpu.memory_space<vmem_shared>> -> memref<10240x128xf32, #tpu.memory_space<vmem_shared>>
        %dma_wait3A_168 = tpu.memref_slice %arg18[%dma_wait3A_164] : memref<3x!tpu.dma_semaphore, #tpu.memory_space<semaphore_mem>> -> memref<1x!tpu.dma_semaphore, #tpu.memory_space<semaphore_mem>>
        %dma_wait3A_169 = tpu.memref_squeeze %dma_wait3A_168 : memref<1x!tpu.dma_semaphore, #tpu.memory_space<semaphore_mem>> -> memref<!tpu.dma_semaphore, #tpu.memory_space<semaphore_mem>>
        tpu.wait_indirect_dma semaphore(%dma_wait3A_169 : memref<!tpu.dma_semaphore, #tpu.memory_space<semaphore_mem>>) src(%arg12 : memref<112x128xf32, #tpu.memory_space<vmem>>) dst(%dma_wait3A_167 : memref<10240x128xf32, #tpu.memory_space<vmem_shared>>)
        %le3A = arith.constant 34 : i32
        %le3A_170 = arith.cmpi sle, %scan3A_103, %le3A : i32
        %convert_element_type3A_171 = arith.extui %le3A_170 : i1 to i32
        %cond3A_172 = arith.constant 0 : i32
        %cond3A_173 = arith.cmpi ne, %convert_element_type3A_171, %cond3A_172 : i32
        scf.if %cond3A_173 {
          %add3A_239 = arith.constant 2 : i32
          %add3A_240 = arith.addi %add3A_163, %add3A_239 : i32
          %mul3A_241 = arith.constant 112 : i32
          %mul3A_242 = arith.muli %add3A_240, %mul3A_241 : i32
          %add3A_243 = arith.addi %mul3A_5, %mul3A_242 : i32
          %dma_start3A_244 = arith.constant 0 : i32
          %dma_start3A_245 = tpu.memref_slice %arg3[%add3A_243] : memref<322560xi32, #tpu.memory_space<hbm>> -> memref<112xi32, #tpu.memory_space<hbm>>
          %dma_start3A_246 = tpu.memref_slice %arg16[%dma_start3A_244] : memref<3x!tpu.dma_semaphore, #tpu.memory_space<semaphore_mem>> -> memref<1x!tpu.dma_semaphore, #tpu.memory_space<semaphore_mem>>
          %dma_start3A_247 = tpu.memref_squeeze %dma_start3A_246 : memref<1x!tpu.dma_semaphore, #tpu.memory_space<semaphore_mem>> -> memref<!tpu.dma_semaphore, #tpu.memory_space<semaphore_mem>>
          %dma_start3A_248 = tpu.memref_slice %arg3[%add3A_243] : memref<322560xi32, #tpu.memory_space<hbm>> -> memref<112xi32, #tpu.memory_space<hbm>>
          tpu.enqueue_dma source(%dma_start3A_248 : memref<112xi32, #tpu.memory_space<hbm>>) target(%arg6 : memref<112xi32, #tpu.memory_space<vmem>>) target_semaphore(%dma_start3A_247 : memref<!tpu.dma_semaphore, #tpu.memory_space<semaphore_mem>>)
          %dma_start3A_249 = arith.constant 0 : i32
          %dma_start3A_250 = tpu.memref_slice %arg4[%add3A_243] : memref<322560xi32, #tpu.memory_space<hbm>> -> memref<112xi32, #tpu.memory_space<hbm>>
          %dma_start3A_251 = tpu.memref_slice %arg16[%dma_start3A_249] : memref<3x!tpu.dma_semaphore, #tpu.memory_space<semaphore_mem>> -> memref<1x!tpu.dma_semaphore, #tpu.memory_space<semaphore_mem>>
          %dma_start3A_252 = tpu.memref_squeeze %dma_start3A_251 : memref<1x!tpu.dma_semaphore, #tpu.memory_space<semaphore_mem>> -> memref<!tpu.dma_semaphore, #tpu.memory_space<semaphore_mem>>
          %dma_start3A_253 = tpu.memref_slice %arg4[%add3A_243] : memref<322560xi32, #tpu.memory_space<hbm>> -> memref<112xi32, #tpu.memory_space<hbm>>
          tpu.enqueue_dma source(%dma_start3A_253 : memref<112xi32, #tpu.memory_space<hbm>>) target(%arg9 : memref<112xi32, #tpu.memory_space<vmem>>) target_semaphore(%dma_start3A_252 : memref<!tpu.dma_semaphore, #tpu.memory_space<semaphore_mem>>)
        } else {
        }
        %dma_wait3A_174 = arith.constant 1 : i32
        %dma_wait3A_175 = arith.constant 0 : i32
        %dma_wait3A_176 = arith.constant 0 : i32
        %dma_wait3A_177 = tpu.memref_slice %arg2[%dma_wait3A_175, %dma_wait3A_176] : memref<10240x128xf32, #tpu.memory_space<hbm>> -> memref<10240x128xf32, #tpu.memory_space<hbm>>
        %dma_wait3A_178 = tpu.memref_slice %arg17[%dma_wait3A_174] : memref<3x!tpu.dma_semaphore, #tpu.memory_space<semaphore_mem>> -> memref<1x!tpu.dma_semaphore, #tpu.memory_space<semaphore_mem>>
        %dma_wait3A_179 = tpu.memref_squeeze %dma_wait3A_178 : memref<1x!tpu.dma_semaphore, #tpu.memory_space<semaphore_mem>> -> memref<!tpu.dma_semaphore, #tpu.memory_space<semaphore_mem>>
        tpu.wait_indirect_dma semaphore(%dma_wait3A_179 : memref<!tpu.dma_semaphore, #tpu.memory_space<semaphore_mem>>) src(%dma_wait3A_177 : memref<10240x128xf32, #tpu.memory_space<hbm>>) dst(%arg13 : memref<112x128xf32, #tpu.memory_space<vmem>>)
        %dma_start3A_180 = arith.constant 1 : i32
        %dma_start3A_181 = arith.constant 0 : i32
        %dma_start3A_182 = arith.constant 0 : i32
        %dma_start3A_183 = tpu.memref_slice %arg15[%dma_start3A_181, %dma_start3A_182] : memref<10240x128xf32, #tpu.memory_space<vmem_shared>> -> memref<10240x128xf32, #tpu.memory_space<vmem_shared>>
        %dma_start3A_184 = tpu.memref_slice %arg18[%dma_start3A_180] : memref<3x!tpu.dma_semaphore, #tpu.memory_space<semaphore_mem>> -> memref<1x!tpu.dma_semaphore, #tpu.memory_space<semaphore_mem>>
        %dma_start3A_185 = tpu.memref_squeeze %dma_start3A_184 : memref<1x!tpu.dma_semaphore, #tpu.memory_space<semaphore_mem>> -> memref<!tpu.dma_semaphore, #tpu.memory_space<semaphore_mem>>
        tpu.enqueue_indirect_dma source(%arg13 : memref<112x128xf32, #tpu.memory_space<vmem>>) target(%dma_start3A_183 : memref<10240x128xf32, #tpu.memory_space<vmem_shared>>) offsets(%arg10 : memref<112xi32, #tpu.memory_space<vmem>>) semaphore(%dma_start3A_185 : memref<!tpu.dma_semaphore, #tpu.memory_space<semaphore_mem>>) {add = true}
        %dma_wait3A_186 = arith.constant 2 : i32
        %dma_wait3A_187 = arith.constant 0 : i32
        %dma_wait3A_188 = tpu.memref_slice %arg3[%dma_wait3A_187] : memref<322560xi32, #tpu.memory_space<hbm>> -> memref<112xi32, #tpu.memory_space<hbm>>
        %dma_wait3A_189 = tpu.memref_slice %arg16[%dma_wait3A_186] : memref<3x!tpu.dma_semaphore, #tpu.memory_space<semaphore_mem>> -> memref<1x!tpu.dma_semaphore, #tpu.memory_space<semaphore_mem>>
        %dma_wait3A_190 = tpu.memref_squeeze %dma_wait3A_189 : memref<1x!tpu.dma_semaphore, #tpu.memory_space<semaphore_mem>> -> memref<!tpu.dma_semaphore, #tpu.memory_space<semaphore_mem>>
        %dma_wait3A_191 = arith.constant 0 : i32
        %dma_wait3A_192 = tpu.memref_slice %arg3[%dma_wait3A_191] : memref<322560xi32, #tpu.memory_space<hbm>> -> memref<112xi32, #tpu.memory_space<hbm>>
        tpu.wait_dma2 semaphore(%dma_wait3A_190 : memref<!tpu.dma_semaphore, #tpu.memory_space<semaphore_mem>>) src(%dma_wait3A_192 : memref<112xi32, #tpu.memory_space<hbm>>) dst(%arg8 : memref<112xi32, #tpu.memory_space<vmem>>)
        %dma_wait3A_193 = arith.constant 2 : i32
        %dma_wait3A_194 = arith.constant 0 : i32
        %dma_wait3A_195 = tpu.memref_slice %arg4[%dma_wait3A_194] : memref<322560xi32, #tpu.memory_space<hbm>> -> memref<112xi32, #tpu.memory_space<hbm>>
        %dma_wait3A_196 = tpu.memref_slice %arg16[%dma_wait3A_193] : memref<3x!tpu.dma_semaphore, #tpu.memory_space<semaphore_mem>> -> memref<1x!tpu.dma_semaphore, #tpu.memory_space<semaphore_mem>>
        %dma_wait3A_197 = tpu.memref_squeeze %dma_wait3A_196 : memref<1x!tpu.dma_semaphore, #tpu.memory_space<semaphore_mem>> -> memref<!tpu.dma_semaphore, #tpu.memory_space<semaphore_mem>>
        %dma_wait3A_198 = arith.constant 0 : i32
        %dma_wait3A_199 = tpu.memref_slice %arg4[%dma_wait3A_198] : memref<322560xi32, #tpu.memory_space<hbm>> -> memref<112xi32, #tpu.memory_space<hbm>>
        tpu.wait_dma2 semaphore(%dma_wait3A_197 : memref<!tpu.dma_semaphore, #tpu.memory_space<semaphore_mem>>) src(%dma_wait3A_199 : memref<112xi32, #tpu.memory_space<hbm>>) dst(%arg11 : memref<112xi32, #tpu.memory_space<vmem>>)
        %dma_start3A_200 = arith.constant 2 : i32
        %dma_start3A_201 = arith.constant 0 : i32
        %dma_start3A_202 = arith.constant 0 : i32
        %dma_start3A_203 = tpu.memref_slice %arg2[%dma_start3A_201, %dma_start3A_202] : memref<10240x128xf32, #tpu.memory_space<hbm>> -> memref<10240x128xf32, #tpu.memory_space<hbm>>
        %dma_start3A_204 = tpu.memref_slice %arg17[%dma_start3A_200] : memref<3x!tpu.dma_semaphore, #tpu.memory_space<semaphore_mem>> -> memref<1x!tpu.dma_semaphore, #tpu.memory_space<semaphore_mem>>
        %dma_start3A_205 = tpu.memref_squeeze %dma_start3A_204 : memref<1x!tpu.dma_semaphore, #tpu.memory_space<semaphore_mem>> -> memref<!tpu.dma_semaphore, #tpu.memory_space<semaphore_mem>>
        tpu.enqueue_indirect_dma source(%dma_start3A_203 : memref<10240x128xf32, #tpu.memory_space<hbm>>) target(%arg14 : memref<112x128xf32, #tpu.memory_space<vmem>>) offsets(%arg8 : memref<112xi32, #tpu.memory_space<vmem>>) semaphore(%dma_start3A_205 : memref<!tpu.dma_semaphore, #tpu.memory_space<semaphore_mem>>)
        %mul3A_206 = arith.constant 3 : i32
        %mul3A_207 = arith.muli %scan3A_103, %mul3A_206 : i32
        %add3A_208 = arith.constant 2 : i32
        %add3A_209 = arith.addi %mul3A_207, %add3A_208 : i32
        %dma_wait3A_210 = arith.constant 1 : i32
        %dma_wait3A_211 = arith.constant 0 : i32
        %dma_wait3A_212 = arith.constant 0 : i32
        %dma_wait3A_213 = tpu.memref_slice %arg15[%dma_wait3A_211, %dma_wait3A_212] : memref<10240x128xf32, #tpu.memory_space<vmem_shared>> -> memref<10240x128xf32, #tpu.memory_space<vmem_shared>>
        %dma_wait3A_214 = tpu.memref_slice %arg18[%dma_wait3A_210] : memref<3x!tpu.dma_semaphore, #tpu.memory_space<semaphore_mem>> -> memref<1x!tpu.dma_semaphore, #tpu.memory_space<semaphore_mem>>
        %dma_wait3A_215 = tpu.memref_squeeze %dma_wait3A_214 : memref<1x!tpu.dma_semaphore, #tpu.memory_space<semaphore_mem>> -> memref<!tpu.dma_semaphore, #tpu.memory_space<semaphore_mem>>
        tpu.wait_indirect_dma semaphore(%dma_wait3A_215 : memref<!tpu.dma_semaphore, #tpu.memory_space<semaphore_mem>>) src(%arg13 : memref<112x128xf32, #tpu.memory_space<vmem>>) dst(%dma_wait3A_213 : memref<10240x128xf32, #tpu.memory_space<vmem_shared>>)
        %le3A_216 = arith.constant 34 : i32
        %le3A_217 = arith.cmpi sle, %scan3A_103, %le3A_216 : i32
        %convert_element_type3A_218 = arith.extui %le3A_217 : i1 to i32
        %cond3A_219 = arith.constant 0 : i32
        %cond3A_220 = arith.cmpi ne, %convert_element_type3A_218, %cond3A_219 : i32
        scf.if %cond3A_220 {
          %add3A_239 = arith.constant 2 : i32
          %add3A_240 = arith.addi %add3A_209, %add3A_239 : i32
          %mul3A_241 = arith.constant 112 : i32
          %mul3A_242 = arith.muli %add3A_240, %mul3A_241 : i32
          %add3A_243 = arith.addi %mul3A_5, %mul3A_242 : i32
          %dma_start3A_244 = arith.constant 1 : i32
          %dma_start3A_245 = tpu.memref_slice %arg3[%add3A_243] : memref<322560xi32, #tpu.memory_space<hbm>> -> memref<112xi32, #tpu.memory_space<hbm>>
          %dma_start3A_246 = tpu.memref_slice %arg16[%dma_start3A_244] : memref<3x!tpu.dma_semaphore, #tpu.memory_space<semaphore_mem>> -> memref<1x!tpu.dma_semaphore, #tpu.memory_space<semaphore_mem>>
          %dma_start3A_247 = tpu.memref_squeeze %dma_start3A_246 : memref<1x!tpu.dma_semaphore, #tpu.memory_space<semaphore_mem>> -> memref<!tpu.dma_semaphore, #tpu.memory_space<semaphore_mem>>
          %dma_start3A_248 = tpu.memref_slice %arg3[%add3A_243] : memref<322560xi32, #tpu.memory_space<hbm>> -> memref<112xi32, #tpu.memory_space<hbm>>
          tpu.enqueue_dma source(%dma_start3A_248 : memref<112xi32, #tpu.memory_space<hbm>>) target(%arg7 : memref<112xi32, #tpu.memory_space<vmem>>) target_semaphore(%dma_start3A_247 : memref<!tpu.dma_semaphore, #tpu.memory_space<semaphore_mem>>)
          %dma_start3A_249 = arith.constant 1 : i32
          %dma_start3A_250 = tpu.memref_slice %arg4[%add3A_243] : memref<322560xi32, #tpu.memory_space<hbm>> -> memref<112xi32, #tpu.memory_space<hbm>>
          %dma_start3A_251 = tpu.memref_slice %arg16[%dma_start3A_249] : memref<3x!tpu.dma_semaphore, #tpu.memory_space<semaphore_mem>> -> memref<1x!tpu.dma_semaphore, #tpu.memory_space<semaphore_mem>>
          %dma_start3A_252 = tpu.memref_squeeze %dma_start3A_251 : memref<1x!tpu.dma_semaphore, #tpu.memory_space<semaphore_mem>> -> memref<!tpu.dma_semaphore, #tpu.memory_space<semaphore_mem>>
          %dma_start3A_253 = tpu.memref_slice %arg4[%add3A_243] : memref<322560xi32, #tpu.memory_space<hbm>> -> memref<112xi32, #tpu.memory_space<hbm>>
          tpu.enqueue_dma source(%dma_start3A_253 : memref<112xi32, #tpu.memory_space<hbm>>) target(%arg10 : memref<112xi32, #tpu.memory_space<vmem>>) target_semaphore(%dma_start3A_252 : memref<!tpu.dma_semaphore, #tpu.memory_space<semaphore_mem>>)
        } else {
        }
        %dma_wait3A_221 = arith.constant 2 : i32
        %dma_wait3A_222 = arith.constant 0 : i32
        %dma_wait3A_223 = arith.constant 0 : i32
        %dma_wait3A_224 = tpu.memref_slice %arg2[%dma_wait3A_222, %dma_wait3A_223] : memref<10240x128xf32, #tpu.memory_space<hbm>> -> memref<10240x128xf32, #tpu.memory_space<hbm>>
        %dma_wait3A_225 = tpu.memref_slice %arg17[%dma_wait3A_221] : memref<3x!tpu.dma_semaphore, #tpu.memory_space<semaphore_mem>> -> memref<1x!tpu.dma_semaphore, #tpu.memory_space<semaphore_mem>>
        %dma_wait3A_226 = tpu.memref_squeeze %dma_wait3A_225 : memref<1x!tpu.dma_semaphore, #tpu.memory_space<semaphore_mem>> -> memref<!tpu.dma_semaphore, #tpu.memory_space<semaphore_mem>>
        tpu.wait_indirect_dma semaphore(%dma_wait3A_226 : memref<!tpu.dma_semaphore, #tpu.memory_space<semaphore_mem>>) src(%dma_wait3A_224 : memref<10240x128xf32, #tpu.memory_space<hbm>>) dst(%arg14 : memref<112x128xf32, #tpu.memory_space<vmem>>)
        %dma_start3A_227 = arith.constant 2 : i32
        %dma_start3A_228 = arith.constant 0 : i32
        %dma_start3A_229 = arith.constant 0 : i32
        %dma_start3A_230 = tpu.memref_slice %arg15[%dma_start3A_228, %dma_start3A_229] : memref<10240x128xf32, #tpu.memory_space<vmem_shared>> -> memref<10240x128xf32, #tpu.memory_space<vmem_shared>>
        %dma_start3A_231 = tpu.memref_slice %arg18[%dma_start3A_227] : memref<3x!tpu.dma_semaphore, #tpu.memory_space<semaphore_mem>> -> memref<1x!tpu.dma_semaphore, #tpu.memory_space<semaphore_mem>>
        %dma_start3A_232 = tpu.memref_squeeze %dma_start3A_231 : memref<1x!tpu.dma_semaphore, #tpu.memory_space<semaphore_mem>> -> memref<!tpu.dma_semaphore, #tpu.memory_space<semaphore_mem>>
        tpu.enqueue_indirect_dma source(%arg14 : memref<112x128xf32, #tpu.memory_space<vmem>>) target(%dma_start3A_230 : memref<10240x128xf32, #tpu.memory_space<vmem_shared>>) offsets(%arg11 : memref<112xi32, #tpu.memory_space<vmem>>) semaphore(%dma_start3A_232 : memref<!tpu.dma_semaphore, #tpu.memory_space<semaphore_mem>>) {add = true}
        %le3A_233 = arith.constant 34 : i32
        %le3A_234 = arith.cmpi sle, %scan3A_103, %le3A_233 : i32
        %convert_element_type3A_235 = arith.extui %le3A_234 : i1 to i32
        %cond3A_236 = arith.constant 0 : i32
        %cond3A_237 = arith.cmpi ne, %convert_element_type3A_235, %cond3A_236 : i32
        scf.if %cond3A_237 {
          %dma_wait3A_239 = arith.constant 0 : i32
          %dma_wait3A_240 = arith.constant 0 : i32
          %dma_wait3A_241 = tpu.memref_slice %arg3[%dma_wait3A_240] : memref<322560xi32, #tpu.memory_space<hbm>> -> memref<112xi32, #tpu.memory_space<hbm>>
          %dma_wait3A_242 = tpu.memref_slice %arg16[%dma_wait3A_239] : memref<3x!tpu.dma_semaphore, #tpu.memory_space<semaphore_mem>> -> memref<1x!tpu.dma_semaphore, #tpu.memory_space<semaphore_mem>>
          %dma_wait3A_243 = tpu.memref_squeeze %dma_wait3A_242 : memref<1x!tpu.dma_semaphore, #tpu.memory_space<semaphore_mem>> -> memref<!tpu.dma_semaphore, #tpu.memory_space<semaphore_mem>>
          %dma_wait3A_244 = arith.constant 0 : i32
          %dma_wait3A_245 = tpu.memref_slice %arg3[%dma_wait3A_244] : memref<322560xi32, #tpu.memory_space<hbm>> -> memref<112xi32, #tpu.memory_space<hbm>>
          tpu.wait_dma2 semaphore(%dma_wait3A_243 : memref<!tpu.dma_semaphore, #tpu.memory_space<semaphore_mem>>) src(%dma_wait3A_245 : memref<112xi32, #tpu.memory_space<hbm>>) dst(%arg6 : memref<112xi32, #tpu.memory_space<vmem>>)
          %dma_wait3A_246 = arith.constant 0 : i32
          %dma_wait3A_247 = arith.constant 0 : i32
          %dma_wait3A_248 = tpu.memref_slice %arg4[%dma_wait3A_247] : memref<322560xi32, #tpu.memory_space<hbm>> -> memref<112xi32, #tpu.memory_space<hbm>>
          %dma_wait3A_249 = tpu.memref_slice %arg16[%dma_wait3A_246] : memref<3x!tpu.dma_semaphore, #tpu.memory_space<semaphore_mem>> -> memref<1x!tpu.dma_semaphore, #tpu.memory_space<semaphore_mem>>
          %dma_wait3A_250 = tpu.memref_squeeze %dma_wait3A_249 : memref<1x!tpu.dma_semaphore, #tpu.memory_space<semaphore_mem>> -> memref<!tpu.dma_semaphore, #tpu.memory_space<semaphore_mem>>
          %dma_wait3A_251 = arith.constant 0 : i32
          %dma_wait3A_252 = tpu.memref_slice %arg4[%dma_wait3A_251] : memref<322560xi32, #tpu.memory_space<hbm>> -> memref<112xi32, #tpu.memory_space<hbm>>
          tpu.wait_dma2 semaphore(%dma_wait3A_250 : memref<!tpu.dma_semaphore, #tpu.memory_space<semaphore_mem>>) src(%dma_wait3A_252 : memref<112xi32, #tpu.memory_space<hbm>>) dst(%arg9 : memref<112xi32, #tpu.memory_space<vmem>>)
          %dma_start3A_253 = arith.constant 0 : i32
          %dma_start3A_254 = arith.constant 0 : i32
          %dma_start3A_255 = arith.constant 0 : i32
          %dma_start3A_256 = tpu.memref_slice %arg2[%dma_start3A_254, %dma_start3A_255] : memref<10240x128xf32, #tpu.memory_space<hbm>> -> memref<10240x128xf32, #tpu.memory_space<hbm>>
          %dma_start3A_257 = tpu.memref_slice %arg17[%dma_start3A_253] : memref<3x!tpu.dma_semaphore, #tpu.memory_space<semaphore_mem>> -> memref<1x!tpu.dma_semaphore, #tpu.memory_space<semaphore_mem>>
          %dma_start3A_258 = tpu.memref_squeeze %dma_start3A_257 : memref<1x!tpu.dma_semaphore, #tpu.memory_space<semaphore_mem>> -> memref<!tpu.dma_semaphore, #tpu.memory_space<semaphore_mem>>
          tpu.enqueue_indirect_dma source(%dma_start3A_256 : memref<10240x128xf32, #tpu.memory_space<hbm>>) target(%arg12 : memref<112x128xf32, #tpu.memory_space<vmem>>) offsets(%arg6 : memref<112xi32, #tpu.memory_space<vmem>>) semaphore(%dma_start3A_258 : memref<!tpu.dma_semaphore, #tpu.memory_space<semaphore_mem>>)
        } else {
        }
        %scan3A_238 = arith.constant 0 : i32
        scf.yield %scan3A_238 : i32
      }
      %scan3A_96 = arith.constant 36 : i32
      %dma_wait3A_97 = arith.constant 2 : i32
      %dma_wait3A_98 = arith.constant 0 : i32
      %dma_wait3A_99 = arith.constant 0 : i32
      %dma_wait3A_100 = tpu.memref_slice %arg15[%dma_wait3A_98, %dma_wait3A_99] : memref<10240x128xf32, #tpu.memory_space<vmem_shared>> -> memref<10240x128xf32, #tpu.memory_space<vmem_shared>>
      %dma_wait3A_101 = tpu.memref_slice %arg18[%dma_wait3A_97] : memref<3x!tpu.dma_semaphore, #tpu.memory_space<semaphore_mem>> -> memref<1x!tpu.dma_semaphore, #tpu.memory_space<semaphore_mem>>
      %dma_wait3A_102 = tpu.memref_squeeze %dma_wait3A_101 : memref<1x!tpu.dma_semaphore, #tpu.memory_space<semaphore_mem>> -> memref<!tpu.dma_semaphore, #tpu.memory_space<semaphore_mem>>
      tpu.wait_indirect_dma semaphore(%dma_wait3A_102 : memref<!tpu.dma_semaphore, #tpu.memory_space<semaphore_mem>>) src(%arg14 : memref<112x128xf32, #tpu.memory_space<vmem>>) dst(%dma_wait3A_100 : memref<10240x128xf32, #tpu.memory_space<vmem_shared>>)
    } else {
    }
    %eq3A_82 = arith.constant 1 : i32
    %eq3A_83 = arith.cmpi eq, %arg0, %eq3A_82 : i32
    %convert_element_type3A_84 = arith.extui %eq3A_83 : i1 to i32
    %cond3A_85 = arith.constant 0 : i32
    %cond3A_86 = arith.cmpi ne, %convert_element_type3A_84, %cond3A_85 : i32
    scf.if %cond3A_86 {
      %scan3A_90 = arith.constant 0 : i32
      %scan3A_91 = arith.constant 0 : i32
      %scan3A_92 = arith.constant 24 : i32
      %scan3A_93 = arith.addi %scan3A_91, %scan3A_92 : i32
      %scan3A_94 = arith.constant 1 : i32
      %scan3A_95 = scf.for %scan3A_103 = %scan3A_91 to %scan3A_93 step %scan3A_94 iter_args(%scan3A_104 = %scan3A_90) -> (i32)  : i32 {
        %mul3A_105 = arith.constant 3 : i32
        %mul3A_106 = arith.muli %scan3A_103, %mul3A_105 : i32
        %add3A_107 = arith.constant 0 : i32
        %add3A_108 = arith.addi %mul3A_106, %add3A_107 : i32
        %gt3A = arith.constant 0 : i32
        %gt3A_109 = arith.cmpi sgt, %scan3A_103, %gt3A : i32
        %convert_element_type3A_110 = arith.extui %gt3A_109 : i1 to i32
        %cond3A_111 = arith.constant 0 : i32
        %cond3A_112 = arith.cmpi ne, %convert_element_type3A_110, %cond3A_111 : i32
        scf.if %cond3A_112 {
          %dma_wait3A_239 = arith.constant 2 : i32
          %dma_wait3A_240 = arith.constant 0 : i32
          %dma_wait3A_241 = arith.constant 0 : i32
          %dma_wait3A_242 = tpu.memref_slice %arg15[%dma_wait3A_240, %dma_wait3A_241] : memref<10240x128xf32, #tpu.memory_space<vmem_shared>> -> memref<10240x128xf32, #tpu.memory_space<vmem_shared>>
          %dma_wait3A_243 = tpu.memref_slice %arg18[%dma_wait3A_239] : memref<3x!tpu.dma_semaphore, #tpu.memory_space<semaphore_mem>> -> memref<1x!tpu.dma_semaphore, #tpu.memory_space<semaphore_mem>>
          %dma_wait3A_244 = tpu.memref_squeeze %dma_wait3A_243 : memref<1x!tpu.dma_semaphore, #tpu.memory_space<semaphore_mem>> -> memref<!tpu.dma_semaphore, #tpu.memory_space<semaphore_mem>>
          tpu.wait_indirect_dma semaphore(%dma_wait3A_244 : memref<!tpu.dma_semaphore, #tpu.memory_space<semaphore_mem>>) src(%arg14 : memref<112x128xf32, #tpu.memory_space<vmem>>) dst(%dma_wait3A_242 : memref<10240x128xf32, #tpu.memory_space<vmem_shared>>)
        } else {
        }
        %add3A_113 = arith.constant 2 : i32
        %add3A_114 = arith.addi %add3A_108, %add3A_113 : i32
        %mul3A_115 = arith.constant 112 : i32
        %mul3A_116 = arith.muli %add3A_114, %mul3A_115 : i32
        %add3A_117 = arith.addi %mul3A_5, %mul3A_116 : i32
        %dma_start3A_118 = arith.constant 2 : i32
        %dma_start3A_119 = tpu.memref_slice %arg3[%add3A_117] : memref<322560xi32, #tpu.memory_space<hbm>> -> memref<112xi32, #tpu.memory_space<hbm>>
        %dma_start3A_120 = tpu.memref_slice %arg16[%dma_start3A_118] : memref<3x!tpu.dma_semaphore, #tpu.memory_space<semaphore_mem>> -> memref<1x!tpu.dma_semaphore, #tpu.memory_space<semaphore_mem>>
        %dma_start3A_121 = tpu.memref_squeeze %dma_start3A_120 : memref<1x!tpu.dma_semaphore, #tpu.memory_space<semaphore_mem>> -> memref<!tpu.dma_semaphore, #tpu.memory_space<semaphore_mem>>
        %dma_start3A_122 = tpu.memref_slice %arg3[%add3A_117] : memref<322560xi32, #tpu.memory_space<hbm>> -> memref<112xi32, #tpu.memory_space<hbm>>
        tpu.enqueue_dma source(%dma_start3A_122 : memref<112xi32, #tpu.memory_space<hbm>>) target(%arg8 : memref<112xi32, #tpu.memory_space<vmem>>) target_semaphore(%dma_start3A_121 : memref<!tpu.dma_semaphore, #tpu.memory_space<semaphore_mem>>)
        %dma_start3A_123 = arith.constant 2 : i32
        %dma_start3A_124 = tpu.memref_slice %arg4[%add3A_117] : memref<322560xi32, #tpu.memory_space<hbm>> -> memref<112xi32, #tpu.memory_space<hbm>>
        %dma_start3A_125 = tpu.memref_slice %arg16[%dma_start3A_123] : memref<3x!tpu.dma_semaphore, #tpu.memory_space<semaphore_mem>> -> memref<1x!tpu.dma_semaphore, #tpu.memory_space<semaphore_mem>>
        %dma_start3A_126 = tpu.memref_squeeze %dma_start3A_125 : memref<1x!tpu.dma_semaphore, #tpu.memory_space<semaphore_mem>> -> memref<!tpu.dma_semaphore, #tpu.memory_space<semaphore_mem>>
        %dma_start3A_127 = tpu.memref_slice %arg4[%add3A_117] : memref<322560xi32, #tpu.memory_space<hbm>> -> memref<112xi32, #tpu.memory_space<hbm>>
        tpu.enqueue_dma source(%dma_start3A_127 : memref<112xi32, #tpu.memory_space<hbm>>) target(%arg11 : memref<112xi32, #tpu.memory_space<vmem>>) target_semaphore(%dma_start3A_126 : memref<!tpu.dma_semaphore, #tpu.memory_space<semaphore_mem>>)
        %dma_wait3A_128 = arith.constant 0 : i32
        %dma_wait3A_129 = arith.constant 0 : i32
        %dma_wait3A_130 = arith.constant 0 : i32
        %dma_wait3A_131 = tpu.memref_slice %arg2[%dma_wait3A_129, %dma_wait3A_130] : memref<10240x128xf32, #tpu.memory_space<hbm>> -> memref<10240x128xf32, #tpu.memory_space<hbm>>
        %dma_wait3A_132 = tpu.memref_slice %arg17[%dma_wait3A_128] : memref<3x!tpu.dma_semaphore, #tpu.memory_space<semaphore_mem>> -> memref<1x!tpu.dma_semaphore, #tpu.memory_space<semaphore_mem>>
        %dma_wait3A_133 = tpu.memref_squeeze %dma_wait3A_132 : memref<1x!tpu.dma_semaphore, #tpu.memory_space<semaphore_mem>> -> memref<!tpu.dma_semaphore, #tpu.memory_space<semaphore_mem>>
        tpu.wait_indirect_dma semaphore(%dma_wait3A_133 : memref<!tpu.dma_semaphore, #tpu.memory_space<semaphore_mem>>) src(%dma_wait3A_131 : memref<10240x128xf32, #tpu.memory_space<hbm>>) dst(%arg12 : memref<112x128xf32, #tpu.memory_space<vmem>>)
        %dma_start3A_134 = arith.constant 0 : i32
        %dma_start3A_135 = arith.constant 0 : i32
        %dma_start3A_136 = arith.constant 0 : i32
        %dma_start3A_137 = tpu.memref_slice %arg15[%dma_start3A_135, %dma_start3A_136] : memref<10240x128xf32, #tpu.memory_space<vmem_shared>> -> memref<10240x128xf32, #tpu.memory_space<vmem_shared>>
        %dma_start3A_138 = tpu.memref_slice %arg18[%dma_start3A_134] : memref<3x!tpu.dma_semaphore, #tpu.memory_space<semaphore_mem>> -> memref<1x!tpu.dma_semaphore, #tpu.memory_space<semaphore_mem>>
        %dma_start3A_139 = tpu.memref_squeeze %dma_start3A_138 : memref<1x!tpu.dma_semaphore, #tpu.memory_space<semaphore_mem>> -> memref<!tpu.dma_semaphore, #tpu.memory_space<semaphore_mem>>
        tpu.enqueue_indirect_dma source(%arg12 : memref<112x128xf32, #tpu.memory_space<vmem>>) target(%dma_start3A_137 : memref<10240x128xf32, #tpu.memory_space<vmem_shared>>) offsets(%arg9 : memref<112xi32, #tpu.memory_space<vmem>>) semaphore(%dma_start3A_139 : memref<!tpu.dma_semaphore, #tpu.memory_space<semaphore_mem>>) {add = true}
        %dma_wait3A_140 = arith.constant 1 : i32
        %dma_wait3A_141 = arith.constant 0 : i32
        %dma_wait3A_142 = tpu.memref_slice %arg3[%dma_wait3A_141] : memref<322560xi32, #tpu.memory_space<hbm>> -> memref<112xi32, #tpu.memory_space<hbm>>
        %dma_wait3A_143 = tpu.memref_slice %arg16[%dma_wait3A_140] : memref<3x!tpu.dma_semaphore, #tpu.memory_space<semaphore_mem>> -> memref<1x!tpu.dma_semaphore, #tpu.memory_space<semaphore_mem>>
        %dma_wait3A_144 = tpu.memref_squeeze %dma_wait3A_143 : memref<1x!tpu.dma_semaphore, #tpu.memory_space<semaphore_mem>> -> memref<!tpu.dma_semaphore, #tpu.memory_space<semaphore_mem>>
        %dma_wait3A_145 = arith.constant 0 : i32
        %dma_wait3A_146 = tpu.memref_slice %arg3[%dma_wait3A_145] : memref<322560xi32, #tpu.memory_space<hbm>> -> memref<112xi32, #tpu.memory_space<hbm>>
        tpu.wait_dma2 semaphore(%dma_wait3A_144 : memref<!tpu.dma_semaphore, #tpu.memory_space<semaphore_mem>>) src(%dma_wait3A_146 : memref<112xi32, #tpu.memory_space<hbm>>) dst(%arg7 : memref<112xi32, #tpu.memory_space<vmem>>)
        %dma_wait3A_147 = arith.constant 1 : i32
        %dma_wait3A_148 = arith.constant 0 : i32
        %dma_wait3A_149 = tpu.memref_slice %arg4[%dma_wait3A_148] : memref<322560xi32, #tpu.memory_space<hbm>> -> memref<112xi32, #tpu.memory_space<hbm>>
        %dma_wait3A_150 = tpu.memref_slice %arg16[%dma_wait3A_147] : memref<3x!tpu.dma_semaphore, #tpu.memory_space<semaphore_mem>> -> memref<1x!tpu.dma_semaphore, #tpu.memory_space<semaphore_mem>>
        %dma_wait3A_151 = tpu.memref_squeeze %dma_wait3A_150 : memref<1x!tpu.dma_semaphore, #tpu.memory_space<semaphore_mem>> -> memref<!tpu.dma_semaphore, #tpu.memory_space<semaphore_mem>>
        %dma_wait3A_152 = arith.constant 0 : i32
        %dma_wait3A_153 = tpu.memref_slice %arg4[%dma_wait3A_152] : memref<322560xi32, #tpu.memory_space<hbm>> -> memref<112xi32, #tpu.memory_space<hbm>>
        tpu.wait_dma2 semaphore(%dma_wait3A_151 : memref<!tpu.dma_semaphore, #tpu.memory_space<semaphore_mem>>) src(%dma_wait3A_153 : memref<112xi32, #tpu.memory_space<hbm>>) dst(%arg10 : memref<112xi32, #tpu.memory_space<vmem>>)
        %dma_start3A_154 = arith.constant 1 : i32
        %dma_start3A_155 = arith.constant 0 : i32
        %dma_start3A_156 = arith.constant 0 : i32
        %dma_start3A_157 = tpu.memref_slice %arg2[%dma_start3A_155, %dma_start3A_156] : memref<10240x128xf32, #tpu.memory_space<hbm>> -> memref<10240x128xf32, #tpu.memory_space<hbm>>
        %dma_start3A_158 = tpu.memref_slice %arg17[%dma_start3A_154] : memref<3x!tpu.dma_semaphore, #tpu.memory_space<semaphore_mem>> -> memref<1x!tpu.dma_semaphore, #tpu.memory_space<semaphore_mem>>
        %dma_start3A_159 = tpu.memref_squeeze %dma_start3A_158 : memref<1x!tpu.dma_semaphore, #tpu.memory_space<semaphore_mem>> -> memref<!tpu.dma_semaphore, #tpu.memory_space<semaphore_mem>>
        tpu.enqueue_indirect_dma source(%dma_start3A_157 : memref<10240x128xf32, #tpu.memory_space<hbm>>) target(%arg13 : memref<112x128xf32, #tpu.memory_space<vmem>>) offsets(%arg7 : memref<112xi32, #tpu.memory_space<vmem>>) semaphore(%dma_start3A_159 : memref<!tpu.dma_semaphore, #tpu.memory_space<semaphore_mem>>)
        %mul3A_160 = arith.constant 3 : i32
        %mul3A_161 = arith.muli %scan3A_103, %mul3A_160 : i32
        %add3A_162 = arith.constant 1 : i32
        %add3A_163 = arith.addi %mul3A_161, %add3A_162 : i32
        %dma_wait3A_164 = arith.constant 0 : i32
        %dma_wait3A_165 = arith.constant 0 : i32
        %dma_wait3A_166 = arith.constant 0 : i32
        %dma_wait3A_167 = tpu.memref_slice %arg15[%dma_wait3A_165, %dma_wait3A_166] : memref<10240x128xf32, #tpu.memory_space<vmem_shared>> -> memref<10240x128xf32, #tpu.memory_space<vmem_shared>>
        %dma_wait3A_168 = tpu.memref_slice %arg18[%dma_wait3A_164] : memref<3x!tpu.dma_semaphore, #tpu.memory_space<semaphore_mem>> -> memref<1x!tpu.dma_semaphore, #tpu.memory_space<semaphore_mem>>
        %dma_wait3A_169 = tpu.memref_squeeze %dma_wait3A_168 : memref<1x!tpu.dma_semaphore, #tpu.memory_space<semaphore_mem>> -> memref<!tpu.dma_semaphore, #tpu.memory_space<semaphore_mem>>
        tpu.wait_indirect_dma semaphore(%dma_wait3A_169 : memref<!tpu.dma_semaphore, #tpu.memory_space<semaphore_mem>>) src(%arg12 : memref<112x128xf32, #tpu.memory_space<vmem>>) dst(%dma_wait3A_167 : memref<10240x128xf32, #tpu.memory_space<vmem_shared>>)
        %le3A = arith.constant 22 : i32
        %le3A_170 = arith.cmpi sle, %scan3A_103, %le3A : i32
        %convert_element_type3A_171 = arith.extui %le3A_170 : i1 to i32
        %cond3A_172 = arith.constant 0 : i32
        %cond3A_173 = arith.cmpi ne, %convert_element_type3A_171, %cond3A_172 : i32
        scf.if %cond3A_173 {
          %add3A_239 = arith.constant 2 : i32
          %add3A_240 = arith.addi %add3A_163, %add3A_239 : i32
          %mul3A_241 = arith.constant 112 : i32
          %mul3A_242 = arith.muli %add3A_240, %mul3A_241 : i32
          %add3A_243 = arith.addi %mul3A_5, %mul3A_242 : i32
          %dma_start3A_244 = arith.constant 0 : i32
          %dma_start3A_245 = tpu.memref_slice %arg3[%add3A_243] : memref<322560xi32, #tpu.memory_space<hbm>> -> memref<112xi32, #tpu.memory_space<hbm>>
          %dma_start3A_246 = tpu.memref_slice %arg16[%dma_start3A_244] : memref<3x!tpu.dma_semaphore, #tpu.memory_space<semaphore_mem>> -> memref<1x!tpu.dma_semaphore, #tpu.memory_space<semaphore_mem>>
          %dma_start3A_247 = tpu.memref_squeeze %dma_start3A_246 : memref<1x!tpu.dma_semaphore, #tpu.memory_space<semaphore_mem>> -> memref<!tpu.dma_semaphore, #tpu.memory_space<semaphore_mem>>
          %dma_start3A_248 = tpu.memref_slice %arg3[%add3A_243] : memref<322560xi32, #tpu.memory_space<hbm>> -> memref<112xi32, #tpu.memory_space<hbm>>
          tpu.enqueue_dma source(%dma_start3A_248 : memref<112xi32, #tpu.memory_space<hbm>>) target(%arg6 : memref<112xi32, #tpu.memory_space<vmem>>) target_semaphore(%dma_start3A_247 : memref<!tpu.dma_semaphore, #tpu.memory_space<semaphore_mem>>)
          %dma_start3A_249 = arith.constant 0 : i32
          %dma_start3A_250 = tpu.memref_slice %arg4[%add3A_243] : memref<322560xi32, #tpu.memory_space<hbm>> -> memref<112xi32, #tpu.memory_space<hbm>>
          %dma_start3A_251 = tpu.memref_slice %arg16[%dma_start3A_249] : memref<3x!tpu.dma_semaphore, #tpu.memory_space<semaphore_mem>> -> memref<1x!tpu.dma_semaphore, #tpu.memory_space<semaphore_mem>>
          %dma_start3A_252 = tpu.memref_squeeze %dma_start3A_251 : memref<1x!tpu.dma_semaphore, #tpu.memory_space<semaphore_mem>> -> memref<!tpu.dma_semaphore, #tpu.memory_space<semaphore_mem>>
          %dma_start3A_253 = tpu.memref_slice %arg4[%add3A_243] : memref<322560xi32, #tpu.memory_space<hbm>> -> memref<112xi32, #tpu.memory_space<hbm>>
          tpu.enqueue_dma source(%dma_start3A_253 : memref<112xi32, #tpu.memory_space<hbm>>) target(%arg9 : memref<112xi32, #tpu.memory_space<vmem>>) target_semaphore(%dma_start3A_252 : memref<!tpu.dma_semaphore, #tpu.memory_space<semaphore_mem>>)
        } else {
        }
        %dma_wait3A_174 = arith.constant 1 : i32
        %dma_wait3A_175 = arith.constant 0 : i32
        %dma_wait3A_176 = arith.constant 0 : i32
        %dma_wait3A_177 = tpu.memref_slice %arg2[%dma_wait3A_175, %dma_wait3A_176] : memref<10240x128xf32, #tpu.memory_space<hbm>> -> memref<10240x128xf32, #tpu.memory_space<hbm>>
        %dma_wait3A_178 = tpu.memref_slice %arg17[%dma_wait3A_174] : memref<3x!tpu.dma_semaphore, #tpu.memory_space<semaphore_mem>> -> memref<1x!tpu.dma_semaphore, #tpu.memory_space<semaphore_mem>>
        %dma_wait3A_179 = tpu.memref_squeeze %dma_wait3A_178 : memref<1x!tpu.dma_semaphore, #tpu.memory_space<semaphore_mem>> -> memref<!tpu.dma_semaphore, #tpu.memory_space<semaphore_mem>>
        tpu.wait_indirect_dma semaphore(%dma_wait3A_179 : memref<!tpu.dma_semaphore, #tpu.memory_space<semaphore_mem>>) src(%dma_wait3A_177 : memref<10240x128xf32, #tpu.memory_space<hbm>>) dst(%arg13 : memref<112x128xf32, #tpu.memory_space<vmem>>)
        %dma_start3A_180 = arith.constant 1 : i32
        %dma_start3A_181 = arith.constant 0 : i32
        %dma_start3A_182 = arith.constant 0 : i32
        %dma_start3A_183 = tpu.memref_slice %arg15[%dma_start3A_181, %dma_start3A_182] : memref<10240x128xf32, #tpu.memory_space<vmem_shared>> -> memref<10240x128xf32, #tpu.memory_space<vmem_shared>>
        %dma_start3A_184 = tpu.memref_slice %arg18[%dma_start3A_180] : memref<3x!tpu.dma_semaphore, #tpu.memory_space<semaphore_mem>> -> memref<1x!tpu.dma_semaphore, #tpu.memory_space<semaphore_mem>>
        %dma_start3A_185 = tpu.memref_squeeze %dma_start3A_184 : memref<1x!tpu.dma_semaphore, #tpu.memory_space<semaphore_mem>> -> memref<!tpu.dma_semaphore, #tpu.memory_space<semaphore_mem>>
        tpu.enqueue_indirect_dma source(%arg13 : memref<112x128xf32, #tpu.memory_space<vmem>>) target(%dma_start3A_183 : memref<10240x128xf32, #tpu.memory_space<vmem_shared>>) offsets(%arg10 : memref<112xi32, #tpu.memory_space<vmem>>) semaphore(%dma_start3A_185 : memref<!tpu.dma_semaphore, #tpu.memory_space<semaphore_mem>>) {add = true}
        %dma_wait3A_186 = arith.constant 2 : i32
        %dma_wait3A_187 = arith.constant 0 : i32
        %dma_wait3A_188 = tpu.memref_slice %arg3[%dma_wait3A_187] : memref<322560xi32, #tpu.memory_space<hbm>> -> memref<112xi32, #tpu.memory_space<hbm>>
        %dma_wait3A_189 = tpu.memref_slice %arg16[%dma_wait3A_186] : memref<3x!tpu.dma_semaphore, #tpu.memory_space<semaphore_mem>> -> memref<1x!tpu.dma_semaphore, #tpu.memory_space<semaphore_mem>>
        %dma_wait3A_190 = tpu.memref_squeeze %dma_wait3A_189 : memref<1x!tpu.dma_semaphore, #tpu.memory_space<semaphore_mem>> -> memref<!tpu.dma_semaphore, #tpu.memory_space<semaphore_mem>>
        %dma_wait3A_191 = arith.constant 0 : i32
        %dma_wait3A_192 = tpu.memref_slice %arg3[%dma_wait3A_191] : memref<322560xi32, #tpu.memory_space<hbm>> -> memref<112xi32, #tpu.memory_space<hbm>>
        tpu.wait_dma2 semaphore(%dma_wait3A_190 : memref<!tpu.dma_semaphore, #tpu.memory_space<semaphore_mem>>) src(%dma_wait3A_192 : memref<112xi32, #tpu.memory_space<hbm>>) dst(%arg8 : memref<112xi32, #tpu.memory_space<vmem>>)
        %dma_wait3A_193 = arith.constant 2 : i32
        %dma_wait3A_194 = arith.constant 0 : i32
        %dma_wait3A_195 = tpu.memref_slice %arg4[%dma_wait3A_194] : memref<322560xi32, #tpu.memory_space<hbm>> -> memref<112xi32, #tpu.memory_space<hbm>>
        %dma_wait3A_196 = tpu.memref_slice %arg16[%dma_wait3A_193] : memref<3x!tpu.dma_semaphore, #tpu.memory_space<semaphore_mem>> -> memref<1x!tpu.dma_semaphore, #tpu.memory_space<semaphore_mem>>
        %dma_wait3A_197 = tpu.memref_squeeze %dma_wait3A_196 : memref<1x!tpu.dma_semaphore, #tpu.memory_space<semaphore_mem>> -> memref<!tpu.dma_semaphore, #tpu.memory_space<semaphore_mem>>
        %dma_wait3A_198 = arith.constant 0 : i32
        %dma_wait3A_199 = tpu.memref_slice %arg4[%dma_wait3A_198] : memref<322560xi32, #tpu.memory_space<hbm>> -> memref<112xi32, #tpu.memory_space<hbm>>
        tpu.wait_dma2 semaphore(%dma_wait3A_197 : memref<!tpu.dma_semaphore, #tpu.memory_space<semaphore_mem>>) src(%dma_wait3A_199 : memref<112xi32, #tpu.memory_space<hbm>>) dst(%arg11 : memref<112xi32, #tpu.memory_space<vmem>>)
        %dma_start3A_200 = arith.constant 2 : i32
        %dma_start3A_201 = arith.constant 0 : i32
        %dma_start3A_202 = arith.constant 0 : i32
        %dma_start3A_203 = tpu.memref_slice %arg2[%dma_start3A_201, %dma_start3A_202] : memref<10240x128xf32, #tpu.memory_space<hbm>> -> memref<10240x128xf32, #tpu.memory_space<hbm>>
        %dma_start3A_204 = tpu.memref_slice %arg17[%dma_start3A_200] : memref<3x!tpu.dma_semaphore, #tpu.memory_space<semaphore_mem>> -> memref<1x!tpu.dma_semaphore, #tpu.memory_space<semaphore_mem>>
        %dma_start3A_205 = tpu.memref_squeeze %dma_start3A_204 : memref<1x!tpu.dma_semaphore, #tpu.memory_space<semaphore_mem>> -> memref<!tpu.dma_semaphore, #tpu.memory_space<semaphore_mem>>
        tpu.enqueue_indirect_dma source(%dma_start3A_203 : memref<10240x128xf32, #tpu.memory_space<hbm>>) target(%arg14 : memref<112x128xf32, #tpu.memory_space<vmem>>) offsets(%arg8 : memref<112xi32, #tpu.memory_space<vmem>>) semaphore(%dma_start3A_205 : memref<!tpu.dma_semaphore, #tpu.memory_space<semaphore_mem>>)
        %mul3A_206 = arith.constant 3 : i32
        %mul3A_207 = arith.muli %scan3A_103, %mul3A_206 : i32
        %add3A_208 = arith.constant 2 : i32
        %add3A_209 = arith.addi %mul3A_207, %add3A_208 : i32
        %dma_wait3A_210 = arith.constant 1 : i32
        %dma_wait3A_211 = arith.constant 0 : i32
        %dma_wait3A_212 = arith.constant 0 : i32
        %dma_wait3A_213 = tpu.memref_slice %arg15[%dma_wait3A_211, %dma_wait3A_212] : memref<10240x128xf32, #tpu.memory_space<vmem_shared>> -> memref<10240x128xf32, #tpu.memory_space<vmem_shared>>
        %dma_wait3A_214 = tpu.memref_slice %arg18[%dma_wait3A_210] : memref<3x!tpu.dma_semaphore, #tpu.memory_space<semaphore_mem>> -> memref<1x!tpu.dma_semaphore, #tpu.memory_space<semaphore_mem>>
        %dma_wait3A_215 = tpu.memref_squeeze %dma_wait3A_214 : memref<1x!tpu.dma_semaphore, #tpu.memory_space<semaphore_mem>> -> memref<!tpu.dma_semaphore, #tpu.memory_space<semaphore_mem>>
        tpu.wait_indirect_dma semaphore(%dma_wait3A_215 : memref<!tpu.dma_semaphore, #tpu.memory_space<semaphore_mem>>) src(%arg13 : memref<112x128xf32, #tpu.memory_space<vmem>>) dst(%dma_wait3A_213 : memref<10240x128xf32, #tpu.memory_space<vmem_shared>>)
        %le3A_216 = arith.constant 22 : i32
        %le3A_217 = arith.cmpi sle, %scan3A_103, %le3A_216 : i32
        %convert_element_type3A_218 = arith.extui %le3A_217 : i1 to i32
        %cond3A_219 = arith.constant 0 : i32
        %cond3A_220 = arith.cmpi ne, %convert_element_type3A_218, %cond3A_219 : i32
        scf.if %cond3A_220 {
          %add3A_239 = arith.constant 2 : i32
          %add3A_240 = arith.addi %add3A_209, %add3A_239 : i32
          %mul3A_241 = arith.constant 112 : i32
          %mul3A_242 = arith.muli %add3A_240, %mul3A_241 : i32
          %add3A_243 = arith.addi %mul3A_5, %mul3A_242 : i32
          %dma_start3A_244 = arith.constant 1 : i32
          %dma_start3A_245 = tpu.memref_slice %arg3[%add3A_243] : memref<322560xi32, #tpu.memory_space<hbm>> -> memref<112xi32, #tpu.memory_space<hbm>>
          %dma_start3A_246 = tpu.memref_slice %arg16[%dma_start3A_244] : memref<3x!tpu.dma_semaphore, #tpu.memory_space<semaphore_mem>> -> memref<1x!tpu.dma_semaphore, #tpu.memory_space<semaphore_mem>>
          %dma_start3A_247 = tpu.memref_squeeze %dma_start3A_246 : memref<1x!tpu.dma_semaphore, #tpu.memory_space<semaphore_mem>> -> memref<!tpu.dma_semaphore, #tpu.memory_space<semaphore_mem>>
          %dma_start3A_248 = tpu.memref_slice %arg3[%add3A_243] : memref<322560xi32, #tpu.memory_space<hbm>> -> memref<112xi32, #tpu.memory_space<hbm>>
          tpu.enqueue_dma source(%dma_start3A_248 : memref<112xi32, #tpu.memory_space<hbm>>) target(%arg7 : memref<112xi32, #tpu.memory_space<vmem>>) target_semaphore(%dma_start3A_247 : memref<!tpu.dma_semaphore, #tpu.memory_space<semaphore_mem>>)
          %dma_start3A_249 = arith.constant 1 : i32
          %dma_start3A_250 = tpu.memref_slice %arg4[%add3A_243] : memref<322560xi32, #tpu.memory_space<hbm>> -> memref<112xi32, #tpu.memory_space<hbm>>
          %dma_start3A_251 = tpu.memref_slice %arg16[%dma_start3A_249] : memref<3x!tpu.dma_semaphore, #tpu.memory_space<semaphore_mem>> -> memref<1x!tpu.dma_semaphore, #tpu.memory_space<semaphore_mem>>
          %dma_start3A_252 = tpu.memref_squeeze %dma_start3A_251 : memref<1x!tpu.dma_semaphore, #tpu.memory_space<semaphore_mem>> -> memref<!tpu.dma_semaphore, #tpu.memory_space<semaphore_mem>>
          %dma_start3A_253 = tpu.memref_slice %arg4[%add3A_243] : memref<322560xi32, #tpu.memory_space<hbm>> -> memref<112xi32, #tpu.memory_space<hbm>>
          tpu.enqueue_dma source(%dma_start3A_253 : memref<112xi32, #tpu.memory_space<hbm>>) target(%arg10 : memref<112xi32, #tpu.memory_space<vmem>>) target_semaphore(%dma_start3A_252 : memref<!tpu.dma_semaphore, #tpu.memory_space<semaphore_mem>>)
        } else {
        }
        %dma_wait3A_221 = arith.constant 2 : i32
        %dma_wait3A_222 = arith.constant 0 : i32
        %dma_wait3A_223 = arith.constant 0 : i32
        %dma_wait3A_224 = tpu.memref_slice %arg2[%dma_wait3A_222, %dma_wait3A_223] : memref<10240x128xf32, #tpu.memory_space<hbm>> -> memref<10240x128xf32, #tpu.memory_space<hbm>>
        %dma_wait3A_225 = tpu.memref_slice %arg17[%dma_wait3A_221] : memref<3x!tpu.dma_semaphore, #tpu.memory_space<semaphore_mem>> -> memref<1x!tpu.dma_semaphore, #tpu.memory_space<semaphore_mem>>
        %dma_wait3A_226 = tpu.memref_squeeze %dma_wait3A_225 : memref<1x!tpu.dma_semaphore, #tpu.memory_space<semaphore_mem>> -> memref<!tpu.dma_semaphore, #tpu.memory_space<semaphore_mem>>
        tpu.wait_indirect_dma semaphore(%dma_wait3A_226 : memref<!tpu.dma_semaphore, #tpu.memory_space<semaphore_mem>>) src(%dma_wait3A_224 : memref<10240x128xf32, #tpu.memory_space<hbm>>) dst(%arg14 : memref<112x128xf32, #tpu.memory_space<vmem>>)
        %dma_start3A_227 = arith.constant 2 : i32
        %dma_start3A_228 = arith.constant 0 : i32
        %dma_start3A_229 = arith.constant 0 : i32
        %dma_start3A_230 = tpu.memref_slice %arg15[%dma_start3A_228, %dma_start3A_229] : memref<10240x128xf32, #tpu.memory_space<vmem_shared>> -> memref<10240x128xf32, #tpu.memory_space<vmem_shared>>
        %dma_start3A_231 = tpu.memref_slice %arg18[%dma_start3A_227] : memref<3x!tpu.dma_semaphore, #tpu.memory_space<semaphore_mem>> -> memref<1x!tpu.dma_semaphore, #tpu.memory_space<semaphore_mem>>
        %dma_start3A_232 = tpu.memref_squeeze %dma_start3A_231 : memref<1x!tpu.dma_semaphore, #tpu.memory_space<semaphore_mem>> -> memref<!tpu.dma_semaphore, #tpu.memory_space<semaphore_mem>>
        tpu.enqueue_indirect_dma source(%arg14 : memref<112x128xf32, #tpu.memory_space<vmem>>) target(%dma_start3A_230 : memref<10240x128xf32, #tpu.memory_space<vmem_shared>>) offsets(%arg11 : memref<112xi32, #tpu.memory_space<vmem>>) semaphore(%dma_start3A_232 : memref<!tpu.dma_semaphore, #tpu.memory_space<semaphore_mem>>) {add = true}
        %le3A_233 = arith.constant 22 : i32
        %le3A_234 = arith.cmpi sle, %scan3A_103, %le3A_233 : i32
        %convert_element_type3A_235 = arith.extui %le3A_234 : i1 to i32
        %cond3A_236 = arith.constant 0 : i32
        %cond3A_237 = arith.cmpi ne, %convert_element_type3A_235, %cond3A_236 : i32
        scf.if %cond3A_237 {
          %dma_wait3A_239 = arith.constant 0 : i32
          %dma_wait3A_240 = arith.constant 0 : i32
          %dma_wait3A_241 = tpu.memref_slice %arg3[%dma_wait3A_240] : memref<322560xi32, #tpu.memory_space<hbm>> -> memref<112xi32, #tpu.memory_space<hbm>>
          %dma_wait3A_242 = tpu.memref_slice %arg16[%dma_wait3A_239] : memref<3x!tpu.dma_semaphore, #tpu.memory_space<semaphore_mem>> -> memref<1x!tpu.dma_semaphore, #tpu.memory_space<semaphore_mem>>
          %dma_wait3A_243 = tpu.memref_squeeze %dma_wait3A_242 : memref<1x!tpu.dma_semaphore, #tpu.memory_space<semaphore_mem>> -> memref<!tpu.dma_semaphore, #tpu.memory_space<semaphore_mem>>
          %dma_wait3A_244 = arith.constant 0 : i32
          %dma_wait3A_245 = tpu.memref_slice %arg3[%dma_wait3A_244] : memref<322560xi32, #tpu.memory_space<hbm>> -> memref<112xi32, #tpu.memory_space<hbm>>
          tpu.wait_dma2 semaphore(%dma_wait3A_243 : memref<!tpu.dma_semaphore, #tpu.memory_space<semaphore_mem>>) src(%dma_wait3A_245 : memref<112xi32, #tpu.memory_space<hbm>>) dst(%arg6 : memref<112xi32, #tpu.memory_space<vmem>>)
          %dma_wait3A_246 = arith.constant 0 : i32
          %dma_wait3A_247 = arith.constant 0 : i32
          %dma_wait3A_248 = tpu.memref_slice %arg4[%dma_wait3A_247] : memref<322560xi32, #tpu.memory_space<hbm>> -> memref<112xi32, #tpu.memory_space<hbm>>
          %dma_wait3A_249 = tpu.memref_slice %arg16[%dma_wait3A_246] : memref<3x!tpu.dma_semaphore, #tpu.memory_space<semaphore_mem>> -> memref<1x!tpu.dma_semaphore, #tpu.memory_space<semaphore_mem>>
          %dma_wait3A_250 = tpu.memref_squeeze %dma_wait3A_249 : memref<1x!tpu.dma_semaphore, #tpu.memory_space<semaphore_mem>> -> memref<!tpu.dma_semaphore, #tpu.memory_space<semaphore_mem>>
          %dma_wait3A_251 = arith.constant 0 : i32
          %dma_wait3A_252 = tpu.memref_slice %arg4[%dma_wait3A_251] : memref<322560xi32, #tpu.memory_space<hbm>> -> memref<112xi32, #tpu.memory_space<hbm>>
          tpu.wait_dma2 semaphore(%dma_wait3A_250 : memref<!tpu.dma_semaphore, #tpu.memory_space<semaphore_mem>>) src(%dma_wait3A_252 : memref<112xi32, #tpu.memory_space<hbm>>) dst(%arg9 : memref<112xi32, #tpu.memory_space<vmem>>)
          %dma_start3A_253 = arith.constant 0 : i32
          %dma_start3A_254 = arith.constant 0 : i32
          %dma_start3A_255 = arith.constant 0 : i32
          %dma_start3A_256 = tpu.memref_slice %arg2[%dma_start3A_254, %dma_start3A_255] : memref<10240x128xf32, #tpu.memory_space<hbm>> -> memref<10240x128xf32, #tpu.memory_space<hbm>>
          %dma_start3A_257 = tpu.memref_slice %arg17[%dma_start3A_253] : memref<3x!tpu.dma_semaphore, #tpu.memory_space<semaphore_mem>> -> memref<1x!tpu.dma_semaphore, #tpu.memory_space<semaphore_mem>>
          %dma_start3A_258 = tpu.memref_squeeze %dma_start3A_257 : memref<1x!tpu.dma_semaphore, #tpu.memory_space<semaphore_mem>> -> memref<!tpu.dma_semaphore, #tpu.memory_space<semaphore_mem>>
          tpu.enqueue_indirect_dma source(%dma_start3A_256 : memref<10240x128xf32, #tpu.memory_space<hbm>>) target(%arg12 : memref<112x128xf32, #tpu.memory_space<vmem>>) offsets(%arg6 : memref<112xi32, #tpu.memory_space<vmem>>) semaphore(%dma_start3A_258 : memref<!tpu.dma_semaphore, #tpu.memory_space<semaphore_mem>>)
        } else {
        }
        %scan3A_238 = arith.constant 0 : i32
        scf.yield %scan3A_238 : i32
      }
      %scan3A_96 = arith.constant 24 : i32
      %dma_wait3A_97 = arith.constant 2 : i32
      %dma_wait3A_98 = arith.constant 0 : i32
      %dma_wait3A_99 = arith.constant 0 : i32
      %dma_wait3A_100 = tpu.memref_slice %arg15[%dma_wait3A_98, %dma_wait3A_99] : memref<10240x128xf32, #tpu.memory_space<vmem_shared>> -> memref<10240x128xf32, #tpu.memory_space<vmem_shared>>
      %dma_wait3A_101 = tpu.memref_slice %arg18[%dma_wait3A_97] : memref<3x!tpu.dma_semaphore, #tpu.memory_space<semaphore_mem>> -> memref<1x!tpu.dma_semaphore, #tpu.memory_space<semaphore_mem>>
      %dma_wait3A_102 = tpu.memref_squeeze %dma_wait3A_101 : memref<1x!tpu.dma_semaphore, #tpu.memory_space<semaphore_mem>> -> memref<!tpu.dma_semaphore, #tpu.memory_space<semaphore_mem>>
      tpu.wait_indirect_dma semaphore(%dma_wait3A_102 : memref<!tpu.dma_semaphore, #tpu.memory_space<semaphore_mem>>) src(%arg14 : memref<112x128xf32, #tpu.memory_space<vmem>>) dst(%dma_wait3A_100 : memref<10240x128xf32, #tpu.memory_space<vmem_shared>>)
    } else {
    }
    %barrier3A_87 = arith.constant 0 : index
    tpu.barrier barrier_id(%barrier3A_87)
    %mul3A_88 = arith.constant 640 : i32
    %mul3A_89 = arith.muli %arg1, %mul3A_88 : i32
    "tpu.region"() ({
      %run_scoped3A = tpu.sem_alloc : memref<!tpu.dma_semaphore, #tpu.memory_space<semaphore_mem>>
      %dma_start3A_90 = arith.constant 0 : i32
      %dma_start3A_91 = tpu.memref_slice %arg5[%arg0, %mul3A_89, %dma_start3A_90] : memref<2x10240x128xf32, #tpu.memory_space<hbm>> -> memref<1x640x128xf32, #tpu.memory_space<hbm>>
      %dma_start3A_92 = tpu.memref_squeeze %dma_start3A_91 : memref<1x640x128xf32, #tpu.memory_space<hbm>> -> memref<640x128xf32, #tpu.memory_space<hbm>>
      %dma_start3A_93 = arith.constant 0 : i32
      %dma_start3A_94 = tpu.memref_slice %arg15[%mul3A_89, %dma_start3A_93] : memref<10240x128xf32, #tpu.memory_space<vmem_shared>> -> memref<640x128xf32, #tpu.memory_space<vmem_shared>>
      tpu.enqueue_dma source(%dma_start3A_94 : memref<640x128xf32, #tpu.memory_space<vmem_shared>>) target(%dma_start3A_92 : memref<640x128xf32, #tpu.memory_space<hbm>>) target_semaphore(%run_scoped3A : memref<!tpu.dma_semaphore, #tpu.memory_space<semaphore_mem>>)
      %dma_wait3A_95 = arith.constant 0 : i32
      %dma_wait3A_96 = tpu.memref_slice %arg5[%arg0, %mul3A_89, %dma_wait3A_95] : memref<2x10240x128xf32, #tpu.memory_space<hbm>> -> memref<1x640x128xf32, #tpu.memory_space<hbm>>
      %dma_wait3A_97 = tpu.memref_squeeze %dma_wait3A_96 : memref<1x640x128xf32, #tpu.memory_space<hbm>> -> memref<640x128xf32, #tpu.memory_space<hbm>>
      %dma_wait3A_98 = arith.constant 0 : i32
      %dma_wait3A_99 = tpu.memref_slice %arg15[%mul3A_89, %dma_wait3A_98] : memref<10240x128xf32, #tpu.memory_space<vmem_shared>> -> memref<640x128xf32, #tpu.memory_space<vmem_shared>>
      tpu.wait_dma2 semaphore(%run_scoped3A : memref<!tpu.dma_semaphore, #tpu.memory_space<semaphore_mem>>) src(%dma_wait3A_99 : memref<640x128xf32, #tpu.memory_space<vmem_shared>>) dst(%dma_wait3A_97 : memref<640x128xf32, #tpu.memory_space<hbm>>)
      tpu.yield
    }) : () -> ()
    return
  }
}

#map = affine_map<(d0, d1) -> (0)>
#map1 = affine_map<(d0, d1) -> (0, 0, 0)>
module attributes {stable_mosaic.version = 14 : i64} {
  func.func @_deg_body(%arg0: i32, %arg1: i32, %arg2: memref<322560xi32, #tpu.memory_space<hbm>>, %arg3: memref<2x10240x16xf32, #tpu.memory_space<hbm>>, %arg4: memref<112x16xf32, #tpu.memory_space<vmem>>, %arg5: memref<112xi32, #tpu.memory_space<vmem>>, %arg6: memref<112xi32, #tpu.memory_space<vmem>>, %arg7: memref<112xi32, #tpu.memory_space<vmem>>, %arg8: memref<10240x16xf32, #tpu.memory_space<vmem_shared>>, %arg9: memref<3x!tpu.dma_semaphore, #tpu.memory_space<semaphore_mem>>, %arg10: memref<3x!tpu.dma_semaphore, #tpu.memory_space<semaphore_mem>>) attributes {dimension_semantics = [#tpu.dimension_semantics<core_parallel>, #tpu.dimension_semantics<subcore_parallel>], iteration_bounds = array<i64: 2, 16>, scalar_prefetch = 0 : i64, scratch_operands = 7 : i64, tpu.core_type = #tpu.core_type<sc_vector_subcore>, window_params = [{transform_indices = #map}, {transform_indices = #map1}]} {
    %mul3A = arith.constant 16 : i32
    %mul3A_0 = arith.muli %arg0, %mul3A : i32
    %add3A = arith.addi %mul3A_0, %arg1 : i32
    %mul3A_1 = arith.constant 90 : i32
    %mul3A_2 = arith.muli %add3A, %mul3A_1 : i32
    %mul3A_3 = arith.constant 112 : i32
    %mul3A_4 = arith.muli %mul3A_2, %mul3A_3 : i32
    %add3A_5 = arith.constant 0 : i32
    %add3A_6 = arith.addi %mul3A_4, %add3A_5 : i32
    %dma_start3A = arith.constant 0 : i32
    %dma_start3A_7 = tpu.memref_slice %arg2[%add3A_6] : memref<322560xi32, #tpu.memory_space<hbm>> -> memref<112xi32, #tpu.memory_space<hbm>>
    %dma_start3A_8 = tpu.memref_slice %arg9[%dma_start3A] : memref<3x!tpu.dma_semaphore, #tpu.memory_space<semaphore_mem>> -> memref<1x!tpu.dma_semaphore, #tpu.memory_space<semaphore_mem>>
    %dma_start3A_9 = tpu.memref_squeeze %dma_start3A_8 : memref<1x!tpu.dma_semaphore, #tpu.memory_space<semaphore_mem>> -> memref<!tpu.dma_semaphore, #tpu.memory_space<semaphore_mem>>
    %dma_start3A_10 = tpu.memref_slice %arg2[%add3A_6] : memref<322560xi32, #tpu.memory_space<hbm>> -> memref<112xi32, #tpu.memory_space<hbm>>
    tpu.enqueue_dma source(%dma_start3A_10 : memref<112xi32, #tpu.memory_space<hbm>>) target(%arg5 : memref<112xi32, #tpu.memory_space<vmem>>) target_semaphore(%dma_start3A_9 : memref<!tpu.dma_semaphore, #tpu.memory_space<semaphore_mem>>)
    %add3A_11 = arith.constant 112 : i32
    %add3A_12 = arith.addi %mul3A_4, %add3A_11 : i32
    %dma_start3A_13 = arith.constant 1 : i32
    %dma_start3A_14 = tpu.memref_slice %arg2[%add3A_12] : memref<322560xi32, #tpu.memory_space<hbm>> -> memref<112xi32, #tpu.memory_space<hbm>>
    %dma_start3A_15 = tpu.memref_slice %arg9[%dma_start3A_13] : memref<3x!tpu.dma_semaphore, #tpu.memory_space<semaphore_mem>> -> memref<1x!tpu.dma_semaphore, #tpu.memory_space<semaphore_mem>>
    %dma_start3A_16 = tpu.memref_squeeze %dma_start3A_15 : memref<1x!tpu.dma_semaphore, #tpu.memory_space<semaphore_mem>> -> memref<!tpu.dma_semaphore, #tpu.memory_space<semaphore_mem>>
    %dma_start3A_17 = tpu.memref_slice %arg2[%add3A_12] : memref<322560xi32, #tpu.memory_space<hbm>> -> memref<112xi32, #tpu.memory_space<hbm>>
    tpu.enqueue_dma source(%dma_start3A_17 : memref<112xi32, #tpu.memory_space<hbm>>) target(%arg6 : memref<112xi32, #tpu.memory_space<vmem>>) target_semaphore(%dma_start3A_16 : memref<!tpu.dma_semaphore, #tpu.memory_space<semaphore_mem>>)
    %broadcast_in_dim3A = arith.constant 1.000000e+00 : f32
    %broadcast_in_dim3A_18 = vector.broadcast %broadcast_in_dim3A : f32 to vector<16xf32>
    %scan3A = arith.constant 0 : i32
    %scan3A_19 = arith.constant 0 : i32
    %scan3A_20 = arith.constant 112 : i32
    %scan3A_21 = arith.addi %scan3A_19, %scan3A_20 : i32
    %scan3A_22 = arith.constant 1 : i32
    %scan3A_23 = scf.for %scan3A_40 = %scan3A_19 to %scan3A_21 step %scan3A_22 iter_args(%scan3A_41 = %scan3A) -> (i32)  : i32 {
      %swap3A = arith.index_cast %scan3A_40 : i32 to index
      %swap3A_42 = arith.constant 0 : index
      %swap3A_43 = tpu.vector_load %arg4[%swap3A, %swap3A_42] {strides = array<i32>} : memref<112x16xf32, #tpu.memory_space<vmem>>, vector<1x16xf32>,
      %swap3A_44 = vector.shape_cast %swap3A_43 : vector<1x16xf32> to vector<16xf32>
      %swap3A_45 = vector.shape_cast %broadcast_in_dim3A_18 : vector<16xf32> to vector<1x16xf32>
      tpu.vector_store %arg4[%swap3A, %swap3A_42], %swap3A_45 {strides = array<i32>} : memref<112x16xf32, #tpu.memory_space<vmem>>, vector<1x16xf32>,
      %scan3A_46 = arith.constant 0 : i32
      scf.yield %scan3A_46 : i32
    }
    %scan3A_24 = arith.constant 112 : i32
    "tpu.region"() ({
      %run_scoped3A = memref.alloca() : memref<112x16xf32, #tpu.memory_space<vmem>>
      %broadcast_in_dim3A_40 = arith.constant 0.000000e+00 : f32
      %broadcast_in_dim3A_41 = vector.broadcast %broadcast_in_dim3A_40 : f32 to vector<16xf32>
      %scan3A_42 = arith.constant 0 : i32
      %scan3A_43 = arith.constant 0 : i32
      %scan3A_44 = arith.constant 112 : i32
      %scan3A_45 = arith.addi %scan3A_43, %scan3A_44 : i32
      %scan3A_46 = arith.constant 1 : i32
      %scan3A_47 = scf.for %scan3A_73 = %scan3A_43 to %scan3A_45 step %scan3A_46 iter_args(%scan3A_74 = %scan3A_42) -> (i32)  : i32 {
        %jit3A = arith.constant 1 : i32
        %div3A = arith.divsi %scan3A_73, %jit3A : i32
        %sign3A = arith.constant 0 : i32
        %sign3A_75 = arith.cmpi sgt, %scan3A_73, %sign3A : i32
        %sign3A_76 = arith.extui %sign3A_75 : i1 to i32
        %sign3A_77 = arith.constant 0 : i32
        %sign3A_78 = arith.cmpi slt, %scan3A_73, %sign3A_77 : i32
        %sign3A_79 = arith.extui %sign3A_78 : i1 to i32
        %sign3A_80 = arith.subi %sign3A_76, %sign3A_79 : i32
        %sign3A_81 = arith.constant 0 : i32
        %sign3A_82 = arith.cmpi sgt, %jit3A, %sign3A_81 : i32
        %sign3A_83 = arith.extui %sign3A_82 : i1 to i32
        %sign3A_84 = arith.constant 0 : i32
        %sign3A_85 = arith.cmpi slt, %jit3A, %sign3A_84 : i32
        %sign3A_86 = arith.extui %sign3A_85 : i1 to i32
        %sign3A_87 = arith.subi %sign3A_83, %sign3A_86 : i32
        %ne3A = arith.cmpi ne, %sign3A_80, %sign3A_87 : i32
        %rem3A = arith.remsi %scan3A_73, %jit3A : i32
        %ne3A_88 = arith.constant 0 : i32
        %ne3A_89 = arith.cmpi ne, %rem3A, %ne3A_88 : i32
        %and3A = arith.andi %ne3A, %ne3A_89 : i1
        %sub3A = arith.constant 1 : i32
        %sub3A_90 = arith.subi %div3A, %sub3A : i32
        %select_n3A = arith.select %and3A, %sub3A_90, %div3A : i32
        %jit3A_91 = arith.constant 1 : i32
        %eq3A = arith.constant 0 : i32
        %eq3A_92 = arith.cmpi eq, %jit3A_91, %eq3A : i32
        %jit3A_93 = arith.constant 1 : i32
        %select_n3A_94 = arith.select %eq3A_92, %jit3A_93, %jit3A_91 : i32
        %rem3A_95 = arith.remsi %scan3A_73, %select_n3A_94 : i32
        %ne3A_96 = arith.constant 0 : i32
        %ne3A_97 = arith.cmpi ne, %rem3A_95, %ne3A_96 : i32
        %lt3A = arith.constant 0 : i32
        %lt3A_98 = arith.cmpi slt, %rem3A_95, %lt3A : i32
        %lt3A_99 = arith.constant 0 : i32
        %lt3A_100 = arith.cmpi slt, %select_n3A_94, %lt3A_99 : i32
        %ne3A_101 = arith.xori %lt3A_98, %lt3A_100 : i1
        %and3A_102 = arith.andi %ne3A_101, %ne3A_97 : i1
        %add3A_103 = arith.addi %rem3A_95, %select_n3A_94 : i32
        %select_n3A_104 = arith.select %and3A_102, %add3A_103, %rem3A_95 : i32
        %mul3A_105 = arith.constant 16 : i32
        %mul3A_106 = arith.muli %select_n3A_104, %mul3A_105 : i32
        %swap3A = arith.index_cast %select_n3A : i32 to index
        %swap3A_107 = arith.index_cast %mul3A_106 : i32 to index
        %swap3A_108 = tpu.vector_load %run_scoped3A[%swap3A, %swap3A_107] {strides = array<i32>} : memref<112x16xf32, #tpu.memory_space<vmem>>, vector<1x16xf32>,
        %swap3A_109 = vector.shape_cast %swap3A_108 : vector<1x16xf32> to vector<16xf32>
        %swap3A_110 = vector.shape_cast %broadcast_in_dim3A_41 : vector<16xf32> to vector<1x16xf32>
        tpu.vector_store %run_scoped3A[%swap3A, %swap3A_107], %swap3A_110 {strides = array<i32>} : memref<112x16xf32, #tpu.memory_space<vmem>>, vector<1x16xf32>,
        %scan3A_111 = arith.constant 0 : i32
        scf.yield %scan3A_111 : i32
      }
      %scan3A_48 = arith.constant 112 : i32
      %mul3A_49 = arith.constant 640 : i32
      %mul3A_50 = arith.muli %arg1, %mul3A_49 : i32
      %add3A_51 = arith.constant 0 : i32
      %add3A_52 = arith.addi %mul3A_50, %add3A_51 : i32
      "tpu.region"() ({
        %run_scoped3A_73 = tpu.sem_alloc : memref<!tpu.dma_semaphore, #tpu.memory_space<semaphore_mem>>
        %dma_start3A_74 = arith.constant 0 : i32
        %dma_start3A_75 = tpu.memref_slice %arg8[%add3A_52, %dma_start3A_74] : memref<10240x16xf32, #tpu.memory_space<vmem_shared>> -> memref<112x16xf32, #tpu.memory_space<vmem_shared>>
        %dma_start3A_76 = arith.constant 0 : i32
        %dma_start3A_77 = tpu.memref_slice %arg8[%add3A_52, %dma_start3A_76] : memref<10240x16xf32, #tpu.memory_space<vmem_shared>> -> memref<112x16xf32, #tpu.memory_space<vmem_shared>>
        tpu.enqueue_dma source(%run_scoped3A : memref<112x16xf32, #tpu.memory_space<vmem>>) target(%dma_start3A_77 : memref<112x16xf32, #tpu.memory_space<vmem_shared>>) target_semaphore(%run_scoped3A_73 : memref<!tpu.dma_semaphore, #tpu.memory_space<semaphore_mem>>)
        %dma_wait3A_78 = arith.constant 0 : i32
        %dma_wait3A_79 = tpu.memref_slice %arg8[%add3A_52, %dma_wait3A_78] : memref<10240x16xf32, #tpu.memory_space<vmem_shared>> -> memref<112x16xf32, #tpu.memory_space<vmem_shared>>
        %dma_wait3A_80 = arith.constant 0 : i32
        %dma_wait3A_81 = tpu.memref_slice %arg8[%add3A_52, %dma_wait3A_80] : memref<10240x16xf32, #tpu.memory_space<vmem_shared>> -> memref<112x16xf32, #tpu.memory_space<vmem_shared>>
        tpu.wait_dma2 semaphore(%run_scoped3A_73 : memref<!tpu.dma_semaphore, #tpu.memory_space<semaphore_mem>>) src(%run_scoped3A : memref<112x16xf32, #tpu.memory_space<vmem>>) dst(%dma_wait3A_81 : memref<112x16xf32, #tpu.memory_space<vmem_shared>>)
        tpu.yield
      }) : () -> ()
      %mul3A_53 = arith.constant 640 : i32
      %mul3A_54 = arith.muli %arg1, %mul3A_53 : i32
      %add3A_55 = arith.constant 112 : i32
      %add3A_56 = arith.addi %mul3A_54, %add3A_55 : i32
      "tpu.region"() ({
        %run_scoped3A_73 = tpu.sem_alloc : memref<!tpu.dma_semaphore, #tpu.memory_space<semaphore_mem>>
        %dma_start3A_74 = arith.constant 0 : i32
        %dma_start3A_75 = tpu.memref_slice %arg8[%add3A_56, %dma_start3A_74] : memref<10240x16xf32, #tpu.memory_space<vmem_shared>> -> memref<112x16xf32, #tpu.memory_space<vmem_shared>>
        %dma_start3A_76 = arith.constant 0 : i32
        %dma_start3A_77 = tpu.memref_slice %arg8[%add3A_56, %dma_start3A_76] : memref<10240x16xf32, #tpu.memory_space<vmem_shared>> -> memref<112x16xf32, #tpu.memory_space<vmem_shared>>
        tpu.enqueue_dma source(%run_scoped3A : memref<112x16xf32, #tpu.memory_space<vmem>>) target(%dma_start3A_77 : memref<112x16xf32, #tpu.memory_space<vmem_shared>>) target_semaphore(%run_scoped3A_73 : memref<!tpu.dma_semaphore, #tpu.memory_space<semaphore_mem>>)
        %dma_wait3A_78 = arith.constant 0 : i32
        %dma_wait3A_79 = tpu.memref_slice %arg8[%add3A_56, %dma_wait3A_78] : memref<10240x16xf32, #tpu.memory_space<vmem_shared>> -> memref<112x16xf32, #tpu.memory_space<vmem_shared>>
        %dma_wait3A_80 = arith.constant 0 : i32
        %dma_wait3A_81 = tpu.memref_slice %arg8[%add3A_56, %dma_wait3A_80] : memref<10240x16xf32, #tpu.memory_space<vmem_shared>> -> memref<112x16xf32, #tpu.memory_space<vmem_shared>>
        tpu.wait_dma2 semaphore(%run_scoped3A_73 : memref<!tpu.dma_semaphore, #tpu.memory_space<semaphore_mem>>) src(%run_scoped3A : memref<112x16xf32, #tpu.memory_space<vmem>>) dst(%dma_wait3A_81 : memref<112x16xf32, #tpu.memory_space<vmem_shared>>)
        tpu.yield
      }) : () -> ()
      %mul3A_57 = arith.constant 640 : i32
      %mul3A_58 = arith.muli %arg1, %mul3A_57 : i32
      %add3A_59 = arith.constant 224 : i32
      %add3A_60 = arith.addi %mul3A_58, %add3A_59 : i32
      "tpu.region"() ({
        %run_scoped3A_73 = tpu.sem_alloc : memref<!tpu.dma_semaphore, #tpu.memory_space<semaphore_mem>>
        %dma_start3A_74 = arith.constant 0 : i32
        %dma_start3A_75 = tpu.memref_slice %arg8[%add3A_60, %dma_start3A_74] : memref<10240x16xf32, #tpu.memory_space<vmem_shared>> -> memref<112x16xf32, #tpu.memory_space<vmem_shared>>
        %dma_start3A_76 = arith.constant 0 : i32
        %dma_start3A_77 = tpu.memref_slice %arg8[%add3A_60, %dma_start3A_76] : memref<10240x16xf32, #tpu.memory_space<vmem_shared>> -> memref<112x16xf32, #tpu.memory_space<vmem_shared>>
        tpu.enqueue_dma source(%run_scoped3A : memref<112x16xf32, #tpu.memory_space<vmem>>) target(%dma_start3A_77 : memref<112x16xf32, #tpu.memory_space<vmem_shared>>) target_semaphore(%run_scoped3A_73 : memref<!tpu.dma_semaphore, #tpu.memory_space<semaphore_mem>>)
        %dma_wait3A_78 = arith.constant 0 : i32
        %dma_wait3A_79 = tpu.memref_slice %arg8[%add3A_60, %dma_wait3A_78] : memref<10240x16xf32, #tpu.memory_space<vmem_shared>> -> memref<112x16xf32, #tpu.memory_space<vmem_shared>>
        %dma_wait3A_80 = arith.constant 0 : i32
        %dma_wait3A_81 = tpu.memref_slice %arg8[%add3A_60, %dma_wait3A_80] : memref<10240x16xf32, #tpu.memory_space<vmem_shared>> -> memref<112x16xf32, #tpu.memory_space<vmem_shared>>
        tpu.wait_dma2 semaphore(%run_scoped3A_73 : memref<!tpu.dma_semaphore, #tpu.memory_space<semaphore_mem>>) src(%run_scoped3A : memref<112x16xf32, #tpu.memory_space<vmem>>) dst(%dma_wait3A_81 : memref<112x16xf32, #tpu.memory_space<vmem_shared>>)
        tpu.yield
      }) : () -> ()
      %mul3A_61 = arith.constant 640 : i32
      %mul3A_62 = arith.muli %arg1, %mul3A_61 : i32
      %add3A_63 = arith.constant 336 : i32
      %add3A_64 = arith.addi %mul3A_62, %add3A_63 : i32
      "tpu.region"() ({
        %run_scoped3A_73 = tpu.sem_alloc : memref<!tpu.dma_semaphore, #tpu.memory_space<semaphore_mem>>
        %dma_start3A_74 = arith.constant 0 : i32
        %dma_start3A_75 = tpu.memref_slice %arg8[%add3A_64, %dma_start3A_74] : memref<10240x16xf32, #tpu.memory_space<vmem_shared>> -> memref<112x16xf32, #tpu.memory_space<vmem_shared>>
        %dma_start3A_76 = arith.constant 0 : i32
        %dma_start3A_77 = tpu.memref_slice %arg8[%add3A_64, %dma_start3A_76] : memref<10240x16xf32, #tpu.memory_space<vmem_shared>> -> memref<112x16xf32, #tpu.memory_space<vmem_shared>>
        tpu.enqueue_dma source(%run_scoped3A : memref<112x16xf32, #tpu.memory_space<vmem>>) target(%dma_start3A_77 : memref<112x16xf32, #tpu.memory_space<vmem_shared>>) target_semaphore(%run_scoped3A_73 : memref<!tpu.dma_semaphore, #tpu.memory_space<semaphore_mem>>)
        %dma_wait3A_78 = arith.constant 0 : i32
        %dma_wait3A_79 = tpu.memref_slice %arg8[%add3A_64, %dma_wait3A_78] : memref<10240x16xf32, #tpu.memory_space<vmem_shared>> -> memref<112x16xf32, #tpu.memory_space<vmem_shared>>
        %dma_wait3A_80 = arith.constant 0 : i32
        %dma_wait3A_81 = tpu.memref_slice %arg8[%add3A_64, %dma_wait3A_80] : memref<10240x16xf32, #tpu.memory_space<vmem_shared>> -> memref<112x16xf32, #tpu.memory_space<vmem_shared>>
        tpu.wait_dma2 semaphore(%run_scoped3A_73 : memref<!tpu.dma_semaphore, #tpu.memory_space<semaphore_mem>>) src(%run_scoped3A : memref<112x16xf32, #tpu.memory_space<vmem>>) dst(%dma_wait3A_81 : memref<112x16xf32, #tpu.memory_space<vmem_shared>>)
        tpu.yield
      }) : () -> ()
      %mul3A_65 = arith.constant 640 : i32
      %mul3A_66 = arith.muli %arg1, %mul3A_65 : i32
      %add3A_67 = arith.constant 448 : i32
      %add3A_68 = arith.addi %mul3A_66, %add3A_67 : i32
      "tpu.region"() ({
        %run_scoped3A_73 = tpu.sem_alloc : memref<!tpu.dma_semaphore, #tpu.memory_space<semaphore_mem>>
        %dma_start3A_74 = arith.constant 0 : i32
        %dma_start3A_75 = tpu.memref_slice %arg8[%add3A_68, %dma_start3A_74] : memref<10240x16xf32, #tpu.memory_space<vmem_shared>> -> memref<112x16xf32, #tpu.memory_space<vmem_shared>>
        %dma_start3A_76 = arith.constant 0 : i32
        %dma_start3A_77 = tpu.memref_slice %arg8[%add3A_68, %dma_start3A_76] : memref<10240x16xf32, #tpu.memory_space<vmem_shared>> -> memref<112x16xf32, #tpu.memory_space<vmem_shared>>
        tpu.enqueue_dma source(%run_scoped3A : memref<112x16xf32, #tpu.memory_space<vmem>>) target(%dma_start3A_77 : memref<112x16xf32, #tpu.memory_space<vmem_shared>>) target_semaphore(%run_scoped3A_73 : memref<!tpu.dma_semaphore, #tpu.memory_space<semaphore_mem>>)
        %dma_wait3A_78 = arith.constant 0 : i32
        %dma_wait3A_79 = tpu.memref_slice %arg8[%add3A_68, %dma_wait3A_78] : memref<10240x16xf32, #tpu.memory_space<vmem_shared>> -> memref<112x16xf32, #tpu.memory_space<vmem_shared>>
        %dma_wait3A_80 = arith.constant 0 : i32
        %dma_wait3A_81 = tpu.memref_slice %arg8[%add3A_68, %dma_wait3A_80] : memref<10240x16xf32, #tpu.memory_space<vmem_shared>> -> memref<112x16xf32, #tpu.memory_space<vmem_shared>>
        tpu.wait_dma2 semaphore(%run_scoped3A_73 : memref<!tpu.dma_semaphore, #tpu.memory_space<semaphore_mem>>) src(%run_scoped3A : memref<112x16xf32, #tpu.memory_space<vmem>>) dst(%dma_wait3A_81 : memref<112x16xf32, #tpu.memory_space<vmem_shared>>)
        tpu.yield
      }) : () -> ()
      %mul3A_69 = arith.constant 640 : i32
      %mul3A_70 = arith.muli %arg1, %mul3A_69 : i32
      %add3A_71 = arith.constant 560 : i32
      %add3A_72 = arith.addi %mul3A_70, %add3A_71 : i32
      "tpu.region"() ({
        %run_scoped3A_73 = tpu.sem_alloc : memref<!tpu.dma_semaphore, #tpu.memory_space<semaphore_mem>>
        %dma_start3A_74 = arith.constant 0 : i32
        %dma_start3A_75 = arith.constant 0 : i32
        %dma_start3A_76 = tpu.memref_slice %run_scoped3A[%dma_start3A_74, %dma_start3A_75] : memref<112x16xf32, #tpu.memory_space<vmem>> -> memref<80x16xf32, #tpu.memory_space<vmem>>
        %dma_start3A_77 = arith.constant 0 : i32
        %dma_start3A_78 = tpu.memref_slice %arg8[%add3A_72, %dma_start3A_77] : memref<10240x16xf32, #tpu.memory_space<vmem_shared>> -> memref<80x16xf32, #tpu.memory_space<vmem_shared>>
        %dma_start3A_79 = arith.constant 0 : i32
        %dma_start3A_80 = tpu.memref_slice %arg8[%add3A_72, %dma_start3A_79] : memref<10240x16xf32, #tpu.memory_space<vmem_shared>> -> memref<80x16xf32, #tpu.memory_space<vmem_shared>>
        %dma_start3A_81 = arith.constant 0 : i32
        %dma_start3A_82 = arith.constant 0 : i32
        %dma_start3A_83 = tpu.memref_slice %run_scoped3A[%dma_start3A_81, %dma_start3A_82] : memref<112x16xf32, #tpu.memory_space<vmem>> -> memref<80x16xf32, #tpu.memory_space<vmem>>
        tpu.enqueue_dma source(%dma_start3A_83 : memref<80x16xf32, #tpu.memory_space<vmem>>) target(%dma_start3A_80 : memref<80x16xf32, #tpu.memory_space<vmem_shared>>) target_semaphore(%run_scoped3A_73 : memref<!tpu.dma_semaphore, #tpu.memory_space<semaphore_mem>>)
        %dma_wait3A_84 = arith.constant 0 : i32
        %dma_wait3A_85 = arith.constant 0 : i32
        %dma_wait3A_86 = tpu.memref_slice %run_scoped3A[%dma_wait3A_84, %dma_wait3A_85] : memref<112x16xf32, #tpu.memory_space<vmem>> -> memref<80x16xf32, #tpu.memory_space<vmem>>
        %dma_wait3A_87 = arith.constant 0 : i32
        %dma_wait3A_88 = tpu.memref_slice %arg8[%add3A_72, %dma_wait3A_87] : memref<10240x16xf32, #tpu.memory_space<vmem_shared>> -> memref<80x16xf32, #tpu.memory_space<vmem_shared>>
        %dma_wait3A_89 = arith.constant 0 : i32
        %dma_wait3A_90 = tpu.memref_slice %arg8[%add3A_72, %dma_wait3A_89] : memref<10240x16xf32, #tpu.memory_space<vmem_shared>> -> memref<80x16xf32, #tpu.memory_space<vmem_shared>>
        %dma_wait3A_91 = arith.constant 0 : i32
        %dma_wait3A_92 = arith.constant 0 : i32
        %dma_wait3A_93 = tpu.memref_slice %run_scoped3A[%dma_wait3A_91, %dma_wait3A_92] : memref<112x16xf32, #tpu.memory_space<vmem>> -> memref<80x16xf32, #tpu.memory_space<vmem>>
        tpu.wait_dma2 semaphore(%run_scoped3A_73 : memref<!tpu.dma_semaphore, #tpu.memory_space<semaphore_mem>>) src(%dma_wait3A_93 : memref<80x16xf32, #tpu.memory_space<vmem>>) dst(%dma_wait3A_90 : memref<80x16xf32, #tpu.memory_space<vmem_shared>>)
        tpu.yield
      }) : () -> ()
      tpu.yield
    }) : () -> ()
    %barrier3A = arith.constant 0 : index
    tpu.barrier barrier_id(%barrier3A)
    %scan3A_25 = arith.constant 0 : i32
    %scan3A_26 = arith.constant 0 : i32
    %scan3A_27 = arith.constant 30 : i32
    %scan3A_28 = arith.addi %scan3A_26, %scan3A_27 : i32
    %scan3A_29 = arith.constant 1 : i32
    %scan3A_30 = scf.for %scan3A_40 = %scan3A_26 to %scan3A_28 step %scan3A_29 iter_args(%scan3A_41 = %scan3A_25) -> (i32)  : i32 {
      %mul3A_42 = arith.constant 3 : i32
      %mul3A_43 = arith.muli %scan3A_40, %mul3A_42 : i32
      %add3A_44 = arith.constant 0 : i32
      %add3A_45 = arith.addi %mul3A_43, %add3A_44 : i32
      %dma_wait3A_46 = arith.constant 0 : i32
      %dma_wait3A_47 = arith.constant 0 : i32
      %dma_wait3A_48 = tpu.memref_slice %arg2[%dma_wait3A_47] : memref<322560xi32, #tpu.memory_space<hbm>> -> memref<112xi32, #tpu.memory_space<hbm>>
      %dma_wait3A_49 = tpu.memref_slice %arg9[%dma_wait3A_46] : memref<3x!tpu.dma_semaphore, #tpu.memory_space<semaphore_mem>> -> memref<1x!tpu.dma_semaphore, #tpu.memory_space<semaphore_mem>>
      %dma_wait3A_50 = tpu.memref_squeeze %dma_wait3A_49 : memref<1x!tpu.dma_semaphore, #tpu.memory_space<semaphore_mem>> -> memref<!tpu.dma_semaphore, #tpu.memory_space<semaphore_mem>>
      %dma_wait3A_51 = arith.constant 0 : i32
      %dma_wait3A_52 = tpu.memref_slice %arg2[%dma_wait3A_51] : memref<322560xi32, #tpu.memory_space<hbm>> -> memref<112xi32, #tpu.memory_space<hbm>>
      tpu.wait_dma2 semaphore(%dma_wait3A_50 : memref<!tpu.dma_semaphore, #tpu.memory_space<semaphore_mem>>) src(%dma_wait3A_52 : memref<112xi32, #tpu.memory_space<hbm>>) dst(%arg5 : memref<112xi32, #tpu.memory_space<vmem>>)
      %dma_start3A_53 = arith.constant 0 : i32
      %dma_start3A_54 = arith.constant 0 : i32
      %dma_start3A_55 = arith.constant 0 : i32
      %dma_start3A_56 = tpu.memref_slice %arg8[%dma_start3A_54, %dma_start3A_55] : memref<10240x16xf32, #tpu.memory_space<vmem_shared>> -> memref<10240x16xf32, #tpu.memory_space<vmem_shared>>
      %dma_start3A_57 = tpu.memref_slice %arg10[%dma_start3A_53] : memref<3x!tpu.dma_semaphore, #tpu.memory_space<semaphore_mem>> -> memref<1x!tpu.dma_semaphore, #tpu.memory_space<semaphore_mem>>
      %dma_start3A_58 = tpu.memref_squeeze %dma_start3A_57 : memref<1x!tpu.dma_semaphore, #tpu.memory_space<semaphore_mem>> -> memref<!tpu.dma_semaphore, #tpu.memory_space<semaphore_mem>>
      tpu.enqueue_indirect_dma source(%arg4 : memref<112x16xf32, #tpu.memory_space<vmem>>) target(%dma_start3A_56 : memref<10240x16xf32, #tpu.memory_space<vmem_shared>>) offsets(%arg5 : memref<112xi32, #tpu.memory_space<vmem>>) semaphore(%dma_start3A_58 : memref<!tpu.dma_semaphore, #tpu.memory_space<semaphore_mem>>) {add = true}
      %gt3A = arith.constant 0 : i32
      %gt3A_59 = arith.cmpi sgt, %scan3A_40, %gt3A : i32
      %convert_element_type3A = arith.extui %gt3A_59 : i1 to i32
      %cond3A = arith.constant 0 : i32
      %cond3A_60 = arith.cmpi ne, %convert_element_type3A, %cond3A : i32
      scf.if %cond3A_60 {
        %dma_wait3A_127 = arith.constant 2 : i32
        %dma_wait3A_128 = arith.constant 0 : i32
        %dma_wait3A_129 = arith.constant 0 : i32
        %dma_wait3A_130 = tpu.memref_slice %arg8[%dma_wait3A_128, %dma_wait3A_129] : memref<10240x16xf32, #tpu.memory_space<vmem_shared>> -> memref<10240x16xf32, #tpu.memory_space<vmem_shared>>
        %dma_wait3A_131 = tpu.memref_slice %arg10[%dma_wait3A_127] : memref<3x!tpu.dma_semaphore, #tpu.memory_space<semaphore_mem>> -> memref<1x!tpu.dma_semaphore, #tpu.memory_space<semaphore_mem>>
        %dma_wait3A_132 = tpu.memref_squeeze %dma_wait3A_131 : memref<1x!tpu.dma_semaphore, #tpu.memory_space<semaphore_mem>> -> memref<!tpu.dma_semaphore, #tpu.memory_space<semaphore_mem>>
        tpu.wait_indirect_dma semaphore(%dma_wait3A_132 : memref<!tpu.dma_semaphore, #tpu.memory_space<semaphore_mem>>) src(%arg4 : memref<112x16xf32, #tpu.memory_space<vmem>>) dst(%dma_wait3A_130 : memref<10240x16xf32, #tpu.memory_space<vmem_shared>>)
      } else {
      }
      %add3A_61 = arith.constant 2 : i32
      %add3A_62 = arith.addi %add3A_45, %add3A_61 : i32
      %mul3A_63 = arith.constant 112 : i32
      %mul3A_64 = arith.muli %add3A_62, %mul3A_63 : i32
      %add3A_65 = arith.addi %mul3A_4, %mul3A_64 : i32
      %dma_start3A_66 = arith.constant 2 : i32
      %dma_start3A_67 = tpu.memref_slice %arg2[%add3A_65] : memref<322560xi32, #tpu.memory_space<hbm>> -> memref<112xi32, #tpu.memory_space<hbm>>
      %dma_start3A_68 = tpu.memref_slice %arg9[%dma_start3A_66] : memref<3x!tpu.dma_semaphore, #tpu.memory_space<semaphore_mem>> -> memref<1x!tpu.dma_semaphore, #tpu.memory_space<semaphore_mem>>
      %dma_start3A_69 = tpu.memref_squeeze %dma_start3A_68 : memref<1x!tpu.dma_semaphore, #tpu.memory_space<semaphore_mem>> -> memref<!tpu.dma_semaphore, #tpu.memory_space<semaphore_mem>>
      %dma_start3A_70 = tpu.memref_slice %arg2[%add3A_65] : memref<322560xi32, #tpu.memory_space<hbm>> -> memref<112xi32, #tpu.memory_space<hbm>>
      tpu.enqueue_dma source(%dma_start3A_70 : memref<112xi32, #tpu.memory_space<hbm>>) target(%arg7 : memref<112xi32, #tpu.memory_space<vmem>>) target_semaphore(%dma_start3A_69 : memref<!tpu.dma_semaphore, #tpu.memory_space<semaphore_mem>>)
      %mul3A_71 = arith.constant 3 : i32
      %mul3A_72 = arith.muli %scan3A_40, %mul3A_71 : i32
      %add3A_73 = arith.constant 1 : i32
      %add3A_74 = arith.addi %mul3A_72, %add3A_73 : i32
      %dma_wait3A_75 = arith.constant 1 : i32
      %dma_wait3A_76 = arith.constant 0 : i32
      %dma_wait3A_77 = tpu.memref_slice %arg2[%dma_wait3A_76] : memref<322560xi32, #tpu.memory_space<hbm>> -> memref<112xi32, #tpu.memory_space<hbm>>
      %dma_wait3A_78 = tpu.memref_slice %arg9[%dma_wait3A_75] : memref<3x!tpu.dma_semaphore, #tpu.memory_space<semaphore_mem>> -> memref<1x!tpu.dma_semaphore, #tpu.memory_space<semaphore_mem>>
      %dma_wait3A_79 = tpu.memref_squeeze %dma_wait3A_78 : memref<1x!tpu.dma_semaphore, #tpu.memory_space<semaphore_mem>> -> memref<!tpu.dma_semaphore, #tpu.memory_space<semaphore_mem>>
      %dma_wait3A_80 = arith.constant 0 : i32
      %dma_wait3A_81 = tpu.memref_slice %arg2[%dma_wait3A_80] : memref<322560xi32, #tpu.memory_space<hbm>> -> memref<112xi32, #tpu.memory_space<hbm>>
      tpu.wait_dma2 semaphore(%dma_wait3A_79 : memref<!tpu.dma_semaphore, #tpu.memory_space<semaphore_mem>>) src(%dma_wait3A_81 : memref<112xi32, #tpu.memory_space<hbm>>) dst(%arg6 : memref<112xi32, #tpu.memory_space<vmem>>)
      %dma_start3A_82 = arith.constant 1 : i32
      %dma_start3A_83 = arith.constant 0 : i32
      %dma_start3A_84 = arith.constant 0 : i32
      %dma_start3A_85 = tpu.memref_slice %arg8[%dma_start3A_83, %dma_start3A_84] : memref<10240x16xf32, #tpu.memory_space<vmem_shared>> -> memref<10240x16xf32, #tpu.memory_space<vmem_shared>>
      %dma_start3A_86 = tpu.memref_slice %arg10[%dma_start3A_82] : memref<3x!tpu.dma_semaphore, #tpu.memory_space<semaphore_mem>> -> memref<1x!tpu.dma_semaphore, #tpu.memory_space<semaphore_mem>>
      %dma_start3A_87 = tpu.memref_squeeze %dma_start3A_86 : memref<1x!tpu.dma_semaphore, #tpu.memory_space<semaphore_mem>> -> memref<!tpu.dma_semaphore, #tpu.memory_space<semaphore_mem>>
      tpu.enqueue_indirect_dma source(%arg4 : memref<112x16xf32, #tpu.memory_space<vmem>>) target(%dma_start3A_85 : memref<10240x16xf32, #tpu.memory_space<vmem_shared>>) offsets(%arg6 : memref<112xi32, #tpu.memory_space<vmem>>) semaphore(%dma_start3A_87 : memref<!tpu.dma_semaphore, #tpu.memory_space<semaphore_mem>>) {add = true}
      %dma_wait3A_88 = arith.constant 0 : i32
      %dma_wait3A_89 = arith.constant 0 : i32
      %dma_wait3A_90 = arith.constant 0 : i32
      %dma_wait3A_91 = tpu.memref_slice %arg8[%dma_wait3A_89, %dma_wait3A_90] : memref<10240x16xf32, #tpu.memory_space<vmem_shared>> -> memref<10240x16xf32, #tpu.memory_space<vmem_shared>>
      %dma_wait3A_92 = tpu.memref_slice %arg10[%dma_wait3A_88] : memref<3x!tpu.dma_semaphore, #tpu.memory_space<semaphore_mem>> -> memref<1x!tpu.dma_semaphore, #tpu.memory_space<semaphore_mem>>
      %dma_wait3A_93 = tpu.memref_squeeze %dma_wait3A_92 : memref<1x!tpu.dma_semaphore, #tpu.memory_space<semaphore_mem>> -> memref<!tpu.dma_semaphore, #tpu.memory_space<semaphore_mem>>
      tpu.wait_indirect_dma semaphore(%dma_wait3A_93 : memref<!tpu.dma_semaphore, #tpu.memory_space<semaphore_mem>>) src(%arg4 : memref<112x16xf32, #tpu.memory_space<vmem>>) dst(%dma_wait3A_91 : memref<10240x16xf32, #tpu.memory_space<vmem_shared>>)
      %le3A = arith.constant 28 : i32
      %le3A_94 = arith.cmpi sle, %scan3A_40, %le3A : i32
      %convert_element_type3A_95 = arith.extui %le3A_94 : i1 to i32
      %cond3A_96 = arith.constant 0 : i32
      %cond3A_97 = arith.cmpi ne, %convert_element_type3A_95, %cond3A_96 : i32
      scf.if %cond3A_97 {
        %add3A_127 = arith.constant 2 : i32
        %add3A_128 = arith.addi %add3A_74, %add3A_127 : i32
        %mul3A_129 = arith.constant 112 : i32
        %mul3A_130 = arith.muli %add3A_128, %mul3A_129 : i32
        %add3A_131 = arith.addi %mul3A_4, %mul3A_130 : i32
        %dma_start3A_132 = arith.constant 0 : i32
        %dma_start3A_133 = tpu.memref_slice %arg2[%add3A_131] : memref<322560xi32, #tpu.memory_space<hbm>> -> memref<112xi32, #tpu.memory_space<hbm>>
        %dma_start3A_134 = tpu.memref_slice %arg9[%dma_start3A_132] : memref<3x!tpu.dma_semaphore, #tpu.memory_space<semaphore_mem>> -> memref<1x!tpu.dma_semaphore, #tpu.memory_space<semaphore_mem>>
        %dma_start3A_135 = tpu.memref_squeeze %dma_start3A_134 : memref<1x!tpu.dma_semaphore, #tpu.memory_space<semaphore_mem>> -> memref<!tpu.dma_semaphore, #tpu.memory_space<semaphore_mem>>
        %dma_start3A_136 = tpu.memref_slice %arg2[%add3A_131] : memref<322560xi32, #tpu.memory_space<hbm>> -> memref<112xi32, #tpu.memory_space<hbm>>
        tpu.enqueue_dma source(%dma_start3A_136 : memref<112xi32, #tpu.memory_space<hbm>>) target(%arg5 : memref<112xi32, #tpu.memory_space<vmem>>) target_semaphore(%dma_start3A_135 : memref<!tpu.dma_semaphore, #tpu.memory_space<semaphore_mem>>)
      } else {
      }
      %mul3A_98 = arith.constant 3 : i32
      %mul3A_99 = arith.muli %scan3A_40, %mul3A_98 : i32
      %add3A_100 = arith.constant 2 : i32
      %add3A_101 = arith.addi %mul3A_99, %add3A_100 : i32
      %dma_wait3A_102 = arith.constant 2 : i32
      %dma_wait3A_103 = arith.constant 0 : i32
      %dma_wait3A_104 = tpu.memref_slice %arg2[%dma_wait3A_103] : memref<322560xi32, #tpu.memory_space<hbm>> -> memref<112xi32, #tpu.memory_space<hbm>>
      %dma_wait3A_105 = tpu.memref_slice %arg9[%dma_wait3A_102] : memref<3x!tpu.dma_semaphore, #tpu.memory_space<semaphore_mem>> -> memref<1x!tpu.dma_semaphore, #tpu.memory_space<semaphore_mem>>
      %dma_wait3A_106 = tpu.memref_squeeze %dma_wait3A_105 : memref<1x!tpu.dma_semaphore, #tpu.memory_space<semaphore_mem>> -> memref<!tpu.dma_semaphore, #tpu.memory_space<semaphore_mem>>
      %dma_wait3A_107 = arith.constant 0 : i32
      %dma_wait3A_108 = tpu.memref_slice %arg2[%dma_wait3A_107] : memref<322560xi32, #tpu.memory_space<hbm>> -> memref<112xi32, #tpu.memory_space<hbm>>
      tpu.wait_dma2 semaphore(%dma_wait3A_106 : memref<!tpu.dma_semaphore, #tpu.memory_space<semaphore_mem>>) src(%dma_wait3A_108 : memref<112xi32, #tpu.memory_space<hbm>>) dst(%arg7 : memref<112xi32, #tpu.memory_space<vmem>>)
      %dma_start3A_109 = arith.constant 2 : i32
      %dma_start3A_110 = arith.constant 0 : i32
      %dma_start3A_111 = arith.constant 0 : i32
      %dma_start3A_112 = tpu.memref_slice %arg8[%dma_start3A_110, %dma_start3A_111] : memref<10240x16xf32, #tpu.memory_space<vmem_shared>> -> memref<10240x16xf32, #tpu.memory_space<vmem_shared>>
      %dma_start3A_113 = tpu.memref_slice %arg10[%dma_start3A_109] : memref<3x!tpu.dma_semaphore, #tpu.memory_space<semaphore_mem>> -> memref<1x!tpu.dma_semaphore, #tpu.memory_space<semaphore_mem>>
      %dma_start3A_114 = tpu.memref_squeeze %dma_start3A_113 : memref<1x!tpu.dma_semaphore, #tpu.memory_space<semaphore_mem>> -> memref<!tpu.dma_semaphore, #tpu.memory_space<semaphore_mem>>
      tpu.enqueue_indirect_dma source(%arg4 : memref<112x16xf32, #tpu.memory_space<vmem>>) target(%dma_start3A_112 : memref<10240x16xf32, #tpu.memory_space<vmem_shared>>) offsets(%arg7 : memref<112xi32, #tpu.memory_space<vmem>>) semaphore(%dma_start3A_114 : memref<!tpu.dma_semaphore, #tpu.memory_space<semaphore_mem>>) {add = true}
      %dma_wait3A_115 = arith.constant 1 : i32
      %dma_wait3A_116 = arith.constant 0 : i32
      %dma_wait3A_117 = arith.constant 0 : i32
      %dma_wait3A_118 = tpu.memref_slice %arg8[%dma_wait3A_116, %dma_wait3A_117] : memref<10240x16xf32, #tpu.memory_space<vmem_shared>> -> memref<10240x16xf32, #tpu.memory_space<vmem_shared>>
      %dma_wait3A_119 = tpu.memref_slice %arg10[%dma_wait3A_115] : memref<3x!tpu.dma_semaphore, #tpu.memory_space<semaphore_mem>> -> memref<1x!tpu.dma_semaphore, #tpu.memory_space<semaphore_mem>>
      %dma_wait3A_120 = tpu.memref_squeeze %dma_wait3A_119 : memref<1x!tpu.dma_semaphore, #tpu.memory_space<semaphore_mem>> -> memref<!tpu.dma_semaphore, #tpu.memory_space<semaphore_mem>>
      tpu.wait_indirect_dma semaphore(%dma_wait3A_120 : memref<!tpu.dma_semaphore, #tpu.memory_space<semaphore_mem>>) src(%arg4 : memref<112x16xf32, #tpu.memory_space<vmem>>) dst(%dma_wait3A_118 : memref<10240x16xf32, #tpu.memory_space<vmem_shared>>)
      %le3A_121 = arith.constant 28 : i32
      %le3A_122 = arith.cmpi sle, %scan3A_40, %le3A_121 : i32
      %convert_element_type3A_123 = arith.extui %le3A_122 : i1 to i32
      %cond3A_124 = arith.constant 0 : i32
      %cond3A_125 = arith.cmpi ne, %convert_element_type3A_123, %cond3A_124 : i32
      scf.if %cond3A_125 {
        %add3A_127 = arith.constant 2 : i32
        %add3A_128 = arith.addi %add3A_101, %add3A_127 : i32
        %mul3A_129 = arith.constant 112 : i32
        %mul3A_130 = arith.muli %add3A_128, %mul3A_129 : i32
        %add3A_131 = arith.addi %mul3A_4, %mul3A_130 : i32
        %dma_start3A_132 = arith.constant 1 : i32
        %dma_start3A_133 = tpu.memref_slice %arg2[%add3A_131] : memref<322560xi32, #tpu.memory_space<hbm>> -> memref<112xi32, #tpu.memory_space<hbm>>
        %dma_start3A_134 = tpu.memref_slice %arg9[%dma_start3A_132] : memref<3x!tpu.dma_semaphore, #tpu.memory_space<semaphore_mem>> -> memref<1x!tpu.dma_semaphore, #tpu.memory_space<semaphore_mem>>
        %dma_start3A_135 = tpu.memref_squeeze %dma_start3A_134 : memref<1x!tpu.dma_semaphore, #tpu.memory_space<semaphore_mem>> -> memref<!tpu.dma_semaphore, #tpu.memory_space<semaphore_mem>>
        %dma_start3A_136 = tpu.memref_slice %arg2[%add3A_131] : memref<322560xi32, #tpu.memory_space<hbm>> -> memref<112xi32, #tpu.memory_space<hbm>>
        tpu.enqueue_dma source(%dma_start3A_136 : memref<112xi32, #tpu.memory_space<hbm>>) target(%arg6 : memref<112xi32, #tpu.memory_space<vmem>>) target_semaphore(%dma_start3A_135 : memref<!tpu.dma_semaphore, #tpu.memory_space<semaphore_mem>>)
      } else {
      }
      %scan3A_126 = arith.constant 0 : i32
      scf.yield %scan3A_126 : i32
    }
    %scan3A_31 = arith.constant 30 : i32
    %dma_wait3A = arith.constant 2 : i32
    %dma_wait3A_32 = arith.constant 0 : i32
    %dma_wait3A_33 = arith.constant 0 : i32
    %dma_wait3A_34 = tpu.memref_slice %arg8[%dma_wait3A_32, %dma_wait3A_33] : memref<10240x16xf32, #tpu.memory_space<vmem_shared>> -> memref<10240x16xf32, #tpu.memory_space<vmem_shared>>
    %dma_wait3A_35 = tpu.memref_slice %arg10[%dma_wait3A] : memref<3x!tpu.dma_semaphore, #tpu.memory_space<semaphore_mem>> -> memref<1x!tpu.dma_semaphore, #tpu.memory_space<semaphore_mem>>
    %dma_wait3A_36 = tpu.memref_squeeze %dma_wait3A_35 : memref<1x!tpu.dma_semaphore, #tpu.memory_space<semaphore_mem>> -> memref<!tpu.dma_semaphore, #tpu.memory_space<semaphore_mem>>
    tpu.wait_indirect_dma semaphore(%dma_wait3A_36 : memref<!tpu.dma_semaphore, #tpu.memory_space<semaphore_mem>>) src(%arg4 : memref<112x16xf32, #tpu.memory_space<vmem>>) dst(%dma_wait3A_34 : memref<10240x16xf32, #tpu.memory_space<vmem_shared>>)
    %barrier3A_37 = arith.constant 0 : index
    tpu.barrier barrier_id(%barrier3A_37)
    %mul3A_38 = arith.constant 640 : i32
    %mul3A_39 = arith.muli %arg1, %mul3A_38 : i32
    "tpu.region"() ({
      %run_scoped3A = tpu.sem_alloc : memref<!tpu.dma_semaphore, #tpu.memory_space<semaphore_mem>>
      %dma_start3A_40 = arith.constant 0 : i32
      %dma_start3A_41 = tpu.memref_slice %arg3[%arg0, %mul3A_39, %dma_start3A_40] : memref<2x10240x16xf32, #tpu.memory_space<hbm>> -> memref<1x640x16xf32, #tpu.memory_space<hbm>>
      %dma_start3A_42 = tpu.memref_squeeze %dma_start3A_41 : memref<1x640x16xf32, #tpu.memory_space<hbm>> -> memref<640x16xf32, #tpu.memory_space<hbm>>
      %dma_start3A_43 = arith.constant 0 : i32
      %dma_start3A_44 = tpu.memref_slice %arg8[%mul3A_39, %dma_start3A_43] : memref<10240x16xf32, #tpu.memory_space<vmem_shared>> -> memref<640x16xf32, #tpu.memory_space<vmem_shared>>
      tpu.enqueue_dma source(%dma_start3A_44 : memref<640x16xf32, #tpu.memory_space<vmem_shared>>) target(%dma_start3A_42 : memref<640x16xf32, #tpu.memory_space<hbm>>) target_semaphore(%run_scoped3A : memref<!tpu.dma_semaphore, #tpu.memory_space<semaphore_mem>>)
      %dma_wait3A_45 = arith.constant 0 : i32
      %dma_wait3A_46 = tpu.memref_slice %arg3[%arg0, %mul3A_39, %dma_wait3A_45] : memref<2x10240x16xf32, #tpu.memory_space<hbm>> -> memref<1x640x16xf32, #tpu.memory_space<hbm>>
      %dma_wait3A_47 = tpu.memref_squeeze %dma_wait3A_46 : memref<1x640x16xf32, #tpu.memory_space<hbm>> -> memref<640x16xf32, #tpu.memory_space<hbm>>
      %dma_wait3A_48 = arith.constant 0 : i32
      %dma_wait3A_49 = tpu.memref_slice %arg8[%mul3A_39, %dma_wait3A_48] : memref<10240x16xf32, #tpu.memory_space<vmem_shared>> -> memref<640x16xf32, #tpu.memory_space<vmem_shared>>
      tpu.wait_dma2 semaphore(%run_scoped3A : memref<!tpu.dma_semaphore, #tpu.memory_space<semaphore_mem>>) src(%dma_wait3A_49 : memref<640x16xf32, #tpu.memory_space<vmem_shared>>) dst(%dma_wait3A_47 : memref<640x16xf32, #tpu.memory_space<hbm>>)
      tpu.yield
    }) : () -> ()
    return
  }
}

#map = affine_map<(d0, d1) -> (0, 0)>
#map1 = affine_map<(d0, d1) -> (0)>
#map2 = affine_map<(d0, d1) -> (0, 0, 0)>
module attributes {stable_mosaic.version = 14 : i64} {
  func.func @_agg_body(%arg0: i32, %arg1: i32, %arg2: memref<10240x128xf32, #tpu.memory_space<hbm>>, %arg3: memref<322560xi32, #tpu.memory_space<hbm>>, %arg4: memref<322560xi32, #tpu.memory_space<hbm>>, %arg5: memref<2x10240x128xf32, #tpu.memory_space<hbm>>, %arg6: memref<112xi32, #tpu.memory_space<vmem>>, %arg7: memref<112xi32, #tpu.memory_space<vmem>>, %arg8: memref<112xi32, #tpu.memory_space<vmem>>, %arg9: memref<112xi32, #tpu.memory_space<vmem>>, %arg10: memref<112xi32, #tpu.memory_space<vmem>>, %arg11: memref<112xi32, #tpu.memory_space<vmem>>, %arg12: memref<112x128xf32, #tpu.memory_space<vmem>>, %arg13: memref<112x128xf32, #tpu.memory_space<vmem>>, %arg14: memref<112x128xf32, #tpu.memory_space<vmem>>, %arg15: memref<10240x128xf32, #tpu.memory_space<vmem_shared>>, %arg16: memref<3x!tpu.dma_semaphore, #tpu.memory_space<semaphore_mem>>, %arg17: memref<3x!tpu.dma_semaphore, #tpu.memory_space<semaphore_mem>>, %arg18: memref<3x!tpu.dma_semaphore, #tpu.memory_space<semaphore_mem>>) attributes {dimension_semantics = [#tpu.dimension_semantics<core_parallel>, #tpu.dimension_semantics<subcore_parallel>], iteration_bounds = array<i64: 2, 16>, scalar_prefetch = 0 : i64, scratch_operands = 13 : i64, tpu.core_type = #tpu.core_type<sc_vector_subcore>, window_params = [{transform_indices = #map}, {transform_indices = #map1}, {transform_indices = #map1}, {transform_indices = #map2}]} {
    %mul3A = arith.constant 1728 : i32
    %mul3A_0 = arith.muli %arg0, %mul3A : i32
    %eq3A = arith.constant 0 : i32
    %eq3A_1 = arith.cmpi eq, %arg0, %eq3A : i32
    %jit3A = arith.constant 108 : i32
    %jit3A_2 = arith.constant 72 : i32
    %select_n3A = arith.select %eq3A_1, %jit3A, %jit3A_2 : i32
    %mul3A_3 = arith.muli %arg1, %select_n3A : i32
    %add3A = arith.addi %mul3A_0, %mul3A_3 : i32
    %mul3A_4 = arith.constant 112 : i32
    %mul3A_5 = arith.muli %add3A, %mul3A_4 : i32
    %add3A_6 = arith.constant 0 : i32
    %add3A_7 = arith.addi %mul3A_5, %add3A_6 : i32
    %dma_start3A = arith.constant 0 : i32
    %dma_start3A_8 = tpu.memref_slice %arg3[%add3A_7] : memref<322560xi32, #tpu.memory_space<hbm>> -> memref<112xi32, #tpu.memory_space<hbm>>
    %dma_start3A_9 = tpu.memref_slice %arg16[%dma_start3A] : memref<3x!tpu.dma_semaphore, #tpu.memory_space<semaphore_mem>> -> memref<1x!tpu.dma_semaphore, #tpu.memory_space<semaphore_mem>>
    %dma_start3A_10 = tpu.memref_squeeze %dma_start3A_9 : memref<1x!tpu.dma_semaphore, #tpu.memory_space<semaphore_mem>> -> memref<!tpu.dma_semaphore, #tpu.memory_space<semaphore_mem>>
    %dma_start3A_11 = tpu.memref_slice %arg3[%add3A_7] : memref<322560xi32, #tpu.memory_space<hbm>> -> memref<112xi32, #tpu.memory_space<hbm>>
    tpu.enqueue_dma source(%dma_start3A_11 : memref<112xi32, #tpu.memory_space<hbm>>) target(%arg6 : memref<112xi32, #tpu.memory_space<vmem>>) target_semaphore(%dma_start3A_10 : memref<!tpu.dma_semaphore, #tpu.memory_space<semaphore_mem>>)
    %dma_start3A_12 = arith.constant 0 : i32
    %dma_start3A_13 = tpu.memref_slice %arg4[%add3A_7] : memref<322560xi32, #tpu.memory_space<hbm>> -> memref<112xi32, #tpu.memory_space<hbm>>
    %dma_start3A_14 = tpu.memref_slice %arg16[%dma_start3A_12] : memref<3x!tpu.dma_semaphore, #tpu.memory_space<semaphore_mem>> -> memref<1x!tpu.dma_semaphore, #tpu.memory_space<semaphore_mem>>
    %dma_start3A_15 = tpu.memref_squeeze %dma_start3A_14 : memref<1x!tpu.dma_semaphore, #tpu.memory_space<semaphore_mem>> -> memref<!tpu.dma_semaphore, #tpu.memory_space<semaphore_mem>>
    %dma_start3A_16 = tpu.memref_slice %arg4[%add3A_7] : memref<322560xi32, #tpu.memory_space<hbm>> -> memref<112xi32, #tpu.memory_space<hbm>>
    tpu.enqueue_dma source(%dma_start3A_16 : memref<112xi32, #tpu.memory_space<hbm>>) target(%arg9 : memref<112xi32, #tpu.memory_space<vmem>>) target_semaphore(%dma_start3A_15 : memref<!tpu.dma_semaphore, #tpu.memory_space<semaphore_mem>>)
    %add3A_17 = arith.constant 112 : i32
    %add3A_18 = arith.addi %mul3A_5, %add3A_17 : i32
    %dma_start3A_19 = arith.constant 1 : i32
    %dma_start3A_20 = tpu.memref_slice %arg3[%add3A_18] : memref<322560xi32, #tpu.memory_space<hbm>> -> memref<112xi32, #tpu.memory_space<hbm>>
    %dma_start3A_21 = tpu.memref_slice %arg16[%dma_start3A_19] : memref<3x!tpu.dma_semaphore, #tpu.memory_space<semaphore_mem>> -> memref<1x!tpu.dma_semaphore, #tpu.memory_space<semaphore_mem>>
    %dma_start3A_22 = tpu.memref_squeeze %dma_start3A_21 : memref<1x!tpu.dma_semaphore, #tpu.memory_space<semaphore_mem>> -> memref<!tpu.dma_semaphore, #tpu.memory_space<semaphore_mem>>
    %dma_start3A_23 = tpu.memref_slice %arg3[%add3A_18] : memref<322560xi32, #tpu.memory_space<hbm>> -> memref<112xi32, #tpu.memory_space<hbm>>
    tpu.enqueue_dma source(%dma_start3A_23 : memref<112xi32, #tpu.memory_space<hbm>>) target(%arg7 : memref<112xi32, #tpu.memory_space<vmem>>) target_semaphore(%dma_start3A_22 : memref<!tpu.dma_semaphore, #tpu.memory_space<semaphore_mem>>)
    %dma_start3A_24 = arith.constant 1 : i32
    %dma_start3A_25 = tpu.memref_slice %arg4[%add3A_18] : memref<322560xi32, #tpu.memory_space<hbm>> -> memref<112xi32, #tpu.memory_space<hbm>>
    %dma_start3A_26 = tpu.memref_slice %arg16[%dma_start3A_24] : memref<3x!tpu.dma_semaphore, #tpu.memory_space<semaphore_mem>> -> memref<1x!tpu.dma_semaphore, #tpu.memory_space<semaphore_mem>>
    %dma_start3A_27 = tpu.memref_squeeze %dma_start3A_26 : memref<1x!tpu.dma_semaphore, #tpu.memory_space<semaphore_mem>> -> memref<!tpu.dma_semaphore, #tpu.memory_space<semaphore_mem>>
    %dma_start3A_28 = tpu.memref_slice %arg4[%add3A_18] : memref<322560xi32, #tpu.memory_space<hbm>> -> memref<112xi32, #tpu.memory_space<hbm>>
    tpu.enqueue_dma source(%dma_start3A_28 : memref<112xi32, #tpu.memory_space<hbm>>) target(%arg10 : memref<112xi32, #tpu.memory_space<vmem>>) target_semaphore(%dma_start3A_27 : memref<!tpu.dma_semaphore, #tpu.memory_space<semaphore_mem>>)
    %broadcast_in_dim3A = arith.constant 0.000000e+00 : f32
    %broadcast_in_dim3A_29 = vector.broadcast %broadcast_in_dim3A : f32 to vector<16xf32>
    %scan3A = arith.constant 0 : i32
    %scan3A_30 = arith.constant 0 : i32
    %scan3A_31 = arith.constant 896 : i32
    %scan3A_32 = arith.addi %scan3A_30, %scan3A_31 : i32
    %scan3A_33 = arith.constant 1 : i32
    %scan3A_34 = scf.for %scan3A_90 = %scan3A_30 to %scan3A_32 step %scan3A_33 iter_args(%scan3A_91 = %scan3A) -> (i32)  : i32 {
      %jit3A_92 = arith.constant 8 : i32
      %div3A = arith.divsi %scan3A_90, %jit3A_92 : i32
      %sign3A = arith.constant 0 : i32
      %sign3A_93 = arith.cmpi sgt, %scan3A_90, %sign3A : i32
      %sign3A_94 = arith.extui %sign3A_93 : i1 to i32
      %sign3A_95 = arith.constant 0 : i32
      %sign3A_96 = arith.cmpi slt, %scan3A_90, %sign3A_95 : i32
      %sign3A_97 = arith.extui %sign3A_96 : i1 to i32
      %sign3A_98 = arith.subi %sign3A_94, %sign3A_97 : i32
      %sign3A_99 = arith.constant 0 : i32
      %sign3A_100 = arith.cmpi sgt, %jit3A_92, %sign3A_99 : i32
      %sign3A_101 = arith.extui %sign3A_100 : i1 to i32
      %sign3A_102 = arith.constant 0 : i32
      %sign3A_103 = arith.cmpi slt, %jit3A_92, %sign3A_102 : i32
      %sign3A_104 = arith.extui %sign3A_103 : i1 to i32
      %sign3A_105 = arith.subi %sign3A_101, %sign3A_104 : i32
      %ne3A = arith.cmpi ne, %sign3A_98, %sign3A_105 : i32
      %rem3A = arith.remsi %scan3A_90, %jit3A_92 : i32
      %ne3A_106 = arith.constant 0 : i32
      %ne3A_107 = arith.cmpi ne, %rem3A, %ne3A_106 : i32
      %and3A = arith.andi %ne3A, %ne3A_107 : i1
      %sub3A = arith.constant 1 : i32
      %sub3A_108 = arith.subi %div3A, %sub3A : i32
      %select_n3A_109 = arith.select %and3A, %sub3A_108, %div3A : i32
      %jit3A_110 = arith.constant 8 : i32
      %eq3A_111 = arith.constant 0 : i32
      %eq3A_112 = arith.cmpi eq, %jit3A_110, %eq3A_111 : i32
      %jit3A_113 = arith.constant 1 : i32
      %select_n3A_114 = arith.select %eq3A_112, %jit3A_113, %jit3A_110 : i32
      %rem3A_115 = arith.remsi %scan3A_90, %select_n3A_114 : i32
      %ne3A_116 = arith.constant 0 : i32
      %ne3A_117 = arith.cmpi ne, %rem3A_115, %ne3A_116 : i32
      %lt3A = arith.constant 0 : i32
      %lt3A_118 = arith.cmpi slt, %rem3A_115, %lt3A : i32
      %lt3A_119 = arith.constant 0 : i32
      %lt3A_120 = arith.cmpi slt, %select_n3A_114, %lt3A_119 : i32
      %ne3A_121 = arith.xori %lt3A_118, %lt3A_120 : i1
      %and3A_122 = arith.andi %ne3A_121, %ne3A_117 : i1
      %add3A_123 = arith.addi %rem3A_115, %select_n3A_114 : i32
      %select_n3A_124 = arith.select %and3A_122, %add3A_123, %rem3A_115 : i32
      %mul3A_125 = arith.constant 16 : i32
      %mul3A_126 = arith.muli %select_n3A_124, %mul3A_125 : i32
      %swap3A = arith.index_cast %select_n3A_109 : i32 to index
      %swap3A_127 = arith.index_cast %mul3A_126 : i32 to index
      %swap3A_128 = tpu.vector_load %arg12[%swap3A, %swap3A_127] {strides = array<i32>} : memref<112x128xf32, #tpu.memory_space<vmem>>, vector<1x16xf32>,
      %swap3A_129 = vector.shape_cast %swap3A_128 : vector<1x16xf32> to vector<16xf32>
      %swap3A_130 = vector.shape_cast %broadcast_in_dim3A_29 : vector<16xf32> to vector<1x16xf32>
      tpu.vector_store %arg12[%swap3A, %swap3A_127], %swap3A_130 {strides = array<i32>} : memref<112x128xf32, #tpu.memory_space<vmem>>, vector<1x16xf32>,
      %scan3A_131 = arith.constant 0 : i32
      scf.yield %scan3A_131 : i32
    }
    %scan3A_35 = arith.constant 896 : i32
    %mul3A_36 = arith.constant 640 : i32
    %mul3A_37 = arith.muli %arg1, %mul3A_36 : i32
    %add3A_38 = arith.constant 0 : i32
    %add3A_39 = arith.addi %mul3A_37, %add3A_38 : i32
    "tpu.region"() ({
      %run_scoped3A = tpu.sem_alloc : memref<!tpu.dma_semaphore, #tpu.memory_space<semaphore_mem>>
      %dma_start3A_90 = arith.constant 0 : i32
      %dma_start3A_91 = tpu.memref_slice %arg15[%add3A_39, %dma_start3A_90] : memref<10240x128xf32, #tpu.memory_space<vmem_shared>> -> memref<112x128xf32, #tpu.memory_space<vmem_shared>>
      %dma_start3A_92 = arith.constant 0 : i32
      %dma_start3A_93 = tpu.memref_slice %arg15[%add3A_39, %dma_start3A_92] : memref<10240x128xf32, #tpu.memory_space<vmem_shared>> -> memref<112x128xf32, #tpu.memory_space<vmem_shared>>
      tpu.enqueue_dma source(%arg12 : memref<112x128xf32, #tpu.memory_space<vmem>>) target(%dma_start3A_93 : memref<112x128xf32, #tpu.memory_space<vmem_shared>>) target_semaphore(%run_scoped3A : memref<!tpu.dma_semaphore, #tpu.memory_space<semaphore_mem>>)
      %dma_wait3A_94 = arith.constant 0 : i32
      %dma_wait3A_95 = tpu.memref_slice %arg15[%add3A_39, %dma_wait3A_94] : memref<10240x128xf32, #tpu.memory_space<vmem_shared>> -> memref<112x128xf32, #tpu.memory_space<vmem_shared>>
      %dma_wait3A_96 = arith.constant 0 : i32
      %dma_wait3A_97 = tpu.memref_slice %arg15[%add3A_39, %dma_wait3A_96] : memref<10240x128xf32, #tpu.memory_space<vmem_shared>> -> memref<112x128xf32, #tpu.memory_space<vmem_shared>>
      tpu.wait_dma2 semaphore(%run_scoped3A : memref<!tpu.dma_semaphore, #tpu.memory_space<semaphore_mem>>) src(%arg12 : memref<112x128xf32, #tpu.memory_space<vmem>>) dst(%dma_wait3A_97 : memref<112x128xf32, #tpu.memory_space<vmem_shared>>)
      tpu.yield
    }) : () -> ()
    %mul3A_40 = arith.constant 640 : i32
    %mul3A_41 = arith.muli %arg1, %mul3A_40 : i32
    %add3A_42 = arith.constant 112 : i32
    %add3A_43 = arith.addi %mul3A_41, %add3A_42 : i32
    "tpu.region"() ({
      %run_scoped3A = tpu.sem_alloc : memref<!tpu.dma_semaphore, #tpu.memory_space<semaphore_mem>>
      %dma_start3A_90 = arith.constant 0 : i32
      %dma_start3A_91 = tpu.memref_slice %arg15[%add3A_43, %dma_start3A_90] : memref<10240x128xf32, #tpu.memory_space<vmem_shared>> -> memref<112x128xf32, #tpu.memory_space<vmem_shared>>
      %dma_start3A_92 = arith.constant 0 : i32
      %dma_start3A_93 = tpu.memref_slice %arg15[%add3A_43, %dma_start3A_92] : memref<10240x128xf32, #tpu.memory_space<vmem_shared>> -> memref<112x128xf32, #tpu.memory_space<vmem_shared>>
      tpu.enqueue_dma source(%arg12 : memref<112x128xf32, #tpu.memory_space<vmem>>) target(%dma_start3A_93 : memref<112x128xf32, #tpu.memory_space<vmem_shared>>) target_semaphore(%run_scoped3A : memref<!tpu.dma_semaphore, #tpu.memory_space<semaphore_mem>>)
      %dma_wait3A_94 = arith.constant 0 : i32
      %dma_wait3A_95 = tpu.memref_slice %arg15[%add3A_43, %dma_wait3A_94] : memref<10240x128xf32, #tpu.memory_space<vmem_shared>> -> memref<112x128xf32, #tpu.memory_space<vmem_shared>>
      %dma_wait3A_96 = arith.constant 0 : i32
      %dma_wait3A_97 = tpu.memref_slice %arg15[%add3A_43, %dma_wait3A_96] : memref<10240x128xf32, #tpu.memory_space<vmem_shared>> -> memref<112x128xf32, #tpu.memory_space<vmem_shared>>
      tpu.wait_dma2 semaphore(%run_scoped3A : memref<!tpu.dma_semaphore, #tpu.memory_space<semaphore_mem>>) src(%arg12 : memref<112x128xf32, #tpu.memory_space<vmem>>) dst(%dma_wait3A_97 : memref<112x128xf32, #tpu.memory_space<vmem_shared>>)
      tpu.yield
    }) : () -> ()
    %mul3A_44 = arith.constant 640 : i32
    %mul3A_45 = arith.muli %arg1, %mul3A_44 : i32
    %add3A_46 = arith.constant 224 : i32
    %add3A_47 = arith.addi %mul3A_45, %add3A_46 : i32
    "tpu.region"() ({
      %run_scoped3A = tpu.sem_alloc : memref<!tpu.dma_semaphore, #tpu.memory_space<semaphore_mem>>
      %dma_start3A_90 = arith.constant 0 : i32
      %dma_start3A_91 = tpu.memref_slice %arg15[%add3A_47, %dma_start3A_90] : memref<10240x128xf32, #tpu.memory_space<vmem_shared>> -> memref<112x128xf32, #tpu.memory_space<vmem_shared>>
      %dma_start3A_92 = arith.constant 0 : i32
      %dma_start3A_93 = tpu.memref_slice %arg15[%add3A_47, %dma_start3A_92] : memref<10240x128xf32, #tpu.memory_space<vmem_shared>> -> memref<112x128xf32, #tpu.memory_space<vmem_shared>>
      tpu.enqueue_dma source(%arg12 : memref<112x128xf32, #tpu.memory_space<vmem>>) target(%dma_start3A_93 : memref<112x128xf32, #tpu.memory_space<vmem_shared>>) target_semaphore(%run_scoped3A : memref<!tpu.dma_semaphore, #tpu.memory_space<semaphore_mem>>)
      %dma_wait3A_94 = arith.constant 0 : i32
      %dma_wait3A_95 = tpu.memref_slice %arg15[%add3A_47, %dma_wait3A_94] : memref<10240x128xf32, #tpu.memory_space<vmem_shared>> -> memref<112x128xf32, #tpu.memory_space<vmem_shared>>
      %dma_wait3A_96 = arith.constant 0 : i32
      %dma_wait3A_97 = tpu.memref_slice %arg15[%add3A_47, %dma_wait3A_96] : memref<10240x128xf32, #tpu.memory_space<vmem_shared>> -> memref<112x128xf32, #tpu.memory_space<vmem_shared>>
      tpu.wait_dma2 semaphore(%run_scoped3A : memref<!tpu.dma_semaphore, #tpu.memory_space<semaphore_mem>>) src(%arg12 : memref<112x128xf32, #tpu.memory_space<vmem>>) dst(%dma_wait3A_97 : memref<112x128xf32, #tpu.memory_space<vmem_shared>>)
      tpu.yield
    }) : () -> ()
    %mul3A_48 = arith.constant 640 : i32
    %mul3A_49 = arith.muli %arg1, %mul3A_48 : i32
    %add3A_50 = arith.constant 336 : i32
    %add3A_51 = arith.addi %mul3A_49, %add3A_50 : i32
    "tpu.region"() ({
      %run_scoped3A = tpu.sem_alloc : memref<!tpu.dma_semaphore, #tpu.memory_space<semaphore_mem>>
      %dma_start3A_90 = arith.constant 0 : i32
      %dma_start3A_91 = tpu.memref_slice %arg15[%add3A_51, %dma_start3A_90] : memref<10240x128xf32, #tpu.memory_space<vmem_shared>> -> memref<112x128xf32, #tpu.memory_space<vmem_shared>>
      %dma_start3A_92 = arith.constant 0 : i32
      %dma_start3A_93 = tpu.memref_slice %arg15[%add3A_51, %dma_start3A_92] : memref<10240x128xf32, #tpu.memory_space<vmem_shared>> -> memref<112x128xf32, #tpu.memory_space<vmem_shared>>
      tpu.enqueue_dma source(%arg12 : memref<112x128xf32, #tpu.memory_space<vmem>>) target(%dma_start3A_93 : memref<112x128xf32, #tpu.memory_space<vmem_shared>>) target_semaphore(%run_scoped3A : memref<!tpu.dma_semaphore, #tpu.memory_space<semaphore_mem>>)
      %dma_wait3A_94 = arith.constant 0 : i32
      %dma_wait3A_95 = tpu.memref_slice %arg15[%add3A_51, %dma_wait3A_94] : memref<10240x128xf32, #tpu.memory_space<vmem_shared>> -> memref<112x128xf32, #tpu.memory_space<vmem_shared>>
      %dma_wait3A_96 = arith.constant 0 : i32
      %dma_wait3A_97 = tpu.memref_slice %arg15[%add3A_51, %dma_wait3A_96] : memref<10240x128xf32, #tpu.memory_space<vmem_shared>> -> memref<112x128xf32, #tpu.memory_space<vmem_shared>>
      tpu.wait_dma2 semaphore(%run_scoped3A : memref<!tpu.dma_semaphore, #tpu.memory_space<semaphore_mem>>) src(%arg12 : memref<112x128xf32, #tpu.memory_space<vmem>>) dst(%dma_wait3A_97 : memref<112x128xf32, #tpu.memory_space<vmem_shared>>)
      tpu.yield
    }) : () -> ()
    %mul3A_52 = arith.constant 640 : i32
    %mul3A_53 = arith.muli %arg1, %mul3A_52 : i32
    %add3A_54 = arith.constant 448 : i32
    %add3A_55 = arith.addi %mul3A_53, %add3A_54 : i32
    "tpu.region"() ({
      %run_scoped3A = tpu.sem_alloc : memref<!tpu.dma_semaphore, #tpu.memory_space<semaphore_mem>>
      %dma_start3A_90 = arith.constant 0 : i32
      %dma_start3A_91 = tpu.memref_slice %arg15[%add3A_55, %dma_start3A_90] : memref<10240x128xf32, #tpu.memory_space<vmem_shared>> -> memref<112x128xf32, #tpu.memory_space<vmem_shared>>
      %dma_start3A_92 = arith.constant 0 : i32
      %dma_start3A_93 = tpu.memref_slice %arg15[%add3A_55, %dma_start3A_92] : memref<10240x128xf32, #tpu.memory_space<vmem_shared>> -> memref<112x128xf32, #tpu.memory_space<vmem_shared>>
      tpu.enqueue_dma source(%arg12 : memref<112x128xf32, #tpu.memory_space<vmem>>) target(%dma_start3A_93 : memref<112x128xf32, #tpu.memory_space<vmem_shared>>) target_semaphore(%run_scoped3A : memref<!tpu.dma_semaphore, #tpu.memory_space<semaphore_mem>>)
      %dma_wait3A_94 = arith.constant 0 : i32
      %dma_wait3A_95 = tpu.memref_slice %arg15[%add3A_55, %dma_wait3A_94] : memref<10240x128xf32, #tpu.memory_space<vmem_shared>> -> memref<112x128xf32, #tpu.memory_space<vmem_shared>>
      %dma_wait3A_96 = arith.constant 0 : i32
      %dma_wait3A_97 = tpu.memref_slice %arg15[%add3A_55, %dma_wait3A_96] : memref<10240x128xf32, #tpu.memory_space<vmem_shared>> -> memref<112x128xf32, #tpu.memory_space<vmem_shared>>
      tpu.wait_dma2 semaphore(%run_scoped3A : memref<!tpu.dma_semaphore, #tpu.memory_space<semaphore_mem>>) src(%arg12 : memref<112x128xf32, #tpu.memory_space<vmem>>) dst(%dma_wait3A_97 : memref<112x128xf32, #tpu.memory_space<vmem_shared>>)
      tpu.yield
    }) : () -> ()
    %mul3A_56 = arith.constant 640 : i32
    %mul3A_57 = arith.muli %arg1, %mul3A_56 : i32
    %add3A_58 = arith.constant 560 : i32
    %add3A_59 = arith.addi %mul3A_57, %add3A_58 : i32
    "tpu.region"() ({
      %run_scoped3A = tpu.sem_alloc : memref<!tpu.dma_semaphore, #tpu.memory_space<semaphore_mem>>
      %dma_start3A_90 = arith.constant 0 : i32
      %dma_start3A_91 = arith.constant 0 : i32
      %dma_start3A_92 = tpu.memref_slice %arg12[%dma_start3A_90, %dma_start3A_91] : memref<112x128xf32, #tpu.memory_space<vmem>> -> memref<80x128xf32, #tpu.memory_space<vmem>>
      %dma_start3A_93 = arith.constant 0 : i32
      %dma_start3A_94 = tpu.memref_slice %arg15[%add3A_59, %dma_start3A_93] : memref<10240x128xf32, #tpu.memory_space<vmem_shared>> -> memref<80x128xf32, #tpu.memory_space<vmem_shared>>
      %dma_start3A_95 = arith.constant 0 : i32
      %dma_start3A_96 = tpu.memref_slice %arg15[%add3A_59, %dma_start3A_95] : memref<10240x128xf32, #tpu.memory_space<vmem_shared>> -> memref<80x128xf32, #tpu.memory_space<vmem_shared>>
      %dma_start3A_97 = arith.constant 0 : i32
      %dma_start3A_98 = arith.constant 0 : i32
      %dma_start3A_99 = tpu.memref_slice %arg12[%dma_start3A_97, %dma_start3A_98] : memref<112x128xf32, #tpu.memory_space<vmem>> -> memref<80x128xf32, #tpu.memory_space<vmem>>
      tpu.enqueue_dma source(%dma_start3A_99 : memref<80x128xf32, #tpu.memory_space<vmem>>) target(%dma_start3A_96 : memref<80x128xf32, #tpu.memory_space<vmem_shared>>) target_semaphore(%run_scoped3A : memref<!tpu.dma_semaphore, #tpu.memory_space<semaphore_mem>>)
      %dma_wait3A_100 = arith.constant 0 : i32
      %dma_wait3A_101 = arith.constant 0 : i32
      %dma_wait3A_102 = tpu.memref_slice %arg12[%dma_wait3A_100, %dma_wait3A_101] : memref<112x128xf32, #tpu.memory_space<vmem>> -> memref<80x128xf32, #tpu.memory_space<vmem>>
      %dma_wait3A_103 = arith.constant 0 : i32
      %dma_wait3A_104 = tpu.memref_slice %arg15[%add3A_59, %dma_wait3A_103] : memref<10240x128xf32, #tpu.memory_space<vmem_shared>> -> memref<80x128xf32, #tpu.memory_space<vmem_shared>>
      %dma_wait3A_105 = arith.constant 0 : i32
      %dma_wait3A_106 = tpu.memref_slice %arg15[%add3A_59, %dma_wait3A_105] : memref<10240x128xf32, #tpu.memory_space<vmem_shared>> -> memref<80x128xf32, #tpu.memory_space<vmem_shared>>
      %dma_wait3A_107 = arith.constant 0 : i32
      %dma_wait3A_108 = arith.constant 0 : i32
      %dma_wait3A_109 = tpu.memref_slice %arg12[%dma_wait3A_107, %dma_wait3A_108] : memref<112x128xf32, #tpu.memory_space<vmem>> -> memref<80x128xf32, #tpu.memory_space<vmem>>
      tpu.wait_dma2 semaphore(%run_scoped3A : memref<!tpu.dma_semaphore, #tpu.memory_space<semaphore_mem>>) src(%dma_wait3A_109 : memref<80x128xf32, #tpu.memory_space<vmem>>) dst(%dma_wait3A_106 : memref<80x128xf32, #tpu.memory_space<vmem_shared>>)
      tpu.yield
    }) : () -> ()
    %barrier3A = arith.constant 0 : index
    tpu.barrier barrier_id(%barrier3A)
    %dma_wait3A = arith.constant 0 : i32
    %dma_wait3A_60 = arith.constant 0 : i32
    %dma_wait3A_61 = tpu.memref_slice %arg3[%dma_wait3A_60] : memref<322560xi32, #tpu.memory_space<hbm>> -> memref<112xi32, #tpu.memory_space<hbm>>
    %dma_wait3A_62 = tpu.memref_slice %arg16[%dma_wait3A] : memref<3x!tpu.dma_semaphore, #tpu.memory_space<semaphore_mem>> -> memref<1x!tpu.dma_semaphore, #tpu.memory_space<semaphore_mem>>
    %dma_wait3A_63 = tpu.memref_squeeze %dma_wait3A_62 : memref<1x!tpu.dma_semaphore, #tpu.memory_space<semaphore_mem>> -> memref<!tpu.dma_semaphore, #tpu.memory_space<semaphore_mem>>
    %dma_wait3A_64 = arith.constant 0 : i32
    %dma_wait3A_65 = tpu.memref_slice %arg3[%dma_wait3A_64] : memref<322560xi32, #tpu.memory_space<hbm>> -> memref<112xi32, #tpu.memory_space<hbm>>
    tpu.wait_dma2 semaphore(%dma_wait3A_63 : memref<!tpu.dma_semaphore, #tpu.memory_space<semaphore_mem>>) src(%dma_wait3A_65 : memref<112xi32, #tpu.memory_space<hbm>>) dst(%arg6 : memref<112xi32, #tpu.memory_space<vmem>>)
    %dma_wait3A_66 = arith.constant 0 : i32
    %dma_wait3A_67 = arith.constant 0 : i32
    %dma_wait3A_68 = tpu.memref_slice %arg4[%dma_wait3A_67] : memref<322560xi32, #tpu.memory_space<hbm>> -> memref<112xi32, #tpu.memory_space<hbm>>
    %dma_wait3A_69 = tpu.memref_slice %arg16[%dma_wait3A_66] : memref<3x!tpu.dma_semaphore, #tpu.memory_space<semaphore_mem>> -> memref<1x!tpu.dma_semaphore, #tpu.memory_space<semaphore_mem>>
    %dma_wait3A_70 = tpu.memref_squeeze %dma_wait3A_69 : memref<1x!tpu.dma_semaphore, #tpu.memory_space<semaphore_mem>> -> memref<!tpu.dma_semaphore, #tpu.memory_space<semaphore_mem>>
    %dma_wait3A_71 = arith.constant 0 : i32
    %dma_wait3A_72 = tpu.memref_slice %arg4[%dma_wait3A_71] : memref<322560xi32, #tpu.memory_space<hbm>> -> memref<112xi32, #tpu.memory_space<hbm>>
    tpu.wait_dma2 semaphore(%dma_wait3A_70 : memref<!tpu.dma_semaphore, #tpu.memory_space<semaphore_mem>>) src(%dma_wait3A_72 : memref<112xi32, #tpu.memory_space<hbm>>) dst(%arg9 : memref<112xi32, #tpu.memory_space<vmem>>)
    %dma_start3A_73 = arith.constant 0 : i32
    %dma_start3A_74 = arith.constant 0 : i32
    %dma_start3A_75 = arith.constant 0 : i32
    %dma_start3A_76 = tpu.memref_slice %arg2[%dma_start3A_74, %dma_start3A_75] : memref<10240x128xf32, #tpu.memory_space<hbm>> -> memref<10240x128xf32, #tpu.memory_space<hbm>>
    %dma_start3A_77 = tpu.memref_slice %arg17[%dma_start3A_73] : memref<3x!tpu.dma_semaphore, #tpu.memory_space<semaphore_mem>> -> memref<1x!tpu.dma_semaphore, #tpu.memory_space<semaphore_mem>>
    %dma_start3A_78 = tpu.memref_squeeze %dma_start3A_77 : memref<1x!tpu.dma_semaphore, #tpu.memory_space<semaphore_mem>> -> memref<!tpu.dma_semaphore, #tpu.memory_space<semaphore_mem>>
    tpu.enqueue_indirect_dma source(%dma_start3A_76 : memref<10240x128xf32, #tpu.memory_space<hbm>>) target(%arg12 : memref<112x128xf32, #tpu.memory_space<vmem>>) offsets(%arg6 : memref<112xi32, #tpu.memory_space<vmem>>) semaphore(%dma_start3A_78 : memref<!tpu.dma_semaphore, #tpu.memory_space<semaphore_mem>>)
    %eq3A_79 = arith.constant 0 : i32
    %eq3A_80 = arith.cmpi eq, %arg0, %eq3A_79 : i32
    %convert_element_type3A = arith.extui %eq3A_80 : i1 to i32
    %cond3A = arith.constant 0 : i32
    %cond3A_81 = arith.cmpi ne, %convert_element_type3A, %cond3A : i32
    scf.if %cond3A_81 {
      %scan3A_90 = arith.constant 0 : i32
      %scan3A_91 = arith.constant 0 : i32
      %scan3A_92 = arith.constant 36 : i32
      %scan3A_93 = arith.addi %scan3A_91, %scan3A_92 : i32
      %scan3A_94 = arith.constant 1 : i32
      %scan3A_95 = scf.for %scan3A_103 = %scan3A_91 to %scan3A_93 step %scan3A_94 iter_args(%scan3A_104 = %scan3A_90) -> (i32)  : i32 {
        %mul3A_105 = arith.constant 3 : i32
        %mul3A_106 = arith.muli %scan3A_103, %mul3A_105 : i32
        %add3A_107 = arith.constant 0 : i32
        %add3A_108 = arith.addi %mul3A_106, %add3A_107 : i32
        %gt3A = arith.constant 0 : i32
        %gt3A_109 = arith.cmpi sgt, %scan3A_103, %gt3A : i32
        %convert_element_type3A_110 = arith.extui %gt3A_109 : i1 to i32
        %cond3A_111 = arith.constant 0 : i32
        %cond3A_112 = arith.cmpi ne, %convert_element_type3A_110, %cond3A_111 : i32
        scf.if %cond3A_112 {
          %dma_wait3A_239 = arith.constant 2 : i32
          %dma_wait3A_240 = arith.constant 0 : i32
          %dma_wait3A_241 = arith.constant 0 : i32
          %dma_wait3A_242 = tpu.memref_slice %arg15[%dma_wait3A_240, %dma_wait3A_241] : memref<10240x128xf32, #tpu.memory_space<vmem_shared>> -> memref<10240x128xf32, #tpu.memory_space<vmem_shared>>
          %dma_wait3A_243 = tpu.memref_slice %arg18[%dma_wait3A_239] : memref<3x!tpu.dma_semaphore, #tpu.memory_space<semaphore_mem>> -> memref<1x!tpu.dma_semaphore, #tpu.memory_space<semaphore_mem>>
          %dma_wait3A_244 = tpu.memref_squeeze %dma_wait3A_243 : memref<1x!tpu.dma_semaphore, #tpu.memory_space<semaphore_mem>> -> memref<!tpu.dma_semaphore, #tpu.memory_space<semaphore_mem>>
          tpu.wait_indirect_dma semaphore(%dma_wait3A_244 : memref<!tpu.dma_semaphore, #tpu.memory_space<semaphore_mem>>) src(%arg14 : memref<112x128xf32, #tpu.memory_space<vmem>>) dst(%dma_wait3A_242 : memref<10240x128xf32, #tpu.memory_space<vmem_shared>>)
        } else {
        }
        %add3A_113 = arith.constant 2 : i32
        %add3A_114 = arith.addi %add3A_108, %add3A_113 : i32
        %mul3A_115 = arith.constant 112 : i32
        %mul3A_116 = arith.muli %add3A_114, %mul3A_115 : i32
        %add3A_117 = arith.addi %mul3A_5, %mul3A_116 : i32
        %dma_start3A_118 = arith.constant 2 : i32
        %dma_start3A_119 = tpu.memref_slice %arg3[%add3A_117] : memref<322560xi32, #tpu.memory_space<hbm>> -> memref<112xi32, #tpu.memory_space<hbm>>
        %dma_start3A_120 = tpu.memref_slice %arg16[%dma_start3A_118] : memref<3x!tpu.dma_semaphore, #tpu.memory_space<semaphore_mem>> -> memref<1x!tpu.dma_semaphore, #tpu.memory_space<semaphore_mem>>
        %dma_start3A_121 = tpu.memref_squeeze %dma_start3A_120 : memref<1x!tpu.dma_semaphore, #tpu.memory_space<semaphore_mem>> -> memref<!tpu.dma_semaphore, #tpu.memory_space<semaphore_mem>>
        %dma_start3A_122 = tpu.memref_slice %arg3[%add3A_117] : memref<322560xi32, #tpu.memory_space<hbm>> -> memref<112xi32, #tpu.memory_space<hbm>>
        tpu.enqueue_dma source(%dma_start3A_122 : memref<112xi32, #tpu.memory_space<hbm>>) target(%arg8 : memref<112xi32, #tpu.memory_space<vmem>>) target_semaphore(%dma_start3A_121 : memref<!tpu.dma_semaphore, #tpu.memory_space<semaphore_mem>>)
        %dma_start3A_123 = arith.constant 2 : i32
        %dma_start3A_124 = tpu.memref_slice %arg4[%add3A_117] : memref<322560xi32, #tpu.memory_space<hbm>> -> memref<112xi32, #tpu.memory_space<hbm>>
        %dma_start3A_125 = tpu.memref_slice %arg16[%dma_start3A_123] : memref<3x!tpu.dma_semaphore, #tpu.memory_space<semaphore_mem>> -> memref<1x!tpu.dma_semaphore, #tpu.memory_space<semaphore_mem>>
        %dma_start3A_126 = tpu.memref_squeeze %dma_start3A_125 : memref<1x!tpu.dma_semaphore, #tpu.memory_space<semaphore_mem>> -> memref<!tpu.dma_semaphore, #tpu.memory_space<semaphore_mem>>
        %dma_start3A_127 = tpu.memref_slice %arg4[%add3A_117] : memref<322560xi32, #tpu.memory_space<hbm>> -> memref<112xi32, #tpu.memory_space<hbm>>
        tpu.enqueue_dma source(%dma_start3A_127 : memref<112xi32, #tpu.memory_space<hbm>>) target(%arg11 : memref<112xi32, #tpu.memory_space<vmem>>) target_semaphore(%dma_start3A_126 : memref<!tpu.dma_semaphore, #tpu.memory_space<semaphore_mem>>)
        %dma_wait3A_128 = arith.constant 0 : i32
        %dma_wait3A_129 = arith.constant 0 : i32
        %dma_wait3A_130 = arith.constant 0 : i32
        %dma_wait3A_131 = tpu.memref_slice %arg2[%dma_wait3A_129, %dma_wait3A_130] : memref<10240x128xf32, #tpu.memory_space<hbm>> -> memref<10240x128xf32, #tpu.memory_space<hbm>>
        %dma_wait3A_132 = tpu.memref_slice %arg17[%dma_wait3A_128] : memref<3x!tpu.dma_semaphore, #tpu.memory_space<semaphore_mem>> -> memref<1x!tpu.dma_semaphore, #tpu.memory_space<semaphore_mem>>
        %dma_wait3A_133 = tpu.memref_squeeze %dma_wait3A_132 : memref<1x!tpu.dma_semaphore, #tpu.memory_space<semaphore_mem>> -> memref<!tpu.dma_semaphore, #tpu.memory_space<semaphore_mem>>
        tpu.wait_indirect_dma semaphore(%dma_wait3A_133 : memref<!tpu.dma_semaphore, #tpu.memory_space<semaphore_mem>>) src(%dma_wait3A_131 : memref<10240x128xf32, #tpu.memory_space<hbm>>) dst(%arg12 : memref<112x128xf32, #tpu.memory_space<vmem>>)
        %dma_start3A_134 = arith.constant 0 : i32
        %dma_start3A_135 = arith.constant 0 : i32
        %dma_start3A_136 = arith.constant 0 : i32
        %dma_start3A_137 = tpu.memref_slice %arg15[%dma_start3A_135, %dma_start3A_136] : memref<10240x128xf32, #tpu.memory_space<vmem_shared>> -> memref<10240x128xf32, #tpu.memory_space<vmem_shared>>
        %dma_start3A_138 = tpu.memref_slice %arg18[%dma_start3A_134] : memref<3x!tpu.dma_semaphore, #tpu.memory_space<semaphore_mem>> -> memref<1x!tpu.dma_semaphore, #tpu.memory_space<semaphore_mem>>
        %dma_start3A_139 = tpu.memref_squeeze %dma_start3A_138 : memref<1x!tpu.dma_semaphore, #tpu.memory_space<semaphore_mem>> -> memref<!tpu.dma_semaphore, #tpu.memory_space<semaphore_mem>>
        tpu.enqueue_indirect_dma source(%arg12 : memref<112x128xf32, #tpu.memory_space<vmem>>) target(%dma_start3A_137 : memref<10240x128xf32, #tpu.memory_space<vmem_shared>>) offsets(%arg9 : memref<112xi32, #tpu.memory_space<vmem>>) semaphore(%dma_start3A_139 : memref<!tpu.dma_semaphore, #tpu.memory_space<semaphore_mem>>) {add = true}
        %dma_wait3A_140 = arith.constant 1 : i32
        %dma_wait3A_141 = arith.constant 0 : i32
        %dma_wait3A_142 = tpu.memref_slice %arg3[%dma_wait3A_141] : memref<322560xi32, #tpu.memory_space<hbm>> -> memref<112xi32, #tpu.memory_space<hbm>>
        %dma_wait3A_143 = tpu.memref_slice %arg16[%dma_wait3A_140] : memref<3x!tpu.dma_semaphore, #tpu.memory_space<semaphore_mem>> -> memref<1x!tpu.dma_semaphore, #tpu.memory_space<semaphore_mem>>
        %dma_wait3A_144 = tpu.memref_squeeze %dma_wait3A_143 : memref<1x!tpu.dma_semaphore, #tpu.memory_space<semaphore_mem>> -> memref<!tpu.dma_semaphore, #tpu.memory_space<semaphore_mem>>
        %dma_wait3A_145 = arith.constant 0 : i32
        %dma_wait3A_146 = tpu.memref_slice %arg3[%dma_wait3A_145] : memref<322560xi32, #tpu.memory_space<hbm>> -> memref<112xi32, #tpu.memory_space<hbm>>
        tpu.wait_dma2 semaphore(%dma_wait3A_144 : memref<!tpu.dma_semaphore, #tpu.memory_space<semaphore_mem>>) src(%dma_wait3A_146 : memref<112xi32, #tpu.memory_space<hbm>>) dst(%arg7 : memref<112xi32, #tpu.memory_space<vmem>>)
        %dma_wait3A_147 = arith.constant 1 : i32
        %dma_wait3A_148 = arith.constant 0 : i32
        %dma_wait3A_149 = tpu.memref_slice %arg4[%dma_wait3A_148] : memref<322560xi32, #tpu.memory_space<hbm>> -> memref<112xi32, #tpu.memory_space<hbm>>
        %dma_wait3A_150 = tpu.memref_slice %arg16[%dma_wait3A_147] : memref<3x!tpu.dma_semaphore, #tpu.memory_space<semaphore_mem>> -> memref<1x!tpu.dma_semaphore, #tpu.memory_space<semaphore_mem>>
        %dma_wait3A_151 = tpu.memref_squeeze %dma_wait3A_150 : memref<1x!tpu.dma_semaphore, #tpu.memory_space<semaphore_mem>> -> memref<!tpu.dma_semaphore, #tpu.memory_space<semaphore_mem>>
        %dma_wait3A_152 = arith.constant 0 : i32
        %dma_wait3A_153 = tpu.memref_slice %arg4[%dma_wait3A_152] : memref<322560xi32, #tpu.memory_space<hbm>> -> memref<112xi32, #tpu.memory_space<hbm>>
        tpu.wait_dma2 semaphore(%dma_wait3A_151 : memref<!tpu.dma_semaphore, #tpu.memory_space<semaphore_mem>>) src(%dma_wait3A_153 : memref<112xi32, #tpu.memory_space<hbm>>) dst(%arg10 : memref<112xi32, #tpu.memory_space<vmem>>)
        %dma_start3A_154 = arith.constant 1 : i32
        %dma_start3A_155 = arith.constant 0 : i32
        %dma_start3A_156 = arith.constant 0 : i32
        %dma_start3A_157 = tpu.memref_slice %arg2[%dma_start3A_155, %dma_start3A_156] : memref<10240x128xf32, #tpu.memory_space<hbm>> -> memref<10240x128xf32, #tpu.memory_space<hbm>>
        %dma_start3A_158 = tpu.memref_slice %arg17[%dma_start3A_154] : memref<3x!tpu.dma_semaphore, #tpu.memory_space<semaphore_mem>> -> memref<1x!tpu.dma_semaphore, #tpu.memory_space<semaphore_mem>>
        %dma_start3A_159 = tpu.memref_squeeze %dma_start3A_158 : memref<1x!tpu.dma_semaphore, #tpu.memory_space<semaphore_mem>> -> memref<!tpu.dma_semaphore, #tpu.memory_space<semaphore_mem>>
        tpu.enqueue_indirect_dma source(%dma_start3A_157 : memref<10240x128xf32, #tpu.memory_space<hbm>>) target(%arg13 : memref<112x128xf32, #tpu.memory_space<vmem>>) offsets(%arg7 : memref<112xi32, #tpu.memory_space<vmem>>) semaphore(%dma_start3A_159 : memref<!tpu.dma_semaphore, #tpu.memory_space<semaphore_mem>>)
        %mul3A_160 = arith.constant 3 : i32
        %mul3A_161 = arith.muli %scan3A_103, %mul3A_160 : i32
        %add3A_162 = arith.constant 1 : i32
        %add3A_163 = arith.addi %mul3A_161, %add3A_162 : i32
        %dma_wait3A_164 = arith.constant 0 : i32
        %dma_wait3A_165 = arith.constant 0 : i32
        %dma_wait3A_166 = arith.constant 0 : i32
        %dma_wait3A_167 = tpu.memref_slice %arg15[%dma_wait3A_165, %dma_wait3A_166] : memref<10240x128xf32, #tpu.memory_space<vmem_shared>> -> memref<10240x128xf32, #tpu.memory_space<vmem_shared>>
        %dma_wait3A_168 = tpu.memref_slice %arg18[%dma_wait3A_164] : memref<3x!tpu.dma_semaphore, #tpu.memory_space<semaphore_mem>> -> memref<1x!tpu.dma_semaphore, #tpu.memory_space<semaphore_mem>>
        %dma_wait3A_169 = tpu.memref_squeeze %dma_wait3A_168 : memref<1x!tpu.dma_semaphore, #tpu.memory_space<semaphore_mem>> -> memref<!tpu.dma_semaphore, #tpu.memory_space<semaphore_mem>>
        tpu.wait_indirect_dma semaphore(%dma_wait3A_169 : memref<!tpu.dma_semaphore, #tpu.memory_space<semaphore_mem>>) src(%arg12 : memref<112x128xf32, #tpu.memory_space<vmem>>) dst(%dma_wait3A_167 : memref<10240x128xf32, #tpu.memory_space<vmem_shared>>)
        %le3A = arith.constant 34 : i32
        %le3A_170 = arith.cmpi sle, %scan3A_103, %le3A : i32
        %convert_element_type3A_171 = arith.extui %le3A_170 : i1 to i32
        %cond3A_172 = arith.constant 0 : i32
        %cond3A_173 = arith.cmpi ne, %convert_element_type3A_171, %cond3A_172 : i32
        scf.if %cond3A_173 {
          %add3A_239 = arith.constant 2 : i32
          %add3A_240 = arith.addi %add3A_163, %add3A_239 : i32
          %mul3A_241 = arith.constant 112 : i32
          %mul3A_242 = arith.muli %add3A_240, %mul3A_241 : i32
          %add3A_243 = arith.addi %mul3A_5, %mul3A_242 : i32
          %dma_start3A_244 = arith.constant 0 : i32
          %dma_start3A_245 = tpu.memref_slice %arg3[%add3A_243] : memref<322560xi32, #tpu.memory_space<hbm>> -> memref<112xi32, #tpu.memory_space<hbm>>
          %dma_start3A_246 = tpu.memref_slice %arg16[%dma_start3A_244] : memref<3x!tpu.dma_semaphore, #tpu.memory_space<semaphore_mem>> -> memref<1x!tpu.dma_semaphore, #tpu.memory_space<semaphore_mem>>
          %dma_start3A_247 = tpu.memref_squeeze %dma_start3A_246 : memref<1x!tpu.dma_semaphore, #tpu.memory_space<semaphore_mem>> -> memref<!tpu.dma_semaphore, #tpu.memory_space<semaphore_mem>>
          %dma_start3A_248 = tpu.memref_slice %arg3[%add3A_243] : memref<322560xi32, #tpu.memory_space<hbm>> -> memref<112xi32, #tpu.memory_space<hbm>>
          tpu.enqueue_dma source(%dma_start3A_248 : memref<112xi32, #tpu.memory_space<hbm>>) target(%arg6 : memref<112xi32, #tpu.memory_space<vmem>>) target_semaphore(%dma_start3A_247 : memref<!tpu.dma_semaphore, #tpu.memory_space<semaphore_mem>>)
          %dma_start3A_249 = arith.constant 0 : i32
          %dma_start3A_250 = tpu.memref_slice %arg4[%add3A_243] : memref<322560xi32, #tpu.memory_space<hbm>> -> memref<112xi32, #tpu.memory_space<hbm>>
          %dma_start3A_251 = tpu.memref_slice %arg16[%dma_start3A_249] : memref<3x!tpu.dma_semaphore, #tpu.memory_space<semaphore_mem>> -> memref<1x!tpu.dma_semaphore, #tpu.memory_space<semaphore_mem>>
          %dma_start3A_252 = tpu.memref_squeeze %dma_start3A_251 : memref<1x!tpu.dma_semaphore, #tpu.memory_space<semaphore_mem>> -> memref<!tpu.dma_semaphore, #tpu.memory_space<semaphore_mem>>
          %dma_start3A_253 = tpu.memref_slice %arg4[%add3A_243] : memref<322560xi32, #tpu.memory_space<hbm>> -> memref<112xi32, #tpu.memory_space<hbm>>
          tpu.enqueue_dma source(%dma_start3A_253 : memref<112xi32, #tpu.memory_space<hbm>>) target(%arg9 : memref<112xi32, #tpu.memory_space<vmem>>) target_semaphore(%dma_start3A_252 : memref<!tpu.dma_semaphore, #tpu.memory_space<semaphore_mem>>)
        } else {
        }
        %dma_wait3A_174 = arith.constant 1 : i32
        %dma_wait3A_175 = arith.constant 0 : i32
        %dma_wait3A_176 = arith.constant 0 : i32
        %dma_wait3A_177 = tpu.memref_slice %arg2[%dma_wait3A_175, %dma_wait3A_176] : memref<10240x128xf32, #tpu.memory_space<hbm>> -> memref<10240x128xf32, #tpu.memory_space<hbm>>
        %dma_wait3A_178 = tpu.memref_slice %arg17[%dma_wait3A_174] : memref<3x!tpu.dma_semaphore, #tpu.memory_space<semaphore_mem>> -> memref<1x!tpu.dma_semaphore, #tpu.memory_space<semaphore_mem>>
        %dma_wait3A_179 = tpu.memref_squeeze %dma_wait3A_178 : memref<1x!tpu.dma_semaphore, #tpu.memory_space<semaphore_mem>> -> memref<!tpu.dma_semaphore, #tpu.memory_space<semaphore_mem>>
        tpu.wait_indirect_dma semaphore(%dma_wait3A_179 : memref<!tpu.dma_semaphore, #tpu.memory_space<semaphore_mem>>) src(%dma_wait3A_177 : memref<10240x128xf32, #tpu.memory_space<hbm>>) dst(%arg13 : memref<112x128xf32, #tpu.memory_space<vmem>>)
        %dma_start3A_180 = arith.constant 1 : i32
        %dma_start3A_181 = arith.constant 0 : i32
        %dma_start3A_182 = arith.constant 0 : i32
        %dma_start3A_183 = tpu.memref_slice %arg15[%dma_start3A_181, %dma_start3A_182] : memref<10240x128xf32, #tpu.memory_space<vmem_shared>> -> memref<10240x128xf32, #tpu.memory_space<vmem_shared>>
        %dma_start3A_184 = tpu.memref_slice %arg18[%dma_start3A_180] : memref<3x!tpu.dma_semaphore, #tpu.memory_space<semaphore_mem>> -> memref<1x!tpu.dma_semaphore, #tpu.memory_space<semaphore_mem>>
        %dma_start3A_185 = tpu.memref_squeeze %dma_start3A_184 : memref<1x!tpu.dma_semaphore, #tpu.memory_space<semaphore_mem>> -> memref<!tpu.dma_semaphore, #tpu.memory_space<semaphore_mem>>
        tpu.enqueue_indirect_dma source(%arg13 : memref<112x128xf32, #tpu.memory_space<vmem>>) target(%dma_start3A_183 : memref<10240x128xf32, #tpu.memory_space<vmem_shared>>) offsets(%arg10 : memref<112xi32, #tpu.memory_space<vmem>>) semaphore(%dma_start3A_185 : memref<!tpu.dma_semaphore, #tpu.memory_space<semaphore_mem>>) {add = true}
        %dma_wait3A_186 = arith.constant 2 : i32
        %dma_wait3A_187 = arith.constant 0 : i32
        %dma_wait3A_188 = tpu.memref_slice %arg3[%dma_wait3A_187] : memref<322560xi32, #tpu.memory_space<hbm>> -> memref<112xi32, #tpu.memory_space<hbm>>
        %dma_wait3A_189 = tpu.memref_slice %arg16[%dma_wait3A_186] : memref<3x!tpu.dma_semaphore, #tpu.memory_space<semaphore_mem>> -> memref<1x!tpu.dma_semaphore, #tpu.memory_space<semaphore_mem>>
        %dma_wait3A_190 = tpu.memref_squeeze %dma_wait3A_189 : memref<1x!tpu.dma_semaphore, #tpu.memory_space<semaphore_mem>> -> memref<!tpu.dma_semaphore, #tpu.memory_space<semaphore_mem>>
        %dma_wait3A_191 = arith.constant 0 : i32
        %dma_wait3A_192 = tpu.memref_slice %arg3[%dma_wait3A_191] : memref<322560xi32, #tpu.memory_space<hbm>> -> memref<112xi32, #tpu.memory_space<hbm>>
        tpu.wait_dma2 semaphore(%dma_wait3A_190 : memref<!tpu.dma_semaphore, #tpu.memory_space<semaphore_mem>>) src(%dma_wait3A_192 : memref<112xi32, #tpu.memory_space<hbm>>) dst(%arg8 : memref<112xi32, #tpu.memory_space<vmem>>)
        %dma_wait3A_193 = arith.constant 2 : i32
        %dma_wait3A_194 = arith.constant 0 : i32
        %dma_wait3A_195 = tpu.memref_slice %arg4[%dma_wait3A_194] : memref<322560xi32, #tpu.memory_space<hbm>> -> memref<112xi32, #tpu.memory_space<hbm>>
        %dma_wait3A_196 = tpu.memref_slice %arg16[%dma_wait3A_193] : memref<3x!tpu.dma_semaphore, #tpu.memory_space<semaphore_mem>> -> memref<1x!tpu.dma_semaphore, #tpu.memory_space<semaphore_mem>>
        %dma_wait3A_197 = tpu.memref_squeeze %dma_wait3A_196 : memref<1x!tpu.dma_semaphore, #tpu.memory_space<semaphore_mem>> -> memref<!tpu.dma_semaphore, #tpu.memory_space<semaphore_mem>>
        %dma_wait3A_198 = arith.constant 0 : i32
        %dma_wait3A_199 = tpu.memref_slice %arg4[%dma_wait3A_198] : memref<322560xi32, #tpu.memory_space<hbm>> -> memref<112xi32, #tpu.memory_space<hbm>>
        tpu.wait_dma2 semaphore(%dma_wait3A_197 : memref<!tpu.dma_semaphore, #tpu.memory_space<semaphore_mem>>) src(%dma_wait3A_199 : memref<112xi32, #tpu.memory_space<hbm>>) dst(%arg11 : memref<112xi32, #tpu.memory_space<vmem>>)
        %dma_start3A_200 = arith.constant 2 : i32
        %dma_start3A_201 = arith.constant 0 : i32
        %dma_start3A_202 = arith.constant 0 : i32
        %dma_start3A_203 = tpu.memref_slice %arg2[%dma_start3A_201, %dma_start3A_202] : memref<10240x128xf32, #tpu.memory_space<hbm>> -> memref<10240x128xf32, #tpu.memory_space<hbm>>
        %dma_start3A_204 = tpu.memref_slice %arg17[%dma_start3A_200] : memref<3x!tpu.dma_semaphore, #tpu.memory_space<semaphore_mem>> -> memref<1x!tpu.dma_semaphore, #tpu.memory_space<semaphore_mem>>
        %dma_start3A_205 = tpu.memref_squeeze %dma_start3A_204 : memref<1x!tpu.dma_semaphore, #tpu.memory_space<semaphore_mem>> -> memref<!tpu.dma_semaphore, #tpu.memory_space<semaphore_mem>>
        tpu.enqueue_indirect_dma source(%dma_start3A_203 : memref<10240x128xf32, #tpu.memory_space<hbm>>) target(%arg14 : memref<112x128xf32, #tpu.memory_space<vmem>>) offsets(%arg8 : memref<112xi32, #tpu.memory_space<vmem>>) semaphore(%dma_start3A_205 : memref<!tpu.dma_semaphore, #tpu.memory_space<semaphore_mem>>)
        %mul3A_206 = arith.constant 3 : i32
        %mul3A_207 = arith.muli %scan3A_103, %mul3A_206 : i32
        %add3A_208 = arith.constant 2 : i32
        %add3A_209 = arith.addi %mul3A_207, %add3A_208 : i32
        %dma_wait3A_210 = arith.constant 1 : i32
        %dma_wait3A_211 = arith.constant 0 : i32
        %dma_wait3A_212 = arith.constant 0 : i32
        %dma_wait3A_213 = tpu.memref_slice %arg15[%dma_wait3A_211, %dma_wait3A_212] : memref<10240x128xf32, #tpu.memory_space<vmem_shared>> -> memref<10240x128xf32, #tpu.memory_space<vmem_shared>>
        %dma_wait3A_214 = tpu.memref_slice %arg18[%dma_wait3A_210] : memref<3x!tpu.dma_semaphore, #tpu.memory_space<semaphore_mem>> -> memref<1x!tpu.dma_semaphore, #tpu.memory_space<semaphore_mem>>
        %dma_wait3A_215 = tpu.memref_squeeze %dma_wait3A_214 : memref<1x!tpu.dma_semaphore, #tpu.memory_space<semaphore_mem>> -> memref<!tpu.dma_semaphore, #tpu.memory_space<semaphore_mem>>
        tpu.wait_indirect_dma semaphore(%dma_wait3A_215 : memref<!tpu.dma_semaphore, #tpu.memory_space<semaphore_mem>>) src(%arg13 : memref<112x128xf32, #tpu.memory_space<vmem>>) dst(%dma_wait3A_213 : memref<10240x128xf32, #tpu.memory_space<vmem_shared>>)
        %le3A_216 = arith.constant 34 : i32
        %le3A_217 = arith.cmpi sle, %scan3A_103, %le3A_216 : i32
        %convert_element_type3A_218 = arith.extui %le3A_217 : i1 to i32
        %cond3A_219 = arith.constant 0 : i32
        %cond3A_220 = arith.cmpi ne, %convert_element_type3A_218, %cond3A_219 : i32
        scf.if %cond3A_220 {
          %add3A_239 = arith.constant 2 : i32
          %add3A_240 = arith.addi %add3A_209, %add3A_239 : i32
          %mul3A_241 = arith.constant 112 : i32
          %mul3A_242 = arith.muli %add3A_240, %mul3A_241 : i32
          %add3A_243 = arith.addi %mul3A_5, %mul3A_242 : i32
          %dma_start3A_244 = arith.constant 1 : i32
          %dma_start3A_245 = tpu.memref_slice %arg3[%add3A_243] : memref<322560xi32, #tpu.memory_space<hbm>> -> memref<112xi32, #tpu.memory_space<hbm>>
          %dma_start3A_246 = tpu.memref_slice %arg16[%dma_start3A_244] : memref<3x!tpu.dma_semaphore, #tpu.memory_space<semaphore_mem>> -> memref<1x!tpu.dma_semaphore, #tpu.memory_space<semaphore_mem>>
          %dma_start3A_247 = tpu.memref_squeeze %dma_start3A_246 : memref<1x!tpu.dma_semaphore, #tpu.memory_space<semaphore_mem>> -> memref<!tpu.dma_semaphore, #tpu.memory_space<semaphore_mem>>
          %dma_start3A_248 = tpu.memref_slice %arg3[%add3A_243] : memref<322560xi32, #tpu.memory_space<hbm>> -> memref<112xi32, #tpu.memory_space<hbm>>
          tpu.enqueue_dma source(%dma_start3A_248 : memref<112xi32, #tpu.memory_space<hbm>>) target(%arg7 : memref<112xi32, #tpu.memory_space<vmem>>) target_semaphore(%dma_start3A_247 : memref<!tpu.dma_semaphore, #tpu.memory_space<semaphore_mem>>)
          %dma_start3A_249 = arith.constant 1 : i32
          %dma_start3A_250 = tpu.memref_slice %arg4[%add3A_243] : memref<322560xi32, #tpu.memory_space<hbm>> -> memref<112xi32, #tpu.memory_space<hbm>>
          %dma_start3A_251 = tpu.memref_slice %arg16[%dma_start3A_249] : memref<3x!tpu.dma_semaphore, #tpu.memory_space<semaphore_mem>> -> memref<1x!tpu.dma_semaphore, #tpu.memory_space<semaphore_mem>>
          %dma_start3A_252 = tpu.memref_squeeze %dma_start3A_251 : memref<1x!tpu.dma_semaphore, #tpu.memory_space<semaphore_mem>> -> memref<!tpu.dma_semaphore, #tpu.memory_space<semaphore_mem>>
          %dma_start3A_253 = tpu.memref_slice %arg4[%add3A_243] : memref<322560xi32, #tpu.memory_space<hbm>> -> memref<112xi32, #tpu.memory_space<hbm>>
          tpu.enqueue_dma source(%dma_start3A_253 : memref<112xi32, #tpu.memory_space<hbm>>) target(%arg10 : memref<112xi32, #tpu.memory_space<vmem>>) target_semaphore(%dma_start3A_252 : memref<!tpu.dma_semaphore, #tpu.memory_space<semaphore_mem>>)
        } else {
        }
        %dma_wait3A_221 = arith.constant 2 : i32
        %dma_wait3A_222 = arith.constant 0 : i32
        %dma_wait3A_223 = arith.constant 0 : i32
        %dma_wait3A_224 = tpu.memref_slice %arg2[%dma_wait3A_222, %dma_wait3A_223] : memref<10240x128xf32, #tpu.memory_space<hbm>> -> memref<10240x128xf32, #tpu.memory_space<hbm>>
        %dma_wait3A_225 = tpu.memref_slice %arg17[%dma_wait3A_221] : memref<3x!tpu.dma_semaphore, #tpu.memory_space<semaphore_mem>> -> memref<1x!tpu.dma_semaphore, #tpu.memory_space<semaphore_mem>>
        %dma_wait3A_226 = tpu.memref_squeeze %dma_wait3A_225 : memref<1x!tpu.dma_semaphore, #tpu.memory_space<semaphore_mem>> -> memref<!tpu.dma_semaphore, #tpu.memory_space<semaphore_mem>>
        tpu.wait_indirect_dma semaphore(%dma_wait3A_226 : memref<!tpu.dma_semaphore, #tpu.memory_space<semaphore_mem>>) src(%dma_wait3A_224 : memref<10240x128xf32, #tpu.memory_space<hbm>>) dst(%arg14 : memref<112x128xf32, #tpu.memory_space<vmem>>)
        %dma_start3A_227 = arith.constant 2 : i32
        %dma_start3A_228 = arith.constant 0 : i32
        %dma_start3A_229 = arith.constant 0 : i32
        %dma_start3A_230 = tpu.memref_slice %arg15[%dma_start3A_228, %dma_start3A_229] : memref<10240x128xf32, #tpu.memory_space<vmem_shared>> -> memref<10240x128xf32, #tpu.memory_space<vmem_shared>>
        %dma_start3A_231 = tpu.memref_slice %arg18[%dma_start3A_227] : memref<3x!tpu.dma_semaphore, #tpu.memory_space<semaphore_mem>> -> memref<1x!tpu.dma_semaphore, #tpu.memory_space<semaphore_mem>>
        %dma_start3A_232 = tpu.memref_squeeze %dma_start3A_231 : memref<1x!tpu.dma_semaphore, #tpu.memory_space<semaphore_mem>> -> memref<!tpu.dma_semaphore, #tpu.memory_space<semaphore_mem>>
        tpu.enqueue_indirect_dma source(%arg14 : memref<112x128xf32, #tpu.memory_space<vmem>>) target(%dma_start3A_230 : memref<10240x128xf32, #tpu.memory_space<vmem_shared>>) offsets(%arg11 : memref<112xi32, #tpu.memory_space<vmem>>) semaphore(%dma_start3A_232 : memref<!tpu.dma_semaphore, #tpu.memory_space<semaphore_mem>>) {add = true}
        %le3A_233 = arith.constant 34 : i32
        %le3A_234 = arith.cmpi sle, %scan3A_103, %le3A_233 : i32
        %convert_element_type3A_235 = arith.extui %le3A_234 : i1 to i32
        %cond3A_236 = arith.constant 0 : i32
        %cond3A_237 = arith.cmpi ne, %convert_element_type3A_235, %cond3A_236 : i32
        scf.if %cond3A_237 {
          %dma_wait3A_239 = arith.constant 0 : i32
          %dma_wait3A_240 = arith.constant 0 : i32
          %dma_wait3A_241 = tpu.memref_slice %arg3[%dma_wait3A_240] : memref<322560xi32, #tpu.memory_space<hbm>> -> memref<112xi32, #tpu.memory_space<hbm>>
          %dma_wait3A_242 = tpu.memref_slice %arg16[%dma_wait3A_239] : memref<3x!tpu.dma_semaphore, #tpu.memory_space<semaphore_mem>> -> memref<1x!tpu.dma_semaphore, #tpu.memory_space<semaphore_mem>>
          %dma_wait3A_243 = tpu.memref_squeeze %dma_wait3A_242 : memref<1x!tpu.dma_semaphore, #tpu.memory_space<semaphore_mem>> -> memref<!tpu.dma_semaphore, #tpu.memory_space<semaphore_mem>>
          %dma_wait3A_244 = arith.constant 0 : i32
          %dma_wait3A_245 = tpu.memref_slice %arg3[%dma_wait3A_244] : memref<322560xi32, #tpu.memory_space<hbm>> -> memref<112xi32, #tpu.memory_space<hbm>>
          tpu.wait_dma2 semaphore(%dma_wait3A_243 : memref<!tpu.dma_semaphore, #tpu.memory_space<semaphore_mem>>) src(%dma_wait3A_245 : memref<112xi32, #tpu.memory_space<hbm>>) dst(%arg6 : memref<112xi32, #tpu.memory_space<vmem>>)
          %dma_wait3A_246 = arith.constant 0 : i32
          %dma_wait3A_247 = arith.constant 0 : i32
          %dma_wait3A_248 = tpu.memref_slice %arg4[%dma_wait3A_247] : memref<322560xi32, #tpu.memory_space<hbm>> -> memref<112xi32, #tpu.memory_space<hbm>>
          %dma_wait3A_249 = tpu.memref_slice %arg16[%dma_wait3A_246] : memref<3x!tpu.dma_semaphore, #tpu.memory_space<semaphore_mem>> -> memref<1x!tpu.dma_semaphore, #tpu.memory_space<semaphore_mem>>
          %dma_wait3A_250 = tpu.memref_squeeze %dma_wait3A_249 : memref<1x!tpu.dma_semaphore, #tpu.memory_space<semaphore_mem>> -> memref<!tpu.dma_semaphore, #tpu.memory_space<semaphore_mem>>
          %dma_wait3A_251 = arith.constant 0 : i32
          %dma_wait3A_252 = tpu.memref_slice %arg4[%dma_wait3A_251] : memref<322560xi32, #tpu.memory_space<hbm>> -> memref<112xi32, #tpu.memory_space<hbm>>
          tpu.wait_dma2 semaphore(%dma_wait3A_250 : memref<!tpu.dma_semaphore, #tpu.memory_space<semaphore_mem>>) src(%dma_wait3A_252 : memref<112xi32, #tpu.memory_space<hbm>>) dst(%arg9 : memref<112xi32, #tpu.memory_space<vmem>>)
          %dma_start3A_253 = arith.constant 0 : i32
          %dma_start3A_254 = arith.constant 0 : i32
          %dma_start3A_255 = arith.constant 0 : i32
          %dma_start3A_256 = tpu.memref_slice %arg2[%dma_start3A_254, %dma_start3A_255] : memref<10240x128xf32, #tpu.memory_space<hbm>> -> memref<10240x128xf32, #tpu.memory_space<hbm>>
          %dma_start3A_257 = tpu.memref_slice %arg17[%dma_start3A_253] : memref<3x!tpu.dma_semaphore, #tpu.memory_space<semaphore_mem>> -> memref<1x!tpu.dma_semaphore, #tpu.memory_space<semaphore_mem>>
          %dma_start3A_258 = tpu.memref_squeeze %dma_start3A_257 : memref<1x!tpu.dma_semaphore, #tpu.memory_space<semaphore_mem>> -> memref<!tpu.dma_semaphore, #tpu.memory_space<semaphore_mem>>
          tpu.enqueue_indirect_dma source(%dma_start3A_256 : memref<10240x128xf32, #tpu.memory_space<hbm>>) target(%arg12 : memref<112x128xf32, #tpu.memory_space<vmem>>) offsets(%arg6 : memref<112xi32, #tpu.memory_space<vmem>>) semaphore(%dma_start3A_258 : memref<!tpu.dma_semaphore, #tpu.memory_space<semaphore_mem>>)
        } else {
        }
        %scan3A_238 = arith.constant 0 : i32
        scf.yield %scan3A_238 : i32
      }
      %scan3A_96 = arith.constant 36 : i32
      %dma_wait3A_97 = arith.constant 2 : i32
      %dma_wait3A_98 = arith.constant 0 : i32
      %dma_wait3A_99 = arith.constant 0 : i32
      %dma_wait3A_100 = tpu.memref_slice %arg15[%dma_wait3A_98, %dma_wait3A_99] : memref<10240x128xf32, #tpu.memory_space<vmem_shared>> -> memref<10240x128xf32, #tpu.memory_space<vmem_shared>>
      %dma_wait3A_101 = tpu.memref_slice %arg18[%dma_wait3A_97] : memref<3x!tpu.dma_semaphore, #tpu.memory_space<semaphore_mem>> -> memref<1x!tpu.dma_semaphore, #tpu.memory_space<semaphore_mem>>
      %dma_wait3A_102 = tpu.memref_squeeze %dma_wait3A_101 : memref<1x!tpu.dma_semaphore, #tpu.memory_space<semaphore_mem>> -> memref<!tpu.dma_semaphore, #tpu.memory_space<semaphore_mem>>
      tpu.wait_indirect_dma semaphore(%dma_wait3A_102 : memref<!tpu.dma_semaphore, #tpu.memory_space<semaphore_mem>>) src(%arg14 : memref<112x128xf32, #tpu.memory_space<vmem>>) dst(%dma_wait3A_100 : memref<10240x128xf32, #tpu.memory_space<vmem_shared>>)
    } else {
    }
    %eq3A_82 = arith.constant 1 : i32
    %eq3A_83 = arith.cmpi eq, %arg0, %eq3A_82 : i32
    %convert_element_type3A_84 = arith.extui %eq3A_83 : i1 to i32
    %cond3A_85 = arith.constant 0 : i32
    %cond3A_86 = arith.cmpi ne, %convert_element_type3A_84, %cond3A_85 : i32
    scf.if %cond3A_86 {
      %scan3A_90 = arith.constant 0 : i32
      %scan3A_91 = arith.constant 0 : i32
      %scan3A_92 = arith.constant 24 : i32
      %scan3A_93 = arith.addi %scan3A_91, %scan3A_92 : i32
      %scan3A_94 = arith.constant 1 : i32
      %scan3A_95 = scf.for %scan3A_103 = %scan3A_91 to %scan3A_93 step %scan3A_94 iter_args(%scan3A_104 = %scan3A_90) -> (i32)  : i32 {
        %mul3A_105 = arith.constant 3 : i32
        %mul3A_106 = arith.muli %scan3A_103, %mul3A_105 : i32
        %add3A_107 = arith.constant 0 : i32
        %add3A_108 = arith.addi %mul3A_106, %add3A_107 : i32
        %gt3A = arith.constant 0 : i32
        %gt3A_109 = arith.cmpi sgt, %scan3A_103, %gt3A : i32
        %convert_element_type3A_110 = arith.extui %gt3A_109 : i1 to i32
        %cond3A_111 = arith.constant 0 : i32
        %cond3A_112 = arith.cmpi ne, %convert_element_type3A_110, %cond3A_111 : i32
        scf.if %cond3A_112 {
          %dma_wait3A_239 = arith.constant 2 : i32
          %dma_wait3A_240 = arith.constant 0 : i32
          %dma_wait3A_241 = arith.constant 0 : i32
          %dma_wait3A_242 = tpu.memref_slice %arg15[%dma_wait3A_240, %dma_wait3A_241] : memref<10240x128xf32, #tpu.memory_space<vmem_shared>> -> memref<10240x128xf32, #tpu.memory_space<vmem_shared>>
          %dma_wait3A_243 = tpu.memref_slice %arg18[%dma_wait3A_239] : memref<3x!tpu.dma_semaphore, #tpu.memory_space<semaphore_mem>> -> memref<1x!tpu.dma_semaphore, #tpu.memory_space<semaphore_mem>>
          %dma_wait3A_244 = tpu.memref_squeeze %dma_wait3A_243 : memref<1x!tpu.dma_semaphore, #tpu.memory_space<semaphore_mem>> -> memref<!tpu.dma_semaphore, #tpu.memory_space<semaphore_mem>>
          tpu.wait_indirect_dma semaphore(%dma_wait3A_244 : memref<!tpu.dma_semaphore, #tpu.memory_space<semaphore_mem>>) src(%arg14 : memref<112x128xf32, #tpu.memory_space<vmem>>) dst(%dma_wait3A_242 : memref<10240x128xf32, #tpu.memory_space<vmem_shared>>)
        } else {
        }
        %add3A_113 = arith.constant 2 : i32
        %add3A_114 = arith.addi %add3A_108, %add3A_113 : i32
        %mul3A_115 = arith.constant 112 : i32
        %mul3A_116 = arith.muli %add3A_114, %mul3A_115 : i32
        %add3A_117 = arith.addi %mul3A_5, %mul3A_116 : i32
        %dma_start3A_118 = arith.constant 2 : i32
        %dma_start3A_119 = tpu.memref_slice %arg3[%add3A_117] : memref<322560xi32, #tpu.memory_space<hbm>> -> memref<112xi32, #tpu.memory_space<hbm>>
        %dma_start3A_120 = tpu.memref_slice %arg16[%dma_start3A_118] : memref<3x!tpu.dma_semaphore, #tpu.memory_space<semaphore_mem>> -> memref<1x!tpu.dma_semaphore, #tpu.memory_space<semaphore_mem>>
        %dma_start3A_121 = tpu.memref_squeeze %dma_start3A_120 : memref<1x!tpu.dma_semaphore, #tpu.memory_space<semaphore_mem>> -> memref<!tpu.dma_semaphore, #tpu.memory_space<semaphore_mem>>
        %dma_start3A_122 = tpu.memref_slice %arg3[%add3A_117] : memref<322560xi32, #tpu.memory_space<hbm>> -> memref<112xi32, #tpu.memory_space<hbm>>
        tpu.enqueue_dma source(%dma_start3A_122 : memref<112xi32, #tpu.memory_space<hbm>>) target(%arg8 : memref<112xi32, #tpu.memory_space<vmem>>) target_semaphore(%dma_start3A_121 : memref<!tpu.dma_semaphore, #tpu.memory_space<semaphore_mem>>)
        %dma_start3A_123 = arith.constant 2 : i32
        %dma_start3A_124 = tpu.memref_slice %arg4[%add3A_117] : memref<322560xi32, #tpu.memory_space<hbm>> -> memref<112xi32, #tpu.memory_space<hbm>>
        %dma_start3A_125 = tpu.memref_slice %arg16[%dma_start3A_123] : memref<3x!tpu.dma_semaphore, #tpu.memory_space<semaphore_mem>> -> memref<1x!tpu.dma_semaphore, #tpu.memory_space<semaphore_mem>>
        %dma_start3A_126 = tpu.memref_squeeze %dma_start3A_125 : memref<1x!tpu.dma_semaphore, #tpu.memory_space<semaphore_mem>> -> memref<!tpu.dma_semaphore, #tpu.memory_space<semaphore_mem>>
        %dma_start3A_127 = tpu.memref_slice %arg4[%add3A_117] : memref<322560xi32, #tpu.memory_space<hbm>> -> memref<112xi32, #tpu.memory_space<hbm>>
        tpu.enqueue_dma source(%dma_start3A_127 : memref<112xi32, #tpu.memory_space<hbm>>) target(%arg11 : memref<112xi32, #tpu.memory_space<vmem>>) target_semaphore(%dma_start3A_126 : memref<!tpu.dma_semaphore, #tpu.memory_space<semaphore_mem>>)
        %dma_wait3A_128 = arith.constant 0 : i32
        %dma_wait3A_129 = arith.constant 0 : i32
        %dma_wait3A_130 = arith.constant 0 : i32
        %dma_wait3A_131 = tpu.memref_slice %arg2[%dma_wait3A_129, %dma_wait3A_130] : memref<10240x128xf32, #tpu.memory_space<hbm>> -> memref<10240x128xf32, #tpu.memory_space<hbm>>
        %dma_wait3A_132 = tpu.memref_slice %arg17[%dma_wait3A_128] : memref<3x!tpu.dma_semaphore, #tpu.memory_space<semaphore_mem>> -> memref<1x!tpu.dma_semaphore, #tpu.memory_space<semaphore_mem>>
        %dma_wait3A_133 = tpu.memref_squeeze %dma_wait3A_132 : memref<1x!tpu.dma_semaphore, #tpu.memory_space<semaphore_mem>> -> memref<!tpu.dma_semaphore, #tpu.memory_space<semaphore_mem>>
        tpu.wait_indirect_dma semaphore(%dma_wait3A_133 : memref<!tpu.dma_semaphore, #tpu.memory_space<semaphore_mem>>) src(%dma_wait3A_131 : memref<10240x128xf32, #tpu.memory_space<hbm>>) dst(%arg12 : memref<112x128xf32, #tpu.memory_space<vmem>>)
        %dma_start3A_134 = arith.constant 0 : i32
        %dma_start3A_135 = arith.constant 0 : i32
        %dma_start3A_136 = arith.constant 0 : i32
        %dma_start3A_137 = tpu.memref_slice %arg15[%dma_start3A_135, %dma_start3A_136] : memref<10240x128xf32, #tpu.memory_space<vmem_shared>> -> memref<10240x128xf32, #tpu.memory_space<vmem_shared>>
        %dma_start3A_138 = tpu.memref_slice %arg18[%dma_start3A_134] : memref<3x!tpu.dma_semaphore, #tpu.memory_space<semaphore_mem>> -> memref<1x!tpu.dma_semaphore, #tpu.memory_space<semaphore_mem>>
        %dma_start3A_139 = tpu.memref_squeeze %dma_start3A_138 : memref<1x!tpu.dma_semaphore, #tpu.memory_space<semaphore_mem>> -> memref<!tpu.dma_semaphore, #tpu.memory_space<semaphore_mem>>
        tpu.enqueue_indirect_dma source(%arg12 : memref<112x128xf32, #tpu.memory_space<vmem>>) target(%dma_start3A_137 : memref<10240x128xf32, #tpu.memory_space<vmem_shared>>) offsets(%arg9 : memref<112xi32, #tpu.memory_space<vmem>>) semaphore(%dma_start3A_139 : memref<!tpu.dma_semaphore, #tpu.memory_space<semaphore_mem>>) {add = true}
        %dma_wait3A_140 = arith.constant 1 : i32
        %dma_wait3A_141 = arith.constant 0 : i32
        %dma_wait3A_142 = tpu.memref_slice %arg3[%dma_wait3A_141] : memref<322560xi32, #tpu.memory_space<hbm>> -> memref<112xi32, #tpu.memory_space<hbm>>
        %dma_wait3A_143 = tpu.memref_slice %arg16[%dma_wait3A_140] : memref<3x!tpu.dma_semaphore, #tpu.memory_space<semaphore_mem>> -> memref<1x!tpu.dma_semaphore, #tpu.memory_space<semaphore_mem>>
        %dma_wait3A_144 = tpu.memref_squeeze %dma_wait3A_143 : memref<1x!tpu.dma_semaphore, #tpu.memory_space<semaphore_mem>> -> memref<!tpu.dma_semaphore, #tpu.memory_space<semaphore_mem>>
        %dma_wait3A_145 = arith.constant 0 : i32
        %dma_wait3A_146 = tpu.memref_slice %arg3[%dma_wait3A_145] : memref<322560xi32, #tpu.memory_space<hbm>> -> memref<112xi32, #tpu.memory_space<hbm>>
        tpu.wait_dma2 semaphore(%dma_wait3A_144 : memref<!tpu.dma_semaphore, #tpu.memory_space<semaphore_mem>>) src(%dma_wait3A_146 : memref<112xi32, #tpu.memory_space<hbm>>) dst(%arg7 : memref<112xi32, #tpu.memory_space<vmem>>)
        %dma_wait3A_147 = arith.constant 1 : i32
        %dma_wait3A_148 = arith.constant 0 : i32
        %dma_wait3A_149 = tpu.memref_slice %arg4[%dma_wait3A_148] : memref<322560xi32, #tpu.memory_space<hbm>> -> memref<112xi32, #tpu.memory_space<hbm>>
        %dma_wait3A_150 = tpu.memref_slice %arg16[%dma_wait3A_147] : memref<3x!tpu.dma_semaphore, #tpu.memory_space<semaphore_mem>> -> memref<1x!tpu.dma_semaphore, #tpu.memory_space<semaphore_mem>>
        %dma_wait3A_151 = tpu.memref_squeeze %dma_wait3A_150 : memref<1x!tpu.dma_semaphore, #tpu.memory_space<semaphore_mem>> -> memref<!tpu.dma_semaphore, #tpu.memory_space<semaphore_mem>>
        %dma_wait3A_152 = arith.constant 0 : i32
        %dma_wait3A_153 = tpu.memref_slice %arg4[%dma_wait3A_152] : memref<322560xi32, #tpu.memory_space<hbm>> -> memref<112xi32, #tpu.memory_space<hbm>>
        tpu.wait_dma2 semaphore(%dma_wait3A_151 : memref<!tpu.dma_semaphore, #tpu.memory_space<semaphore_mem>>) src(%dma_wait3A_153 : memref<112xi32, #tpu.memory_space<hbm>>) dst(%arg10 : memref<112xi32, #tpu.memory_space<vmem>>)
        %dma_start3A_154 = arith.constant 1 : i32
        %dma_start3A_155 = arith.constant 0 : i32
        %dma_start3A_156 = arith.constant 0 : i32
        %dma_start3A_157 = tpu.memref_slice %arg2[%dma_start3A_155, %dma_start3A_156] : memref<10240x128xf32, #tpu.memory_space<hbm>> -> memref<10240x128xf32, #tpu.memory_space<hbm>>
        %dma_start3A_158 = tpu.memref_slice %arg17[%dma_start3A_154] : memref<3x!tpu.dma_semaphore, #tpu.memory_space<semaphore_mem>> -> memref<1x!tpu.dma_semaphore, #tpu.memory_space<semaphore_mem>>
        %dma_start3A_159 = tpu.memref_squeeze %dma_start3A_158 : memref<1x!tpu.dma_semaphore, #tpu.memory_space<semaphore_mem>> -> memref<!tpu.dma_semaphore, #tpu.memory_space<semaphore_mem>>
        tpu.enqueue_indirect_dma source(%dma_start3A_157 : memref<10240x128xf32, #tpu.memory_space<hbm>>) target(%arg13 : memref<112x128xf32, #tpu.memory_space<vmem>>) offsets(%arg7 : memref<112xi32, #tpu.memory_space<vmem>>) semaphore(%dma_start3A_159 : memref<!tpu.dma_semaphore, #tpu.memory_space<semaphore_mem>>)
        %mul3A_160 = arith.constant 3 : i32
        %mul3A_161 = arith.muli %scan3A_103, %mul3A_160 : i32
        %add3A_162 = arith.constant 1 : i32
        %add3A_163 = arith.addi %mul3A_161, %add3A_162 : i32
        %dma_wait3A_164 = arith.constant 0 : i32
        %dma_wait3A_165 = arith.constant 0 : i32
        %dma_wait3A_166 = arith.constant 0 : i32
        %dma_wait3A_167 = tpu.memref_slice %arg15[%dma_wait3A_165, %dma_wait3A_166] : memref<10240x128xf32, #tpu.memory_space<vmem_shared>> -> memref<10240x128xf32, #tpu.memory_space<vmem_shared>>
        %dma_wait3A_168 = tpu.memref_slice %arg18[%dma_wait3A_164] : memref<3x!tpu.dma_semaphore, #tpu.memory_space<semaphore_mem>> -> memref<1x!tpu.dma_semaphore, #tpu.memory_space<semaphore_mem>>
        %dma_wait3A_169 = tpu.memref_squeeze %dma_wait3A_168 : memref<1x!tpu.dma_semaphore, #tpu.memory_space<semaphore_mem>> -> memref<!tpu.dma_semaphore, #tpu.memory_space<semaphore_mem>>
        tpu.wait_indirect_dma semaphore(%dma_wait3A_169 : memref<!tpu.dma_semaphore, #tpu.memory_space<semaphore_mem>>) src(%arg12 : memref<112x128xf32, #tpu.memory_space<vmem>>) dst(%dma_wait3A_167 : memref<10240x128xf32, #tpu.memory_space<vmem_shared>>)
        %le3A = arith.constant 22 : i32
        %le3A_170 = arith.cmpi sle, %scan3A_103, %le3A : i32
        %convert_element_type3A_171 = arith.extui %le3A_170 : i1 to i32
        %cond3A_172 = arith.constant 0 : i32
        %cond3A_173 = arith.cmpi ne, %convert_element_type3A_171, %cond3A_172 : i32
        scf.if %cond3A_173 {
          %add3A_239 = arith.constant 2 : i32
          %add3A_240 = arith.addi %add3A_163, %add3A_239 : i32
          %mul3A_241 = arith.constant 112 : i32
          %mul3A_242 = arith.muli %add3A_240, %mul3A_241 : i32
          %add3A_243 = arith.addi %mul3A_5, %mul3A_242 : i32
          %dma_start3A_244 = arith.constant 0 : i32
          %dma_start3A_245 = tpu.memref_slice %arg3[%add3A_243] : memref<322560xi32, #tpu.memory_space<hbm>> -> memref<112xi32, #tpu.memory_space<hbm>>
          %dma_start3A_246 = tpu.memref_slice %arg16[%dma_start3A_244] : memref<3x!tpu.dma_semaphore, #tpu.memory_space<semaphore_mem>> -> memref<1x!tpu.dma_semaphore, #tpu.memory_space<semaphore_mem>>
          %dma_start3A_247 = tpu.memref_squeeze %dma_start3A_246 : memref<1x!tpu.dma_semaphore, #tpu.memory_space<semaphore_mem>> -> memref<!tpu.dma_semaphore, #tpu.memory_space<semaphore_mem>>
          %dma_start3A_248 = tpu.memref_slice %arg3[%add3A_243] : memref<322560xi32, #tpu.memory_space<hbm>> -> memref<112xi32, #tpu.memory_space<hbm>>
          tpu.enqueue_dma source(%dma_start3A_248 : memref<112xi32, #tpu.memory_space<hbm>>) target(%arg6 : memref<112xi32, #tpu.memory_space<vmem>>) target_semaphore(%dma_start3A_247 : memref<!tpu.dma_semaphore, #tpu.memory_space<semaphore_mem>>)
          %dma_start3A_249 = arith.constant 0 : i32
          %dma_start3A_250 = tpu.memref_slice %arg4[%add3A_243] : memref<322560xi32, #tpu.memory_space<hbm>> -> memref<112xi32, #tpu.memory_space<hbm>>
          %dma_start3A_251 = tpu.memref_slice %arg16[%dma_start3A_249] : memref<3x!tpu.dma_semaphore, #tpu.memory_space<semaphore_mem>> -> memref<1x!tpu.dma_semaphore, #tpu.memory_space<semaphore_mem>>
          %dma_start3A_252 = tpu.memref_squeeze %dma_start3A_251 : memref<1x!tpu.dma_semaphore, #tpu.memory_space<semaphore_mem>> -> memref<!tpu.dma_semaphore, #tpu.memory_space<semaphore_mem>>
          %dma_start3A_253 = tpu.memref_slice %arg4[%add3A_243] : memref<322560xi32, #tpu.memory_space<hbm>> -> memref<112xi32, #tpu.memory_space<hbm>>
          tpu.enqueue_dma source(%dma_start3A_253 : memref<112xi32, #tpu.memory_space<hbm>>) target(%arg9 : memref<112xi32, #tpu.memory_space<vmem>>) target_semaphore(%dma_start3A_252 : memref<!tpu.dma_semaphore, #tpu.memory_space<semaphore_mem>>)
        } else {
        }
        %dma_wait3A_174 = arith.constant 1 : i32
        %dma_wait3A_175 = arith.constant 0 : i32
        %dma_wait3A_176 = arith.constant 0 : i32
        %dma_wait3A_177 = tpu.memref_slice %arg2[%dma_wait3A_175, %dma_wait3A_176] : memref<10240x128xf32, #tpu.memory_space<hbm>> -> memref<10240x128xf32, #tpu.memory_space<hbm>>
        %dma_wait3A_178 = tpu.memref_slice %arg17[%dma_wait3A_174] : memref<3x!tpu.dma_semaphore, #tpu.memory_space<semaphore_mem>> -> memref<1x!tpu.dma_semaphore, #tpu.memory_space<semaphore_mem>>
        %dma_wait3A_179 = tpu.memref_squeeze %dma_wait3A_178 : memref<1x!tpu.dma_semaphore, #tpu.memory_space<semaphore_mem>> -> memref<!tpu.dma_semaphore, #tpu.memory_space<semaphore_mem>>
        tpu.wait_indirect_dma semaphore(%dma_wait3A_179 : memref<!tpu.dma_semaphore, #tpu.memory_space<semaphore_mem>>) src(%dma_wait3A_177 : memref<10240x128xf32, #tpu.memory_space<hbm>>) dst(%arg13 : memref<112x128xf32, #tpu.memory_space<vmem>>)
        %dma_start3A_180 = arith.constant 1 : i32
        %dma_start3A_181 = arith.constant 0 : i32
        %dma_start3A_182 = arith.constant 0 : i32
        %dma_start3A_183 = tpu.memref_slice %arg15[%dma_start3A_181, %dma_start3A_182] : memref<10240x128xf32, #tpu.memory_space<vmem_shared>> -> memref<10240x128xf32, #tpu.memory_space<vmem_shared>>
        %dma_start3A_184 = tpu.memref_slice %arg18[%dma_start3A_180] : memref<3x!tpu.dma_semaphore, #tpu.memory_space<semaphore_mem>> -> memref<1x!tpu.dma_semaphore, #tpu.memory_space<semaphore_mem>>
        %dma_start3A_185 = tpu.memref_squeeze %dma_start3A_184 : memref<1x!tpu.dma_semaphore, #tpu.memory_space<semaphore_mem>> -> memref<!tpu.dma_semaphore, #tpu.memory_space<semaphore_mem>>
        tpu.enqueue_indirect_dma source(%arg13 : memref<112x128xf32, #tpu.memory_space<vmem>>) target(%dma_start3A_183 : memref<10240x128xf32, #tpu.memory_space<vmem_shared>>) offsets(%arg10 : memref<112xi32, #tpu.memory_space<vmem>>) semaphore(%dma_start3A_185 : memref<!tpu.dma_semaphore, #tpu.memory_space<semaphore_mem>>) {add = true}
        %dma_wait3A_186 = arith.constant 2 : i32
        %dma_wait3A_187 = arith.constant 0 : i32
        %dma_wait3A_188 = tpu.memref_slice %arg3[%dma_wait3A_187] : memref<322560xi32, #tpu.memory_space<hbm>> -> memref<112xi32, #tpu.memory_space<hbm>>
        %dma_wait3A_189 = tpu.memref_slice %arg16[%dma_wait3A_186] : memref<3x!tpu.dma_semaphore, #tpu.memory_space<semaphore_mem>> -> memref<1x!tpu.dma_semaphore, #tpu.memory_space<semaphore_mem>>
        %dma_wait3A_190 = tpu.memref_squeeze %dma_wait3A_189 : memref<1x!tpu.dma_semaphore, #tpu.memory_space<semaphore_mem>> -> memref<!tpu.dma_semaphore, #tpu.memory_space<semaphore_mem>>
        %dma_wait3A_191 = arith.constant 0 : i32
        %dma_wait3A_192 = tpu.memref_slice %arg3[%dma_wait3A_191] : memref<322560xi32, #tpu.memory_space<hbm>> -> memref<112xi32, #tpu.memory_space<hbm>>
        tpu.wait_dma2 semaphore(%dma_wait3A_190 : memref<!tpu.dma_semaphore, #tpu.memory_space<semaphore_mem>>) src(%dma_wait3A_192 : memref<112xi32, #tpu.memory_space<hbm>>) dst(%arg8 : memref<112xi32, #tpu.memory_space<vmem>>)
        %dma_wait3A_193 = arith.constant 2 : i32
        %dma_wait3A_194 = arith.constant 0 : i32
        %dma_wait3A_195 = tpu.memref_slice %arg4[%dma_wait3A_194] : memref<322560xi32, #tpu.memory_space<hbm>> -> memref<112xi32, #tpu.memory_space<hbm>>
        %dma_wait3A_196 = tpu.memref_slice %arg16[%dma_wait3A_193] : memref<3x!tpu.dma_semaphore, #tpu.memory_space<semaphore_mem>> -> memref<1x!tpu.dma_semaphore, #tpu.memory_space<semaphore_mem>>
        %dma_wait3A_197 = tpu.memref_squeeze %dma_wait3A_196 : memref<1x!tpu.dma_semaphore, #tpu.memory_space<semaphore_mem>> -> memref<!tpu.dma_semaphore, #tpu.memory_space<semaphore_mem>>
        %dma_wait3A_198 = arith.constant 0 : i32
        %dma_wait3A_199 = tpu.memref_slice %arg4[%dma_wait3A_198] : memref<322560xi32, #tpu.memory_space<hbm>> -> memref<112xi32, #tpu.memory_space<hbm>>
        tpu.wait_dma2 semaphore(%dma_wait3A_197 : memref<!tpu.dma_semaphore, #tpu.memory_space<semaphore_mem>>) src(%dma_wait3A_199 : memref<112xi32, #tpu.memory_space<hbm>>) dst(%arg11 : memref<112xi32, #tpu.memory_space<vmem>>)
        %dma_start3A_200 = arith.constant 2 : i32
        %dma_start3A_201 = arith.constant 0 : i32
        %dma_start3A_202 = arith.constant 0 : i32
        %dma_start3A_203 = tpu.memref_slice %arg2[%dma_start3A_201, %dma_start3A_202] : memref<10240x128xf32, #tpu.memory_space<hbm>> -> memref<10240x128xf32, #tpu.memory_space<hbm>>
        %dma_start3A_204 = tpu.memref_slice %arg17[%dma_start3A_200] : memref<3x!tpu.dma_semaphore, #tpu.memory_space<semaphore_mem>> -> memref<1x!tpu.dma_semaphore, #tpu.memory_space<semaphore_mem>>
        %dma_start3A_205 = tpu.memref_squeeze %dma_start3A_204 : memref<1x!tpu.dma_semaphore, #tpu.memory_space<semaphore_mem>> -> memref<!tpu.dma_semaphore, #tpu.memory_space<semaphore_mem>>
        tpu.enqueue_indirect_dma source(%dma_start3A_203 : memref<10240x128xf32, #tpu.memory_space<hbm>>) target(%arg14 : memref<112x128xf32, #tpu.memory_space<vmem>>) offsets(%arg8 : memref<112xi32, #tpu.memory_space<vmem>>) semaphore(%dma_start3A_205 : memref<!tpu.dma_semaphore, #tpu.memory_space<semaphore_mem>>)
        %mul3A_206 = arith.constant 3 : i32
        %mul3A_207 = arith.muli %scan3A_103, %mul3A_206 : i32
        %add3A_208 = arith.constant 2 : i32
        %add3A_209 = arith.addi %mul3A_207, %add3A_208 : i32
        %dma_wait3A_210 = arith.constant 1 : i32
        %dma_wait3A_211 = arith.constant 0 : i32
        %dma_wait3A_212 = arith.constant 0 : i32
        %dma_wait3A_213 = tpu.memref_slice %arg15[%dma_wait3A_211, %dma_wait3A_212] : memref<10240x128xf32, #tpu.memory_space<vmem_shared>> -> memref<10240x128xf32, #tpu.memory_space<vmem_shared>>
        %dma_wait3A_214 = tpu.memref_slice %arg18[%dma_wait3A_210] : memref<3x!tpu.dma_semaphore, #tpu.memory_space<semaphore_mem>> -> memref<1x!tpu.dma_semaphore, #tpu.memory_space<semaphore_mem>>
        %dma_wait3A_215 = tpu.memref_squeeze %dma_wait3A_214 : memref<1x!tpu.dma_semaphore, #tpu.memory_space<semaphore_mem>> -> memref<!tpu.dma_semaphore, #tpu.memory_space<semaphore_mem>>
        tpu.wait_indirect_dma semaphore(%dma_wait3A_215 : memref<!tpu.dma_semaphore, #tpu.memory_space<semaphore_mem>>) src(%arg13 : memref<112x128xf32, #tpu.memory_space<vmem>>) dst(%dma_wait3A_213 : memref<10240x128xf32, #tpu.memory_space<vmem_shared>>)
        %le3A_216 = arith.constant 22 : i32
        %le3A_217 = arith.cmpi sle, %scan3A_103, %le3A_216 : i32
        %convert_element_type3A_218 = arith.extui %le3A_217 : i1 to i32
        %cond3A_219 = arith.constant 0 : i32
        %cond3A_220 = arith.cmpi ne, %convert_element_type3A_218, %cond3A_219 : i32
        scf.if %cond3A_220 {
          %add3A_239 = arith.constant 2 : i32
          %add3A_240 = arith.addi %add3A_209, %add3A_239 : i32
          %mul3A_241 = arith.constant 112 : i32
          %mul3A_242 = arith.muli %add3A_240, %mul3A_241 : i32
          %add3A_243 = arith.addi %mul3A_5, %mul3A_242 : i32
          %dma_start3A_244 = arith.constant 1 : i32
          %dma_start3A_245 = tpu.memref_slice %arg3[%add3A_243] : memref<322560xi32, #tpu.memory_space<hbm>> -> memref<112xi32, #tpu.memory_space<hbm>>
          %dma_start3A_246 = tpu.memref_slice %arg16[%dma_start3A_244] : memref<3x!tpu.dma_semaphore, #tpu.memory_space<semaphore_mem>> -> memref<1x!tpu.dma_semaphore, #tpu.memory_space<semaphore_mem>>
          %dma_start3A_247 = tpu.memref_squeeze %dma_start3A_246 : memref<1x!tpu.dma_semaphore, #tpu.memory_space<semaphore_mem>> -> memref<!tpu.dma_semaphore, #tpu.memory_space<semaphore_mem>>
          %dma_start3A_248 = tpu.memref_slice %arg3[%add3A_243] : memref<322560xi32, #tpu.memory_space<hbm>> -> memref<112xi32, #tpu.memory_space<hbm>>
          tpu.enqueue_dma source(%dma_start3A_248 : memref<112xi32, #tpu.memory_space<hbm>>) target(%arg7 : memref<112xi32, #tpu.memory_space<vmem>>) target_semaphore(%dma_start3A_247 : memref<!tpu.dma_semaphore, #tpu.memory_space<semaphore_mem>>)
          %dma_start3A_249 = arith.constant 1 : i32
          %dma_start3A_250 = tpu.memref_slice %arg4[%add3A_243] : memref<322560xi32, #tpu.memory_space<hbm>> -> memref<112xi32, #tpu.memory_space<hbm>>
          %dma_start3A_251 = tpu.memref_slice %arg16[%dma_start3A_249] : memref<3x!tpu.dma_semaphore, #tpu.memory_space<semaphore_mem>> -> memref<1x!tpu.dma_semaphore, #tpu.memory_space<semaphore_mem>>
          %dma_start3A_252 = tpu.memref_squeeze %dma_start3A_251 : memref<1x!tpu.dma_semaphore, #tpu.memory_space<semaphore_mem>> -> memref<!tpu.dma_semaphore, #tpu.memory_space<semaphore_mem>>
          %dma_start3A_253 = tpu.memref_slice %arg4[%add3A_243] : memref<322560xi32, #tpu.memory_space<hbm>> -> memref<112xi32, #tpu.memory_space<hbm>>
          tpu.enqueue_dma source(%dma_start3A_253 : memref<112xi32, #tpu.memory_space<hbm>>) target(%arg10 : memref<112xi32, #tpu.memory_space<vmem>>) target_semaphore(%dma_start3A_252 : memref<!tpu.dma_semaphore, #tpu.memory_space<semaphore_mem>>)
        } else {
        }
        %dma_wait3A_221 = arith.constant 2 : i32
        %dma_wait3A_222 = arith.constant 0 : i32
        %dma_wait3A_223 = arith.constant 0 : i32
        %dma_wait3A_224 = tpu.memref_slice %arg2[%dma_wait3A_222, %dma_wait3A_223] : memref<10240x128xf32, #tpu.memory_space<hbm>> -> memref<10240x128xf32, #tpu.memory_space<hbm>>
        %dma_wait3A_225 = tpu.memref_slice %arg17[%dma_wait3A_221] : memref<3x!tpu.dma_semaphore, #tpu.memory_space<semaphore_mem>> -> memref<1x!tpu.dma_semaphore, #tpu.memory_space<semaphore_mem>>
        %dma_wait3A_226 = tpu.memref_squeeze %dma_wait3A_225 : memref<1x!tpu.dma_semaphore, #tpu.memory_space<semaphore_mem>> -> memref<!tpu.dma_semaphore, #tpu.memory_space<semaphore_mem>>
        tpu.wait_indirect_dma semaphore(%dma_wait3A_226 : memref<!tpu.dma_semaphore, #tpu.memory_space<semaphore_mem>>) src(%dma_wait3A_224 : memref<10240x128xf32, #tpu.memory_space<hbm>>) dst(%arg14 : memref<112x128xf32, #tpu.memory_space<vmem>>)
        %dma_start3A_227 = arith.constant 2 : i32
        %dma_start3A_228 = arith.constant 0 : i32
        %dma_start3A_229 = arith.constant 0 : i32
        %dma_start3A_230 = tpu.memref_slice %arg15[%dma_start3A_228, %dma_start3A_229] : memref<10240x128xf32, #tpu.memory_space<vmem_shared>> -> memref<10240x128xf32, #tpu.memory_space<vmem_shared>>
        %dma_start3A_231 = tpu.memref_slice %arg18[%dma_start3A_227] : memref<3x!tpu.dma_semaphore, #tpu.memory_space<semaphore_mem>> -> memref<1x!tpu.dma_semaphore, #tpu.memory_space<semaphore_mem>>
        %dma_start3A_232 = tpu.memref_squeeze %dma_start3A_231 : memref<1x!tpu.dma_semaphore, #tpu.memory_space<semaphore_mem>> -> memref<!tpu.dma_semaphore, #tpu.memory_space<semaphore_mem>>
        tpu.enqueue_indirect_dma source(%arg14 : memref<112x128xf32, #tpu.memory_space<vmem>>) target(%dma_start3A_230 : memref<10240x128xf32, #tpu.memory_space<vmem_shared>>) offsets(%arg11 : memref<112xi32, #tpu.memory_space<vmem>>) semaphore(%dma_start3A_232 : memref<!tpu.dma_semaphore, #tpu.memory_space<semaphore_mem>>) {add = true}
        %le3A_233 = arith.constant 22 : i32
        %le3A_234 = arith.cmpi sle, %scan3A_103, %le3A_233 : i32
        %convert_element_type3A_235 = arith.extui %le3A_234 : i1 to i32
        %cond3A_236 = arith.constant 0 : i32
        %cond3A_237 = arith.cmpi ne, %convert_element_type3A_235, %cond3A_236 : i32
        scf.if %cond3A_237 {
          %dma_wait3A_239 = arith.constant 0 : i32
          %dma_wait3A_240 = arith.constant 0 : i32
          %dma_wait3A_241 = tpu.memref_slice %arg3[%dma_wait3A_240] : memref<322560xi32, #tpu.memory_space<hbm>> -> memref<112xi32, #tpu.memory_space<hbm>>
          %dma_wait3A_242 = tpu.memref_slice %arg16[%dma_wait3A_239] : memref<3x!tpu.dma_semaphore, #tpu.memory_space<semaphore_mem>> -> memref<1x!tpu.dma_semaphore, #tpu.memory_space<semaphore_mem>>
          %dma_wait3A_243 = tpu.memref_squeeze %dma_wait3A_242 : memref<1x!tpu.dma_semaphore, #tpu.memory_space<semaphore_mem>> -> memref<!tpu.dma_semaphore, #tpu.memory_space<semaphore_mem>>
          %dma_wait3A_244 = arith.constant 0 : i32
          %dma_wait3A_245 = tpu.memref_slice %arg3[%dma_wait3A_244] : memref<322560xi32, #tpu.memory_space<hbm>> -> memref<112xi32, #tpu.memory_space<hbm>>
          tpu.wait_dma2 semaphore(%dma_wait3A_243 : memref<!tpu.dma_semaphore, #tpu.memory_space<semaphore_mem>>) src(%dma_wait3A_245 : memref<112xi32, #tpu.memory_space<hbm>>) dst(%arg6 : memref<112xi32, #tpu.memory_space<vmem>>)
          %dma_wait3A_246 = arith.constant 0 : i32
          %dma_wait3A_247 = arith.constant 0 : i32
          %dma_wait3A_248 = tpu.memref_slice %arg4[%dma_wait3A_247] : memref<322560xi32, #tpu.memory_space<hbm>> -> memref<112xi32, #tpu.memory_space<hbm>>
          %dma_wait3A_249 = tpu.memref_slice %arg16[%dma_wait3A_246] : memref<3x!tpu.dma_semaphore, #tpu.memory_space<semaphore_mem>> -> memref<1x!tpu.dma_semaphore, #tpu.memory_space<semaphore_mem>>
          %dma_wait3A_250 = tpu.memref_squeeze %dma_wait3A_249 : memref<1x!tpu.dma_semaphore, #tpu.memory_space<semaphore_mem>> -> memref<!tpu.dma_semaphore, #tpu.memory_space<semaphore_mem>>
          %dma_wait3A_251 = arith.constant 0 : i32
          %dma_wait3A_252 = tpu.memref_slice %arg4[%dma_wait3A_251] : memref<322560xi32, #tpu.memory_space<hbm>> -> memref<112xi32, #tpu.memory_space<hbm>>
          tpu.wait_dma2 semaphore(%dma_wait3A_250 : memref<!tpu.dma_semaphore, #tpu.memory_space<semaphore_mem>>) src(%dma_wait3A_252 : memref<112xi32, #tpu.memory_space<hbm>>) dst(%arg9 : memref<112xi32, #tpu.memory_space<vmem>>)
          %dma_start3A_253 = arith.constant 0 : i32
          %dma_start3A_254 = arith.constant 0 : i32
          %dma_start3A_255 = arith.constant 0 : i32
          %dma_start3A_256 = tpu.memref_slice %arg2[%dma_start3A_254, %dma_start3A_255] : memref<10240x128xf32, #tpu.memory_space<hbm>> -> memref<10240x128xf32, #tpu.memory_space<hbm>>
          %dma_start3A_257 = tpu.memref_slice %arg17[%dma_start3A_253] : memref<3x!tpu.dma_semaphore, #tpu.memory_space<semaphore_mem>> -> memref<1x!tpu.dma_semaphore, #tpu.memory_space<semaphore_mem>>
          %dma_start3A_258 = tpu.memref_squeeze %dma_start3A_257 : memref<1x!tpu.dma_semaphore, #tpu.memory_space<semaphore_mem>> -> memref<!tpu.dma_semaphore, #tpu.memory_space<semaphore_mem>>
          tpu.enqueue_indirect_dma source(%dma_start3A_256 : memref<10240x128xf32, #tpu.memory_space<hbm>>) target(%arg12 : memref<112x128xf32, #tpu.memory_space<vmem>>) offsets(%arg6 : memref<112xi32, #tpu.memory_space<vmem>>) semaphore(%dma_start3A_258 : memref<!tpu.dma_semaphore, #tpu.memory_space<semaphore_mem>>)
        } else {
        }
        %scan3A_238 = arith.constant 0 : i32
        scf.yield %scan3A_238 : i32
      }
      %scan3A_96 = arith.constant 24 : i32
      %dma_wait3A_97 = arith.constant 2 : i32
      %dma_wait3A_98 = arith.constant 0 : i32
      %dma_wait3A_99 = arith.constant 0 : i32
      %dma_wait3A_100 = tpu.memref_slice %arg15[%dma_wait3A_98, %dma_wait3A_99] : memref<10240x128xf32, #tpu.memory_space<vmem_shared>> -> memref<10240x128xf32, #tpu.memory_space<vmem_shared>>
      %dma_wait3A_101 = tpu.memref_slice %arg18[%dma_wait3A_97] : memref<3x!tpu.dma_semaphore, #tpu.memory_space<semaphore_mem>> -> memref<1x!tpu.dma_semaphore, #tpu.memory_space<semaphore_mem>>
      %dma_wait3A_102 = tpu.memref_squeeze %dma_wait3A_101 : memref<1x!tpu.dma_semaphore, #tpu.memory_space<semaphore_mem>> -> memref<!tpu.dma_semaphore, #tpu.memory_space<semaphore_mem>>
      tpu.wait_indirect_dma semaphore(%dma_wait3A_102 : memref<!tpu.dma_semaphore, #tpu.memory_space<semaphore_mem>>) src(%arg14 : memref<112x128xf32, #tpu.memory_space<vmem>>) dst(%dma_wait3A_100 : memref<10240x128xf32, #tpu.memory_space<vmem_shared>>)
    } else {
    }
    %barrier3A_87 = arith.constant 0 : index
    tpu.barrier barrier_id(%barrier3A_87)
    %mul3A_88 = arith.constant 640 : i32
    %mul3A_89 = arith.muli %arg1, %mul3A_88 : i32
    "tpu.region"() ({
      %run_scoped3A = tpu.sem_alloc : memref<!tpu.dma_semaphore, #tpu.memory_space<semaphore_mem>>
      %dma_start3A_90 = arith.constant 0 : i32
      %dma_start3A_91 = tpu.memref_slice %arg5[%arg0, %mul3A_89, %dma_start3A_90] : memref<2x10240x128xf32, #tpu.memory_space<hbm>> -> memref<1x640x128xf32, #tpu.memory_space<hbm>>
      %dma_start3A_92 = tpu.memref_squeeze %dma_start3A_91 : memref<1x640x128xf32, #tpu.memory_space<hbm>> -> memref<640x128xf32, #tpu.memory_space<hbm>>
      %dma_start3A_93 = arith.constant 0 : i32
      %dma_start3A_94 = tpu.memref_slice %arg15[%mul3A_89, %dma_start3A_93] : memref<10240x128xf32, #tpu.memory_space<vmem_shared>> -> memref<640x128xf32, #tpu.memory_space<vmem_shared>>
      tpu.enqueue_dma source(%dma_start3A_94 : memref<640x128xf32, #tpu.memory_space<vmem_shared>>) target(%dma_start3A_92 : memref<640x128xf32, #tpu.memory_space<hbm>>) target_semaphore(%run_scoped3A : memref<!tpu.dma_semaphore, #tpu.memory_space<semaphore_mem>>)
      %dma_wait3A_95 = arith.constant 0 : i32
      %dma_wait3A_96 = tpu.memref_slice %arg5[%arg0, %mul3A_89, %dma_wait3A_95] : memref<2x10240x128xf32, #tpu.memory_space<hbm>> -> memref<1x640x128xf32, #tpu.memory_space<hbm>>
      %dma_wait3A_97 = tpu.memref_squeeze %dma_wait3A_96 : memref<1x640x128xf32, #tpu.memory_space<hbm>> -> memref<640x128xf32, #tpu.memory_space<hbm>>
      %dma_wait3A_98 = arith.constant 0 : i32
      %dma_wait3A_99 = tpu.memref_slice %arg15[%mul3A_89, %dma_wait3A_98] : memref<10240x128xf32, #tpu.memory_space<vmem_shared>> -> memref<640x128xf32, #tpu.memory_space<vmem_shared>>
      tpu.wait_dma2 semaphore(%run_scoped3A : memref<!tpu.dma_semaphore, #tpu.memory_space<semaphore_mem>>) src(%dma_wait3A_99 : memref<640x128xf32, #tpu.memory_space<vmem_shared>>) dst(%dma_wait3A_97 : memref<640x128xf32, #tpu.memory_space<hbm>>)
      tpu.yield
    }) : () -> ()
    return
  }
}

module attributes {stable_mosaic.version = 14 : i64} {
  func.func @_tc_b_body(%arg0: i32, %arg1: memref<1280x128xf32, #tpu.memory_space<vmem>>, %arg2: memref<128x128xf32, #tpu.memory_space<vmem>>, %arg3: memref<2x1280x16xf32, #tpu.memory_space<vmem>>, %arg4: memref<1280x128xf32, #tpu.memory_space<vmem>>, %arg5: memref<1280x128xf32, #tpu.memory_space<vmem>>, %arg6: memref<1280x1xf32, #tpu.memory_space<vmem>>) attributes {dimension_semantics = [#tpu.dimension_semantics<arbitrary>], iteration_bounds = array<i64: 8>, scalar_prefetch = 0 : i64, scratch_operands = 0 : i64, tpu.core_type = #tpu.core_type<tc>, window_params = [{transform_indices = @transform_0, window_bounds = array<i64: 1280, 128>}, {pipeline_mode = #tpu.pipeline_mode<synchronous>, transform_indices = @transform_1, window_bounds = array<i64: 128, 128>}, {transform_indices = @transform_2, window_bounds = array<i64: 2, 1280, 16>}, {transform_indices = @transform_3, window_bounds = array<i64: 1280, 128>}, {transform_indices = @transform_4, window_bounds = array<i64: 1280, 128>}, {transform_indices = @transform_5, window_bounds = array<i64: 1280, 1>}]} {
    %get3A = arith.constant 0 : index
    %get3A_0 = arith.constant 0 : index
    %get3A_1 = vector.load %arg1[%get3A, %get3A_0] : memref<1280x128xf32, #tpu.memory_space<vmem>>, vector<1280x128xf32>
    %get3A_2 = arith.constant 0 : index
    %get3A_3 = arith.constant 0 : index
    %get3A_4 = vector.load %arg2[%get3A_2, %get3A_3] : memref<128x128xf32, #tpu.memory_space<vmem>>, vector<128x128xf32>
    %dot_general3A = arith.constant dense<0.000000e+00> : vector<1280x128xf32>
    %dot_general3A_5 = tpu.matmul %get3A_1, %get3A_4, %dot_general3A {dimension_numbers = #tpu.dot_dimension_numbers<[1], [0], [0], [1], [0, 0, 1, 1], [], []>, transpose_lhs_hint = false} : vector<1280x128xf32>, vector<128x128xf32>, vector<1280x128xf32> -> vector<1280x128xf32>
    %get3A_6 = arith.constant 0 : index
    %get3A_7 = arith.constant 0 : index
    %get3A_8 = arith.constant 0 : index
    %get3A_9 = vector.load %arg3[%get3A_6, %get3A_7, %get3A_8] : memref<2x1280x16xf32, #tpu.memory_space<vmem>>, vector<1x1280x1xf32>
    %get3A_10 = vector.shape_cast %get3A_9 : vector<1x1280x1xf32> to vector<1280x1xf32>
    %get3A_11 = arith.constant 1 : index
    %get3A_12 = arith.constant 0 : index
    %get3A_13 = arith.constant 0 : index
    %get3A_14 = vector.load %arg3[%get3A_11, %get3A_12, %get3A_13] : memref<2x1280x16xf32, #tpu.memory_space<vmem>>, vector<1x1280x1xf32>
    %get3A_15 = vector.shape_cast %get3A_14 : vector<1x1280x1xf32> to vector<1280x1xf32>
    %add3A = arith.addf %get3A_10, %get3A_15 : vector<1280x1xf32>
    %add3A_16 = arith.constant 1.000000e+00 : f32
    %add3A_17 = vector.broadcast %add3A_16 : f32 to vector<1280x1xf32>
    %add3A_18 = arith.addf %add3A_17, %add3A : vector<1280x1xf32>
    %rsqrt3A = math.rsqrt %add3A_18 : vector<1280x1xf32>
    %swap3A = arith.constant 0 : index
    %swap3A_19 = arith.constant 0 : index
    %swap3A_20 = vector.load %arg4[%swap3A, %swap3A_19] : memref<1280x128xf32, #tpu.memory_space<vmem>>, vector<1280x128xf32>
    tpu.vector_store %arg4[%swap3A, %swap3A_19], %dot_general3A_5 {strides = array<i32>} : memref<1280x128xf32, #tpu.memory_space<vmem>>, vector<1280x128xf32>,
    %swap3A_21 = arith.constant 0 : index
    %swap3A_22 = arith.constant 0 : index
    %swap3A_23 = vector.load %arg6[%swap3A_21, %swap3A_22] : memref<1280x1xf32, #tpu.memory_space<vmem>>, vector<1280x1xf32>
    tpu.vector_store %arg6[%swap3A_21, %swap3A_22], %rsqrt3A {strides = array<i32>} : memref<1280x1xf32, #tpu.memory_space<vmem>>, vector<1280x1xf32>,
    %mul3A = vector.broadcast %rsqrt3A : vector<1280x1xf32> to vector<1280x128xf32>
    %mul3A_24 = arith.mulf %dot_general3A_5, %mul3A : vector<1280x128xf32>
    %swap3A_25 = arith.constant 0 : index
    %swap3A_26 = arith.constant 0 : index
    %swap3A_27 = vector.load %arg5[%swap3A_25, %swap3A_26] : memref<1280x128xf32, #tpu.memory_space<vmem>>, vector<1280x128xf32>
    tpu.vector_store %arg5[%swap3A_25, %swap3A_26], %mul3A_24 {strides = array<i32>} : memref<1280x128xf32, #tpu.memory_space<vmem>>, vector<1280x128xf32>,
    return
  }
  func.func @transform_0(%arg0: i32) -> (i32, i32) {
    %c0_i32 = arith.constant 0 : i32
    %c0_i32_0 = arith.constant 0 : i32
    return %arg0, %c0_i32 : i32, i32
  }
  func.func @transform_1(%arg0: i32) -> (i32, i32) {
    %c0_i32 = arith.constant 0 : i32
    %c0_i32_0 = arith.constant 0 : i32
    %c0_i32_1 = arith.constant 0 : i32
    return %c0_i32, %c0_i32_0 : i32, i32
  }
  func.func @transform_2(%arg0: i32) -> (i32, i32, i32) {
    %c0_i32 = arith.constant 0 : i32
    %c0_i32_0 = arith.constant 0 : i32
    %c0_i32_1 = arith.constant 0 : i32
    return %c0_i32, %arg0, %c0_i32_0 : i32, i32, i32
  }
  func.func @transform_3(%arg0: i32) -> (i32, i32) {
    %c0_i32 = arith.constant 0 : i32
    %c0_i32_0 = arith.constant 0 : i32
    return %arg0, %c0_i32 : i32, i32
  }
  func.func @transform_4(%arg0: i32) -> (i32, i32) {
    %c0_i32 = arith.constant 0 : i32
    %c0_i32_0 = arith.constant 0 : i32
    return %arg0, %c0_i32 : i32, i32
  }
  func.func @transform_5(%arg0: i32) -> (i32, i32) {
    %c0_i32 = arith.constant 0 : i32
    %c0_i32_0 = arith.constant 0 : i32
    return %arg0, %c0_i32 : i32, i32
  }
}

module attributes {stable_mosaic.version = 14 : i64} {
  func.func @_tc_d_body(%arg0: i32, %arg1: memref<2x1280x128xf32, #tpu.memory_space<vmem>>, %arg2: memref<1280x128xf32, #tpu.memory_space<vmem>>, %arg3: memref<1280x1xf32, #tpu.memory_space<vmem>>, %arg4: memref<1x128xf32, #tpu.memory_space<vmem>>, %arg5: memref<128x128xf32, #tpu.memory_space<vmem>>, %arg6: memref<1280x128xf32, #tpu.memory_space<vmem>>, %arg7: memref<1280x128xf32, #tpu.memory_space<vmem>>) attributes {dimension_semantics = [#tpu.dimension_semantics<arbitrary>], iteration_bounds = array<i64: 8>, scalar_prefetch = 0 : i64, scratch_operands = 0 : i64, tpu.core_type = #tpu.core_type<tc>, window_params = [{transform_indices = @transform_0, window_bounds = array<i64: 2, 1280, 128>}, {transform_indices = @transform_1, window_bounds = array<i64: 1280, 128>}, {transform_indices = @transform_2, window_bounds = array<i64: 1280, 1>}, {pipeline_mode = #tpu.pipeline_mode<synchronous>, transform_indices = @transform_3, window_bounds = array<i64: 1, 128>}, {pipeline_mode = #tpu.pipeline_mode<synchronous>, transform_indices = @transform_4, window_bounds = array<i64: 128, 128>}, {transform_indices = @transform_5, window_bounds = array<i64: 1280, 128>}, {transform_indices = @transform_6, window_bounds = array<i64: 1280, 128>}]} {
    %get3A = arith.constant 0 : index
    %get3A_0 = arith.constant 0 : index
    %get3A_1 = vector.load %arg3[%get3A, %get3A_0] : memref<1280x1xf32, #tpu.memory_space<vmem>>, vector<1280x1xf32>
    %get3A_2 = arith.constant 0 : index
    %get3A_3 = arith.constant 0 : index
    %get3A_4 = arith.constant 0 : index
    %get3A_5 = vector.load %arg1[%get3A_2, %get3A_3, %get3A_4] : memref<2x1280x128xf32, #tpu.memory_space<vmem>>, vector<1x1280x128xf32>
    %get3A_6 = vector.shape_cast %get3A_5 : vector<1x1280x128xf32> to vector<1280x128xf32>
    %get3A_7 = arith.constant 1 : index
    %get3A_8 = arith.constant 0 : index
    %get3A_9 = arith.constant 0 : index
    %get3A_10 = vector.load %arg1[%get3A_7, %get3A_8, %get3A_9] : memref<2x1280x128xf32, #tpu.memory_space<vmem>>, vector<1x1280x128xf32>
    %get3A_11 = vector.shape_cast %get3A_10 : vector<1x1280x128xf32> to vector<1280x128xf32>
    %add3A = arith.addf %get3A_6, %get3A_11 : vector<1280x128xf32>
    %mul3A = vector.broadcast %get3A_1 : vector<1280x1xf32> to vector<1280x128xf32>
    %mul3A_12 = arith.mulf %mul3A, %add3A : vector<1280x128xf32>
    %mul3A_13 = arith.mulf %get3A_1, %get3A_1 : vector<1280x1xf32>
    %get3A_14 = arith.constant 0 : index
    %get3A_15 = arith.constant 0 : index
    %get3A_16 = vector.load %arg2[%get3A_14, %get3A_15] : memref<1280x128xf32, #tpu.memory_space<vmem>>, vector<1280x128xf32>
    %mul3A_17 = vector.broadcast %mul3A_13 : vector<1280x1xf32> to vector<1280x128xf32>
    %mul3A_18 = arith.mulf %mul3A_17, %get3A_16 : vector<1280x128xf32>
    %add3A_19 = arith.addf %mul3A_12, %mul3A_18 : vector<1280x128xf32>
    %get3A_20 = arith.constant 0 : index
    %get3A_21 = arith.constant 0 : index
    %get3A_22 = vector.load %arg4[%get3A_20, %get3A_21] : memref<1x128xf32, #tpu.memory_space<vmem>>, vector<1x128xf32>
    %add3A_23 = vector.broadcast %get3A_22 : vector<1x128xf32> to vector<1280x128xf32>
    %add3A_24 = arith.addf %add3A_19, %add3A_23 : vector<1280x128xf32>
    %max3A = arith.constant 0.000000e+00 : f32
    %max3A_25 = vector.broadcast %max3A : f32 to vector<1280x128xf32>
    %max3A_26 = arith.maximumf %add3A_24, %max3A_25 : vector<1280x128xf32>
    %get3A_27 = arith.constant 0 : index
    %get3A_28 = arith.constant 0 : index
    %get3A_29 = vector.load %arg5[%get3A_27, %get3A_28] : memref<128x128xf32, #tpu.memory_space<vmem>>, vector<128x128xf32>
    %dot_general3A = arith.constant dense<0.000000e+00> : vector<1280x128xf32>
    %dot_general3A_30 = tpu.matmul %max3A_26, %get3A_29, %dot_general3A {dimension_numbers = #tpu.dot_dimension_numbers<[1], [0], [0], [1], [0, 0, 1, 1], [], []>, transpose_lhs_hint = false} : vector<1280x128xf32>, vector<128x128xf32>, vector<1280x128xf32> -> vector<1280x128xf32>
    %swap3A = arith.constant 0 : index
    %swap3A_31 = arith.constant 0 : index
    %swap3A_32 = vector.load %arg6[%swap3A, %swap3A_31] : memref<1280x128xf32, #tpu.memory_space<vmem>>, vector<1280x128xf32>
    tpu.vector_store %arg6[%swap3A, %swap3A_31], %dot_general3A_30 {strides = array<i32>} : memref<1280x128xf32, #tpu.memory_space<vmem>>, vector<1280x128xf32>,
    %mul3A_33 = vector.broadcast %get3A_1 : vector<1280x1xf32> to vector<1280x128xf32>
    %mul3A_34 = arith.mulf %dot_general3A_30, %mul3A_33 : vector<1280x128xf32>
    %swap3A_35 = arith.constant 0 : index
    %swap3A_36 = arith.constant 0 : index
    %swap3A_37 = vector.load %arg7[%swap3A_35, %swap3A_36] : memref<1280x128xf32, #tpu.memory_space<vmem>>, vector<1280x128xf32>
    tpu.vector_store %arg7[%swap3A_35, %swap3A_36], %mul3A_34 {strides = array<i32>} : memref<1280x128xf32, #tpu.memory_space<vmem>>, vector<1280x128xf32>,
    return
  }
  func.func @transform_0(%arg0: i32) -> (i32, i32, i32) {
    %c0_i32 = arith.constant 0 : i32
    %c0_i32_0 = arith.constant 0 : i32
    %c0_i32_1 = arith.constant 0 : i32
    return %c0_i32, %arg0, %c0_i32_0 : i32, i32, i32
  }
  func.func @transform_1(%arg0: i32) -> (i32, i32) {
    %c0_i32 = arith.constant 0 : i32
    %c0_i32_0 = arith.constant 0 : i32
    return %arg0, %c0_i32 : i32, i32
  }
  func.func @transform_2(%arg0: i32) -> (i32, i32) {
    %c0_i32 = arith.constant 0 : i32
    %c0_i32_0 = arith.constant 0 : i32
    return %arg0, %c0_i32 : i32, i32
  }
  func.func @transform_3(%arg0: i32) -> (i32, i32) {
    %c0_i32 = arith.constant 0 : i32
    %c0_i32_0 = arith.constant 0 : i32
    %c0_i32_1 = arith.constant 0 : i32
    return %c0_i32, %c0_i32_0 : i32, i32
  }
  func.func @transform_4(%arg0: i32) -> (i32, i32) {
    %c0_i32 = arith.constant 0 : i32
    %c0_i32_0 = arith.constant 0 : i32
    %c0_i32_1 = arith.constant 0 : i32
    return %c0_i32, %c0_i32_0 : i32, i32
  }
  func.func @transform_5(%arg0: i32) -> (i32, i32) {
    %c0_i32 = arith.constant 0 : i32
    %c0_i32_0 = arith.constant 0 : i32
    return %arg0, %c0_i32 : i32, i32
  }
  func.func @transform_6(%arg0: i32) -> (i32, i32) {
    %c0_i32 = arith.constant 0 : i32
    %c0_i32_0 = arith.constant 0 : i32
    return %arg0, %c0_i32 : i32, i32
  }
}

module attributes {stable_mosaic.version = 14 : i64} {
  func.func @_tc_f_body(%arg0: i32, %arg1: memref<2x1280x128xf32, #tpu.memory_space<vmem>>, %arg2: memref<1280x128xf32, #tpu.memory_space<vmem>>, %arg3: memref<1280x1xf32, #tpu.memory_space<vmem>>, %arg4: memref<1x128xf32, #tpu.memory_space<vmem>>, %arg5: memref<1x1x1280xi32, #tpu.memory_space<vmem>>, %arg6: memref<128x128xf32, #tpu.memory_space<vmem>>, %arg7: memref<64x128xf32, #tpu.memory_space<vmem>>, %arg8: memref<64x128xf32, #tpu.memory_space<vmem>>) attributes {dimension_semantics = [#tpu.dimension_semantics<arbitrary>], iteration_bounds = array<i64: 8>, scalar_prefetch = 0 : i64, scratch_operands = 1 : i64, tpu.core_type = #tpu.core_type<tc>, window_params = [{transform_indices = @transform_0, window_bounds = array<i64: 2, 1280, 128>}, {transform_indices = @transform_1, window_bounds = array<i64: 1280, 128>}, {transform_indices = @transform_2, window_bounds = array<i64: 1280, 1>}, {pipeline_mode = #tpu.pipeline_mode<synchronous>, transform_indices = @transform_3, window_bounds = array<i64: 1, 128>}, {transform_indices = @transform_4, window_bounds = array<i64: 1, 1, 1280>}, {pipeline_mode = #tpu.pipeline_mode<synchronous>, transform_indices = @transform_5, window_bounds = array<i64: 128, 128>}, {pipeline_mode = #tpu.pipeline_mode<synchronous>, transform_indices = @transform_6, window_bounds = array<i64: 64, 128>}]} {
    %eq3A = arith.constant 0 : i32
    %eq3A_0 = arith.cmpi eq, %arg0, %eq3A : i32
    %convert_element_type3A = arith.extui %eq3A_0 : i1 to i32
    %cond3A = arith.constant 0 : i32
    %cond3A_1 = arith.cmpi ne, %convert_element_type3A, %cond3A : i32
    scf.if %cond3A_1 {
      %broadcast_in_dim3A_50 = arith.constant 0.000000e+00 : f32
      %broadcast_in_dim3A_51 = vector.broadcast %broadcast_in_dim3A_50 : f32 to vector<64x128xf32>
      %swap3A_52 = arith.constant 0 : index
      %swap3A_53 = arith.constant 0 : index
      %swap3A_54 = vector.load %arg8[%swap3A_52, %swap3A_53] : memref<64x128xf32, #tpu.memory_space<vmem>>, vector<64x128xf32>
      tpu.vector_store %arg8[%swap3A_52, %swap3A_53], %broadcast_in_dim3A_51 {strides = array<i32>} : memref<64x128xf32, #tpu.memory_space<vmem>>, vector<64x128xf32>,
    } else {
    }
    %get3A = arith.constant 0 : index
    %get3A_2 = arith.constant 0 : index
    %get3A_3 = vector.load %arg3[%get3A, %get3A_2] : memref<1280x1xf32, #tpu.memory_space<vmem>>, vector<1280x1xf32>
    %get3A_4 = arith.constant 0 : index
    %get3A_5 = arith.constant 0 : index
    %get3A_6 = arith.constant 0 : index
    %get3A_7 = vector.load %arg1[%get3A_4, %get3A_5, %get3A_6] : memref<2x1280x128xf32, #tpu.memory_space<vmem>>, vector<1x1280x128xf32>
    %get3A_8 = vector.shape_cast %get3A_7 : vector<1x1280x128xf32> to vector<1280x128xf32>
    %get3A_9 = arith.constant 1 : index
    %get3A_10 = arith.constant 0 : index
    %get3A_11 = arith.constant 0 : index
    %get3A_12 = vector.load %arg1[%get3A_9, %get3A_10, %get3A_11] : memref<2x1280x128xf32, #tpu.memory_space<vmem>>, vector<1x1280x128xf32>
    %get3A_13 = vector.shape_cast %get3A_12 : vector<1x1280x128xf32> to vector<1280x128xf32>
    %add3A = arith.addf %get3A_8, %get3A_13 : vector<1280x128xf32>
    %mul3A = vector.broadcast %get3A_3 : vector<1280x1xf32> to vector<1280x128xf32>
    %mul3A_14 = arith.mulf %mul3A, %add3A : vector<1280x128xf32>
    %mul3A_15 = arith.mulf %get3A_3, %get3A_3 : vector<1280x1xf32>
    %get3A_16 = arith.constant 0 : index
    %get3A_17 = arith.constant 0 : index
    %get3A_18 = vector.load %arg2[%get3A_16, %get3A_17] : memref<1280x128xf32, #tpu.memory_space<vmem>>, vector<1280x128xf32>
    %mul3A_19 = vector.broadcast %mul3A_15 : vector<1280x1xf32> to vector<1280x128xf32>
    %mul3A_20 = arith.mulf %mul3A_19, %get3A_18 : vector<1280x128xf32>
    %add3A_21 = arith.addf %mul3A_14, %mul3A_20 : vector<1280x128xf32>
    %get3A_22 = arith.constant 0 : index
    %get3A_23 = arith.constant 0 : index
    %get3A_24 = vector.load %arg4[%get3A_22, %get3A_23] : memref<1x128xf32, #tpu.memory_space<vmem>>, vector<1x128xf32>
    %add3A_25 = vector.broadcast %get3A_24 : vector<1x128xf32> to vector<1280x128xf32>
    %add3A_26 = arith.addf %add3A_21, %add3A_25 : vector<1280x128xf32>
    %max3A = arith.constant 0.000000e+00 : f32
    %max3A_27 = vector.broadcast %max3A : f32 to vector<1280x128xf32>
    %max3A_28 = arith.maximumf %add3A_26, %max3A_27 : vector<1280x128xf32>
    %get3A_29 = arith.constant 0 : index
    %get3A_30 = arith.constant 0 : index
    %get3A_31 = arith.constant 0 : index
    %get3A_32 = vector.load %arg5[%get3A_29, %get3A_30, %get3A_31] : memref<1x1x1280xi32, #tpu.memory_space<vmem>>, vector<1x1x1280xi32>
    %get3A_33 = vector.shape_cast %get3A_32 : vector<1x1x1280xi32> to vector<1280xi32>
    %iota3A = tpu.iota {dimensions = array<i32: 0>} : vector<64x1280xi32>
    %broadcast_in_dim3A = vector.shape_cast %get3A_33 : vector<1280xi32> to vector<1x1280xi32>
    %eq3A_34 = vector.broadcast %broadcast_in_dim3A : vector<1x1280xi32> to vector<64x1280xi32>
    %eq3A_35 = arith.cmpi eq, %iota3A, %eq3A_34 : vector<64x1280xi32>
    %convert_element_type3A_36 = arith.extui %eq3A_35 : vector<64x1280xi1> to vector<64x1280xi32>
    %convert_element_type3A_37 = arith.sitofp %convert_element_type3A_36 : vector<64x1280xi32> to vector<64x1280xf32>
    %get3A_38 = arith.constant 0 : index
    %get3A_39 = arith.constant 0 : index
    %get3A_40 = vector.load %arg8[%get3A_38, %get3A_39] : memref<64x128xf32, #tpu.memory_space<vmem>>, vector<64x128xf32>
    %dot_general3A = arith.constant dense<0.000000e+00> : vector<64x128xf32>
    %dot_general3A_41 = tpu.matmul %convert_element_type3A_37, %max3A_28, %dot_general3A {dimension_numbers = #tpu.dot_dimension_numbers<[1], [0], [0], [1], [0, 0, 1, 1], [], []>, transpose_lhs_hint = false} : vector<64x1280xf32>, vector<1280x128xf32>, vector<64x128xf32> -> vector<64x128xf32>
    %add3A_42 = arith.addf %get3A_40, %dot_general3A_41 : vector<64x128xf32>
    %swap3A = arith.constant 0 : index
    %swap3A_43 = arith.constant 0 : index
    %swap3A_44 = vector.load %arg8[%swap3A, %swap3A_43] : memref<64x128xf32, #tpu.memory_space<vmem>>, vector<64x128xf32>
    tpu.vector_store %arg8[%swap3A, %swap3A_43], %add3A_42 {strides = array<i32>} : memref<64x128xf32, #tpu.memory_space<vmem>>, vector<64x128xf32>,
    %eq3A_45 = arith.constant 7 : i32
    %eq3A_46 = arith.cmpi eq, %arg0, %eq3A_45 : i32
    %convert_element_type3A_47 = arith.extui %eq3A_46 : i1 to i32
    %cond3A_48 = arith.constant 0 : i32
    %cond3A_49 = arith.cmpi ne, %convert_element_type3A_47, %cond3A_48 : i32
    scf.if %cond3A_49 {
      %get3A_50 = arith.constant 0 : index
      %get3A_51 = arith.constant 0 : index
      %get3A_52 = vector.load %arg8[%get3A_50, %get3A_51] : memref<64x128xf32, #tpu.memory_space<vmem>>, vector<64x128xf32>
      %get3A_53 = arith.constant 0 : index
      %get3A_54 = arith.constant 0 : index
      %get3A_55 = vector.load %arg6[%get3A_53, %get3A_54] : memref<128x128xf32, #tpu.memory_space<vmem>>, vector<128x128xf32>
      %dot_general3A_56 = arith.constant dense<0.000000e+00> : vector<64x128xf32>
      %dot_general3A_57 = tpu.matmul %get3A_52, %get3A_55, %dot_general3A_56 {dimension_numbers = #tpu.dot_dimension_numbers<[1], [0], [0], [1], [0, 0, 1, 1], [], []>, transpose_lhs_hint = false} : vector<64x128xf32>, vector<128x128xf32>, vector<64x128xf32> -> vector<64x128xf32>
      %swap3A_58 = arith.constant 0 : index
      %swap3A_59 = arith.constant 0 : index
      %swap3A_60 = vector.load %arg7[%swap3A_58, %swap3A_59] : memref<64x128xf32, #tpu.memory_space<vmem>>, vector<64x128xf32>
      tpu.vector_store %arg7[%swap3A_58, %swap3A_59], %dot_general3A_57 {strides = array<i32>} : memref<64x128xf32, #tpu.memory_space<vmem>>, vector<64x128xf32>,
    } else {
    }
    return
  }
  func.func @transform_0(%arg0: i32) -> (i32, i32, i32) {
    %c0_i32 = arith.constant 0 : i32
    %c0_i32_0 = arith.constant 0 : i32
    %c0_i32_1 = arith.constant 0 : i32
    return %c0_i32, %arg0, %c0_i32_0 : i32, i32, i32
  }
  func.func @transform_1(%arg0: i32) -> (i32, i32) {
    %c0_i32 = arith.constant 0 : i32
    %c0_i32_0 = arith.constant 0 : i32
    return %arg0, %c0_i32 : i32, i32
  }
  func.func @transform_2(%arg0: i32) -> (i32, i32) {
    %c0_i32 = arith.constant 0 : i32
    %c0_i32_0 = arith.constant 0 : i32
    return %arg0, %c0_i32 : i32, i32
  }
  func.func @transform_3(%arg0: i32) -> (i32, i32) {
    %c0_i32 = arith.constant 0 : i32
    %c0_i32_0 = arith.constant 0 : i32
    %c0_i32_1 = arith.constant 0 : i32
    return %c0_i32, %c0_i32_0 : i32, i32
  }
  func.func @transform_4(%arg0: i32) -> (i32, i32, i32) {
    %c0_i32 = arith.constant 0 : i32
    %c0_i32_0 = arith.constant 0 : i32
    %c0_i32_1 = arith.constant 0 : i32
    return %arg0, %c0_i32, %c0_i32_0 : i32, i32, i32
  }
  func.func @transform_5(%arg0: i32) -> (i32, i32) {
    %c0_i32 = arith.constant 0 : i32
    %c0_i32_0 = arith.constant 0 : i32
    %c0_i32_1 = arith.constant 0 : i32
    return %c0_i32, %c0_i32_0 : i32, i32
  }
  func.func @transform_6(%arg0: i32) -> (i32, i32) {
    %c0_i32 = arith.constant 0 : i32
    %c0_i32_0 = arith.constant 0 : i32
    %c0_i32_1 = arith.constant 0 : i32
    return %c0_i32, %c0_i32_0 : i32, i32
  }
}

</mosaic_0001>

<sc_bundles>
// kernel: kernel.11.cloned.1.call-start
scs
__scs_entry_jumppad:
0x0: {  	(pc) =	sbr.rel $0x88, $3  }
0x1: {  	(tag) =	ssettag $0x0;
	lr =	simm.s32 $0x1  }
0x2: {  	[smem:$0x3F98] =	sst lr;
	_ =	strace $0xD0000000  }
0x3: {  	_ = 	snop  }
0x4: {  	_ = 	snop  }
0x5: {  	_ = 	snop  }
0x6: {  	_ = 	snop  }
0x7: {  	_ = 	snop  }
__scs_overlays_trampoline_lowered:
0x8: {  	[smem:$0x3FA7] =	sst s0  }
0x9: {  	[smem:$0x3FA8] =	sst s1  }
0xa: {  	[smem:$0x3FA9] =	sst s2  }
0xb: {  	[smem:$0x3FAA] =	sst s3  }
0xc: {  	[smem:$0x3FAB] =	sst s4  }
0xd: {  	[smem:$0x3FAC] =	sst s5  }
0xe: {  	[smem:$0x3FAD] =	sst s6  }
0xf: {  	[smem:$0x3FAE] =	sst s7  }
0x10: {  	[smem:$0x3FAF] =	sst s8  }
0x11: {  	[smem:$0x3FB0] =	sst s9;
	s0 =	simm.s32 @!p0 $0x0  }
0x12: {  	s1 =	sld [smem:$0x3F96];
	s0 =	simm.s32 @p0 $0x1  }
0x13: {  	[smem:$0x3FB1] =	sst s0;
	s0 =	simm.s32 @!p1 $0x0  }
0x14: {  	s2 =	sld [smem:$0x3F95];
	s0 =	simm.s32 @p1 $0x1  }
0x15: {  	[smem:$0x3FB2] =	sst s0;
	s0 =	simm.s32 @!p2 $0x0  }
0x16: {  	s3 =	sld [smem:$0x3FDB];
	s0 =	simm.s32 @p2 $0x1  }
0x17: {  	s4 =	simm.s32 $0x1BF5;
	[smem:$0x3FB4] =	sst s0  }
0x18: {  	s0 =	sld [smem:$0x3F97];
	_ =	swait.ge [sflag:s4], $0x0  }
0x19: {  	s7 =	sld [smem:$0x3F98]  }
0x1a: {  	s8 =	sadd.s32 $0xFFFFE003, lr  }
0x1b: {  	s9 =	sadd.s32 $0xFFFFFEF7, lr;
	s5 =	simm.s32 $0xFFFFFFFF;
	p2 =	slt.u32 s8, $0xFFFFF086  }
0x1c: {  	p1 =	slt.u32 s9, $0xF7A;
	s5 =	simm.s32 @!p2 $0x0  }
0x1d: {  	s5 =	simm.s32 @p1 $0x1;
	p0 =	seq.s32 s7, s2  }
0x1e: {  	s7 =	smul.u32 @!p0 $0xF7A, s2;
	p2 =	seq.s32 @!p0 s5, $0x0  }
0x1f: {  	s9 =	smul.u32 $0xF7A, s1;
	s8 =	simm.s32 @!p0 $0x1BF5;
	p2 =	por !p2, p0  }
0x20: {  	[sflag:s8] =	ssyncset.s32 @!p0 $0xFFFFF086;
	s6 =	sadd.s32 @!p0 s3, s7;
	s7 =	simm.s32 @!p0 $0x108  }
0x21: {  	s3 =	sadd.s32 s3, s9;
	s6 =	sadd.s32 @!p0 $0x88, s6;
	s7 =	simm.s32 @p2 $0x1082  }
0x22: {  	[simem:s7], [sflag:s8] =	dma.local @!p0 [hbm:s6], $0xF7A  }
0x23: {  	s9 =	sor.u32 $0xD0000000, s2;
	s6 =	simm.s32 $0x108;
	_ =	swait.ge @!p0 [sflag:s8], $0x0  }
0x24: {  	s3 =	sadd.s32 $0x88, s3;
	s6 =	simm.s32 @!p1 $0x1082;
	[sflag:s4] =	ssyncset.s32 $0xFFFFF086  }
0x25: {  	[simem:s6], [sflag:s4] =	dma.local [hbm:s3], $0xF7A  }
0x26: {  	[smem:$0x3F98] =	sst s1;
	(tag) =	ssettag s2;
	_ =	strace s9  }
0x27: {  	s1 =	sld [smem:$0x3FA8]  }
0x28: {  	s2 =	sld [smem:$0x3FA9]  }
0x29: {  	s4 =	sld [smem:$0x3FAB]  }
0x2a: {  	p0 =	seq.s32 s5, $0x0;
	s5 =	sld [smem:$0x3FAC]  }
0x2b: {  	s6 =	sld [smem:$0x3FAD]  }
0x2c: {  	s7 =	sld [smem:$0x3FAE]  }
0x2d: {  	s3 =	simm.s32 $0x108;
	s8 =	sld [smem:$0x3FAF]  }
0x2e: {  	s3 =	simm.s32 @!p0 $0x1082;
	s9 =	sld [smem:$0x3FB0]  }
0x2f: {  	lr =	sadd.s32 s0, s3;
	s0 =	sld [smem:$0x3FA7]  }
0x30: {  	s3 =	sld [smem:$0x3FAA]  }
0x31: {  	[smem:$0x3FB3] =	sst s10  }
0x32: {  	s10 =	sld [smem:$0x3FB1];
	_ =	sdelay $0x3  }
0x33: {  	p0 =	seq.s32 s10, $0x1;
	s10 =	sld [smem:$0x3FB3];
	_ =	sdelay $0x3  }
0x34: {  	[smem:$0x3FB3] =	sst s10  }
0x35: {  	s10 =	sld [smem:$0x3FB2];
	_ =	sdelay $0x3  }
0x36: {  	p1 =	seq.s32 s10, $0x1;
	s10 =	sld [smem:$0x3FB3];
	_ =	sdelay $0x3  }
0x37: {  	[smem:$0x3FB3] =	sst s10  }
0x38: {  	s10 =	sld [smem:$0x3FB4]  }
0x39: {  	_ = 	snop;
	(pc) =	sbr.ind lr, $3  }
0x3a: {  	_ = 	snop  }
0x3b: {  	_ = 	snop  }
0x3c: {  	p2 =	seq.s32 s10, $0x1;
	s10 =	sld [smem:$0x3FB3]  }
0x3d: {  	_ =	shalt  }
0x3e: {  	_ =	shalt  }
0x3f: {  	_ =	shalt  }
0x40: {  	_ =	shalt  }
0x41: {  	_ =	shalt  }
0x42: {  	_ =	shalt  }
0x43: {  	_ =	shalt  }
0x44: {  	_ =	shalt  }
0x45: {  	_ =	shalt  }
0x46: {  	_ =	shalt  }
0x47: {  	_ =	shalt  }
0x48: {  	_ =	shalt  }
0x49: {  	_ =	shalt  }
0x4a: {  	_ =	shalt  }
0x4b: {  	_ =	shalt  }
0x4c: {  	_ =	shalt  }
0x4d: {  	_ =	shalt  }
0x4e: {  	_ =	shalt  }
0x4f: {  	_ =	shalt  }
0x50: {  	_ =	shalt  }
0x51: {  	_ =	shalt  }
0x52: {  	_ =	shalt  }
0x53: {  	_ =	shalt  }
0x54: {  	_ =	shalt  }
0x55: {  	_ =	shalt  }
0x56: {  	_ =	shalt  }
0x57: {  	_ =	shalt  }
0x58: {  	_ =	shalt  }
0x59: {  	_ =	shalt  }
0x5a: {  	_ =	shalt  }
0x5b: {  	_ =	shalt  }
0x5c: {  	_ =	shalt  }
0x5d: {  	_ =	shalt  }
0x5e: {  	_ =	shalt  }
0x5f: {  	_ =	shalt  }
0x60: {  	_ =	shalt  }
0x61: {  	_ =	shalt  }
0x62: {  	_ =	shalt  }
0x63: {  	_ =	shalt  }
0x64: {  	_ =	shalt  }
0x65: {  	_ =	shalt  }
0x66: {  	_ =	shalt  }
0x67: {  	_ =	shalt  }
0x68: {  	_ =	shalt  }
0x69: {  	_ =	shalt  }
0x6a: {  	_ =	shalt  }
0x6b: {  	_ =	shalt  }
0x6c: {  	_ =	shalt  }
0x6d: {  	_ =	shalt  }
0x6e: {  	_ =	shalt  }
0x6f: {  	_ =	shalt  }
0x70: {  	_ =	shalt  }
0x71: {  	_ =	shalt  }
0x72: {  	_ =	shalt  }
0x73: {  	_ =	shalt  }
0x74: {  	_ =	shalt  }
0x75: {  	_ =	shalt  }
0x76: {  	_ =	shalt  }
0x77: {  	_ =	shalt  }
0x78: {  	_ =	shalt  }
0x79: {  	_ =	shalt  }
0x7a: {  	_ =	shalt  }
0x7b: {  	_ =	shalt  }
0x7c: {  	_ =	shalt  }
0x7d: {  	_ =	shalt  }
0x7e: {  	_ =	shalt  }
0x7f: {  	_ =	shalt  }
0x80: {  	_ =	shalt  }
0x81: {  	_ =	shalt  }
0x82: {  	_ =	shalt  }
0x83: {  	_ =	shalt  }
0x84: {  	_ =	shalt  }
0x85: {  	_ =	shalt  }
0x86: {  	_ =	shalt  }
0x87: {  	_ =	shalt  }
.Lfunc_end0:
.L_simem_size_0:
called_computation.1_lowered:
.L_overlay_start_0:
0x88: {  	s2 =	sld [smem:$0x3FD9]  }
0x89: {  	s3 =	sld [smem:$0x3FFE];
	_ =	sdelay $0x1  }
0x8a: {  	s1 =	srdreg.scid  }
0x8b: {  	s0 =	sand.u32 $0x1, s1  }
0x8c: {  	s16 =	sshll.u32 s0, $0xA;
	s2 =	sadd.s32 s3, s2  }
0x8d: {  	s2 =	sadd.s32 s2, s16  }
0x8e: {  	[smem:$0x3FBF] =	sst s2  }
0x8f: {  	_ = 	snop  }
0x90: {  	(tm) =	ssettm $0x1  }
0x91: {  	s17 =	sld [smem:$0x3FFB];
	_ =	sdelay $0x3  }
0x92: {  	_ =	strace s17  }
0x93: {  	s2 =	sld [smem:$0x3FFC];
	_ =	sdelay $0x3  }
0x94: {  	_ =	strace s2  }
0x95: {  	s2 =	sld [smem:$0x3FFD];
	_ =	sdelay $0x3  }
0x96: {  	_ =	strace s2  }
0x97: {  	_ =	strace $0x8FFFFFFF  }
0x98: {  	s18 =	sld [smem:$0x3FDB];
	_ =	sdelay $0x1  }
0x99: {  	s19 =	simm.s32 $_scs_section_size  }
0x9a: {  	s4 =	simm.s32 $_size__tile_overlayer_lowered;
	s5 =	simm.s32 $_tile_overlayer_lowered  }
0x9b: {  	s22 =	simm.s32 $0x1BFF;
	s21 =	sshll.u32 s5, $0x1;
	s2 =	sadd.s32 s19, s18  }
0x9c: {  	s6 =	simm.s32 $0x0;
	s20 =	sshll.u32 s4, $0x1;
	s4 =	sadd.s32 s21, s2  }
0x9d: {  	[timem:s6], [sflag:s22] =	dma.local [hbm:s4], s20  }
0x9e: {  	_ =	swait.ge [sflag:s22], s20  }
0x9f: {  	s3 =	ssub.s32 $0x0, s20;
	[sflag:s22] =	ssyncset.done $0x0  }
0xa0: {  	[sflag:s22] =	ssyncadd.s32 s3;
	_ =	sdelay $0x1  }
0xa1: {  	s23 =	simm.s32 $0x1B8B  }
0xa2: {  	_ =	swait.ge [sflag:s23], $0x1  }
0xa3: {  	[sflag:s23] =	ssyncset.done $0x0  }
0xa4: {  	s25 =	simm.s32 $0x1B8E;
	s24 =	sld [smem:$0x3FFE];
	[sflag:s23] =	ssyncadd.s32 $0xFFFFFFFF  }
0xa5: {  	s26 =	simm.s32 $execute0_lowered;
	[smem:$0x3FD2] =	sst s25  }
0xa6: {  	s4 =	sshll.u32 s26, $0x1;
	_ =	strace $0x80000049;
	[dreg:$0x1] =	wrdreg $0xFFFFFFFF  }
0xa7: {  	s28 =	simm.s32 $_size_execute0_lowered;
	s2 =	sadd.s32 s2, s4;
	[dreg:$0x0] =	wrdreg $0x0  }
0xa8: {  	s4 =	sshll.u32 s28, $0x1;
	[dreg:$0x2] =	wrdreg s2  }
0xa9: {  	[dreg:$0x3] =	wrdreg s4  }
0xaa: {  	[dreg:$0x4] =	wrdreg $0xC0  }
0xab: {  	_ =	task [dreg:s6], $0x5FFFF  }
0xac: {  	[dreg:$0x1] =	wrdreg $0xFFFFFFFF  }
0xad: {  	[dreg:$0x0] =	wrdreg $0x60  }
0xae: {  	[dreg:$0x2] =	wrdreg s24  }
0xaf: {  	[dreg:$0x3] =	wrdreg $0xAB000  }
0xb0: {  	[dreg:$0x4] =	wrdreg $0x9  }
0xb1: {  	_ =	task.clear_ibuf [dreg:s6], $0x5FFFF;
	_ =	strace $0x90000049  }
0xb2: {  	s29 =	simm.s32 $0x9;
	_ =	strace $0x8000004B  }
0xb3: {  	_ =	swait.ge [sflag:s29], $0x1  }
0xb4: {  	[sflag:s29] =	ssyncadd.s32 $0xFFFFFFFF  }
0xb5: {  	_ =	strace $0x9000004B  }
0xb6: {  	_ =	sfence  }
0xb7: {  	s30 =	sld [smem:$0x0];
	_ =	sdelay $0x2  }
0xb8: {  	s31 =	sshll.u32 s1, $0xD;
	s1 =	sshrl.u32 s1, $0x2  }
0xb9: {  	s3 =	sand.u32 $0x4000, s31;
	s1 =	sadd.s32 s1, s30  }
0xba: {  	s0 =	sor.u32 s3, s0;
	s1 =	sshll.u32 s1, $0x11  }
0xbb: {  	s0 =	sor.u32 s1, s0  }
0xbc: {  	s0 =	sadd.s32 $0x8F2B, s0  }
0xbd: {  	[sflag:s0] =	ssyncadd.remote.s32 $0x1  }
0xbe: {  	_ =	sfence.sel $0xFFFF  }
0xbf: {  	[dreg:$0x0] =	wrdreg $0xFFFFFFFF;
	(pc) =	sbr.abs _section_cstart, $3  }
0xc0: {  	[dreg:$0x1] =	wrdreg $0xFFFFFFFF  }
0xc1: {  	_ =	task.clear_ibuf [dreg:s6], $0x2FFFF;
	_ =	strace $0x9FFFFFFF  }
0xc2: {  	(tm) =	ssettm $0x7FFFFFFF  }
0xc3: {  	_ =	shalt  }
tec
execute0_lowered:
.L_overlay_start_1:
0x0: {  	(tag) =	ssettag $0x1  }
0x1: {  	s0 =	rddreg [dreg:$0x0]  }
0x2: {  	s1 =	rddreg [dreg:$0x1]  }
0x3: {  	s2 =	simm.s32 $0x0;
	s3 =	srdreg.scid;
	s10 =	stileid.u32  }
0x4: {  	s7 =	simm.s32 $0x2F40;
	s31 =	simm.s32 $0x180;
	s28 =	simm.s32 $0x7  }
0x5: {  	s29 =	simm.s32 $0x5;
	s30 =	simm.s32 $0x3;
	[smem:$0x7FF] =	sst s2  }
0x6: {  	s3 =	sand.u32 $0x1, s3;
	s6 =	smul.u32 $0x14000, s10;
	s4 =	sadd.s32 $0xC000, s0  }
0x7: {  	s11 =	sadd.s32 $0x5C000, s0;
	s12 =	sadd.s32 $0x2200, s0;
	_ =	strace $0x8000004A  }
0x8: {  	s5 =	smul.u32 $0x140000, s3;
	p0 =	seq.s32 s3, $0x0;
	s14 =	ssub.s32 $0x2, s3  }
0x9: {  	s8 =	smul.u32 $0x2F400, s3;
	s7 =	simm.s32 @!p0 $0x1F80;
	s9 =	sshrl.u32 s14, $0x1  }
0xa: {  	p0 =	sne.s32 s3, $0x0;
	s5 =	sadd.s32 s6, s5;
	s13 =	smul.u32 s7, s10  }
0xb: {  	s10 =	smul.u32 $0x50000, s10;
	s15 =	ssub.s32 s14, s9;
	s5 =	sshrl.u32 s5, $0x3  }
0xc: {  	s23 =	smax.u32 s15, $0x1;
	s8 =	sadd.s32 s8, s13;
	s0 =	sadd.s32 s5, s0  }
0xd: {  	s10 =	sshrl.u32 s10, $0x2;
	[dreg:$0xa] =	wrdreg s23;
	s0 =	sadd.s32 $0x65E00, s0  }
0xe: {  	s16 =	sshrl.u32 s8, $0x3;
	s10 =	sadd.s32 s10, s1;
	[dreg:$0x9] =	wrdreg s0  }
0xf: {  	s3 =	simm.s32 $0x200;
	s17 =	sadd.s32 s11, s16;
	[dreg:$0x6] =	wrdreg s10  }
0x10: {  	s5 =	simm.s32 $0x6;
	s7 =	sadd.s32 s12, s16;
	[dreg:$0x3] =	wrdreg s17  }
0x11: {  	s18 =	sadd.s32 $0xE, s16;
	s21 =	sadd.s32 $0x3800, s10;
	[dreg:$0x4] =	wrdreg s7  }
0x12: {  	s22 =	sadd.s32 $0x1C0, s8;
	s19 =	sadd.s32 s11, s18;
	[dreg:$0x8] =	wrdreg s21  }
0x13: {  	s24 =	sshrl.u32 s22, $0x3;
	s20 =	sadd.s32 s12, s18;
	[dreg:$0x5] =	wrdreg s19  }
0x14: {  	s26 =	sadd.s32 $0xE0, s8;
	s25 =	sadd.s32 s24, s12;
	[dreg:$0x7] =	wrdreg s20  }
0x15: {  	s0 =	sadd.s32 s24, s11;
	s7 =	sadd.s32 $0x150, s8;
	[dreg:$0xb] =	wrdreg s25  }
0x16: {  	s8 =	sshrl.u32 s13, $0x3;
	s18 =	smov.u32 s11;
	[dreg:$0xc] =	wrdreg s0  }
0x17: {  	s17 =	sadd.s32 $0x7000, s10;
	s21 =	sadd.s32 $0xE000, s10;
	[dreg:$0xd] =	wrdreg s7  }
0x18: {  	s0 =	sshrl.u32 s26, $0x3;
	s13 =	sadd.s32 $0x38, s8;
	s15 =	sadd.s32 $0x2A, s8  }
0x19: {  	s16 =	sadd.s32 $0x1C, s8;
	s19 =	smov.u32 s12;
	[dreg:$0x12] =	wrdreg s17  }
0x1a: {  	s20 =	sadd.s32 $0xA800, s10;
	[dreg:$0x14] =	wrdreg s21;
	s26 =	sadd.s32 $0x11800, s10  }
0x1b: {  	s7 =	simm.s32 $0x300;
	s17 =	simm.s32 $0x2;
	s10 =	simm.s32 $0x7300  }
0x1c: {  	s8 =	simm.s32 $0x8;
	s9 =	sadd.s32 s0, s12;
	s0 =	sadd.s32 s0, s11  }
0x1d: {  	s14 =	sadd.s32 s13, s12;
	s22 =	sadd.s32 s15, s12;
	[dreg:$0x13] =	wrdreg s20  }
0x1e: {  	s23 =	sadd.s32 s15, s11;
	s24 =	sadd.s32 s16, s12;
	[dreg:$0x15] =	wrdreg s26  }
.Ltmp0:
0x1f: {  	s25 =	sadd.s32 s16, s11;
	[dreg:$0xe] =	wrdreg s9;
	(pc) =	sbr.rel .LBB2_1-.Ltmp0, $4  }
0x20: {  	s12 =	simm.s32 $0x100;
	s26 =	simm.s32 $0x3B00;
	[dreg:$0xf] =	wrdreg s0  }
0x21: {  	s16 =	simm.s32 $0x0;
	[dreg:$0x10] =	wrdreg s14;
	s0 =	sadd.s32 s13, s11  }
0x22: {  	s9 =	simm.s32 $0x1;
	s11 =	simm.s32 $0x70;
	s13 =	simm.s32 $0x280  }
0x23: {  	v0 =	vimm.f32 $0.0e+00;
	s14 =	simm.s32 $0x4;
	[dreg:$0x11] =	wrdreg s0;
	s0 =	simm.s32 $0x80  }
.LBB2_8:
0x24: {  	_ =	swait.ge [sflag:s5], $0x3800  }
0x25: {  	[sflag:s5] =	ssyncset.done $0x0  }
0x26: {  	s6 =	simm.s32 $0x9;
	[sflag:s5] =	ssyncadd.s32 $0xFFFFC800  }
0x27: {  	[spmem:s1] =	stream.indirect.scatter.add.f32 [tilespmem:s10], [sflag:$0x9], $0x80, s13, s11, $0xb8;
	[tilespmem:$0x1EB00] =	vst v63  }
0x28: {  	_ =	swait.ge [sflag:s6], $0x3800  }
0x29: {  	[sflag:s6] =	ssyncset.done $0x0  }
0x2a: {  	[sflag:s6] =	ssyncadd.s32 $0xFFFFC800  }
0x2b: {  	s16 =	stileid.u32;
	[bflag:$0x0] =	sbarrier.arrive $0xFFFF  }
0x2c: {  	s6 =	sshll.u32 s16, $0x6;
	s15 =	rddreg [dreg:$0x6]  }
0x2d: {  	s6 =	sor.u32 $0x1C0A, s6;
	s16 =	rddreg [dreg:$0x9];
	s15 =	sshrl.u32 s15, $0x3  }
0x2e: {  	[hbm:s16], [sflag:s6] =	dma.local [spmem:s15], $0x2800  }
0x2f: {  	s15 =	simm.s32 $0xA  }
0x30: {  	_ =	swait.ge [sflag:s15], $0x2800  }
0x31: {  	s20 =	rddreg [dreg:$0x16]  }
0x32: {  	s21 =	rddreg [dreg:$0xa];
	s16 =	sadd.s32 $0x1, s20  }
0x33: {  	p1 =	sne.s32 s16, s21  }
.Ltmp1:
0x34: {  	_ = 	snop;
	(pc) =	sbr.rel @!p1 .LBB2_9-.Ltmp1, $3  }
0x35: {  	_ =	sdelay $0x1  }
0x36: {  	[sflag:s15] =	ssyncset.done $0x0  }
0x37: {  	[sflag:s15] =	ssyncadd.s32 $0xFFFFD800  }
.LBB2_1:
0x38: {  	[dreg:$0x16] =	wrdreg s16  }
0x39: {  	s6 =	rddreg [dreg:$0x3]  }
0x3a: {  	[tilespmem:s2], [sflag:$0x1] =	stream.linear.gather [hbm4b:s6+s2], $0x70, $0x38;
	[tilespmem:$0x1EB00] =	vst v63  }
0x3b: {  	s21 =	rddreg [dreg:$0x4]  }
0x3c: {  	[tilespmem:s31], [sflag:$0x1] =	stream.linear.gather [hbm4b:s21+s2], $0x70, $0x38;
	[tilespmem:$0x1EB00] =	vst v63  }
0x3d: {  	s15 =	rddreg [dreg:$0x5];
	s20 =	sand.u32 $0xFE00, s2  }
0x3e: {  	[tilespmem:s0], [sflag:$0x2] =	stream.linear.gather [hbm4b:s15+s2], $0x70, $0x38;
	[tilespmem:$0x1EB00] =	vst v63  }
0x3f: {  	s16 =	rddreg [dreg:$0x7];
	s21 =	sshrl.u32 s20, $0x2;
	s15 =	sand.u32 $0x70, s2  }
0x40: {  	[tilespmem:s3], [sflag:$0x2] =	stream.linear.gather [hbm4b:s16+s2], $0x70, $0x38;
	[tilespmem:$0x1EB00] =	vst v63  }
0x41: {  	s6 =	simm.s32 $0x40;
	s16 =	sor.u32 s15, s21;
	s15 =	simm.s32 $0x0  }
.LBB2_2:
0x42: {  	p1 =	sne.s32 s6, $0xDFC0  }
0x43: {  	[tilespmem:s16+$0x300] =	vst v0;
	s15 =	sadd.s32 $0x10, s15;
	s16 =	smov.u32 s6;
	s6 =	sadd.s32 $0x40, s6  }
.Ltmp2:
0x44: {  	(pc) =	sbr.rel @p1 .LBB2_2-.Ltmp2, $4  }
0x45: {  	_ = 	snop  }
0x46: {  	s16 =	sand.u32 $0xFE00, s16  }
0x47: {  	s20 =	sand.u32 $0x70, s15;
	s16 =	sshrl.u32 s16, $0x2  }
0x48: {  	s16 =	sor.u32 s20, s16  }
0x49: {  	[tilespmem:s16+$0x300] =	vst v0;
	s6 =	rddreg [dreg:$0x6];
	s15 =	simm.s32 $0xA  }
0x4a: {  	[spmem:s6] =	stream.linear.scatter [tilespmem:s7], [sflag:$0xA], $0x3800, $0x38;
	[tilespmem:$0x1EB00] =	vst v63  }
0x4b: {  	_ =	swait.ge [sflag:s15], $0x3800  }
0x4c: {  	[sflag:s15] =	ssyncset.done $0x0  }
0x4d: {  	s20 =	rddreg [dreg:$0x8];
	[sflag:s15] =	ssyncadd.s32 $0xFFFFC800  }
0x4e: {  	[spmem:s20] =	stream.linear.scatter [tilespmem:s7], [sflag:$0xA], $0x3800, $0x38;
	[tilespmem:$0x1EB00] =	vst v63  }
0x4f: {  	_ =	swait.ge [sflag:s15], $0x3800  }
0x50: {  	[sflag:s15] =	ssyncset.done $0x0  }
0x51: {  	s21 =	rddreg [dreg:$0x12];
	[sflag:s15] =	ssyncadd.s32 $0xFFFFC800  }
0x52: {  	[spmem:s21] =	stream.linear.scatter [tilespmem:s7], [sflag:$0xA], $0x3800, $0x38;
	[tilespmem:$0x1EB00] =	vst v63  }
0x53: {  	_ =	swait.ge [sflag:s15], $0x3800  }
0x54: {  	[sflag:s15] =	ssyncset.done $0x0  }
0x55: {  	s16 =	rddreg [dreg:$0x13];
	[sflag:s15] =	ssyncadd.s32 $0xFFFFC800  }
0x56: {  	[spmem:s16] =	stream.linear.scatter [tilespmem:s7], [sflag:$0xA], $0x3800, $0x38;
	[tilespmem:$0x1EB00] =	vst v63  }
0x57: {  	_ =	swait.ge [sflag:s15], $0x3800  }
0x58: {  	[sflag:s15] =	ssyncset.done $0x0  }
0x59: {  	s20 =	rddreg [dreg:$0x14];
	[sflag:s15] =	ssyncadd.s32 $0xFFFFC800  }
0x5a: {  	[spmem:s20] =	stream.linear.scatter [tilespmem:s7], [sflag:$0xA], $0x3800, $0x38;
	[tilespmem:$0x1EB00] =	vst v63  }
0x5b: {  	_ =	swait.ge [sflag:s15], $0x3800  }
0x5c: {  	[sflag:s15] =	ssyncset.done $0x0  }
0x5d: {  	s21 =	rddreg [dreg:$0x15];
	[sflag:s15] =	ssyncadd.s32 $0xFFFFC800  }
0x5e: {  	[spmem:s21] =	stream.linear.scatter [tilespmem:s7], [sflag:$0xA], $0x2800, $0x38;
	[tilespmem:$0x1EB00] =	vst v63  }
0x5f: {  	_ =	swait.ge [sflag:s15], $0x2800  }
0x60: {  	[sflag:s15] =	ssyncset.done $0x0  }
0x61: {  	[sflag:s15] =	ssyncadd.s32 $0xFFFFD800  }
0x62: {  	[bflag:$0x0] =	sbarrier.arrive $0xFFFF  }
0x63: {  	_ =	swait.ge [sflag:s9], $0x70  }
0x64: {  	[sflag:s9] =	ssyncset.done $0x0  }
.Ltmp3:
0x65: {  	[sflag:s9] =	ssyncadd.s32 $0xFFFFFF90;
	(pc) =	sbr.rel @p0 .LBB2_6-.Ltmp3, $4  }
0x66: {  	_ =	swait.ge [sflag:s9], $0x70  }
0x67: {  	[sflag:s9] =	ssyncset.done $0x0  }
0x68: {  	s6 =	simm.s32 $0x0;
	s15 =	rddreg [dreg:$0xd];
	[sflag:s9] =	ssyncadd.s32 $0xFFFFFF90  }
0x69: {  	[tilespmem:s7], [sflag:$0x4] =	stream.indirect.gather [hbm4b:s4+s11], $0x80, s6, s11, $0xb8;
	[tilespmem:$0x1EB00] =	vst v63  }
.LBB2_4:
0x6a: {  	p1 =	seq.s32 s6, $0x0  }
0x6b: {  	s15 =	simm.s32 @!p1 $0x9  }
0x6c: {  	_ =	swait.ge @!p1 [sflag:s15], $0x3800  }
0x6d: {  	[sflag:s15] =	ssyncset.done @!p1 $0x0  }
0x6e: {  	s20 =	sadd.s32 s6, s25;
	[sflag:s15] =	ssyncadd.s32 @!p1 $0xFFFFC800  }
0x6f: {  	[tilespmem:s12], [sflag:$0x3] =	stream.linear.gather [hbm4b:s20+s2], $0x70, $0x38;
	[tilespmem:$0x1EB00] =	vst v63  }
0x70: {  	s21 =	sadd.s32 s6, s24  }
0x71: {  	[tilespmem:s13], [sflag:$0x3] =	stream.linear.gather [hbm4b:s21+s2], $0x70, $0x38;
	[tilespmem:$0x1EB00] =	vst v63  }
0x72: {  	_ =	swait.ge [sflag:s14], $0x3800  }
0x73: {  	[sflag:s14] =	ssyncset.done $0x0  }
0x74: {  	[sflag:s14] =	ssyncadd.s32 $0xFFFFC800  }
0x75: {  	[spmem:s1] =	stream.indirect.scatter.add.f32 [tilespmem:s7], [sflag:$0x7], $0x80, s31, s11, $0xb8;
	[tilespmem:$0x1EB00] =	vst v63  }
0x76: {  	_ =	swait.ge [sflag:s17], $0x70  }
0x77: {  	[sflag:s17] =	ssyncset.done $0x0  }
0x78: {  	[sflag:s17] =	ssyncadd.s32 $0xFFFFFF90  }
0x79: {  	_ =	swait.ge [sflag:s17], $0x70  }
0x7a: {  	[sflag:s17] =	ssyncset.done $0x0  }
0x7b: {  	[sflag:s17] =	ssyncadd.s32 $0xFFFFFF90  }
0x7c: {  	[tilespmem:s26], [sflag:$0x5] =	stream.indirect.gather [hbm4b:s4+s11], $0x80, s0, s11, $0xb8;
	[tilespmem:$0x1EB00] =	vst v63  }
0x7d: {  	_ =	swait.ge [sflag:s28], $0x3800  }
0x7e: {  	p1 =	seq.s32 s6, $0x5BE;
	[sflag:s28] =	ssyncset.done $0x0  }
0x7f: {  	s15 =	sadd.s32 @!p1 s6, s23;
	s16 =	simm.s32 @!p1 $0x0;
	[sflag:s28] =	ssyncadd.s32 $0xFFFFC800  }
0x80: {  	[tilespmem:s16], [sflag:$0x1] =	stream.linear.gather @!p1 [hbm4b:s15+s16], $0x70, $0x38;
	[tilespmem:$0x1EB00] =	vst v63  }
0x81: {  	s20 =	simm.s32 @!p1 $0x180;
	s15 =	sadd.s32 @!p1 s6, s22  }
0x82: {  	[tilespmem:s20], [sflag:$0x1] =	stream.linear.gather @!p1 [hbm4b:s15+s16], $0x70, $0x38;
	[tilespmem:$0x1EB00] =	vst v63  }
0x83: {  	_ =	swait.ge [sflag:s29], $0x3800  }
0x84: {  	[sflag:s29] =	ssyncset.done $0x0  }
0x85: {  	[sflag:s29] =	ssyncadd.s32 $0xFFFFC800  }
0x86: {  	[spmem:s1] =	stream.indirect.scatter.add.f32 [tilespmem:s26], [sflag:$0x8], $0x80, s3, s11, $0xb8;
	[tilespmem:$0x1EB00] =	vst v63  }
0x87: {  	_ =	swait.ge [sflag:s30], $0x70  }
0x88: {  	[sflag:s30] =	ssyncset.done $0x0  }
0x89: {  	[sflag:s30] =	ssyncadd.s32 $0xFFFFFF90  }
0x8a: {  	_ =	swait.ge [sflag:s30], $0x70  }
0x8b: {  	[sflag:s30] =	ssyncset.done $0x0  }
.Ltmp4:
0x8c: {  	[sflag:s30] =	ssyncadd.s32 $0xFFFFFF90;
	(pc) =	sbr.rel @p1 .LBB2_8-.Ltmp4, $4  }
0x8d: {  	[tilespmem:s10], [sflag:$0x6] =	stream.indirect.gather [hbm4b:s4+s11], $0x80, s12, s11, $0xb8;
	[tilespmem:$0x1EB00] =	vst v63  }
0x8e: {  	_ =	swait.ge [sflag:s8], $0x3800  }
0x8f: {  	[sflag:s8] =	ssyncset.done $0x0  }
0x90: {  	[sflag:s8] =	ssyncadd.s32 $0xFFFFC800  }
0x91: {  	s15 =	rddreg [dreg:$0x11]  }
0x92: {  	s21 =	rddreg [dreg:$0x10];
	s15 =	sadd.s32 s6, s15  }
0x93: {  	[tilespmem:s0], [sflag:$0x2] =	stream.linear.gather [hbm4b:s15+s2], $0x70, $0x38;
	[tilespmem:$0x1EB00] =	vst v63  }
0x94: {  	s15 =	sadd.s32 s6, s21  }
0x95: {  	[tilespmem:s3], [sflag:$0x2] =	stream.linear.gather [hbm4b:s15+s2], $0x70, $0x38;
	[tilespmem:$0x1EB00] =	vst v63  }
0x96: {  	_ =	swait.ge [sflag:s5], $0x3800  }
0x97: {  	[sflag:s5] =	ssyncset.done $0x0  }
0x98: {  	[sflag:s5] =	ssyncadd.s32 $0xFFFFC800  }
0x99: {  	[spmem:s1] =	stream.indirect.scatter.add.f32 [tilespmem:s10], [sflag:$0x9], $0x80, s13, s11, $0xb8;
	[tilespmem:$0x1EB00] =	vst v63  }
0x9a: {  	_ =	swait.ge [sflag:s9], $0x70  }
0x9b: {  	[sflag:s9] =	ssyncset.done $0x0  }
.Ltmp5:
0x9c: {  	[sflag:s9] =	ssyncadd.s32 $0xFFFFFF90;
	(pc) =	sbr.rel .LBB2_4-.Ltmp5, $4  }
0x9d: {  	_ =	swait.ge [sflag:s9], $0x70  }
0x9e: {  	[sflag:s9] =	ssyncset.done $0x0  }
0x9f: {  	s6 =	sadd.s32 $0x2A, s6;
	[sflag:s9] =	ssyncadd.s32 $0xFFFFFF90  }
0xa0: {  	[tilespmem:s7], [sflag:$0x4] =	stream.indirect.gather [hbm4b:s4+s11], $0x80, s2, s11, $0xb8;
	[tilespmem:$0x1EB00] =	vst v63  }
.LBB2_6:
0xa1: {  	p1 =	seq.s32 s6, $0x0  }
0xa2: {  	s16 =	simm.s32 @!p1 $0x9  }
0xa3: {  	_ =	swait.ge @!p1 [sflag:s16], $0x3800  }
0xa4: {  	[sflag:s16] =	ssyncset.done @!p1 $0x0;
	s20 =	rddreg [dreg:$0xf]  }
0xa5: {  	s21 =	rddreg [dreg:$0xe];
	[sflag:s16] =	ssyncadd.s32 @!p1 $0xFFFFC800;
	s16 =	sadd.s32 s6, s20  }
0xa6: {  	[tilespmem:s12], [sflag:$0x3] =	stream.linear.gather [hbm4b:s16+s2], $0x70, $0x38;
	[tilespmem:$0x1EB00] =	vst v63  }
0xa7: {  	s16 =	sadd.s32 s6, s21  }
0xa8: {  	[tilespmem:s13], [sflag:$0x3] =	stream.linear.gather [hbm4b:s16+s2], $0x70, $0x38;
	[tilespmem:$0x1EB00] =	vst v63  }
0xa9: {  	_ =	swait.ge [sflag:s14], $0x3800  }
0xaa: {  	[sflag:s14] =	ssyncset.done $0x0  }
0xab: {  	[sflag:s14] =	ssyncadd.s32 $0xFFFFC800  }
0xac: {  	[spmem:s1] =	stream.indirect.scatter.add.f32 [tilespmem:s7], [sflag:$0x7], $0x80, s31, s11, $0xb8;
	[tilespmem:$0x1EB00] =	vst v63  }
0xad: {  	_ =	swait.ge [sflag:s17], $0x70  }
0xae: {  	[sflag:s17] =	ssyncset.done $0x0  }
0xaf: {  	[sflag:s17] =	ssyncadd.s32 $0xFFFFFF90  }
0xb0: {  	_ =	swait.ge [sflag:s17], $0x70  }
0xb1: {  	[sflag:s17] =	ssyncset.done $0x0  }
0xb2: {  	[sflag:s17] =	ssyncadd.s32 $0xFFFFFF90  }
0xb3: {  	[tilespmem:s26], [sflag:$0x5] =	stream.indirect.gather [hbm4b:s4+s11], $0x80, s0, s11, $0xb8;
	[tilespmem:$0x1EB00] =	vst v63  }
0xb4: {  	p1 =	seq.s32 s6, $0x3C6;
	_ =	swait.ge [sflag:s28], $0x3800  }
0xb5: {  	s16 =	sshrl.u32 @!p1 s15, $0x3;
	[sflag:s28] =	ssyncset.done $0x0  }
0xb6: {  	s21 =	simm.s32 @!p1 $0x0;
	s20 =	sadd.s32 @!p1 s18, s16;
	[sflag:s28] =	ssyncadd.s32 $0xFFFFC800  }
0xb7: {  	[tilespmem:s21], [sflag:$0x1] =	stream.linear.gather @!p1 [hbm4b:s20+s21], $0x70, $0x38;
	[tilespmem:$0x1EB00] =	vst v63  }
0xb8: {  	s16 =	sadd.s32 @!p1 s19, s16;
	s20 =	simm.s32 @!p1 $0x180  }
0xb9: {  	[tilespmem:s20], [sflag:$0x1] =	stream.linear.gather @!p1 [hbm4b:s16+s21], $0x70, $0x38;
	[tilespmem:$0x1EB00] =	vst v63  }
0xba: {  	_ =	swait.ge [sflag:s29], $0x3800  }
0xbb: {  	[sflag:s29] =	ssyncset.done $0x0  }
0xbc: {  	[sflag:s29] =	ssyncadd.s32 $0xFFFFC800  }
0xbd: {  	[spmem:s1] =	stream.indirect.scatter.add.f32 [tilespmem:s26], [sflag:$0x8], $0x80, s3, s11, $0xb8;
	[tilespmem:$0x1EB00] =	vst v63  }
0xbe: {  	_ =	swait.ge [sflag:s30], $0x70  }
0xbf: {  	[sflag:s30] =	ssyncset.done $0x0  }
0xc0: {  	[sflag:s30] =	ssyncadd.s32 $0xFFFFFF90  }
0xc1: {  	_ =	swait.ge [sflag:s30], $0x70  }
0xc2: {  	[sflag:s30] =	ssyncset.done $0x0  }
.Ltmp6:
0xc3: {  	[sflag:s30] =	ssyncadd.s32 $0xFFFFFF90;
	(pc) =	sbr.rel @p1 .LBB2_8-.Ltmp6, $4  }
0xc4: {  	[tilespmem:s10], [sflag:$0x6] =	stream.indirect.gather [hbm4b:s4+s11], $0x80, s12, s11, $0xb8;
	[tilespmem:$0x1EB00] =	vst v63  }
0xc5: {  	_ =	swait.ge [sflag:s8], $0x3800  }
0xc6: {  	[sflag:s8] =	ssyncset.done $0x0  }
0xc7: {  	[sflag:s8] =	ssyncadd.s32 $0xFFFFC800  }
0xc8: {  	s16 =	rddreg [dreg:$0xc]  }
0xc9: {  	s21 =	rddreg [dreg:$0xb];
	s16 =	sadd.s32 s6, s16  }
0xca: {  	[tilespmem:s0], [sflag:$0x2] =	stream.linear.gather [hbm4b:s16+s2], $0x70, $0x38;
	[tilespmem:$0x1EB00] =	vst v63  }
0xcb: {  	s16 =	sadd.s32 s6, s21  }
0xcc: {  	[tilespmem:s3], [sflag:$0x2] =	stream.linear.gather [hbm4b:s16+s2], $0x70, $0x38;
	[tilespmem:$0x1EB00] =	vst v63  }
0xcd: {  	_ =	swait.ge [sflag:s5], $0x3800  }
0xce: {  	[sflag:s5] =	ssyncset.done $0x0  }
0xcf: {  	[sflag:s5] =	ssyncadd.s32 $0xFFFFC800  }
0xd0: {  	[spmem:s1] =	stream.indirect.scatter.add.f32 [tilespmem:s10], [sflag:$0x9], $0x80, s13, s11, $0xb8;
	[tilespmem:$0x1EB00] =	vst v63  }
0xd1: {  	_ =	swait.ge [sflag:s9], $0x70  }
0xd2: {  	[sflag:s9] =	ssyncset.done $0x0  }
.Ltmp7:
0xd3: {  	[sflag:s9] =	ssyncadd.s32 $0xFFFFFF90;
	(pc) =	sbr.rel .LBB2_6-.Ltmp7, $4  }
0xd4: {  	_ =	swait.ge [sflag:s9], $0x70  }
0xd5: {  	[sflag:s9] =	ssyncset.done $0x0  }
0xd6: {  	s15 =	sadd.s32 $0x150, s15;
	s6 =	sadd.s32 $0x2A, s6;
	[sflag:s9] =	ssyncadd.s32 $0xFFFFFF90  }
0xd7: {  	[tilespmem:s7], [sflag:$0x4] =	stream.indirect.gather [hbm4b:s4+s11], $0x80, s2, s11, $0xb8;
	[tilespmem:$0x1EB00] =	vst v63  }
.LBB2_9:
0xd8: {  	_ =	sfence.sel $0x180000  }
0xd9: {  	[bflag:$0x0] =	sbarrier.arrive $0xFFFF  }
0xda: {  	_ =	strace $0x9000004A  }
0xdb: {  	s0 =	stileid.u32;
	[bflag:$0x2] =	sbarrier.arrive $0xFFFF  }
0xdc: {  	p0 =	sne.s32 s0, $0x0;
	s0 =	rddreg [dreg:$0x2]  }
0xdd: {  	s0 =	sadd.s32 @!p0 $0x100000, s0  }
0xde: {  	[sflag:s0] =	ssyncadd.tile.s32 @!p0 $0x1;
	_ =	shalt  }
.Lfunc_end2:
_tile_overlayer_lowered:
.L_overlay_start_2:
0xdf: {  	(tag) =	ssettag $0x2  }
0xe0: {  	s0 =	rddreg [dreg:$0x0];
	s2 =	stileid.u32  }
0xe1: {  	s1 =	rddreg [dreg:$0x1];
	p0 =	sne.s32 s2, $0x0  }
0xe2: {  	s3 =	rddreg [dreg:$0x2];
	[bflag:$0x3] =	sbarrier.arrive $0xFFFF;
	s2 =	simm.s32 @!p0 $0x1C0A  }
0xe3: {  	[timem:s3], [sflag:s2] =	dma.local @!p0 [hbm:s0], s1  }
0xe4: {  	s0 =	simm.s32 @!p0 $0xA  }
0xe5: {  	_ =	swait.ge @!p0 [sflag:s0], s1  }
0xe6: {  	s1 =	ssub.s32 @!p0 $0x0, s1;
	[sflag:s0] =	ssyncset.done @!p0 $0x0  }
0xe7: {  	[sflag:s0] =	ssyncadd.s32 @!p0 s1  }
0xe8: {  	[bflag:$0x3] =	sbarrier.arrive $0xFFFF  }
0xe9: {  	_ =	shalt  }

// kernel: kernel.14.cloned.1.call-start
scs
__scs_entry_jumppad:
0x0: {  	(pc) =	sbr.rel $0x88, $3  }
0x1: {  	(tag) =	ssettag $0x0;
	lr =	simm.s32 $0x1  }
0x2: {  	[smem:$0x3F98] =	sst lr;
	_ =	strace $0xD0000000  }
0x3: {  	_ = 	snop  }
0x4: {  	_ = 	snop  }
0x5: {  	_ = 	snop  }
0x6: {  	_ = 	snop  }
0x7: {  	_ = 	snop  }
__scs_overlays_trampoline_lowered:
0x8: {  	[smem:$0x3FA7] =	sst s0  }
0x9: {  	[smem:$0x3FA8] =	sst s1  }
0xa: {  	[smem:$0x3FA9] =	sst s2  }
0xb: {  	[smem:$0x3FAA] =	sst s3  }
0xc: {  	[smem:$0x3FAB] =	sst s4  }
0xd: {  	[smem:$0x3FAC] =	sst s5  }
0xe: {  	[smem:$0x3FAD] =	sst s6  }
0xf: {  	[smem:$0x3FAE] =	sst s7  }
0x10: {  	[smem:$0x3FAF] =	sst s8  }
0x11: {  	[smem:$0x3FB0] =	sst s9;
	s0 =	simm.s32 @!p0 $0x0  }
0x12: {  	s1 =	sld [smem:$0x3F96];
	s0 =	simm.s32 @p0 $0x1  }
0x13: {  	[smem:$0x3FB1] =	sst s0;
	s0 =	simm.s32 @!p1 $0x0  }
0x14: {  	s2 =	sld [smem:$0x3F95];
	s0 =	simm.s32 @p1 $0x1  }
0x15: {  	[smem:$0x3FB2] =	sst s0;
	s0 =	simm.s32 @!p2 $0x0  }
0x16: {  	s3 =	sld [smem:$0x3FDB];
	s0 =	simm.s32 @p2 $0x1  }
0x17: {  	s4 =	simm.s32 $0x1BF5;
	[smem:$0x3FB4] =	sst s0  }
0x18: {  	s0 =	sld [smem:$0x3F97];
	_ =	swait.ge [sflag:s4], $0x0  }
0x19: {  	s7 =	sld [smem:$0x3F98]  }
0x1a: {  	s8 =	sadd.s32 $0xFFFFE003, lr  }
0x1b: {  	s9 =	sadd.s32 $0xFFFFFEF7, lr;
	s5 =	simm.s32 $0xFFFFFFFF;
	p2 =	slt.u32 s8, $0xFFFFF086  }
0x1c: {  	p1 =	slt.u32 s9, $0xF7A;
	s5 =	simm.s32 @!p2 $0x0  }
0x1d: {  	s5 =	simm.s32 @p1 $0x1;
	p0 =	seq.s32 s7, s2  }
0x1e: {  	s7 =	smul.u32 @!p0 $0xF7A, s2;
	p2 =	seq.s32 @!p0 s5, $0x0  }
0x1f: {  	s9 =	smul.u32 $0xF7A, s1;
	s8 =	simm.s32 @!p0 $0x1BF5;
	p2 =	por !p2, p0  }
0x20: {  	[sflag:s8] =	ssyncset.s32 @!p0 $0xFFFFF086;
	s6 =	sadd.s32 @!p0 s3, s7;
	s7 =	simm.s32 @!p0 $0x108  }
0x21: {  	s3 =	sadd.s32 s3, s9;
	s6 =	sadd.s32 @!p0 $0x88, s6;
	s7 =	simm.s32 @p2 $0x1082  }
0x22: {  	[simem:s7], [sflag:s8] =	dma.local @!p0 [hbm:s6], $0xF7A  }
0x23: {  	s9 =	sor.u32 $0xD0000000, s2;
	s6 =	simm.s32 $0x108;
	_ =	swait.ge @!p0 [sflag:s8], $0x0  }
0x24: {  	s3 =	sadd.s32 $0x88, s3;
	s6 =	simm.s32 @!p1 $0x1082;
	[sflag:s4] =	ssyncset.s32 $0xFFFFF086  }
0x25: {  	[simem:s6], [sflag:s4] =	dma.local [hbm:s3], $0xF7A  }
0x26: {  	[smem:$0x3F98] =	sst s1;
	(tag) =	ssettag s2;
	_ =	strace s9  }
0x27: {  	s1 =	sld [smem:$0x3FA8]  }
0x28: {  	s2 =	sld [smem:$0x3FA9]  }
0x29: {  	s4 =	sld [smem:$0x3FAB]  }
0x2a: {  	p0 =	seq.s32 s5, $0x0;
	s5 =	sld [smem:$0x3FAC]  }
0x2b: {  	s6 =	sld [smem:$0x3FAD]  }
0x2c: {  	s7 =	sld [smem:$0x3FAE]  }
0x2d: {  	s3 =	simm.s32 $0x108;
	s8 =	sld [smem:$0x3FAF]  }
0x2e: {  	s3 =	simm.s32 @!p0 $0x1082;
	s9 =	sld [smem:$0x3FB0]  }
0x2f: {  	lr =	sadd.s32 s0, s3;
	s0 =	sld [smem:$0x3FA7]  }
0x30: {  	s3 =	sld [smem:$0x3FAA]  }
0x31: {  	[smem:$0x3FB3] =	sst s10  }
0x32: {  	s10 =	sld [smem:$0x3FB1];
	_ =	sdelay $0x3  }
0x33: {  	p0 =	seq.s32 s10, $0x1;
	s10 =	sld [smem:$0x3FB3];
	_ =	sdelay $0x3  }
0x34: {  	[smem:$0x3FB3] =	sst s10  }
0x35: {  	s10 =	sld [smem:$0x3FB2];
	_ =	sdelay $0x3  }
0x36: {  	p1 =	seq.s32 s10, $0x1;
	s10 =	sld [smem:$0x3FB3];
	_ =	sdelay $0x3  }
0x37: {  	[smem:$0x3FB3] =	sst s10  }
0x38: {  	s10 =	sld [smem:$0x3FB4]  }
0x39: {  	_ = 	snop;
	(pc) =	sbr.ind lr, $3  }
0x3a: {  	_ = 	snop  }
0x3b: {  	_ = 	snop  }
0x3c: {  	p2 =	seq.s32 s10, $0x1;
	s10 =	sld [smem:$0x3FB3]  }
0x3d: {  	_ =	shalt  }
0x3e: {  	_ =	shalt  }
0x3f: {  	_ =	shalt  }
0x40: {  	_ =	shalt  }
0x41: {  	_ =	shalt  }
0x42: {  	_ =	shalt  }
0x43: {  	_ =	shalt  }
0x44: {  	_ =	shalt  }
0x45: {  	_ =	shalt  }
0x46: {  	_ =	shalt  }
0x47: {  	_ =	shalt  }
0x48: {  	_ =	shalt  }
0x49: {  	_ =	shalt  }
0x4a: {  	_ =	shalt  }
0x4b: {  	_ =	shalt  }
0x4c: {  	_ =	shalt  }
0x4d: {  	_ =	shalt  }
0x4e: {  	_ =	shalt  }
0x4f: {  	_ =	shalt  }
0x50: {  	_ =	shalt  }
0x51: {  	_ =	shalt  }
0x52: {  	_ =	shalt  }
0x53: {  	_ =	shalt  }
0x54: {  	_ =	shalt  }
0x55: {  	_ =	shalt  }
0x56: {  	_ =	shalt  }
0x57: {  	_ =	shalt  }
0x58: {  	_ =	shalt  }
0x59: {  	_ =	shalt  }
0x5a: {  	_ =	shalt  }
0x5b: {  	_ =	shalt  }
0x5c: {  	_ =	shalt  }
0x5d: {  	_ =	shalt  }
0x5e: {  	_ =	shalt  }
0x5f: {  	_ =	shalt  }
0x60: {  	_ =	shalt  }
0x61: {  	_ =	shalt  }
0x62: {  	_ =	shalt  }
0x63: {  	_ =	shalt  }
0x64: {  	_ =	shalt  }
0x65: {  	_ =	shalt  }
0x66: {  	_ =	shalt  }
0x67: {  	_ =	shalt  }
0x68: {  	_ =	shalt  }
0x69: {  	_ =	shalt  }
0x6a: {  	_ =	shalt  }
0x6b: {  	_ =	shalt  }
0x6c: {  	_ =	shalt  }
0x6d: {  	_ =	shalt  }
0x6e: {  	_ =	shalt  }
0x6f: {  	_ =	shalt  }
0x70: {  	_ =	shalt  }
0x71: {  	_ =	shalt  }
0x72: {  	_ =	shalt  }
0x73: {  	_ =	shalt  }
0x74: {  	_ =	shalt  }
0x75: {  	_ =	shalt  }
0x76: {  	_ =	shalt  }
0x77: {  	_ =	shalt  }
0x78: {  	_ =	shalt  }
0x79: {  	_ =	shalt  }
0x7a: {  	_ =	shalt  }
0x7b: {  	_ =	shalt  }
0x7c: {  	_ =	shalt  }
0x7d: {  	_ =	shalt  }
0x7e: {  	_ =	shalt  }
0x7f: {  	_ =	shalt  }
0x80: {  	_ =	shalt  }
0x81: {  	_ =	shalt  }
0x82: {  	_ =	shalt  }
0x83: {  	_ =	shalt  }
0x84: {  	_ =	shalt  }
0x85: {  	_ =	shalt  }
0x86: {  	_ =	shalt  }
0x87: {  	_ =	shalt  }
.Lfunc_end0:
.L_simem_size_0:
called_computation.2_lowered:
.L_overlay_start_0:
0x88: {  	s2 =	sld [smem:$0x3FD9]  }
0x89: {  	s3 =	sld [smem:$0x3FFE];
	_ =	sdelay $0x1  }
0x8a: {  	s1 =	srdreg.scid  }
0x8b: {  	s0 =	sand.u32 $0x1, s1  }
0x8c: {  	s16 =	sshll.u32 s0, $0xA;
	s2 =	sadd.s32 s3, s2  }
0x8d: {  	s2 =	sadd.s32 s2, s16  }
0x8e: {  	[smem:$0x3FBF] =	sst s2  }
0x8f: {  	_ = 	snop  }
0x90: {  	(tm) =	ssettm $0x1  }
0x91: {  	s17 =	sld [smem:$0x3FFB];
	_ =	sdelay $0x3  }
0x92: {  	_ =	strace s17  }
0x93: {  	s2 =	sld [smem:$0x3FFC];
	_ =	sdelay $0x3  }
0x94: {  	_ =	strace s2  }
0x95: {  	s2 =	sld [smem:$0x3FFD];
	_ =	sdelay $0x3  }
0x96: {  	_ =	strace s2  }
0x97: {  	_ =	strace $0x8FFFFFFF  }
0x98: {  	s18 =	sld [smem:$0x3FDB];
	_ =	sdelay $0x1  }
0x99: {  	s19 =	simm.s32 $_scs_section_size  }
0x9a: {  	s4 =	simm.s32 $_size__tile_overlayer_lowered;
	s5 =	simm.s32 $_tile_overlayer_lowered  }
0x9b: {  	s22 =	simm.s32 $0x1BFF;
	s21 =	sshll.u32 s5, $0x1;
	s2 =	sadd.s32 s19, s18  }
0x9c: {  	s6 =	simm.s32 $0x0;
	s20 =	sshll.u32 s4, $0x1;
	s4 =	sadd.s32 s21, s2  }
0x9d: {  	[timem:s6], [sflag:s22] =	dma.local [hbm:s4], s20  }
0x9e: {  	_ =	swait.ge [sflag:s22], s20  }
0x9f: {  	s3 =	ssub.s32 $0x0, s20;
	[sflag:s22] =	ssyncset.done $0x0  }
0xa0: {  	[sflag:s22] =	ssyncadd.s32 s3;
	_ =	sdelay $0x1  }
0xa1: {  	s23 =	simm.s32 $0x1B8B  }
0xa2: {  	_ =	swait.ge [sflag:s23], $0x1  }
0xa3: {  	[sflag:s23] =	ssyncset.done $0x0  }
0xa4: {  	s25 =	simm.s32 $0x1B8E;
	s24 =	sld [smem:$0x3FFE];
	[sflag:s23] =	ssyncadd.s32 $0xFFFFFFFF  }
0xa5: {  	s26 =	simm.s32 $execute0_lowered;
	[smem:$0x3FD2] =	sst s25  }
0xa6: {  	s4 =	sshll.u32 s26, $0x1;
	_ =	strace $0x8000004C;
	[dreg:$0x1] =	wrdreg $0xFFFFFFFF  }
0xa7: {  	s28 =	simm.s32 $_size_execute0_lowered;
	s2 =	sadd.s32 s2, s4;
	[dreg:$0x0] =	wrdreg $0x0  }
0xa8: {  	s4 =	sshll.u32 s28, $0x1;
	[dreg:$0x2] =	wrdreg s2  }
0xa9: {  	[dreg:$0x3] =	wrdreg s4  }
0xaa: {  	[dreg:$0x4] =	wrdreg $0xC0  }
0xab: {  	_ =	task [dreg:s6], $0x5FFFF  }
0xac: {  	[dreg:$0x1] =	wrdreg $0xFFFFFFFF  }
0xad: {  	[dreg:$0x0] =	wrdreg $0x60  }
0xae: {  	[dreg:$0x2] =	wrdreg s24  }
0xaf: {  	[dreg:$0x3] =	wrdreg $0xAB000  }
0xb0: {  	[dreg:$0x4] =	wrdreg $0x9  }
0xb1: {  	_ =	task.clear_ibuf [dreg:s6], $0x5FFFF;
	_ =	strace $0x9000004C  }
0xb2: {  	s29 =	simm.s32 $0x9;
	_ =	strace $0x8000004E  }
0xb3: {  	_ =	swait.ge [sflag:s29], $0x1  }
0xb4: {  	[sflag:s29] =	ssyncadd.s32 $0xFFFFFFFF  }
0xb5: {  	_ =	strace $0x9000004E  }
0xb6: {  	_ =	sfence  }
0xb7: {  	s30 =	sld [smem:$0x0];
	_ =	sdelay $0x2  }
0xb8: {  	s31 =	sshll.u32 s1, $0xD;
	s1 =	sshrl.u32 s1, $0x2  }
0xb9: {  	s3 =	sand.u32 $0x4000, s31;
	s1 =	sadd.s32 s1, s30  }
0xba: {  	s0 =	sor.u32 s3, s0;
	s1 =	sshll.u32 s1, $0x11  }
0xbb: {  	s0 =	sor.u32 s1, s0  }
0xbc: {  	s0 =	sadd.s32 $0x8F2B, s0  }
0xbd: {  	[sflag:s0] =	ssyncadd.remote.s32 $0x1  }
0xbe: {  	_ =	sfence.sel $0xFFFF  }
0xbf: {  	[dreg:$0x0] =	wrdreg $0xFFFFFFFF;
	(pc) =	sbr.abs _section_cstart, $3  }
0xc0: {  	[dreg:$0x1] =	wrdreg $0xFFFFFFFF  }
0xc1: {  	_ =	task.clear_ibuf [dreg:s6], $0x2FFFF;
	_ =	strace $0x9FFFFFFF  }
0xc2: {  	(tm) =	ssettm $0x7FFFFFFF  }
0xc3: {  	_ =	shalt  }
tec
execute0_lowered:
.L_overlay_start_1:
0x0: {  	(tag) =	ssettag $0x1  }
0x1: {  	s0 =	rddreg [dreg:$0x0]  }
0x2: {  	s1 =	rddreg [dreg:$0x1]  }
0x3: {  	s2 =	simm.s32 $0x0;
	s3 =	srdreg.scid;
	s10 =	stileid.u32  }
0x4: {  	s7 =	simm.s32 $0x2F40;
	s31 =	simm.s32 $0x180;
	s28 =	simm.s32 $0x7  }
0x5: {  	s29 =	simm.s32 $0x5;
	s30 =	simm.s32 $0x3;
	[smem:$0x7FF] =	sst s2  }
0x6: {  	s3 =	sand.u32 $0x1, s3;
	s6 =	smul.u32 $0x14000, s10;
	s4 =	sadd.s32 $0xC000, s0  }
0x7: {  	s11 =	sadd.s32 $0x5C000, s0;
	s12 =	sadd.s32 $0x2200, s0;
	_ =	strace $0x8000004D  }
0x8: {  	s5 =	smul.u32 $0x140000, s3;
	p0 =	seq.s32 s3, $0x0;
	s14 =	ssub.s32 $0x2, s3  }
0x9: {  	s8 =	smul.u32 $0x2F400, s3;
	s7 =	simm.s32 @!p0 $0x1F80;
	s9 =	sshrl.u32 s14, $0x1  }
0xa: {  	p0 =	sne.s32 s3, $0x0;
	s5 =	sadd.s32 s6, s5;
	s13 =	smul.u32 s7, s10  }
0xb: {  	s10 =	smul.u32 $0x50000, s10;
	s15 =	ssub.s32 s14, s9;
	s5 =	sshrl.u32 s5, $0x3  }
0xc: {  	s23 =	smax.u32 s15, $0x1;
	s8 =	sadd.s32 s8, s13;
	s0 =	sadd.s32 s5, s0  }
0xd: {  	s10 =	sshrl.u32 s10, $0x2;
	[dreg:$0xa] =	wrdreg s23;
	s0 =	sadd.s32 $0x65E00, s0  }
0xe: {  	s16 =	sshrl.u32 s8, $0x3;
	s10 =	sadd.s32 s10, s1;
	[dreg:$0x9] =	wrdreg s0  }
0xf: {  	s3 =	simm.s32 $0x200;
	s17 =	sadd.s32 s11, s16;
	[dreg:$0x6] =	wrdreg s10  }
0x10: {  	s5 =	simm.s32 $0x6;
	s7 =	sadd.s32 s12, s16;
	[dreg:$0x3] =	wrdreg s17  }
0x11: {  	s18 =	sadd.s32 $0xE, s16;
	s21 =	sadd.s32 $0x3800, s10;
	[dreg:$0x4] =	wrdreg s7  }
0x12: {  	s22 =	sadd.s32 $0x1C0, s8;
	s19 =	sadd.s32 s11, s18;
	[dreg:$0x8] =	wrdreg s21  }
0x13: {  	s24 =	sshrl.u32 s22, $0x3;
	s20 =	sadd.s32 s12, s18;
	[dreg:$0x5] =	wrdreg s19  }
0x14: {  	s26 =	sadd.s32 $0xE0, s8;
	s25 =	sadd.s32 s24, s12;
	[dreg:$0x7] =	wrdreg s20  }
0x15: {  	s0 =	sadd.s32 s24, s11;
	s7 =	sadd.s32 $0x150, s8;
	[dreg:$0xb] =	wrdreg s25  }
0x16: {  	s8 =	sshrl.u32 s13, $0x3;
	s18 =	smov.u32 s11;
	[dreg:$0xc] =	wrdreg s0  }
0x17: {  	s17 =	sadd.s32 $0x7000, s10;
	s21 =	sadd.s32 $0xE000, s10;
	[dreg:$0xd] =	wrdreg s7  }
0x18: {  	s0 =	sshrl.u32 s26, $0x3;
	s13 =	sadd.s32 $0x38, s8;
	s15 =	sadd.s32 $0x2A, s8  }
0x19: {  	s16 =	sadd.s32 $0x1C, s8;
	s19 =	smov.u32 s12;
	[dreg:$0x12] =	wrdreg s17  }
0x1a: {  	s20 =	sadd.s32 $0xA800, s10;
	[dreg:$0x14] =	wrdreg s21;
	s26 =	sadd.s32 $0x11800, s10  }
0x1b: {  	s7 =	simm.s32 $0x300;
	s17 =	simm.s32 $0x2;
	s10 =	simm.s32 $0x7300  }
0x1c: {  	s8 =	simm.s32 $0x8;
	s9 =	sadd.s32 s0, s12;
	s0 =	sadd.s32 s0, s11  }
0x1d: {  	s14 =	sadd.s32 s13, s12;
	s22 =	sadd.s32 s15, s12;
	[dreg:$0x13] =	wrdreg s20  }
0x1e: {  	s23 =	sadd.s32 s15, s11;
	s24 =	sadd.s32 s16, s12;
	[dreg:$0x15] =	wrdreg s26  }
.Ltmp0:
0x1f: {  	s25 =	sadd.s32 s16, s11;
	[dreg:$0xe] =	wrdreg s9;
	(pc) =	sbr.rel .LBB2_1-.Ltmp0, $4  }
0x20: {  	s12 =	simm.s32 $0x100;
	s26 =	simm.s32 $0x3B00;
	[dreg:$0xf] =	wrdreg s0  }
0x21: {  	s16 =	simm.s32 $0x0;
	[dreg:$0x10] =	wrdreg s14;
	s0 =	sadd.s32 s13, s11  }
0x22: {  	s9 =	simm.s32 $0x1;
	s11 =	simm.s32 $0x70;
	s13 =	simm.s32 $0x280  }
0x23: {  	v0 =	vimm.f32 $0.0e+00;
	s14 =	simm.s32 $0x4;
	[dreg:$0x11] =	wrdreg s0;
	s0 =	simm.s32 $0x80  }
.LBB2_8:
0x24: {  	_ =	swait.ge [sflag:s5], $0x3800  }
0x25: {  	[sflag:s5] =	ssyncset.done $0x0  }
0x26: {  	s6 =	simm.s32 $0x9;
	[sflag:s5] =	ssyncadd.s32 $0xFFFFC800  }
0x27: {  	[spmem:s1] =	stream.indirect.scatter.add.f32 [tilespmem:s10], [sflag:$0x9], $0x80, s13, s11, $0xb8;
	[tilespmem:$0x1EB00] =	vst v63  }
0x28: {  	_ =	swait.ge [sflag:s6], $0x3800  }
0x29: {  	[sflag:s6] =	ssyncset.done $0x0  }
0x2a: {  	[sflag:s6] =	ssyncadd.s32 $0xFFFFC800  }
0x2b: {  	s16 =	stileid.u32;
	[bflag:$0x0] =	sbarrier.arrive $0xFFFF  }
0x2c: {  	s6 =	sshll.u32 s16, $0x6;
	s15 =	rddreg [dreg:$0x6]  }
0x2d: {  	s6 =	sor.u32 $0x1C0A, s6;
	s16 =	rddreg [dreg:$0x9];
	s15 =	sshrl.u32 s15, $0x3  }
0x2e: {  	[hbm:s16], [sflag:s6] =	dma.local [spmem:s15], $0x2800  }
0x2f: {  	s15 =	simm.s32 $0xA  }
0x30: {  	_ =	swait.ge [sflag:s15], $0x2800  }
0x31: {  	s20 =	rddreg [dreg:$0x16]  }
0x32: {  	s21 =	rddreg [dreg:$0xa];
	s16 =	sadd.s32 $0x1, s20  }
0x33: {  	p1 =	sne.s32 s16, s21  }
.Ltmp1:
0x34: {  	_ = 	snop;
	(pc) =	sbr.rel @!p1 .LBB2_9-.Ltmp1, $3  }
0x35: {  	_ =	sdelay $0x1  }
0x36: {  	[sflag:s15] =	ssyncset.done $0x0  }
0x37: {  	[sflag:s15] =	ssyncadd.s32 $0xFFFFD800  }
.LBB2_1:
0x38: {  	[dreg:$0x16] =	wrdreg s16  }
0x39: {  	s6 =	rddreg [dreg:$0x3]  }
0x3a: {  	[tilespmem:s2], [sflag:$0x1] =	stream.linear.gather [hbm4b:s6+s2], $0x70, $0x38;
	[tilespmem:$0x1EB00] =	vst v63  }
0x3b: {  	s21 =	rddreg [dreg:$0x4]  }
0x3c: {  	[tilespmem:s31], [sflag:$0x1] =	stream.linear.gather [hbm4b:s21+s2], $0x70, $0x38;
	[tilespmem:$0x1EB00] =	vst v63  }
0x3d: {  	s15 =	rddreg [dreg:$0x5];
	s20 =	sand.u32 $0xFE00, s2  }
0x3e: {  	[tilespmem:s0], [sflag:$0x2] =	stream.linear.gather [hbm4b:s15+s2], $0x70, $0x38;
	[tilespmem:$0x1EB00] =	vst v63  }
0x3f: {  	s16 =	rddreg [dreg:$0x7];
	s21 =	sshrl.u32 s20, $0x2;
	s15 =	sand.u32 $0x70, s2  }
0x40: {  	[tilespmem:s3], [sflag:$0x2] =	stream.linear.gather [hbm4b:s16+s2], $0x70, $0x38;
	[tilespmem:$0x1EB00] =	vst v63  }
0x41: {  	s6 =	simm.s32 $0x40;
	s16 =	sor.u32 s15, s21;
	s15 =	simm.s32 $0x0  }
.LBB2_2:
0x42: {  	p1 =	sne.s32 s6, $0xDFC0  }
0x43: {  	[tilespmem:s16+$0x300] =	vst v0;
	s15 =	sadd.s32 $0x10, s15;
	s16 =	smov.u32 s6;
	s6 =	sadd.s32 $0x40, s6  }
.Ltmp2:
0x44: {  	(pc) =	sbr.rel @p1 .LBB2_2-.Ltmp2, $4  }
0x45: {  	_ = 	snop  }
0x46: {  	s16 =	sand.u32 $0xFE00, s16  }
0x47: {  	s20 =	sand.u32 $0x70, s15;
	s16 =	sshrl.u32 s16, $0x2  }
0x48: {  	s16 =	sor.u32 s20, s16  }
0x49: {  	[tilespmem:s16+$0x300] =	vst v0;
	s6 =	rddreg [dreg:$0x6];
	s15 =	simm.s32 $0xA  }
0x4a: {  	[spmem:s6] =	stream.linear.scatter [tilespmem:s7], [sflag:$0xA], $0x3800, $0x38;
	[tilespmem:$0x1EB00] =	vst v63  }
0x4b: {  	_ =	swait.ge [sflag:s15], $0x3800  }
0x4c: {  	[sflag:s15] =	ssyncset.done $0x0  }
0x4d: {  	s20 =	rddreg [dreg:$0x8];
	[sflag:s15] =	ssyncadd.s32 $0xFFFFC800  }
0x4e: {  	[spmem:s20] =	stream.linear.scatter [tilespmem:s7], [sflag:$0xA], $0x3800, $0x38;
	[tilespmem:$0x1EB00] =	vst v63  }
0x4f: {  	_ =	swait.ge [sflag:s15], $0x3800  }
0x50: {  	[sflag:s15] =	ssyncset.done $0x0  }
0x51: {  	s21 =	rddreg [dreg:$0x12];
	[sflag:s15] =	ssyncadd.s32 $0xFFFFC800  }
0x52: {  	[spmem:s21] =	stream.linear.scatter [tilespmem:s7], [sflag:$0xA], $0x3800, $0x38;
	[tilespmem:$0x1EB00] =	vst v63  }
0x53: {  	_ =	swait.ge [sflag:s15], $0x3800  }
0x54: {  	[sflag:s15] =	ssyncset.done $0x0  }
0x55: {  	s16 =	rddreg [dreg:$0x13];
	[sflag:s15] =	ssyncadd.s32 $0xFFFFC800  }
0x56: {  	[spmem:s16] =	stream.linear.scatter [tilespmem:s7], [sflag:$0xA], $0x3800, $0x38;
	[tilespmem:$0x1EB00] =	vst v63  }
0x57: {  	_ =	swait.ge [sflag:s15], $0x3800  }
0x58: {  	[sflag:s15] =	ssyncset.done $0x0  }
0x59: {  	s20 =	rddreg [dreg:$0x14];
	[sflag:s15] =	ssyncadd.s32 $0xFFFFC800  }
0x5a: {  	[spmem:s20] =	stream.linear.scatter [tilespmem:s7], [sflag:$0xA], $0x3800, $0x38;
	[tilespmem:$0x1EB00] =	vst v63  }
0x5b: {  	_ =	swait.ge [sflag:s15], $0x3800  }
0x5c: {  	[sflag:s15] =	ssyncset.done $0x0  }
0x5d: {  	s21 =	rddreg [dreg:$0x15];
	[sflag:s15] =	ssyncadd.s32 $0xFFFFC800  }
0x5e: {  	[spmem:s21] =	stream.linear.scatter [tilespmem:s7], [sflag:$0xA], $0x2800, $0x38;
	[tilespmem:$0x1EB00] =	vst v63  }
0x5f: {  	_ =	swait.ge [sflag:s15], $0x2800  }
0x60: {  	[sflag:s15] =	ssyncset.done $0x0  }
0x61: {  	[sflag:s15] =	ssyncadd.s32 $0xFFFFD800  }
0x62: {  	[bflag:$0x0] =	sbarrier.arrive $0xFFFF  }
0x63: {  	_ =	swait.ge [sflag:s9], $0x70  }
0x64: {  	[sflag:s9] =	ssyncset.done $0x0  }
.Ltmp3:
0x65: {  	[sflag:s9] =	ssyncadd.s32 $0xFFFFFF90;
	(pc) =	sbr.rel @p0 .LBB2_6-.Ltmp3, $4  }
0x66: {  	_ =	swait.ge [sflag:s9], $0x70  }
0x67: {  	[sflag:s9] =	ssyncset.done $0x0  }
0x68: {  	s6 =	simm.s32 $0x0;
	s15 =	rddreg [dreg:$0xd];
	[sflag:s9] =	ssyncadd.s32 $0xFFFFFF90  }
0x69: {  	[tilespmem:s7], [sflag:$0x4] =	stream.indirect.gather [hbm4b:s4+s11], $0x80, s6, s11, $0xb8;
	[tilespmem:$0x1EB00] =	vst v63  }
.LBB2_4:
0x6a: {  	p1 =	seq.s32 s6, $0x0  }
0x6b: {  	s15 =	simm.s32 @!p1 $0x9  }
0x6c: {  	_ =	swait.ge @!p1 [sflag:s15], $0x3800  }
0x6d: {  	[sflag:s15] =	ssyncset.done @!p1 $0x0  }
0x6e: {  	s20 =	sadd.s32 s6, s25;
	[sflag:s15] =	ssyncadd.s32 @!p1 $0xFFFFC800  }
0x6f: {  	[tilespmem:s12], [sflag:$0x3] =	stream.linear.gather [hbm4b:s20+s2], $0x70, $0x38;
	[tilespmem:$0x1EB00] =	vst v63  }
0x70: {  	s21 =	sadd.s32 s6, s24  }
0x71: {  	[tilespmem:s13], [sflag:$0x3] =	stream.linear.gather [hbm4b:s21+s2], $0x70, $0x38;
	[tilespmem:$0x1EB00] =	vst v63  }
0x72: {  	_ =	swait.ge [sflag:s14], $0x3800  }
0x73: {  	[sflag:s14] =	ssyncset.done $0x0  }
0x74: {  	[sflag:s14] =	ssyncadd.s32 $0xFFFFC800  }
0x75: {  	[spmem:s1] =	stream.indirect.scatter.add.f32 [tilespmem:s7], [sflag:$0x7], $0x80, s31, s11, $0xb8;
	[tilespmem:$0x1EB00] =	vst v63  }
0x76: {  	_ =	swait.ge [sflag:s17], $0x70  }
0x77: {  	[sflag:s17] =	ssyncset.done $0x0  }
0x78: {  	[sflag:s17] =	ssyncadd.s32 $0xFFFFFF90  }
0x79: {  	_ =	swait.ge [sflag:s17], $0x70  }
0x7a: {  	[sflag:s17] =	ssyncset.done $0x0  }
0x7b: {  	[sflag:s17] =	ssyncadd.s32 $0xFFFFFF90  }
0x7c: {  	[tilespmem:s26], [sflag:$0x5] =	stream.indirect.gather [hbm4b:s4+s11], $0x80, s0, s11, $0xb8;
	[tilespmem:$0x1EB00] =	vst v63  }
0x7d: {  	_ =	swait.ge [sflag:s28], $0x3800  }
0x7e: {  	p1 =	seq.s32 s6, $0x5BE;
	[sflag:s28] =	ssyncset.done $0x0  }
0x7f: {  	s15 =	sadd.s32 @!p1 s6, s23;
	s16 =	simm.s32 @!p1 $0x0;
	[sflag:s28] =	ssyncadd.s32 $0xFFFFC800  }
0x80: {  	[tilespmem:s16], [sflag:$0x1] =	stream.linear.gather @!p1 [hbm4b:s15+s16], $0x70, $0x38;
	[tilespmem:$0x1EB00] =	vst v63  }
0x81: {  	s20 =	simm.s32 @!p1 $0x180;
	s15 =	sadd.s32 @!p1 s6, s22  }
0x82: {  	[tilespmem:s20], [sflag:$0x1] =	stream.linear.gather @!p1 [hbm4b:s15+s16], $0x70, $0x38;
	[tilespmem:$0x1EB00] =	vst v63  }
0x83: {  	_ =	swait.ge [sflag:s29], $0x3800  }
0x84: {  	[sflag:s29] =	ssyncset.done $0x0  }
0x85: {  	[sflag:s29] =	ssyncadd.s32 $0xFFFFC800  }
0x86: {  	[spmem:s1] =	stream.indirect.scatter.add.f32 [tilespmem:s26], [sflag:$0x8], $0x80, s3, s11, $0xb8;
	[tilespmem:$0x1EB00] =	vst v63  }
0x87: {  	_ =	swait.ge [sflag:s30], $0x70  }
0x88: {  	[sflag:s30] =	ssyncset.done $0x0  }
0x89: {  	[sflag:s30] =	ssyncadd.s32 $0xFFFFFF90  }
0x8a: {  	_ =	swait.ge [sflag:s30], $0x70  }
0x8b: {  	[sflag:s30] =	ssyncset.done $0x0  }
.Ltmp4:
0x8c: {  	[sflag:s30] =	ssyncadd.s32 $0xFFFFFF90;
	(pc) =	sbr.rel @p1 .LBB2_8-.Ltmp4, $4  }
0x8d: {  	[tilespmem:s10], [sflag:$0x6] =	stream.indirect.gather [hbm4b:s4+s11], $0x80, s12, s11, $0xb8;
	[tilespmem:$0x1EB00] =	vst v63  }
0x8e: {  	_ =	swait.ge [sflag:s8], $0x3800  }
0x8f: {  	[sflag:s8] =	ssyncset.done $0x0  }
0x90: {  	[sflag:s8] =	ssyncadd.s32 $0xFFFFC800  }
0x91: {  	s15 =	rddreg [dreg:$0x11]  }
0x92: {  	s21 =	rddreg [dreg:$0x10];
	s15 =	sadd.s32 s6, s15  }
0x93: {  	[tilespmem:s0], [sflag:$0x2] =	stream.linear.gather [hbm4b:s15+s2], $0x70, $0x38;
	[tilespmem:$0x1EB00] =	vst v63  }
0x94: {  	s15 =	sadd.s32 s6, s21  }
0x95: {  	[tilespmem:s3], [sflag:$0x2] =	stream.linear.gather [hbm4b:s15+s2], $0x70, $0x38;
	[tilespmem:$0x1EB00] =	vst v63  }
0x96: {  	_ =	swait.ge [sflag:s5], $0x3800  }
0x97: {  	[sflag:s5] =	ssyncset.done $0x0  }
0x98: {  	[sflag:s5] =	ssyncadd.s32 $0xFFFFC800  }
0x99: {  	[spmem:s1] =	stream.indirect.scatter.add.f32 [tilespmem:s10], [sflag:$0x9], $0x80, s13, s11, $0xb8;
	[tilespmem:$0x1EB00] =	vst v63  }
0x9a: {  	_ =	swait.ge [sflag:s9], $0x70  }
0x9b: {  	[sflag:s9] =	ssyncset.done $0x0  }
.Ltmp5:
0x9c: {  	[sflag:s9] =	ssyncadd.s32 $0xFFFFFF90;
	(pc) =	sbr.rel .LBB2_4-.Ltmp5, $4  }
0x9d: {  	_ =	swait.ge [sflag:s9], $0x70  }
0x9e: {  	[sflag:s9] =	ssyncset.done $0x0  }
0x9f: {  	s6 =	sadd.s32 $0x2A, s6;
	[sflag:s9] =	ssyncadd.s32 $0xFFFFFF90  }
0xa0: {  	[tilespmem:s7], [sflag:$0x4] =	stream.indirect.gather [hbm4b:s4+s11], $0x80, s2, s11, $0xb8;
	[tilespmem:$0x1EB00] =	vst v63  }
.LBB2_6:
0xa1: {  	p1 =	seq.s32 s6, $0x0  }
0xa2: {  	s16 =	simm.s32 @!p1 $0x9  }
0xa3: {  	_ =	swait.ge @!p1 [sflag:s16], $0x3800  }
0xa4: {  	[sflag:s16] =	ssyncset.done @!p1 $0x0;
	s20 =	rddreg [dreg:$0xf]  }
0xa5: {  	s21 =	rddreg [dreg:$0xe];
	[sflag:s16] =	ssyncadd.s32 @!p1 $0xFFFFC800;
	s16 =	sadd.s32 s6, s20  }
0xa6: {  	[tilespmem:s12], [sflag:$0x3] =	stream.linear.gather [hbm4b:s16+s2], $0x70, $0x38;
	[tilespmem:$0x1EB00] =	vst v63  }
0xa7: {  	s16 =	sadd.s32 s6, s21  }
0xa8: {  	[tilespmem:s13], [sflag:$0x3] =	stream.linear.gather [hbm4b:s16+s2], $0x70, $0x38;
	[tilespmem:$0x1EB00] =	vst v63  }
0xa9: {  	_ =	swait.ge [sflag:s14], $0x3800  }
0xaa: {  	[sflag:s14] =	ssyncset.done $0x0  }
0xab: {  	[sflag:s14] =	ssyncadd.s32 $0xFFFFC800  }
0xac: {  	[spmem:s1] =	stream.indirect.scatter.add.f32 [tilespmem:s7], [sflag:$0x7], $0x80, s31, s11, $0xb8;
	[tilespmem:$0x1EB00] =	vst v63  }
0xad: {  	_ =	swait.ge [sflag:s17], $0x70  }
0xae: {  	[sflag:s17] =	ssyncset.done $0x0  }
0xaf: {  	[sflag:s17] =	ssyncadd.s32 $0xFFFFFF90  }
0xb0: {  	_ =	swait.ge [sflag:s17], $0x70  }
0xb1: {  	[sflag:s17] =	ssyncset.done $0x0  }
0xb2: {  	[sflag:s17] =	ssyncadd.s32 $0xFFFFFF90  }
0xb3: {  	[tilespmem:s26], [sflag:$0x5] =	stream.indirect.gather [hbm4b:s4+s11], $0x80, s0, s11, $0xb8;
	[tilespmem:$0x1EB00] =	vst v63  }
0xb4: {  	p1 =	seq.s32 s6, $0x3C6;
	_ =	swait.ge [sflag:s28], $0x3800  }
0xb5: {  	s16 =	sshrl.u32 @!p1 s15, $0x3;
	[sflag:s28] =	ssyncset.done $0x0  }
0xb6: {  	s21 =	simm.s32 @!p1 $0x0;
	s20 =	sadd.s32 @!p1 s18, s16;
	[sflag:s28] =	ssyncadd.s32 $0xFFFFC800  }
0xb7: {  	[tilespmem:s21], [sflag:$0x1] =	stream.linear.gather @!p1 [hbm4b:s20+s21], $0x70, $0x38;
	[tilespmem:$0x1EB00] =	vst v63  }
0xb8: {  	s16 =	sadd.s32 @!p1 s19, s16;
	s20 =	simm.s32 @!p1 $0x180  }
0xb9: {  	[tilespmem:s20], [sflag:$0x1] =	stream.linear.gather @!p1 [hbm4b:s16+s21], $0x70, $0x38;
	[tilespmem:$0x1EB00] =	vst v63  }
0xba: {  	_ =	swait.ge [sflag:s29], $0x3800  }
0xbb: {  	[sflag:s29] =	ssyncset.done $0x0  }
0xbc: {  	[sflag:s29] =	ssyncadd.s32 $0xFFFFC800  }
0xbd: {  	[spmem:s1] =	stream.indirect.scatter.add.f32 [tilespmem:s26], [sflag:$0x8], $0x80, s3, s11, $0xb8;
	[tilespmem:$0x1EB00] =	vst v63  }
0xbe: {  	_ =	swait.ge [sflag:s30], $0x70  }
0xbf: {  	[sflag:s30] =	ssyncset.done $0x0  }
0xc0: {  	[sflag:s30] =	ssyncadd.s32 $0xFFFFFF90  }
0xc1: {  	_ =	swait.ge [sflag:s30], $0x70  }
0xc2: {  	[sflag:s30] =	ssyncset.done $0x0  }
.Ltmp6:
0xc3: {  	[sflag:s30] =	ssyncadd.s32 $0xFFFFFF90;
	(pc) =	sbr.rel @p1 .LBB2_8-.Ltmp6, $4  }
0xc4: {  	[tilespmem:s10], [sflag:$0x6] =	stream.indirect.gather [hbm4b:s4+s11], $0x80, s12, s11, $0xb8;
	[tilespmem:$0x1EB00] =	vst v63  }
0xc5: {  	_ =	swait.ge [sflag:s8], $0x3800  }
0xc6: {  	[sflag:s8] =	ssyncset.done $0x0  }
0xc7: {  	[sflag:s8] =	ssyncadd.s32 $0xFFFFC800  }
0xc8: {  	s16 =	rddreg [dreg:$0xc]  }
0xc9: {  	s21 =	rddreg [dreg:$0xb];
	s16 =	sadd.s32 s6, s16  }
0xca: {  	[tilespmem:s0], [sflag:$0x2] =	stream.linear.gather [hbm4b:s16+s2], $0x70, $0x38;
	[tilespmem:$0x1EB00] =	vst v63  }
0xcb: {  	s16 =	sadd.s32 s6, s21  }
0xcc: {  	[tilespmem:s3], [sflag:$0x2] =	stream.linear.gather [hbm4b:s16+s2], $0x70, $0x38;
	[tilespmem:$0x1EB00] =	vst v63  }
0xcd: {  	_ =	swait.ge [sflag:s5], $0x3800  }
0xce: {  	[sflag:s5] =	ssyncset.done $0x0  }
0xcf: {  	[sflag:s5] =	ssyncadd.s32 $0xFFFFC800  }
0xd0: {  	[spmem:s1] =	stream.indirect.scatter.add.f32 [tilespmem:s10], [sflag:$0x9], $0x80, s13, s11, $0xb8;
	[tilespmem:$0x1EB00] =	vst v63  }
0xd1: {  	_ =	swait.ge [sflag:s9], $0x70  }
0xd2: {  	[sflag:s9] =	ssyncset.done $0x0  }
.Ltmp7:
0xd3: {  	[sflag:s9] =	ssyncadd.s32 $0xFFFFFF90;
	(pc) =	sbr.rel .LBB2_6-.Ltmp7, $4  }
0xd4: {  	_ =	swait.ge [sflag:s9], $0x70  }
0xd5: {  	[sflag:s9] =	ssyncset.done $0x0  }
0xd6: {  	s15 =	sadd.s32 $0x150, s15;
	s6 =	sadd.s32 $0x2A, s6;
	[sflag:s9] =	ssyncadd.s32 $0xFFFFFF90  }
0xd7: {  	[tilespmem:s7], [sflag:$0x4] =	stream.indirect.gather [hbm4b:s4+s11], $0x80, s2, s11, $0xb8;
	[tilespmem:$0x1EB00] =	vst v63  }
.LBB2_9:
0xd8: {  	_ =	sfence.sel $0x180000  }
0xd9: {  	[bflag:$0x0] =	sbarrier.arrive $0xFFFF  }
0xda: {  	_ =	strace $0x9000004D  }
0xdb: {  	s0 =	stileid.u32;
	[bflag:$0x2] =	sbarrier.arrive $0xFFFF  }
0xdc: {  	p0 =	sne.s32 s0, $0x0;
	s0 =	rddreg [dreg:$0x2]  }
0xdd: {  	s0 =	sadd.s32 @!p0 $0x100000, s0  }
0xde: {  	[sflag:s0] =	ssyncadd.tile.s32 @!p0 $0x1;
	_ =	shalt  }
.Lfunc_end2:
_tile_overlayer_lowered:
.L_overlay_start_2:
0xdf: {  	(tag) =	ssettag $0x2  }
0xe0: {  	s0 =	rddreg [dreg:$0x0];
	s2 =	stileid.u32  }
0xe1: {  	s1 =	rddreg [dreg:$0x1];
	p0 =	sne.s32 s2, $0x0  }
0xe2: {  	s3 =	rddreg [dreg:$0x2];
	[bflag:$0x3] =	sbarrier.arrive $0xFFFF;
	s2 =	simm.s32 @!p0 $0x1C0A  }
0xe3: {  	[timem:s3], [sflag:s2] =	dma.local @!p0 [hbm:s0], s1  }
0xe4: {  	s0 =	simm.s32 @!p0 $0xA  }
0xe5: {  	_ =	swait.ge @!p0 [sflag:s0], s1  }
0xe6: {  	s1 =	ssub.s32 @!p0 $0x0, s1;
	[sflag:s0] =	ssyncset.done @!p0 $0x0  }
0xe7: {  	[sflag:s0] =	ssyncadd.s32 @!p0 s1  }
0xe8: {  	[bflag:$0x3] =	sbarrier.arrive $0xFFFF  }
0xe9: {  	_ =	shalt  }

// kernel: kernel.8.cloned.1.call-start
scs
__scs_entry_jumppad:
0x0: {  	(pc) =	sbr.rel $0x88, $3  }
0x1: {  	(tag) =	ssettag $0x0;
	lr =	simm.s32 $0x1  }
0x2: {  	[smem:$0x3F98] =	sst lr;
	_ =	strace $0xD0000000  }
0x3: {  	_ = 	snop  }
0x4: {  	_ = 	snop  }
0x5: {  	_ = 	snop  }
0x6: {  	_ = 	snop  }
0x7: {  	_ = 	snop  }
__scs_overlays_trampoline_lowered:
0x8: {  	[smem:$0x3FA7] =	sst s0  }
0x9: {  	[smem:$0x3FA8] =	sst s1  }
0xa: {  	[smem:$0x3FA9] =	sst s2  }
0xb: {  	[smem:$0x3FAA] =	sst s3  }
0xc: {  	[smem:$0x3FAB] =	sst s4  }
0xd: {  	[smem:$0x3FAC] =	sst s5  }
0xe: {  	[smem:$0x3FAD] =	sst s6  }
0xf: {  	[smem:$0x3FAE] =	sst s7  }
0x10: {  	[smem:$0x3FAF] =	sst s8  }
0x11: {  	[smem:$0x3FB0] =	sst s9;
	s0 =	simm.s32 @!p0 $0x0  }
0x12: {  	s1 =	sld [smem:$0x3F96];
	s0 =	simm.s32 @p0 $0x1  }
0x13: {  	[smem:$0x3FB1] =	sst s0;
	s0 =	simm.s32 @!p1 $0x0  }
0x14: {  	s2 =	sld [smem:$0x3F95];
	s0 =	simm.s32 @p1 $0x1  }
0x15: {  	[smem:$0x3FB2] =	sst s0;
	s0 =	simm.s32 @!p2 $0x0  }
0x16: {  	s3 =	sld [smem:$0x3FDB];
	s0 =	simm.s32 @p2 $0x1  }
0x17: {  	s4 =	simm.s32 $0x1BF5;
	[smem:$0x3FB4] =	sst s0  }
0x18: {  	s0 =	sld [smem:$0x3F97];
	_ =	swait.ge [sflag:s4], $0x0  }
0x19: {  	s7 =	sld [smem:$0x3F98]  }
0x1a: {  	s8 =	sadd.s32 $0xFFFFE003, lr  }
0x1b: {  	s9 =	sadd.s32 $0xFFFFFEF7, lr;
	s5 =	simm.s32 $0xFFFFFFFF;
	p2 =	slt.u32 s8, $0xFFFFF086  }
0x1c: {  	p1 =	slt.u32 s9, $0xF7A;
	s5 =	simm.s32 @!p2 $0x0  }
0x1d: {  	s5 =	simm.s32 @p1 $0x1;
	p0 =	seq.s32 s7, s2  }
0x1e: {  	s7 =	smul.u32 @!p0 $0xF7A, s2;
	p2 =	seq.s32 @!p0 s5, $0x0  }
0x1f: {  	s9 =	smul.u32 $0xF7A, s1;
	s8 =	simm.s32 @!p0 $0x1BF5;
	p2 =	por !p2, p0  }
0x20: {  	[sflag:s8] =	ssyncset.s32 @!p0 $0xFFFFF086;
	s6 =	sadd.s32 @!p0 s3, s7;
	s7 =	simm.s32 @!p0 $0x108  }
0x21: {  	s3 =	sadd.s32 s3, s9;
	s6 =	sadd.s32 @!p0 $0x88, s6;
	s7 =	simm.s32 @p2 $0x1082  }
0x22: {  	[simem:s7], [sflag:s8] =	dma.local @!p0 [hbm:s6], $0xF7A  }
0x23: {  	s9 =	sor.u32 $0xD0000000, s2;
	s6 =	simm.s32 $0x108;
	_ =	swait.ge @!p0 [sflag:s8], $0x0  }
0x24: {  	s3 =	sadd.s32 $0x88, s3;
	s6 =	simm.s32 @!p1 $0x1082;
	[sflag:s4] =	ssyncset.s32 $0xFFFFF086  }
0x25: {  	[simem:s6], [sflag:s4] =	dma.local [hbm:s3], $0xF7A  }
0x26: {  	[smem:$0x3F98] =	sst s1;
	(tag) =	ssettag s2;
	_ =	strace s9  }
0x27: {  	s1 =	sld [smem:$0x3FA8]  }
0x28: {  	s2 =	sld [smem:$0x3FA9]  }
0x29: {  	s4 =	sld [smem:$0x3FAB]  }
0x2a: {  	p0 =	seq.s32 s5, $0x0;
	s5 =	sld [smem:$0x3FAC]  }
0x2b: {  	s6 =	sld [smem:$0x3FAD]  }
0x2c: {  	s7 =	sld [smem:$0x3FAE]  }
0x2d: {  	s3 =	simm.s32 $0x108;
	s8 =	sld [smem:$0x3FAF]  }
0x2e: {  	s3 =	simm.s32 @!p0 $0x1082;
	s9 =	sld [smem:$0x3FB0]  }
0x2f: {  	lr =	sadd.s32 s0, s3;
	s0 =	sld [smem:$0x3FA7]  }
0x30: {  	s3 =	sld [smem:$0x3FAA]  }
0x31: {  	[smem:$0x3FB3] =	sst s10  }
0x32: {  	s10 =	sld [smem:$0x3FB1];
	_ =	sdelay $0x3  }
0x33: {  	p0 =	seq.s32 s10, $0x1;
	s10 =	sld [smem:$0x3FB3];
	_ =	sdelay $0x3  }
0x34: {  	[smem:$0x3FB3] =	sst s10  }
0x35: {  	s10 =	sld [smem:$0x3FB2];
	_ =	sdelay $0x3  }
0x36: {  	p1 =	seq.s32 s10, $0x1;
	s10 =	sld [smem:$0x3FB3];
	_ =	sdelay $0x3  }
0x37: {  	[smem:$0x3FB3] =	sst s10  }
0x38: {  	s10 =	sld [smem:$0x3FB4]  }
0x39: {  	_ = 	snop;
	(pc) =	sbr.ind lr, $3  }
0x3a: {  	_ = 	snop  }
0x3b: {  	_ = 	snop  }
0x3c: {  	p2 =	seq.s32 s10, $0x1;
	s10 =	sld [smem:$0x3FB3]  }
0x3d: {  	_ =	shalt  }
0x3e: {  	_ =	shalt  }
0x3f: {  	_ =	shalt  }
0x40: {  	_ =	shalt  }
0x41: {  	_ =	shalt  }
0x42: {  	_ =	shalt  }
0x43: {  	_ =	shalt  }
0x44: {  	_ =	shalt  }
0x45: {  	_ =	shalt  }
0x46: {  	_ =	shalt  }
0x47: {  	_ =	shalt  }
0x48: {  	_ =	shalt  }
0x49: {  	_ =	shalt  }
0x4a: {  	_ =	shalt  }
0x4b: {  	_ =	shalt  }
0x4c: {  	_ =	shalt  }
0x4d: {  	_ =	shalt  }
0x4e: {  	_ =	shalt  }
0x4f: {  	_ =	shalt  }
0x50: {  	_ =	shalt  }
0x51: {  	_ =	shalt  }
0x52: {  	_ =	shalt  }
0x53: {  	_ =	shalt  }
0x54: {  	_ =	shalt  }
0x55: {  	_ =	shalt  }
0x56: {  	_ =	shalt  }
0x57: {  	_ =	shalt  }
0x58: {  	_ =	shalt  }
0x59: {  	_ =	shalt  }
0x5a: {  	_ =	shalt  }
0x5b: {  	_ =	shalt  }
0x5c: {  	_ =	shalt  }
0x5d: {  	_ =	shalt  }
0x5e: {  	_ =	shalt  }
0x5f: {  	_ =	shalt  }
0x60: {  	_ =	shalt  }
0x61: {  	_ =	shalt  }
0x62: {  	_ =	shalt  }
0x63: {  	_ =	shalt  }
0x64: {  	_ =	shalt  }
0x65: {  	_ =	shalt  }
0x66: {  	_ =	shalt  }
0x67: {  	_ =	shalt  }
0x68: {  	_ =	shalt  }
0x69: {  	_ =	shalt  }
0x6a: {  	_ =	shalt  }
0x6b: {  	_ =	shalt  }
0x6c: {  	_ =	shalt  }
0x6d: {  	_ =	shalt  }
0x6e: {  	_ =	shalt  }
0x6f: {  	_ =	shalt  }
0x70: {  	_ =	shalt  }
0x71: {  	_ =	shalt  }
0x72: {  	_ =	shalt  }
0x73: {  	_ =	shalt  }
0x74: {  	_ =	shalt  }
0x75: {  	_ =	shalt  }
0x76: {  	_ =	shalt  }
0x77: {  	_ =	shalt  }
0x78: {  	_ =	shalt  }
0x79: {  	_ =	shalt  }
0x7a: {  	_ =	shalt  }
0x7b: {  	_ =	shalt  }
0x7c: {  	_ =	shalt  }
0x7d: {  	_ =	shalt  }
0x7e: {  	_ =	shalt  }
0x7f: {  	_ =	shalt  }
0x80: {  	_ =	shalt  }
0x81: {  	_ =	shalt  }
0x82: {  	_ =	shalt  }
0x83: {  	_ =	shalt  }
0x84: {  	_ =	shalt  }
0x85: {  	_ =	shalt  }
0x86: {  	_ =	shalt  }
0x87: {  	_ =	shalt  }
.Lfunc_end0:
.L_simem_size_0:
called_computation_lowered:
.L_overlay_start_0:
0x88: {  	s2 =	sld [smem:$0x3FD9]  }
0x89: {  	s3 =	sld [smem:$0x3FFE];
	_ =	sdelay $0x1  }
0x8a: {  	s1 =	srdreg.scid  }
0x8b: {  	s0 =	sand.u32 $0x1, s1  }
0x8c: {  	s16 =	sshll.u32 s0, $0xA;
	s2 =	sadd.s32 s3, s2  }
0x8d: {  	s2 =	sadd.s32 s2, s16  }
0x8e: {  	[smem:$0x3FBF] =	sst s2  }
0x8f: {  	_ = 	snop  }
0x90: {  	(tm) =	ssettm $0x1  }
0x91: {  	s17 =	sld [smem:$0x3FFB];
	_ =	sdelay $0x3  }
0x92: {  	_ =	strace s17  }
0x93: {  	s2 =	sld [smem:$0x3FFC];
	_ =	sdelay $0x3  }
0x94: {  	_ =	strace s2  }
0x95: {  	s2 =	sld [smem:$0x3FFD];
	_ =	sdelay $0x3  }
0x96: {  	_ =	strace s2  }
0x97: {  	_ =	strace $0x8FFFFFFF  }
0x98: {  	s18 =	sld [smem:$0x3FDB];
	_ =	sdelay $0x1  }
0x99: {  	s19 =	simm.s32 $_scs_section_size  }
0x9a: {  	s4 =	simm.s32 $_size__tile_overlayer_lowered;
	s5 =	simm.s32 $_tile_overlayer_lowered  }
0x9b: {  	s22 =	simm.s32 $0x1BFF;
	s21 =	sshll.u32 s5, $0x1;
	s2 =	sadd.s32 s19, s18  }
0x9c: {  	s6 =	simm.s32 $0x0;
	s20 =	sshll.u32 s4, $0x1;
	s4 =	sadd.s32 s21, s2  }
0x9d: {  	[timem:s6], [sflag:s22] =	dma.local [hbm:s4], s20  }
0x9e: {  	_ =	swait.ge [sflag:s22], s20  }
0x9f: {  	s3 =	ssub.s32 $0x0, s20;
	[sflag:s22] =	ssyncset.done $0x0  }
0xa0: {  	[sflag:s22] =	ssyncadd.s32 s3;
	_ =	sdelay $0x1  }
0xa1: {  	s23 =	simm.s32 $0x1B8B  }
0xa2: {  	_ =	swait.ge [sflag:s23], $0x1  }
0xa3: {  	[sflag:s23] =	ssyncset.done $0x0  }
0xa4: {  	s25 =	simm.s32 $0x1B8E;
	s24 =	sld [smem:$0x3FFE];
	[sflag:s23] =	ssyncadd.s32 $0xFFFFFFFF  }
0xa5: {  	s26 =	simm.s32 $execute0_lowered;
	[smem:$0x3FD2] =	sst s25  }
0xa6: {  	s4 =	sshll.u32 s26, $0x1;
	_ =	strace $0x80000046;
	[dreg:$0x1] =	wrdreg $0xFFFFFFFF  }
0xa7: {  	s28 =	simm.s32 $_size_execute0_lowered;
	s2 =	sadd.s32 s2, s4;
	[dreg:$0x0] =	wrdreg $0x0  }
0xa8: {  	s4 =	sshll.u32 s28, $0x1;
	[dreg:$0x2] =	wrdreg s2  }
0xa9: {  	[dreg:$0x3] =	wrdreg s4  }
0xaa: {  	[dreg:$0x4] =	wrdreg $0xC0  }
0xab: {  	_ =	task [dreg:s6], $0x5FFFF  }
0xac: {  	[dreg:$0x1] =	wrdreg $0xFFFFFFFF  }
0xad: {  	[dreg:$0x0] =	wrdreg $0x60  }
0xae: {  	[dreg:$0x2] =	wrdreg s24  }
0xaf: {  	[dreg:$0x3] =	wrdreg $0x39800  }
0xb0: {  	[dreg:$0x4] =	wrdreg $0x9  }
0xb1: {  	_ =	task.clear_ibuf [dreg:s6], $0x5FFFF;
	_ =	strace $0x90000046  }
0xb2: {  	s29 =	simm.s32 $0x9;
	_ =	strace $0x80000048  }
0xb3: {  	_ =	swait.ge [sflag:s29], $0x1  }
0xb4: {  	[sflag:s29] =	ssyncadd.s32 $0xFFFFFFFF  }
0xb5: {  	_ =	strace $0x90000048  }
0xb6: {  	_ =	sfence  }
0xb7: {  	s30 =	sld [smem:$0x0];
	_ =	sdelay $0x2  }
0xb8: {  	s31 =	sshll.u32 s1, $0xD;
	s1 =	sshrl.u32 s1, $0x2  }
0xb9: {  	s3 =	sand.u32 $0x4000, s31;
	s1 =	sadd.s32 s1, s30  }
0xba: {  	s0 =	sor.u32 s3, s0;
	s1 =	sshll.u32 s1, $0x11  }
0xbb: {  	s0 =	sor.u32 s1, s0  }
0xbc: {  	s0 =	sadd.s32 $0x8F2B, s0  }
0xbd: {  	[sflag:s0] =	ssyncadd.remote.s32 $0x1  }
0xbe: {  	_ =	sfence.sel $0xFFFF  }
0xbf: {  	[dreg:$0x0] =	wrdreg $0xFFFFFFFF;
	(pc) =	sbr.abs _section_cstart, $3  }
0xc0: {  	[dreg:$0x1] =	wrdreg $0xFFFFFFFF  }
0xc1: {  	_ =	task.clear_ibuf [dreg:s6], $0x2FFFF;
	_ =	strace $0x9FFFFFFF  }
0xc2: {  	(tm) =	ssettm $0x7FFFFFFF  }
0xc3: {  	_ =	shalt  }
tec
execute0_lowered:
.L_overlay_start_1:
0x0: {  	(tag) =	ssettag $0x1  }
0x1: {  	s0 =	srdreg.scid;
	s1 =	rddreg [dreg:$0x0]  }
0x2: {  	s10 =	stileid.u32;
	s2 =	rddreg [dreg:$0x1]  }
0x3: {  	s3 =	simm.s32 $0x0;
	s28 =	simm.s32 $0x2;
	s5 =	smul.u32 $0x14000, s10  }
0x4: {  	s29 =	simm.s32 $0x4;
	s30 =	simm.s32 $0x3;
	s20 =	smul.u32 $0x50000, s10  }
0x5: {  	s31 =	simm.s32 $0x5;
	s0 =	sand.u32 $0x1, s0;
	s24 =	smul.u32 $0x2760, s10  }
0x6: {  	[smem:$0x7FF] =	sst s3;
	s7 =	sadd.s32 $0x2200, s1;
	s4 =	smul.u32 $0x140000, s0  }
0x7: {  	s6 =	sshll.u32 s0, $0x4;
	_ =	strace $0x80000047;
	s21 =	ssub.s32 $0x2, s0  }
0x8: {  	s0 =	smul.u32 $0x27600, s0;
	s6 =	sor.u32 s10, s6;
	s8 =	sshrl.u32 s21, $0x1  }
0x9: {  	s4 =	sadd.s32 s5, s4;
	s19 =	smul.u32 $0x2760, s6;
	s6 =	sshrl.u32 s20, $0x2  }
0xa: {  	s13 =	ssub.s32 s21, s8;
	s0 =	sadd.s32 s24, s0;
	s20 =	simm.s32 $0x3800  }
0xb: {  	s21 =	simm.s32 $0x3880;
	s24 =	simm.s32 $0x1;
	s4 =	sshrl.u32 s4, $0x3  }
0xc: {  	s13 =	smax.u32 s13, $0x1;
	s25 =	sadd.s32 $0x310, s0;
	s5 =	sshrl.u32 s19, $0x3  }
0xd: {  	s1 =	sadd.s32 s4, s1;
	s4 =	sadd.s32 s7, s5;
	s5 =	sadd.s32 s6, s2  }
0xe: {  	s12 =	sadd.s32 $0xC000, s1;
	s1 =	sshrl.u32 s25, $0x3;
	s6 =	sadd.s32 $0x2A0, s0  }
0xf: {  	s0 =	sadd.s32 $0x230, s0;
	s25 =	simm.s32 $0x70;
	s22 =	sadd.s32 $0xE, s4  }
0x10: {  	s23 =	sadd.s32 $0x3800, s5;
	s8 =	sadd.s32 $0x7000, s5;
	s9 =	sadd.s32 $0xA800, s5  }
0x11: {  	s10 =	sadd.s32 $0xE000, s5;
	s11 =	sadd.s32 $0x11800, s5;
	s14 =	sadd.s32 $0x1C, s4  }
.Ltmp0:
0x12: {  	s15 =	sadd.s32 $0x2A, s4;
	s16 =	sadd.s32 $0x38, s4;
	(pc) =	sbr.rel .LBB2_1-.Ltmp0, $4  }
0x13: {  	s17 =	sadd.s32 s1, s7;
	s26 =	sshrl.u32 s6, $0x3;
	[dreg:$0x3] =	wrdreg s22  }
0x14: {  	s0 =	sshrl.u32 s0, $0x3;
	s1 =	simm.s32 $0x6;
	[dreg:$0x4] =	wrdreg s23  }
0x15: {  	s18 =	sadd.s32 s26, s7;
	s19 =	sadd.s32 s0, s7;
	s22 =	simm.s32 $0x6180  }
0x16: {  	v0 =	vimm.f32 $1.000000000e+00;
	v1 =	vimm.f32 $0.0e+00;
	s23 =	simm.s32 $0x7;
	s26 =	simm.s32 $0x3900;
	s0 =	simm.s32 $0x0  }
.LBB2_8:
0x17: {  	_ =	swait.ge [sflag:s30], $0x70  }
0x18: {  	[sflag:s30] =	ssyncset.done $0x0  }
0x19: {  	[sflag:s30] =	ssyncadd.s32 $0xFFFFFF90  }
0x1a: {  	[spmem:s2] =	stream.indirect.scatter.add.f32 [tilespmem:s3], [sflag:$0x6], $0x10, s26, s25, $0xb8;
	[tilespmem:$0x9980] =	vst v63  }
0x1b: {  	_ =	swait.ge [sflag:s31], $0x700  }
0x1c: {  	[sflag:s31] =	ssyncset.done $0x0  }
0x1d: {  	[sflag:s31] =	ssyncadd.s32 $0xFFFFF900  }
0x1e: {  	s6 =	stileid.u32;
	_ =	swait.ge [sflag:s1], $0x700  }
0x1f: {  	s7 =	sshrl.u32 s5, $0x3;
	s0 =	sadd.s32 $0x1, s0;
	[sflag:s1] =	ssyncset.done $0x0  }
0x20: {  	s6 =	sshll.u32 s6, $0x6;
	p0 =	sne.s32 s0, s13;
	[sflag:s1] =	ssyncadd.s32 $0xFFFFF900  }
.Ltmp1:
0x21: {  	s6 =	sor.u32 $0x1C07, s6;
	[bflag:$0x0] =	sbarrier.arrive $0xFFFF;
	(pc) =	sbr.rel @!p0 .LBB2_9-.Ltmp1, $4  }
0x22: {  	[hbm:s12], [sflag:s6] =	dma.local [spmem:s7], $0x2800  }
0x23: {  	_ =	swait.ge [sflag:s23], $0x2800  }
0x24: {  	[sflag:s23] =	ssyncset.done $0x0  }
0x25: {  	[sflag:s23] =	ssyncadd.s32 $0xFFFFD800  }
.LBB2_1:
0x26: {  	[tilespmem:s20], [sflag:$0x1] =	stream.linear.gather [hbm4b:s4+s3], $0x70, $0x38;
	[tilespmem:$0x9980] =	vst v63  }
0x27: {  	s6 =	rddreg [dreg:$0x3]  }
0x28: {  	[tilespmem:s21], [sflag:$0x2] =	stream.linear.gather [hbm4b:s6+s3], $0x70, $0x38;
	[tilespmem:$0x9980] =	vst v63  }
0x29: {  	s6 =	simm.s32 $0x0  }
.LBB2_2:
0x2a: {  	p0 =	sne.s32 s6, $0xDE00  }
.Ltmp2:
0x2b: {  	_ = 	snop;
	(pc) =	sbr.rel @p0 .LBB2_2-.Ltmp2, $3  }
0x2c: {  	_ =	sdelay $0x1  }
0x2d: {  	s7 =	sshra.s32 s6, $0x2  }
0x2e: {  	s6 =	sadd.s32 $0x200, s6;
	[tilespmem:s7+$0x0] =	vst v0  }
0x2f: {  	s6 =	simm.s32 $0x200;
	s7 =	simm.s32 $0x0  }
.LBB2_4:
0x30: {  	p0 =	sne.s32 s6, $0xDE00;
	[tilespmem:s7+$0x6180] =	vst v1;
	s7 =	smov.u32 s6;
	s6 =	sadd.s32 $0x200, s6  }
.Ltmp3:
0x31: {  	(pc) =	sbr.rel @p0 .LBB2_4-.Ltmp3, $2  }
0x32: {  	_ =	sdelay $0x2  }
0x33: {  	s7 =	sshra.s32 s7, $0x2  }
0x34: {  	[tilespmem:s7+$0x6180] =	vst v1  }
0x35: {  	[spmem:s5] =	stream.linear.scatter [tilespmem:s22], [sflag:$0x7], $0x3800, $0x38;
	[tilespmem:$0x9980] =	vst v63  }
0x36: {  	_ =	swait.ge [sflag:s23], $0x3800  }
0x37: {  	[sflag:s23] =	ssyncset.done $0x0  }
0x38: {  	s6 =	rddreg [dreg:$0x4];
	[sflag:s23] =	ssyncadd.s32 $0xFFFFC800  }
0x39: {  	[spmem:s6] =	stream.linear.scatter [tilespmem:s22], [sflag:$0x7], $0x3800, $0x38;
	[tilespmem:$0x9980] =	vst v63  }
0x3a: {  	_ =	swait.ge [sflag:s23], $0x3800  }
0x3b: {  	[sflag:s23] =	ssyncset.done $0x0  }
0x3c: {  	[sflag:s23] =	ssyncadd.s32 $0xFFFFC800  }
0x3d: {  	[spmem:s8] =	stream.linear.scatter [tilespmem:s22], [sflag:$0x7], $0x3800, $0x38;
	[tilespmem:$0x9980] =	vst v63  }
0x3e: {  	_ =	swait.ge [sflag:s23], $0x3800  }
0x3f: {  	[sflag:s23] =	ssyncset.done $0x0  }
0x40: {  	[sflag:s23] =	ssyncadd.s32 $0xFFFFC800  }
0x41: {  	[spmem:s9] =	stream.linear.scatter [tilespmem:s22], [sflag:$0x7], $0x3800, $0x38;
	[tilespmem:$0x9980] =	vst v63  }
0x42: {  	_ =	swait.ge [sflag:s23], $0x3800  }
0x43: {  	[sflag:s23] =	ssyncset.done $0x0  }
0x44: {  	[sflag:s23] =	ssyncadd.s32 $0xFFFFC800  }
0x45: {  	[spmem:s10] =	stream.linear.scatter [tilespmem:s22], [sflag:$0x7], $0x3800, $0x38;
	[tilespmem:$0x9980] =	vst v63  }
0x46: {  	_ =	swait.ge [sflag:s23], $0x3800  }
0x47: {  	[sflag:s23] =	ssyncset.done $0x0  }
0x48: {  	[sflag:s23] =	ssyncadd.s32 $0xFFFFC800  }
0x49: {  	[spmem:s11] =	stream.linear.scatter [tilespmem:s22], [sflag:$0x7], $0x2800, $0x38;
	[tilespmem:$0x9980] =	vst v63  }
0x4a: {  	_ =	swait.ge [sflag:s23], $0x2800  }
0x4b: {  	[sflag:s23] =	ssyncset.done $0x0  }
0x4c: {  	[sflag:s23] =	ssyncadd.s32 $0xFFFFD800  }
0x4d: {  	[bflag:$0x0] =	sbarrier.arrive $0xFFFF  }
0x4e: {  	_ =	swait.ge [sflag:s24], $0x70  }
0x4f: {  	[sflag:s24] =	ssyncset.done $0x0  }
0x50: {  	s6 =	simm.s32 $0x0;
	[sflag:s24] =	ssyncadd.s32 $0xFFFFFF90  }
0x51: {  	[spmem:s2] =	stream.indirect.scatter.add.f32 [tilespmem:s6], [sflag:$0x4], $0x10, s20, s25, $0xb8;
	[tilespmem:$0x9980] =	vst v63  }
0x52: {  	_ = 	snop  }
0x53: {  	[tilespmem:s26], [sflag:$0x3] =	stream.linear.gather [hbm4b:s14+s6], $0x70, $0x38;
	[tilespmem:$0x9980] =	vst v63  }
0x54: {  	_ =	swait.ge [sflag:s28], $0x70  }
0x55: {  	[sflag:s28] =	ssyncset.done $0x0  }
0x56: {  	[sflag:s28] =	ssyncadd.s32 $0xFFFFFF90  }
0x57: {  	[spmem:s2] =	stream.indirect.scatter.add.f32 [tilespmem:s6], [sflag:$0x5], $0x10, s21, s25, $0xb8;
	[tilespmem:$0x9980] =	vst v63  }
0x58: {  	_ =	swait.ge [sflag:s29], $0x700  }
0x59: {  	[sflag:s29] =	ssyncset.done $0x0  }
0x5a: {  	[sflag:s29] =	ssyncadd.s32 $0xFFFFF900  }
0x5b: {  	[tilespmem:s20], [sflag:$0x1] =	stream.linear.gather [hbm4b:s15+s6], $0x70, $0x38;
	[tilespmem:$0x9980] =	vst v63  }
0x5c: {  	_ =	swait.ge [sflag:s30], $0x70  }
0x5d: {  	[sflag:s30] =	ssyncset.done $0x0  }
0x5e: {  	[sflag:s30] =	ssyncadd.s32 $0xFFFFFF90  }
0x5f: {  	[spmem:s2] =	stream.indirect.scatter.add.f32 [tilespmem:s6], [sflag:$0x6], $0x10, s26, s25, $0xb8;
	[tilespmem:$0x9980] =	vst v63  }
0x60: {  	_ =	swait.ge [sflag:s31], $0x700  }
0x61: {  	[sflag:s31] =	ssyncset.done $0x0  }
0x62: {  	[sflag:s31] =	ssyncadd.s32 $0xFFFFF900  }
0x63: {  	[tilespmem:s21], [sflag:$0x2] =	stream.linear.gather [hbm4b:s16+s6], $0x70, $0x38;
	[tilespmem:$0x9980] =	vst v63  }
.LBB2_6:
0x64: {  	_ =	swait.ge [sflag:s24], $0x70  }
0x65: {  	[sflag:s24] =	ssyncset.done $0x0  }
0x66: {  	[sflag:s24] =	ssyncadd.s32 $0xFFFFFF90  }
0x67: {  	[spmem:s2] =	stream.indirect.scatter.add.f32 [tilespmem:s3], [sflag:$0x4], $0x10, s20, s25, $0xb8;
	[tilespmem:$0x9980] =	vst v63  }
0x68: {  	_ =	swait.ge [sflag:s1], $0x700  }
0x69: {  	[sflag:s1] =	ssyncset.done $0x0  }
0x6a: {  	s7 =	sadd.s32 s6, s19;
	[sflag:s1] =	ssyncadd.s32 $0xFFFFF900  }
0x6b: {  	[tilespmem:s26], [sflag:$0x3] =	stream.linear.gather [hbm4b:s7+s3], $0x70, $0x38;
	[tilespmem:$0x9980] =	vst v63  }
0x6c: {  	_ =	swait.ge [sflag:s28], $0x70  }
0x6d: {  	p0 =	seq.s32 s6, $0x498;
	[sflag:s28] =	ssyncset.done $0x0  }
.Ltmp4:
0x6e: {  	[sflag:s28] =	ssyncadd.s32 $0xFFFFFF90;
	(pc) =	sbr.rel @p0 .LBB2_8-.Ltmp4, $4  }
0x6f: {  	[spmem:s2] =	stream.indirect.scatter.add.f32 [tilespmem:s3], [sflag:$0x5], $0x10, s21, s25, $0xb8;
	[tilespmem:$0x9980] =	vst v63  }
0x70: {  	_ =	swait.ge [sflag:s29], $0x700  }
0x71: {  	[sflag:s29] =	ssyncset.done $0x0  }
0x72: {  	[sflag:s29] =	ssyncadd.s32 $0xFFFFF900  }
0x73: {  	s7 =	sadd.s32 s6, s18  }
0x74: {  	[tilespmem:s20], [sflag:$0x1] =	stream.linear.gather [hbm4b:s7+s3], $0x70, $0x38;
	[tilespmem:$0x9980] =	vst v63  }
0x75: {  	_ =	swait.ge [sflag:s30], $0x70  }
0x76: {  	[sflag:s30] =	ssyncset.done $0x0  }
0x77: {  	[sflag:s30] =	ssyncadd.s32 $0xFFFFFF90  }
0x78: {  	[spmem:s2] =	stream.indirect.scatter.add.f32 [tilespmem:s3], [sflag:$0x6], $0x10, s26, s25, $0xb8;
	[tilespmem:$0x9980] =	vst v63  }
.Ltmp5:
0x79: {  	_ = 	snop;
	(pc) =	sbr.rel .LBB2_6-.Ltmp5, $4  }
0x7a: {  	_ =	swait.ge [sflag:s31], $0x700  }
0x7b: {  	[sflag:s31] =	ssyncset.done $0x0  }
0x7c: {  	s7 =	sadd.s32 s6, s17;
	s6 =	sadd.s32 $0x2A, s6;
	[sflag:s31] =	ssyncadd.s32 $0xFFFFF900  }
0x7d: {  	[tilespmem:s21], [sflag:$0x2] =	stream.linear.gather [hbm4b:s7+s3], $0x70, $0x38;
	[tilespmem:$0x9980] =	vst v63  }
.LBB2_9:
0x7e: {  	_ =	sfence.sel $0x180000  }
0x7f: {  	[bflag:$0x0] =	sbarrier.arrive $0xFFFF  }
0x80: {  	_ =	strace $0x90000047  }
0x81: {  	s0 =	stileid.u32;
	[bflag:$0x2] =	sbarrier.arrive $0xFFFF  }
0x82: {  	p0 =	sne.s32 s0, $0x0;
	s0 =	rddreg [dreg:$0x2]  }
0x83: {  	s0 =	sadd.s32 @!p0 $0x100000, s0  }
0x84: {  	[sflag:s0] =	ssyncadd.tile.s32 @!p0 $0x1;
	_ =	shalt  }
.Lfunc_end2:
_tile_overlayer_lowered:
.L_overlay_start_2:
0x85: {  	(tag) =	ssettag $0x2  }
0x86: {  	s0 =	rddreg [dreg:$0x0];
	s2 =	stileid.u32  }
0x87: {  	s1 =	rddreg [dreg:$0x1];
	p0 =	sne.s32 s2, $0x0  }
0x88: {  	s3 =	rddreg [dreg:$0x2];
	[bflag:$0x3] =	sbarrier.arrive $0xFFFF;
	s2 =	simm.s32 @!p0 $0x1C07  }
0x89: {  	[timem:s3], [sflag:s2] =	dma.local @!p0 [hbm:s0], s1  }
0x8a: {  	s0 =	simm.s32 @!p0 $0x7  }
0x8b: {  	_ =	swait.ge @!p0 [sflag:s0], s1  }
0x8c: {  	s1 =	ssub.s32 @!p0 $0x0, s1;
	[sflag:s0] =	ssyncset.done @!p0 $0x0  }
0x8d: {  	[sflag:s0] =	ssyncadd.s32 @!p0 s1  }
0x8e: {  	[bflag:$0x3] =	sbarrier.arrive $0xFFFF  }
0x8f: {  	_ =	shalt  }

</sc_bundles>
